<compile_context>
chip_gen: v7x
topology: tpu7x:2x2x1
jax: 0.10.2.dev20260603
libtpu: 0.0.44.dev20260713+nightly
codegen_flags: <defaults>
</compile_context>

<pallas_src>
import functools

import jax
import jax.numpy as jnp
from jax import lax
from jax.experimental import pallas as pl
from jax.experimental.pallas import tpu as pltpu
from jax.experimental.pallas import tpu_sc as plsc

NU = 10000
NI = 10000
NN = NU + NI
DD = 128
EE = 160000
BN_EPS = 1e-5
INV_STD = 1.0 / (1.0 + BN_EPS) ** 0.5

NC, NS = 2, 16
NW = NC * NS
EPT_RAW = (2 * EE) // NW
CH = 64
NCH = 160
SCH = 32
NSC = NCH // SCH
SCH_LAST = 29
NBUF = 4
EPT = NCH * CH
ACC_ROWS = 10240
DUMMY_ROW = 10000
ZROWS = ACC_ROWS // NS
ORT = NU // NS

@functools.cache
def _mesh():
    return plsc.VectorSubcoreMesh(core_axis_name="c", subcore_axis_name="s",
                                  num_cores=NC, num_subcores=NS)


def _sc_deg_body(dst_hbm, ones_hbm, zz_hbm, out_hbm, didx, ones_v, obuf, acc,
                 sem):
    c = lax.axis_index("c")
    s = lax.axis_index("s")
    pltpu.sync_copy(zz_hbm, acc.at[pl.ds(s * ZROWS, ZROWS)])
    pltpu.sync_copy(ones_hbm, ones_v)
    row0 = (c * NS + s) * NCH
    pltpu.sync_copy(dst_hbm.at[pl.ds(row0, NCH)], didx)
    plsc.subcore_barrier()

    @pl.loop(0, NCH)
    def _(j):
        pltpu.sync_copy(ones_v, acc.at[didx.at[j]], add=True)

    plsc.subcore_barrier()
    base = jnp.where(c == 0, NU, 0)

    @pl.when(s < 10)
    def _():
        pltpu.sync_copy(acc.at[pl.ds(s * 1000, 1000)], obuf)
        pltpu.sync_copy(obuf, out_hbm.at[pl.ds(base + s * 1000, 1000)])


@functools.cache
def _sc_deg():
    return pl.kernel(
        _sc_deg_body,
        out_type=jax.ShapeDtypeStruct((NN,), jnp.float32),
        mesh=_mesh(),
        scratch_types=[
            pltpu.VMEM((NCH, CH), jnp.int32),
            pltpu.VMEM((CH,), jnp.float32),
            pltpu.VMEM((1000,), jnp.float32),
            pltpu.VMEM_SHARED((ACC_ROWS,), jnp.float32),
            pltpu.SemaphoreType.DMA,
        ],
    )


def _sc_scatter_body(h2_hbm, src_hbm, dst_hbm, zz_hbm, out_hbm,
                     sidx, didx, buf0, buf1, buf2,
                     gs0, gs1, gs2, ss0, ss1, ss2, acc):
    c = lax.axis_index("c")
    s = lax.axis_index("s")
    bufs = (buf0, buf1, buf2)
    gsems = (gs0, gs1, gs2)
    ssems = (ss0, ss1, ss2)
    row0 = (c * NS + s) * NCH

    def gather(j, b):
        pltpu.async_copy(h2_hbm.at[sidx.at[j]], bufs[b], gsems[b])

    def wait_gather(j, b):
        pltpu.make_async_copy(h2_hbm.at[sidx.at[j]], bufs[b], gsems[b]).wait()

    def wait_scat(b):
        pltpu.make_async_copy(bufs[b], acc.at[didx.at[0]], ssems[b]).wait()

    def load_idx(row):
        pltpu.sync_copy(src_hbm.at[pl.ds(row, SCH)], sidx)
        pltpu.sync_copy(dst_hbm.at[pl.ds(row, SCH)], didx)

    def run_superchunk(nch):
        @pl.loop(0, nch - 2, step=3)
        def _(j):
            for r in range(3):
                b = r
                jj = j + r
                wait_gather(jj, b)
                pltpu.async_copy(bufs[b], acc.at[didx.at[jj]], ssems[b],
                                 add=True)
                b2 = (r + 2) % 3

                @pl.when(jj >= 1)
                def _():
                    wait_scat(b2)

                gather(jj + 2, b2)

        wait_gather(nch - 2, (nch - 2) % 3)
        pltpu.sync_copy(bufs[(nch - 2) % 3], acc.at[didx.at[nch - 2]],
                        add=True)
        wait_gather(nch - 1, (nch - 1) % 3)
        pltpu.sync_copy(bufs[(nch - 1) % 3], acc.at[didx.at[nch - 1]],
                        add=True)
        wait_scat((nch - 3) % 3)

    load_idx(row0)
    gather(0, 0)
    gather(1, 1)
    pltpu.sync_copy(zz_hbm, acc.at[pl.ds(s * ZROWS, ZROWS)])
    plsc.subcore_barrier()
    run_superchunk(SCH)

    @pl.loop(1, NSC - 1)
    def _(t):
        load_idx(row0 + t * SCH)
        gather(0, 0)
        gather(1, 1)
        run_superchunk(SCH)

    load_idx(row0 + (NSC - 1) * SCH)
    gather(0, 0)
    gather(1, 1)
    run_superchunk(SCH_LAST)

    plsc.subcore_barrier()
    base = jnp.where(c == 0, NU, 0)

    @pl.when(s < 10)
    def _():
        pltpu.sync_copy(acc.at[pl.ds(s * 1000, 1000)],
                        out_hbm.at[pl.ds(base + s * 1000, 1000)])


@functools.cache
def _sc_scatter():
    return pl.kernel(
        _sc_scatter_body,
        out_type=jax.ShapeDtypeStruct((NN, DD), jnp.float32),
        mesh=_mesh(),
        scratch_types=[
            pltpu.VMEM((SCH, CH), jnp.int32),
            pltpu.VMEM((SCH, CH), jnp.int32),
            pltpu.VMEM((CH, DD), jnp.float32),
            pltpu.VMEM((CH, DD), jnp.float32),
            pltpu.VMEM((CH, DD), jnp.float32),
            pltpu.SemaphoreType.DMA,
            pltpu.SemaphoreType.DMA,
            pltpu.SemaphoreType.DMA,
            pltpu.SemaphoreType.DMA,
            pltpu.SemaphoreType.DMA,
            pltpu.SemaphoreType.DMA,
            pltpu.VMEM_SHARED((ACC_ROWS, DD), jnp.float32),
        ],
    )


_RB = 2000


def _dis(deg_blk):
    return jnp.where(deg_blk > 0, lax.rsqrt(deg_blk), 0.0)


def _mm_first_body(x_ref, w_ref, deg_ref, o_ref):
    o_ref[...] = _dis(deg_ref[...]) * jnp.dot(
        x_ref[...], w_ref[...], preferred_element_type=jnp.float32)


def _mm_mid_body(agg_ref, deg_ref, b_ref, g_ref, be_ref, w_ref, o_ref):
    dis = _dis(deg_ref[...])
    t = (dis * agg_ref[...] + b_ref[...]) * INV_STD
    t = jnp.maximum(g_ref[...] * t + be_ref[...], 0.0)
    o_ref[...] = dis * jnp.dot(t, w_ref[...], preferred_element_type=jnp.float32)


def _post_body(agg_ref, deg_ref, b_ref, g_ref, be_ref, o_ref):
    dis = _dis(deg_ref[...])
    t = (dis * agg_ref[...] + b_ref[...]) * INV_STD
    o_ref[...] = jnp.maximum(g_ref[...] * t + be_ref[...], 0.0)


_row_spec = pl.BlockSpec((_RB, DD), lambda i: (i, 0))
_deg_spec = pl.BlockSpec((_RB, 1), lambda i: (i, 0))
_w_spec = pl.BlockSpec((DD, DD), lambda i: (0, 0))
_v_spec = pl.BlockSpec((1, DD), lambda i: (0, 0))
_GRID = NN // _RB

_mm_first = pl.pallas_call(
    _mm_first_body, grid=(_GRID,),
    in_specs=[_row_spec, _w_spec, _deg_spec], out_specs=_row_spec,
    out_shape=jax.ShapeDtypeStruct((NN, DD), jnp.float32))

_mm_mid = pl.pallas_call(
    _mm_mid_body, grid=(_GRID,),
    in_specs=[_row_spec, _deg_spec, _v_spec, _v_spec, _v_spec, _w_spec],
    out_specs=_row_spec,
    out_shape=jax.ShapeDtypeStruct((NN, DD), jnp.float32))

_post = pl.pallas_call(
    _post_body, grid=(_GRID,),
    in_specs=[_row_spec, _deg_spec, _v_spec, _v_spec, _v_spec],
    out_specs=_row_spec,
    out_shape=jax.ShapeDtypeStruct((NN, DD), jnp.float32))


def kernel(x_user, x_item, edge_index_ui, edge_index_iu,
           W1, b1, g1, be1, W2, b2, g2, be2, W3, b3, g3, be3):
    x = jnp.concatenate([x_user, x_item], axis=0)

    src_g = jnp.concatenate(
        [edge_index_ui[0], edge_index_iu[0] + NU]).astype(jnp.int32)
    dst_l = jnp.concatenate(
        [edge_index_ui[1], edge_index_iu[1]]).astype(jnp.int32)
    src2d = jnp.pad(src_g.reshape(NW, EPT_RAW),
                    ((0, 0), (0, EPT - EPT_RAW))).reshape(NW * NCH, CH)
    dst2d = jnp.pad(dst_l.reshape(NW, EPT_RAW),
                    ((0, 0), (0, EPT - EPT_RAW)),
                    constant_values=DUMMY_ROW).reshape(NW * NCH, CH)

    ones_v = jnp.ones((CH,), jnp.float32)
    zz1 = jnp.zeros((ZROWS,), jnp.float32)
    zz2 = jnp.zeros((ZROWS, DD), jnp.float32)

    deg = _sc_deg()(dst2d, ones_v, zz1)
    deg2 = deg.reshape(NN, 1)

    sc_scatter = _sc_scatter()
    h2 = _mm_first(x, W1, deg2)
    agg = sc_scatter(h2, src2d, dst2d, zz2)
    h2 = _mm_mid(agg, deg2, b1.reshape(1, DD), g1.reshape(1, DD),
                 be1.reshape(1, DD), W2)
    agg = sc_scatter(h2, src2d, dst2d, zz2)
    h2 = _mm_mid(agg, deg2, b2.reshape(1, DD), g2.reshape(1, DD),
                 be2.reshape(1, DD), W3)
    agg = sc_scatter(h2, src2d, dst2d, zz2)
    out = _post(agg, deg2, b3.reshape(1, DD), g3.reshape(1, DD),
                be3.reshape(1, DD))
    return (out[:NU], out[NU:])

# --- scband reference (transcript-rebuilt; emitter-appended) ---
"""Pipeline reference for scband-homogenized-gcnbackbone-17892833755507 (READ-ONLY COPY).

The authoritative reference and input builder live on the scoring server;
editing this copy changes nothing except your own understanding.
"""

import jax, jax.numpy as jnp
import numpy as np

N_USER = 10000
N_ITEM = 10000
D = 128
E = 160000
L = 3
BN_EPS = 1e-5


def setup_inputs(seed: int = 0) -> dict:
    key = jax.random.key(seed)
    ks = jax.random.split(key, 4 + 2 * L)
    inp = {}
    inp["x_user"] = jax.random.normal(ks[0], (N_USER, D), dtype=jnp.float32)
    inp["x_item"] = jax.random.normal(ks[1], (N_ITEM, D), dtype=jnp.float32)
    inp["edge_index_ui"] = jax.random.randint(ks[2], (2, E), 0, N_USER)
    inp["edge_index_iu"] = jax.random.randint(ks[3], (2, E), 0, N_ITEM)
    for l in range(L):
        inp[f"W{l+1}"] = jax.random.normal(ks[4 + 2 * l], (D, D), dtype=jnp.float32) * 0.05
        inp[f"b{l+1}"] = jax.random.normal(ks[5 + 2 * l], (D,), dtype=jnp.float32) * 0.01
        inp[f"g{l+1}"] = jnp.ones((D,), dtype=jnp.float32)
        inp[f"be{l+1}"] = jnp.zeros((D,), dtype=jnp.float32)
    return inp


def reference(x_user, x_item, edge_index_ui, edge_index_iu,
              W1, b1, g1, be1, W2, b2, g2, be2, W3, b3, g3, be3):
    # HeteroData.to_homogeneous: concatenate node stores with type offsets
    off = x_user.shape[0]
    N = x_user.shape[0] + x_item.shape[0]
    x = jnp.concatenate([x_user, x_item], axis=0)
    # user->item edges: dst gets item offset; item->user edges: src gets item offset
    src = jnp.concatenate([edge_index_ui[0], edge_index_iu[0] + off])
    dst = jnp.concatenate([edge_index_ui[1] + off, edge_index_iu[1]])
    # GCN symmetric normalization (add_self_loops=False): deg from dst (col)
    deg = jnp.zeros((N,), dtype=x.dtype).at[dst].add(1.0)
    dis = jnp.where(deg > 0, deg ** -0.5, 0.0)
    norm = dis[src] * dis[dst]
    params = [(W1, b1, g1, be1), (W2, b2, g2, be2), (W3, b3, g3, be3)]
    inv_std = 1.0 / jnp.sqrt(1.0 + BN_EPS)  # eval-mode BN: running_mean=0, running_var=1
    for (W, b, g, be) in params:
        h = x @ W                      # GCNConv linear transform
        msg = norm[:, None] * h[src]   # gather + normalize
        agg = jnp.zeros((N, h.shape[1]), dtype=h.dtype).at[dst].add(msg)  # scatter-add
        x = agg + b                    # GCNConv bias after aggregation
        x = g * (x * inv_std) + be     # BatchNorm1d in eval mode
        x = jax.nn.relu(x)
        # dropout inactive in eval
    return (x[:off], x[off:])

if __name__ == "__main__":
    import jax
    _d = setup_inputs()
    print(jax.jit(kernel)(*tuple(_d.values())))

</pallas_src>

<mosaic_0001>
#map = affine_map<(d0, d1) -> (0, 0)>
module attributes {stable_mosaic.version = 14 : i64} {
  func.func @_sc_scatter_body(%arg0: i32, %arg1: i32, %arg2: memref<20000x128xf32, #tpu.memory_space<hbm>>, %arg3: memref<5120x64xi32, #tpu.memory_space<hbm>>, %arg4: memref<5120x64xi32, #tpu.memory_space<hbm>>, %arg5: memref<640x128xf32, #tpu.memory_space<hbm>>, %arg6: memref<20000x128xf32, #tpu.memory_space<hbm>>, %arg7: memref<32x64xi32, #tpu.memory_space<vmem>>, %arg8: memref<32x64xi32, #tpu.memory_space<vmem>>, %arg9: memref<64x128xf32, #tpu.memory_space<vmem>>, %arg10: memref<64x128xf32, #tpu.memory_space<vmem>>, %arg11: memref<64x128xf32, #tpu.memory_space<vmem>>, %arg12: memref<!tpu.dma_semaphore, #tpu.memory_space<semaphore_mem>>, %arg13: memref<!tpu.dma_semaphore, #tpu.memory_space<semaphore_mem>>, %arg14: memref<!tpu.dma_semaphore, #tpu.memory_space<semaphore_mem>>, %arg15: memref<!tpu.dma_semaphore, #tpu.memory_space<semaphore_mem>>, %arg16: memref<!tpu.dma_semaphore, #tpu.memory_space<semaphore_mem>>, %arg17: memref<!tpu.dma_semaphore, #tpu.memory_space<semaphore_mem>>, %arg18: memref<10240x128xf32, #tpu.memory_space<vmem_shared>>) attributes {dimension_semantics = [#tpu.dimension_semantics<core_parallel>, #tpu.dimension_semantics<subcore_parallel>], iteration_bounds = array<i64: 2, 16>, scalar_prefetch = 0 : i64, scratch_operands = 12 : i64, tpu.core_type = #tpu.core_type<sc_vector_subcore>, window_params = [{transform_indices = #map}, {transform_indices = #map}, {transform_indices = #map}, {transform_indices = #map}, {transform_indices = #map}]} {
    %mul3A = arith.constant 16 : i32
    %mul3A_0 = arith.muli %arg0, %mul3A : i32
    %add3A = arith.addi %mul3A_0, %arg1 : i32
    %mul3A_1 = arith.constant 160 : i32
    %mul3A_2 = arith.muli %add3A, %mul3A_1 : i32
    "tpu.region"() ({
      %run_scoped3A_97 = tpu.sem_alloc : memref<!tpu.dma_semaphore, #tpu.memory_space<semaphore_mem>>
      %dma_start3A_98 = arith.constant 0 : i32
      %dma_start3A_99 = tpu.memref_slice %arg3[%mul3A_2, %dma_start3A_98] : memref<5120x64xi32, #tpu.memory_space<hbm>> -> memref<32x64xi32, #tpu.memory_space<hbm>>
      %dma_start3A_100 = arith.constant 0 : i32
      %dma_start3A_101 = tpu.memref_slice %arg3[%mul3A_2, %dma_start3A_100] : memref<5120x64xi32, #tpu.memory_space<hbm>> -> memref<32x64xi32, #tpu.memory_space<hbm>>
      tpu.enqueue_dma source(%dma_start3A_101 : memref<32x64xi32, #tpu.memory_space<hbm>>) target(%arg7 : memref<32x64xi32, #tpu.memory_space<vmem>>) target_semaphore(%run_scoped3A_97 : memref<!tpu.dma_semaphore, #tpu.memory_space<semaphore_mem>>)
      %dma_wait3A_102 = arith.constant 0 : i32
      %dma_wait3A_103 = tpu.memref_slice %arg3[%mul3A_2, %dma_wait3A_102] : memref<5120x64xi32, #tpu.memory_space<hbm>> -> memref<32x64xi32, #tpu.memory_space<hbm>>
      %dma_wait3A_104 = arith.constant 0 : i32
      %dma_wait3A_105 = tpu.memref_slice %arg3[%mul3A_2, %dma_wait3A_104] : memref<5120x64xi32, #tpu.memory_space<hbm>> -> memref<32x64xi32, #tpu.memory_space<hbm>>
      tpu.wait_dma2 semaphore(%run_scoped3A_97 : memref<!tpu.dma_semaphore, #tpu.memory_space<semaphore_mem>>) src(%dma_wait3A_105 : memref<32x64xi32, #tpu.memory_space<hbm>>) dst(%arg7 : memref<32x64xi32, #tpu.memory_space<vmem>>)
      tpu.yield
    }) : () -> ()
    "tpu.region"() ({
      %run_scoped3A_97 = tpu.sem_alloc : memref<!tpu.dma_semaphore, #tpu.memory_space<semaphore_mem>>
      %dma_start3A_98 = arith.constant 0 : i32
      %dma_start3A_99 = tpu.memref_slice %arg4[%mul3A_2, %dma_start3A_98] : memref<5120x64xi32, #tpu.memory_space<hbm>> -> memref<32x64xi32, #tpu.memory_space<hbm>>
      %dma_start3A_100 = arith.constant 0 : i32
      %dma_start3A_101 = tpu.memref_slice %arg4[%mul3A_2, %dma_start3A_100] : memref<5120x64xi32, #tpu.memory_space<hbm>> -> memref<32x64xi32, #tpu.memory_space<hbm>>
      tpu.enqueue_dma source(%dma_start3A_101 : memref<32x64xi32, #tpu.memory_space<hbm>>) target(%arg8 : memref<32x64xi32, #tpu.memory_space<vmem>>) target_semaphore(%run_scoped3A_97 : memref<!tpu.dma_semaphore, #tpu.memory_space<semaphore_mem>>)
      %dma_wait3A_102 = arith.constant 0 : i32
      %dma_wait3A_103 = tpu.memref_slice %arg4[%mul3A_2, %dma_wait3A_102] : memref<5120x64xi32, #tpu.memory_space<hbm>> -> memref<32x64xi32, #tpu.memory_space<hbm>>
      %dma_wait3A_104 = arith.constant 0 : i32
      %dma_wait3A_105 = tpu.memref_slice %arg4[%mul3A_2, %dma_wait3A_104] : memref<5120x64xi32, #tpu.memory_space<hbm>> -> memref<32x64xi32, #tpu.memory_space<hbm>>
      tpu.wait_dma2 semaphore(%run_scoped3A_97 : memref<!tpu.dma_semaphore, #tpu.memory_space<semaphore_mem>>) src(%dma_wait3A_105 : memref<32x64xi32, #tpu.memory_space<hbm>>) dst(%arg8 : memref<32x64xi32, #tpu.memory_space<vmem>>)
      tpu.yield
    }) : () -> ()
    %dma_start3A = arith.constant 0 : i32
    %dma_start3A_3 = arith.constant 0 : i32
    %dma_start3A_4 = tpu.memref_slice %arg7[%dma_start3A, %dma_start3A_3] : memref<32x64xi32, #tpu.memory_space<vmem>> -> memref<1x64xi32, #tpu.memory_space<vmem>>
    %dma_start3A_5 = tpu.memref_squeeze %dma_start3A_4 : memref<1x64xi32, #tpu.memory_space<vmem>> -> memref<64xi32, #tpu.memory_space<vmem>>
    %dma_start3A_6 = arith.constant 0 : i32
    %dma_start3A_7 = arith.constant 0 : i32
    %dma_start3A_8 = tpu.memref_slice %arg2[%dma_start3A_6, %dma_start3A_7] : memref<20000x128xf32, #tpu.memory_space<hbm>> -> memref<20000x128xf32, #tpu.memory_space<hbm>>
    tpu.enqueue_indirect_dma source(%dma_start3A_8 : memref<20000x128xf32, #tpu.memory_space<hbm>>) target(%arg9 : memref<64x128xf32, #tpu.memory_space<vmem>>) offsets(%dma_start3A_5 : memref<64xi32, #tpu.memory_space<vmem>>) semaphore(%arg12 : memref<!tpu.dma_semaphore, #tpu.memory_space<semaphore_mem>>)
    %dma_start3A_9 = arith.constant 1 : i32
    %dma_start3A_10 = arith.constant 0 : i32
    %dma_start3A_11 = tpu.memref_slice %arg7[%dma_start3A_9, %dma_start3A_10] : memref<32x64xi32, #tpu.memory_space<vmem>> -> memref<1x64xi32, #tpu.memory_space<vmem>>
    %dma_start3A_12 = tpu.memref_squeeze %dma_start3A_11 : memref<1x64xi32, #tpu.memory_space<vmem>> -> memref<64xi32, #tpu.memory_space<vmem>>
    %dma_start3A_13 = arith.constant 0 : i32
    %dma_start3A_14 = arith.constant 0 : i32
    %dma_start3A_15 = tpu.memref_slice %arg2[%dma_start3A_13, %dma_start3A_14] : memref<20000x128xf32, #tpu.memory_space<hbm>> -> memref<20000x128xf32, #tpu.memory_space<hbm>>
    tpu.enqueue_indirect_dma source(%dma_start3A_15 : memref<20000x128xf32, #tpu.memory_space<hbm>>) target(%arg10 : memref<64x128xf32, #tpu.memory_space<vmem>>) offsets(%dma_start3A_12 : memref<64xi32, #tpu.memory_space<vmem>>) semaphore(%arg13 : memref<!tpu.dma_semaphore, #tpu.memory_space<semaphore_mem>>)
    %mul3A_16 = arith.constant 640 : i32
    %mul3A_17 = arith.muli %arg1, %mul3A_16 : i32
    "tpu.region"() ({
      %run_scoped3A_97 = tpu.sem_alloc : memref<!tpu.dma_semaphore, #tpu.memory_space<semaphore_mem>>
      %dma_start3A_98 = arith.constant 0 : i32
      %dma_start3A_99 = tpu.memref_slice %arg18[%mul3A_17, %dma_start3A_98] : memref<10240x128xf32, #tpu.memory_space<vmem_shared>> -> memref<640x128xf32, #tpu.memory_space<vmem_shared>>
      tpu.enqueue_dma source(%arg5 : memref<640x128xf32, #tpu.memory_space<hbm>>) target(%dma_start3A_99 : memref<640x128xf32, #tpu.memory_space<vmem_shared>>) target_semaphore(%run_scoped3A_97 : memref<!tpu.dma_semaphore, #tpu.memory_space<semaphore_mem>>)
      %dma_wait3A_100 = arith.constant 0 : i32
      %dma_wait3A_101 = tpu.memref_slice %arg18[%mul3A_17, %dma_wait3A_100] : memref<10240x128xf32, #tpu.memory_space<vmem_shared>> -> memref<640x128xf32, #tpu.memory_space<vmem_shared>>
      tpu.wait_dma2 semaphore(%run_scoped3A_97 : memref<!tpu.dma_semaphore, #tpu.memory_space<semaphore_mem>>) src(%arg5 : memref<640x128xf32, #tpu.memory_space<hbm>>) dst(%dma_wait3A_101 : memref<640x128xf32, #tpu.memory_space<vmem_shared>>)
      tpu.yield
    }) : () -> ()
    %barrier3A = arith.constant 0 : index
    tpu.barrier barrier_id(%barrier3A)
    %scan3A = arith.constant 0 : i32
    %scan3A_18 = arith.constant 10 : i32
    %scan3A_19 = arith.addi %scan3A, %scan3A_18 : i32
    %scan3A_20 = arith.constant 1 : i32
    scf.for %scan3A_97 = %scan3A to %scan3A_19 step %scan3A_20  : i32 {
      %mul3A_98 = arith.constant 3 : i32
      %mul3A_99 = arith.muli %scan3A_97, %mul3A_98 : i32
      %add3A_100 = arith.constant 0 : i32
      %add3A_101 = arith.addi %add3A_100, %mul3A_99 : i32
      %add3A_102 = arith.constant 0 : i32
      %add3A_103 = arith.addi %add3A_101, %add3A_102 : i32
      %dma_wait3A_104 = arith.constant 0 : i32
      %dma_wait3A_105 = tpu.memref_slice %arg7[%add3A_103, %dma_wait3A_104] : memref<32x64xi32, #tpu.memory_space<vmem>> -> memref<1x64xi32, #tpu.memory_space<vmem>>
      %dma_wait3A_106 = tpu.memref_squeeze %dma_wait3A_105 : memref<1x64xi32, #tpu.memory_space<vmem>> -> memref<64xi32, #tpu.memory_space<vmem>>
      %dma_wait3A_107 = arith.constant 0 : i32
      %dma_wait3A_108 = arith.constant 0 : i32
      %dma_wait3A_109 = tpu.memref_slice %arg2[%dma_wait3A_107, %dma_wait3A_108] : memref<20000x128xf32, #tpu.memory_space<hbm>> -> memref<20000x128xf32, #tpu.memory_space<hbm>>
      tpu.wait_indirect_dma semaphore(%arg12 : memref<!tpu.dma_semaphore, #tpu.memory_space<semaphore_mem>>) src(%dma_wait3A_109 : memref<20000x128xf32, #tpu.memory_space<hbm>>) dst(%arg9 : memref<64x128xf32, #tpu.memory_space<vmem>>)
      %dma_start3A_110 = arith.constant 0 : i32
      %dma_start3A_111 = tpu.memref_slice %arg8[%add3A_103, %dma_start3A_110] : memref<32x64xi32, #tpu.memory_space<vmem>> -> memref<1x64xi32, #tpu.memory_space<vmem>>
      %dma_start3A_112 = tpu.memref_squeeze %dma_start3A_111 : memref<1x64xi32, #tpu.memory_space<vmem>> -> memref<64xi32, #tpu.memory_space<vmem>>
      %dma_start3A_113 = arith.constant 0 : i32
      %dma_start3A_114 = arith.constant 0 : i32
      %dma_start3A_115 = tpu.memref_slice %arg18[%dma_start3A_113, %dma_start3A_114] : memref<10240x128xf32, #tpu.memory_space<vmem_shared>> -> memref<10240x128xf32, #tpu.memory_space<vmem_shared>>
      tpu.enqueue_indirect_dma source(%arg9 : memref<64x128xf32, #tpu.memory_space<vmem>>) target(%dma_start3A_115 : memref<10240x128xf32, #tpu.memory_space<vmem_shared>>) offsets(%dma_start3A_112 : memref<64xi32, #tpu.memory_space<vmem>>) semaphore(%arg15 : memref<!tpu.dma_semaphore, #tpu.memory_space<semaphore_mem>>) {add = true}
      %ge3A = arith.constant 1 : i32
      %ge3A_116 = arith.cmpi sge, %add3A_103, %ge3A : i32
      %convert_element_type3A_117 = arith.extui %ge3A_116 : i1 to i32
      %cond3A_118 = arith.constant 0 : i32
      %cond3A_119 = arith.cmpi ne, %convert_element_type3A_117, %cond3A_118 : i32
      scf.if %cond3A_119 {
        %dma_wait3A_182 = arith.constant 0 : i32
        %dma_wait3A_183 = arith.constant 0 : i32
        %dma_wait3A_184 = tpu.memref_slice %arg8[%dma_wait3A_182, %dma_wait3A_183] : memref<32x64xi32, #tpu.memory_space<vmem>> -> memref<1x64xi32, #tpu.memory_space<vmem>>
        %dma_wait3A_185 = tpu.memref_squeeze %dma_wait3A_184 : memref<1x64xi32, #tpu.memory_space<vmem>> -> memref<64xi32, #tpu.memory_space<vmem>>
        %dma_wait3A_186 = arith.constant 0 : i32
        %dma_wait3A_187 = arith.constant 0 : i32
        %dma_wait3A_188 = tpu.memref_slice %arg18[%dma_wait3A_186, %dma_wait3A_187] : memref<10240x128xf32, #tpu.memory_space<vmem_shared>> -> memref<10240x128xf32, #tpu.memory_space<vmem_shared>>
        tpu.wait_indirect_dma semaphore(%arg17 : memref<!tpu.dma_semaphore, #tpu.memory_space<semaphore_mem>>) src(%arg11 : memref<64x128xf32, #tpu.memory_space<vmem>>) dst(%dma_wait3A_188 : memref<10240x128xf32, #tpu.memory_space<vmem_shared>>)
      } else {
      }
      %add3A_120 = arith.constant 2 : i32
      %add3A_121 = arith.addi %add3A_103, %add3A_120 : i32
      %dma_start3A_122 = arith.constant 0 : i32
      %dma_start3A_123 = tpu.memref_slice %arg7[%add3A_121, %dma_start3A_122] : memref<32x64xi32, #tpu.memory_space<vmem>> -> memref<1x64xi32, #tpu.memory_space<vmem>>
      %dma_start3A_124 = tpu.memref_squeeze %dma_start3A_123 : memref<1x64xi32, #tpu.memory_space<vmem>> -> memref<64xi32, #tpu.memory_space<vmem>>
      %dma_start3A_125 = arith.constant 0 : i32
      %dma_start3A_126 = arith.constant 0 : i32
      %dma_start3A_127 = tpu.memref_slice %arg2[%dma_start3A_125, %dma_start3A_126] : memref<20000x128xf32, #tpu.memory_space<hbm>> -> memref<20000x128xf32, #tpu.memory_space<hbm>>
      tpu.enqueue_indirect_dma source(%dma_start3A_127 : memref<20000x128xf32, #tpu.memory_space<hbm>>) target(%arg11 : memref<64x128xf32, #tpu.memory_space<vmem>>) offsets(%dma_start3A_124 : memref<64xi32, #tpu.memory_space<vmem>>) semaphore(%arg14 : memref<!tpu.dma_semaphore, #tpu.memory_space<semaphore_mem>>)
      %add3A_128 = arith.constant 1 : i32
      %add3A_129 = arith.addi %add3A_101, %add3A_128 : i32
      %dma_wait3A_130 = arith.constant 0 : i32
      %dma_wait3A_131 = tpu.memref_slice %arg7[%add3A_129, %dma_wait3A_130] : memref<32x64xi32, #tpu.memory_space<vmem>> -> memref<1x64xi32, #tpu.memory_space<vmem>>
      %dma_wait3A_132 = tpu.memref_squeeze %dma_wait3A_131 : memref<1x64xi32, #tpu.memory_space<vmem>> -> memref<64xi32, #tpu.memory_space<vmem>>
      %dma_wait3A_133 = arith.constant 0 : i32
      %dma_wait3A_134 = arith.constant 0 : i32
      %dma_wait3A_135 = tpu.memref_slice %arg2[%dma_wait3A_133, %dma_wait3A_134] : memref<20000x128xf32, #tpu.memory_space<hbm>> -> memref<20000x128xf32, #tpu.memory_space<hbm>>
      tpu.wait_indirect_dma semaphore(%arg13 : memref<!tpu.dma_semaphore, #tpu.memory_space<semaphore_mem>>) src(%dma_wait3A_135 : memref<20000x128xf32, #tpu.memory_space<hbm>>) dst(%arg10 : memref<64x128xf32, #tpu.memory_space<vmem>>)
      %dma_start3A_136 = arith.constant 0 : i32
      %dma_start3A_137 = tpu.memref_slice %arg8[%add3A_129, %dma_start3A_136] : memref<32x64xi32, #tpu.memory_space<vmem>> -> memref<1x64xi32, #tpu.memory_space<vmem>>
      %dma_start3A_138 = tpu.memref_squeeze %dma_start3A_137 : memref<1x64xi32, #tpu.memory_space<vmem>> -> memref<64xi32, #tpu.memory_space<vmem>>
      %dma_start3A_139 = arith.constant 0 : i32
      %dma_start3A_140 = arith.constant 0 : i32
      %dma_start3A_141 = tpu.memref_slice %arg18[%dma_start3A_139, %dma_start3A_140] : memref<10240x128xf32, #tpu.memory_space<vmem_shared>> -> memref<10240x128xf32, #tpu.memory_space<vmem_shared>>
      tpu.enqueue_indirect_dma source(%arg10 : memref<64x128xf32, #tpu.memory_space<vmem>>) target(%dma_start3A_141 : memref<10240x128xf32, #tpu.memory_space<vmem_shared>>) offsets(%dma_start3A_138 : memref<64xi32, #tpu.memory_space<vmem>>) semaphore(%arg16 : memref<!tpu.dma_semaphore, #tpu.memory_space<semaphore_mem>>) {add = true}
      %ge3A_142 = arith.constant 1 : i32
      %ge3A_143 = arith.cmpi sge, %add3A_129, %ge3A_142 : i32
      %convert_element_type3A_144 = arith.extui %ge3A_143 : i1 to i32
      %cond3A_145 = arith.constant 0 : i32
      %cond3A_146 = arith.cmpi ne, %convert_element_type3A_144, %cond3A_145 : i32
      scf.if %cond3A_146 {
        %dma_wait3A_182 = arith.constant 0 : i32
        %dma_wait3A_183 = arith.constant 0 : i32
        %dma_wait3A_184 = tpu.memref_slice %arg8[%dma_wait3A_182, %dma_wait3A_183] : memref<32x64xi32, #tpu.memory_space<vmem>> -> memref<1x64xi32, #tpu.memory_space<vmem>>
        %dma_wait3A_185 = tpu.memref_squeeze %dma_wait3A_184 : memref<1x64xi32, #tpu.memory_space<vmem>> -> memref<64xi32, #tpu.memory_space<vmem>>
        %dma_wait3A_186 = arith.constant 0 : i32
        %dma_wait3A_187 = arith.constant 0 : i32
        %dma_wait3A_188 = tpu.memref_slice %arg18[%dma_wait3A_186, %dma_wait3A_187] : memref<10240x128xf32, #tpu.memory_space<vmem_shared>> -> memref<10240x128xf32, #tpu.memory_space<vmem_shared>>
        tpu.wait_indirect_dma semaphore(%arg15 : memref<!tpu.dma_semaphore, #tpu.memory_space<semaphore_mem>>) src(%arg9 : memref<64x128xf32, #tpu.memory_space<vmem>>) dst(%dma_wait3A_188 : memref<10240x128xf32, #tpu.memory_space<vmem_shared>>)
      } else {
      }
      %add3A_147 = arith.constant 2 : i32
      %add3A_148 = arith.addi %add3A_129, %add3A_147 : i32
      %dma_start3A_149 = arith.constant 0 : i32
      %dma_start3A_150 = tpu.memref_slice %arg7[%add3A_148, %dma_start3A_149] : memref<32x64xi32, #tpu.memory_space<vmem>> -> memref<1x64xi32, #tpu.memory_space<vmem>>
      %dma_start3A_151 = tpu.memref_squeeze %dma_start3A_150 : memref<1x64xi32, #tpu.memory_space<vmem>> -> memref<64xi32, #tpu.memory_space<vmem>>
      %dma_start3A_152 = arith.constant 0 : i32
      %dma_start3A_153 = arith.constant 0 : i32
      %dma_start3A_154 = tpu.memref_slice %arg2[%dma_start3A_152, %dma_start3A_153] : memref<20000x128xf32, #tpu.memory_space<hbm>> -> memref<20000x128xf32, #tpu.memory_space<hbm>>
      tpu.enqueue_indirect_dma source(%dma_start3A_154 : memref<20000x128xf32, #tpu.memory_space<hbm>>) target(%arg9 : memref<64x128xf32, #tpu.memory_space<vmem>>) offsets(%dma_start3A_151 : memref<64xi32, #tpu.memory_space<vmem>>) semaphore(%arg12 : memref<!tpu.dma_semaphore, #tpu.memory_space<semaphore_mem>>)
      %add3A_155 = arith.constant 2 : i32
      %add3A_156 = arith.addi %add3A_101, %add3A_155 : i32
      %dma_wait3A_157 = arith.constant 0 : i32
      %dma_wait3A_158 = tpu.memref_slice %arg7[%add3A_156, %dma_wait3A_157] : memref<32x64xi32, #tpu.memory_space<vmem>> -> memref<1x64xi32, #tpu.memory_space<vmem>>
      %dma_wait3A_159 = tpu.memref_squeeze %dma_wait3A_158 : memref<1x64xi32, #tpu.memory_space<vmem>> -> memref<64xi32, #tpu.memory_space<vmem>>
      %dma_wait3A_160 = arith.constant 0 : i32
      %dma_wait3A_161 = arith.constant 0 : i32
      %dma_wait3A_162 = tpu.memref_slice %arg2[%dma_wait3A_160, %dma_wait3A_161] : memref<20000x128xf32, #tpu.memory_space<hbm>> -> memref<20000x128xf32, #tpu.memory_space<hbm>>
      tpu.wait_indirect_dma semaphore(%arg14 : memref<!tpu.dma_semaphore, #tpu.memory_space<semaphore_mem>>) src(%dma_wait3A_162 : memref<20000x128xf32, #tpu.memory_space<hbm>>) dst(%arg11 : memref<64x128xf32, #tpu.memory_space<vmem>>)
      %dma_start3A_163 = arith.constant 0 : i32
      %dma_start3A_164 = tpu.memref_slice %arg8[%add3A_156, %dma_start3A_163] : memref<32x64xi32, #tpu.memory_space<vmem>> -> memref<1x64xi32, #tpu.memory_space<vmem>>
      %dma_start3A_165 = tpu.memref_squeeze %dma_start3A_164 : memref<1x64xi32, #tpu.memory_space<vmem>> -> memref<64xi32, #tpu.memory_space<vmem>>
      %dma_start3A_166 = arith.constant 0 : i32
      %dma_start3A_167 = arith.constant 0 : i32
      %dma_start3A_168 = tpu.memref_slice %arg18[%dma_start3A_166, %dma_start3A_167] : memref<10240x128xf32, #tpu.memory_space<vmem_shared>> -> memref<10240x128xf32, #tpu.memory_space<vmem_shared>>
      tpu.enqueue_indirect_dma source(%arg11 : memref<64x128xf32, #tpu.memory_space<vmem>>) target(%dma_start3A_168 : memref<10240x128xf32, #tpu.memory_space<vmem_shared>>) offsets(%dma_start3A_165 : memref<64xi32, #tpu.memory_space<vmem>>) semaphore(%arg17 : memref<!tpu.dma_semaphore, #tpu.memory_space<semaphore_mem>>) {add = true}
      %ge3A_169 = arith.constant 1 : i32
      %ge3A_170 = arith.cmpi sge, %add3A_156, %ge3A_169 : i32
      %convert_element_type3A_171 = arith.extui %ge3A_170 : i1 to i32
      %cond3A_172 = arith.constant 0 : i32
      %cond3A_173 = arith.cmpi ne, %convert_element_type3A_171, %cond3A_172 : i32
      scf.if %cond3A_173 {
        %dma_wait3A_182 = arith.constant 0 : i32
        %dma_wait3A_183 = arith.constant 0 : i32
        %dma_wait3A_184 = tpu.memref_slice %arg8[%dma_wait3A_182, %dma_wait3A_183] : memref<32x64xi32, #tpu.memory_space<vmem>> -> memref<1x64xi32, #tpu.memory_space<vmem>>
        %dma_wait3A_185 = tpu.memref_squeeze %dma_wait3A_184 : memref<1x64xi32, #tpu.memory_space<vmem>> -> memref<64xi32, #tpu.memory_space<vmem>>
        %dma_wait3A_186 = arith.constant 0 : i32
        %dma_wait3A_187 = arith.constant 0 : i32
        %dma_wait3A_188 = tpu.memref_slice %arg18[%dma_wait3A_186, %dma_wait3A_187] : memref<10240x128xf32, #tpu.memory_space<vmem_shared>> -> memref<10240x128xf32, #tpu.memory_space<vmem_shared>>
        tpu.wait_indirect_dma semaphore(%arg16 : memref<!tpu.dma_semaphore, #tpu.memory_space<semaphore_mem>>) src(%arg10 : memref<64x128xf32, #tpu.memory_space<vmem>>) dst(%dma_wait3A_188 : memref<10240x128xf32, #tpu.memory_space<vmem_shared>>)
      } else {
      }
      %add3A_174 = arith.constant 2 : i32
      %add3A_175 = arith.addi %add3A_156, %add3A_174 : i32
      %dma_start3A_176 = arith.constant 0 : i32
      %dma_start3A_177 = tpu.memref_slice %arg7[%add3A_175, %dma_start3A_176] : memref<32x64xi32, #tpu.memory_space<vmem>> -> memref<1x64xi32, #tpu.memory_space<vmem>>
      %dma_start3A_178 = tpu.memref_squeeze %dma_start3A_177 : memref<1x64xi32, #tpu.memory_space<vmem>> -> memref<64xi32, #tpu.memory_space<vmem>>
      %dma_start3A_179 = arith.constant 0 : i32
      %dma_start3A_180 = arith.constant 0 : i32
      %dma_start3A_181 = tpu.memref_slice %arg2[%dma_start3A_179, %dma_start3A_180] : memref<20000x128xf32, #tpu.memory_space<hbm>> -> memref<20000x128xf32, #tpu.memory_space<hbm>>
      tpu.enqueue_indirect_dma source(%dma_start3A_181 : memref<20000x128xf32, #tpu.memory_space<hbm>>) target(%arg10 : memref<64x128xf32, #tpu.memory_space<vmem>>) offsets(%dma_start3A_178 : memref<64xi32, #tpu.memory_space<vmem>>) semaphore(%arg13 : memref<!tpu.dma_semaphore, #tpu.memory_space<semaphore_mem>>)
    }
    %scan3A_21 = arith.constant 10 : i32
    %dma_wait3A = arith.constant 30 : i32
    %dma_wait3A_22 = arith.constant 0 : i32
    %dma_wait3A_23 = tpu.memref_slice %arg7[%dma_wait3A, %dma_wait3A_22] : memref<32x64xi32, #tpu.memory_space<vmem>> -> memref<1x64xi32, #tpu.memory_space<vmem>>
    %dma_wait3A_24 = tpu.memref_squeeze %dma_wait3A_23 : memref<1x64xi32, #tpu.memory_space<vmem>> -> memref<64xi32, #tpu.memory_space<vmem>>
    %dma_wait3A_25 = arith.constant 0 : i32
    %dma_wait3A_26 = arith.constant 0 : i32
    %dma_wait3A_27 = tpu.memref_slice %arg2[%dma_wait3A_25, %dma_wait3A_26] : memref<20000x128xf32, #tpu.memory_space<hbm>> -> memref<20000x128xf32, #tpu.memory_space<hbm>>
    tpu.wait_indirect_dma semaphore(%arg12 : memref<!tpu.dma_semaphore, #tpu.memory_space<semaphore_mem>>) src(%dma_wait3A_27 : memref<20000x128xf32, #tpu.memory_space<hbm>>) dst(%arg9 : memref<64x128xf32, #tpu.memory_space<vmem>>)
    %run_scoped3A = arith.constant 30 : i32
    "tpu.region"() ({
      %run_scoped3A_97 = tpu.sem_alloc : memref<!tpu.dma_semaphore, #tpu.memory_space<semaphore_mem>>
      %dma_start3A_98 = arith.constant 0 : i32
      %dma_start3A_99 = tpu.memref_slice %arg8[%run_scoped3A, %dma_start3A_98] : memref<32x64xi32, #tpu.memory_space<vmem>> -> memref<1x64xi32, #tpu.memory_space<vmem>>
      %dma_start3A_100 = tpu.memref_squeeze %dma_start3A_99 : memref<1x64xi32, #tpu.memory_space<vmem>> -> memref<64xi32, #tpu.memory_space<vmem>>
      %dma_start3A_101 = arith.constant 0 : i32
      %dma_start3A_102 = arith.constant 0 : i32
      %dma_start3A_103 = tpu.memref_slice %arg18[%dma_start3A_101, %dma_start3A_102] : memref<10240x128xf32, #tpu.memory_space<vmem_shared>> -> memref<10240x128xf32, #tpu.memory_space<vmem_shared>>
      tpu.enqueue_indirect_dma source(%arg9 : memref<64x128xf32, #tpu.memory_space<vmem>>) target(%dma_start3A_103 : memref<10240x128xf32, #tpu.memory_space<vmem_shared>>) offsets(%dma_start3A_100 : memref<64xi32, #tpu.memory_space<vmem>>) semaphore(%run_scoped3A_97 : memref<!tpu.dma_semaphore, #tpu.memory_space<semaphore_mem>>) {add = true}
      %dma_wait3A_104 = arith.constant 0 : i32
      %dma_wait3A_105 = tpu.memref_slice %arg8[%run_scoped3A, %dma_wait3A_104] : memref<32x64xi32, #tpu.memory_space<vmem>> -> memref<1x64xi32, #tpu.memory_space<vmem>>
      %dma_wait3A_106 = tpu.memref_squeeze %dma_wait3A_105 : memref<1x64xi32, #tpu.memory_space<vmem>> -> memref<64xi32, #tpu.memory_space<vmem>>
      %dma_wait3A_107 = arith.constant 0 : i32
      %dma_wait3A_108 = arith.constant 0 : i32
      %dma_wait3A_109 = tpu.memref_slice %arg18[%dma_wait3A_107, %dma_wait3A_108] : memref<10240x128xf32, #tpu.memory_space<vmem_shared>> -> memref<10240x128xf32, #tpu.memory_space<vmem_shared>>
      tpu.wait_indirect_dma semaphore(%run_scoped3A_97 : memref<!tpu.dma_semaphore, #tpu.memory_space<semaphore_mem>>) src(%arg9 : memref<64x128xf32, #tpu.memory_space<vmem>>) dst(%dma_wait3A_109 : memref<10240x128xf32, #tpu.memory_space<vmem_shared>>)
      tpu.yield
    }) : () -> ()
    %dma_wait3A_28 = arith.constant 31 : i32
    %dma_wait3A_29 = arith.constant 0 : i32
    %dma_wait3A_30 = tpu.memref_slice %arg7[%dma_wait3A_28, %dma_wait3A_29] : memref<32x64xi32, #tpu.memory_space<vmem>> -> memref<1x64xi32, #tpu.memory_space<vmem>>
    %dma_wait3A_31 = tpu.memref_squeeze %dma_wait3A_30 : memref<1x64xi32, #tpu.memory_space<vmem>> -> memref<64xi32, #tpu.memory_space<vmem>>
    %dma_wait3A_32 = arith.constant 0 : i32
    %dma_wait3A_33 = arith.constant 0 : i32
    %dma_wait3A_34 = tpu.memref_slice %arg2[%dma_wait3A_32, %dma_wait3A_33] : memref<20000x128xf32, #tpu.memory_space<hbm>> -> memref<20000x128xf32, #tpu.memory_space<hbm>>
    tpu.wait_indirect_dma semaphore(%arg13 : memref<!tpu.dma_semaphore, #tpu.memory_space<semaphore_mem>>) src(%dma_wait3A_34 : memref<20000x128xf32, #tpu.memory_space<hbm>>) dst(%arg10 : memref<64x128xf32, #tpu.memory_space<vmem>>)
    %run_scoped3A_35 = arith.constant 31 : i32
    "tpu.region"() ({
      %run_scoped3A_97 = tpu.sem_alloc : memref<!tpu.dma_semaphore, #tpu.memory_space<semaphore_mem>>
      %dma_start3A_98 = arith.constant 0 : i32
      %dma_start3A_99 = tpu.memref_slice %arg8[%run_scoped3A_35, %dma_start3A_98] : memref<32x64xi32, #tpu.memory_space<vmem>> -> memref<1x64xi32, #tpu.memory_space<vmem>>
      %dma_start3A_100 = tpu.memref_squeeze %dma_start3A_99 : memref<1x64xi32, #tpu.memory_space<vmem>> -> memref<64xi32, #tpu.memory_space<vmem>>
      %dma_start3A_101 = arith.constant 0 : i32
      %dma_start3A_102 = arith.constant 0 : i32
      %dma_start3A_103 = tpu.memref_slice %arg18[%dma_start3A_101, %dma_start3A_102] : memref<10240x128xf32, #tpu.memory_space<vmem_shared>> -> memref<10240x128xf32, #tpu.memory_space<vmem_shared>>
      tpu.enqueue_indirect_dma source(%arg10 : memref<64x128xf32, #tpu.memory_space<vmem>>) target(%dma_start3A_103 : memref<10240x128xf32, #tpu.memory_space<vmem_shared>>) offsets(%dma_start3A_100 : memref<64xi32, #tpu.memory_space<vmem>>) semaphore(%run_scoped3A_97 : memref<!tpu.dma_semaphore, #tpu.memory_space<semaphore_mem>>) {add = true}
      %dma_wait3A_104 = arith.constant 0 : i32
      %dma_wait3A_105 = tpu.memref_slice %arg8[%run_scoped3A_35, %dma_wait3A_104] : memref<32x64xi32, #tpu.memory_space<vmem>> -> memref<1x64xi32, #tpu.memory_space<vmem>>
      %dma_wait3A_106 = tpu.memref_squeeze %dma_wait3A_105 : memref<1x64xi32, #tpu.memory_space<vmem>> -> memref<64xi32, #tpu.memory_space<vmem>>
      %dma_wait3A_107 = arith.constant 0 : i32
      %dma_wait3A_108 = arith.constant 0 : i32
      %dma_wait3A_109 = tpu.memref_slice %arg18[%dma_wait3A_107, %dma_wait3A_108] : memref<10240x128xf32, #tpu.memory_space<vmem_shared>> -> memref<10240x128xf32, #tpu.memory_space<vmem_shared>>
      tpu.wait_indirect_dma semaphore(%run_scoped3A_97 : memref<!tpu.dma_semaphore, #tpu.memory_space<semaphore_mem>>) src(%arg10 : memref<64x128xf32, #tpu.memory_space<vmem>>) dst(%dma_wait3A_109 : memref<10240x128xf32, #tpu.memory_space<vmem_shared>>)
      tpu.yield
    }) : () -> ()
    %dma_wait3A_36 = arith.constant 0 : i32
    %dma_wait3A_37 = arith.constant 0 : i32
    %dma_wait3A_38 = tpu.memref_slice %arg8[%dma_wait3A_36, %dma_wait3A_37] : memref<32x64xi32, #tpu.memory_space<vmem>> -> memref<1x64xi32, #tpu.memory_space<vmem>>
    %dma_wait3A_39 = tpu.memref_squeeze %dma_wait3A_38 : memref<1x64xi32, #tpu.memory_space<vmem>> -> memref<64xi32, #tpu.memory_space<vmem>>
    %dma_wait3A_40 = arith.constant 0 : i32
    %dma_wait3A_41 = arith.constant 0 : i32
    %dma_wait3A_42 = tpu.memref_slice %arg18[%dma_wait3A_40, %dma_wait3A_41] : memref<10240x128xf32, #tpu.memory_space<vmem_shared>> -> memref<10240x128xf32, #tpu.memory_space<vmem_shared>>
    tpu.wait_indirect_dma semaphore(%arg17 : memref<!tpu.dma_semaphore, #tpu.memory_space<semaphore_mem>>) src(%arg11 : memref<64x128xf32, #tpu.memory_space<vmem>>) dst(%dma_wait3A_42 : memref<10240x128xf32, #tpu.memory_space<vmem_shared>>)
    %scan3A_43 = arith.constant 0 : i32
    %scan3A_44 = arith.constant 3 : i32
    %scan3A_45 = arith.addi %scan3A_43, %scan3A_44 : i32
    %scan3A_46 = arith.constant 1 : i32
    scf.for %scan3A_97 = %scan3A_43 to %scan3A_45 step %scan3A_46  : i32 {
      %mul3A_98 = arith.constant 1 : i32
      %mul3A_99 = arith.muli %scan3A_97, %mul3A_98 : i32
      %add3A_100 = arith.constant 1 : i32
      %add3A_101 = arith.addi %add3A_100, %mul3A_99 : i32
      %mul3A_102 = arith.constant 32 : i32
      %mul3A_103 = arith.muli %add3A_101, %mul3A_102 : i32
      %add3A_104 = arith.addi %mul3A_2, %mul3A_103 : i32
      "tpu.region"() ({
        %run_scoped3A_147 = tpu.sem_alloc : memref<!tpu.dma_semaphore, #tpu.memory_space<semaphore_mem>>
        %dma_start3A_148 = arith.constant 0 : i32
        %dma_start3A_149 = tpu.memref_slice %arg3[%add3A_104, %dma_start3A_148] : memref<5120x64xi32, #tpu.memory_space<hbm>> -> memref<32x64xi32, #tpu.memory_space<hbm>>
        %dma_start3A_150 = arith.constant 0 : i32
        %dma_start3A_151 = tpu.memref_slice %arg3[%add3A_104, %dma_start3A_150] : memref<5120x64xi32, #tpu.memory_space<hbm>> -> memref<32x64xi32, #tpu.memory_space<hbm>>
        tpu.enqueue_dma source(%dma_start3A_151 : memref<32x64xi32, #tpu.memory_space<hbm>>) target(%arg7 : memref<32x64xi32, #tpu.memory_space<vmem>>) target_semaphore(%run_scoped3A_147 : memref<!tpu.dma_semaphore, #tpu.memory_space<semaphore_mem>>)
        %dma_wait3A_152 = arith.constant 0 : i32
        %dma_wait3A_153 = tpu.memref_slice %arg3[%add3A_104, %dma_wait3A_152] : memref<5120x64xi32, #tpu.memory_space<hbm>> -> memref<32x64xi32, #tpu.memory_space<hbm>>
        %dma_wait3A_154 = arith.constant 0 : i32
        %dma_wait3A_155 = tpu.memref_slice %arg3[%add3A_104, %dma_wait3A_154] : memref<5120x64xi32, #tpu.memory_space<hbm>> -> memref<32x64xi32, #tpu.memory_space<hbm>>
        tpu.wait_dma2 semaphore(%run_scoped3A_147 : memref<!tpu.dma_semaphore, #tpu.memory_space<semaphore_mem>>) src(%dma_wait3A_155 : memref<32x64xi32, #tpu.memory_space<hbm>>) dst(%arg7 : memref<32x64xi32, #tpu.memory_space<vmem>>)
        tpu.yield
      }) : () -> ()
      "tpu.region"() ({
        %run_scoped3A_147 = tpu.sem_alloc : memref<!tpu.dma_semaphore, #tpu.memory_space<semaphore_mem>>
        %dma_start3A_148 = arith.constant 0 : i32
        %dma_start3A_149 = tpu.memref_slice %arg4[%add3A_104, %dma_start3A_148] : memref<5120x64xi32, #tpu.memory_space<hbm>> -> memref<32x64xi32, #tpu.memory_space<hbm>>
        %dma_start3A_150 = arith.constant 0 : i32
        %dma_start3A_151 = tpu.memref_slice %arg4[%add3A_104, %dma_start3A_150] : memref<5120x64xi32, #tpu.memory_space<hbm>> -> memref<32x64xi32, #tpu.memory_space<hbm>>
        tpu.enqueue_dma source(%dma_start3A_151 : memref<32x64xi32, #tpu.memory_space<hbm>>) target(%arg8 : memref<32x64xi32, #tpu.memory_space<vmem>>) target_semaphore(%run_scoped3A_147 : memref<!tpu.dma_semaphore, #tpu.memory_space<semaphore_mem>>)
        %dma_wait3A_152 = arith.constant 0 : i32
        %dma_wait3A_153 = tpu.memref_slice %arg4[%add3A_104, %dma_wait3A_152] : memref<5120x64xi32, #tpu.memory_space<hbm>> -> memref<32x64xi32, #tpu.memory_space<hbm>>
        %dma_wait3A_154 = arith.constant 0 : i32
        %dma_wait3A_155 = tpu.memref_slice %arg4[%add3A_104, %dma_wait3A_154] : memref<5120x64xi32, #tpu.memory_space<hbm>> -> memref<32x64xi32, #tpu.memory_space<hbm>>
        tpu.wait_dma2 semaphore(%run_scoped3A_147 : memref<!tpu.dma_semaphore, #tpu.memory_space<semaphore_mem>>) src(%dma_wait3A_155 : memref<32x64xi32, #tpu.memory_space<hbm>>) dst(%arg8 : memref<32x64xi32, #tpu.memory_space<vmem>>)
        tpu.yield
      }) : () -> ()
      %dma_start3A_105 = arith.constant 0 : i32
      %dma_start3A_106 = arith.constant 0 : i32
      %dma_start3A_107 = tpu.memref_slice %arg7[%dma_start3A_105, %dma_start3A_106] : memref<32x64xi32, #tpu.memory_space<vmem>> -> memref<1x64xi32, #tpu.memory_space<vmem>>
      %dma_start3A_108 = tpu.memref_squeeze %dma_start3A_107 : memref<1x64xi32, #tpu.memory_space<vmem>> -> memref<64xi32, #tpu.memory_space<vmem>>
      %dma_start3A_109 = arith.constant 0 : i32
      %dma_start3A_110 = arith.constant 0 : i32
      %dma_start3A_111 = tpu.memref_slice %arg2[%dma_start3A_109, %dma_start3A_110] : memref<20000x128xf32, #tpu.memory_space<hbm>> -> memref<20000x128xf32, #tpu.memory_space<hbm>>
      tpu.enqueue_indirect_dma source(%dma_start3A_111 : memref<20000x128xf32, #tpu.memory_space<hbm>>) target(%arg9 : memref<64x128xf32, #tpu.memory_space<vmem>>) offsets(%dma_start3A_108 : memref<64xi32, #tpu.memory_space<vmem>>) semaphore(%arg12 : memref<!tpu.dma_semaphore, #tpu.memory_space<semaphore_mem>>)
      %dma_start3A_112 = arith.constant 1 : i32
      %dma_start3A_113 = arith.constant 0 : i32
      %dma_start3A_114 = tpu.memref_slice %arg7[%dma_start3A_112, %dma_start3A_113] : memref<32x64xi32, #tpu.memory_space<vmem>> -> memref<1x64xi32, #tpu.memory_space<vmem>>
      %dma_start3A_115 = tpu.memref_squeeze %dma_start3A_114 : memref<1x64xi32, #tpu.memory_space<vmem>> -> memref<64xi32, #tpu.memory_space<vmem>>
      %dma_start3A_116 = arith.constant 0 : i32
      %dma_start3A_117 = arith.constant 0 : i32
      %dma_start3A_118 = tpu.memref_slice %arg2[%dma_start3A_116, %dma_start3A_117] : memref<20000x128xf32, #tpu.memory_space<hbm>> -> memref<20000x128xf32, #tpu.memory_space<hbm>>
      tpu.enqueue_indirect_dma source(%dma_start3A_118 : memref<20000x128xf32, #tpu.memory_space<hbm>>) target(%arg10 : memref<64x128xf32, #tpu.memory_space<vmem>>) offsets(%dma_start3A_115 : memref<64xi32, #tpu.memory_space<vmem>>) semaphore(%arg13 : memref<!tpu.dma_semaphore, #tpu.memory_space<semaphore_mem>>)
      %scan3A_119 = arith.constant 0 : i32
      %scan3A_120 = arith.constant 10 : i32
      %scan3A_121 = arith.addi %scan3A_119, %scan3A_120 : i32
      %scan3A_122 = arith.constant 1 : i32
      scf.for %scan3A_147 = %scan3A_119 to %scan3A_121 step %scan3A_122  : i32 {
        %mul3A_148 = arith.constant 3 : i32
        %mul3A_149 = arith.muli %scan3A_147, %mul3A_148 : i32
        %add3A_150 = arith.constant 0 : i32
        %add3A_151 = arith.addi %add3A_150, %mul3A_149 : i32
        %add3A_152 = arith.constant 0 : i32
        %add3A_153 = arith.addi %add3A_151, %add3A_152 : i32
        %dma_wait3A_154 = arith.constant 0 : i32
        %dma_wait3A_155 = tpu.memref_slice %arg7[%add3A_153, %dma_wait3A_154] : memref<32x64xi32, #tpu.memory_space<vmem>> -> memref<1x64xi32, #tpu.memory_space<vmem>>
        %dma_wait3A_156 = tpu.memref_squeeze %dma_wait3A_155 : memref<1x64xi32, #tpu.memory_space<vmem>> -> memref<64xi32, #tpu.memory_space<vmem>>
        %dma_wait3A_157 = arith.constant 0 : i32
        %dma_wait3A_158 = arith.constant 0 : i32
        %dma_wait3A_159 = tpu.memref_slice %arg2[%dma_wait3A_157, %dma_wait3A_158] : memref<20000x128xf32, #tpu.memory_space<hbm>> -> memref<20000x128xf32, #tpu.memory_space<hbm>>
        tpu.wait_indirect_dma semaphore(%arg12 : memref<!tpu.dma_semaphore, #tpu.memory_space<semaphore_mem>>) src(%dma_wait3A_159 : memref<20000x128xf32, #tpu.memory_space<hbm>>) dst(%arg9 : memref<64x128xf32, #tpu.memory_space<vmem>>)
        %dma_start3A_160 = arith.constant 0 : i32
        %dma_start3A_161 = tpu.memref_slice %arg8[%add3A_153, %dma_start3A_160] : memref<32x64xi32, #tpu.memory_space<vmem>> -> memref<1x64xi32, #tpu.memory_space<vmem>>
        %dma_start3A_162 = tpu.memref_squeeze %dma_start3A_161 : memref<1x64xi32, #tpu.memory_space<vmem>> -> memref<64xi32, #tpu.memory_space<vmem>>
        %dma_start3A_163 = arith.constant 0 : i32
        %dma_start3A_164 = arith.constant 0 : i32
        %dma_start3A_165 = tpu.memref_slice %arg18[%dma_start3A_163, %dma_start3A_164] : memref<10240x128xf32, #tpu.memory_space<vmem_shared>> -> memref<10240x128xf32, #tpu.memory_space<vmem_shared>>
        tpu.enqueue_indirect_dma source(%arg9 : memref<64x128xf32, #tpu.memory_space<vmem>>) target(%dma_start3A_165 : memref<10240x128xf32, #tpu.memory_space<vmem_shared>>) offsets(%dma_start3A_162 : memref<64xi32, #tpu.memory_space<vmem>>) semaphore(%arg15 : memref<!tpu.dma_semaphore, #tpu.memory_space<semaphore_mem>>) {add = true}
        %ge3A = arith.constant 1 : i32
        %ge3A_166 = arith.cmpi sge, %add3A_153, %ge3A : i32
        %convert_element_type3A_167 = arith.extui %ge3A_166 : i1 to i32
        %cond3A_168 = arith.constant 0 : i32
        %cond3A_169 = arith.cmpi ne, %convert_element_type3A_167, %cond3A_168 : i32
        scf.if %cond3A_169 {
          %dma_wait3A_232 = arith.constant 0 : i32
          %dma_wait3A_233 = arith.constant 0 : i32
          %dma_wait3A_234 = tpu.memref_slice %arg8[%dma_wait3A_232, %dma_wait3A_233] : memref<32x64xi32, #tpu.memory_space<vmem>> -> memref<1x64xi32, #tpu.memory_space<vmem>>
          %dma_wait3A_235 = tpu.memref_squeeze %dma_wait3A_234 : memref<1x64xi32, #tpu.memory_space<vmem>> -> memref<64xi32, #tpu.memory_space<vmem>>
          %dma_wait3A_236 = arith.constant 0 : i32
          %dma_wait3A_237 = arith.constant 0 : i32
          %dma_wait3A_238 = tpu.memref_slice %arg18[%dma_wait3A_236, %dma_wait3A_237] : memref<10240x128xf32, #tpu.memory_space<vmem_shared>> -> memref<10240x128xf32, #tpu.memory_space<vmem_shared>>
          tpu.wait_indirect_dma semaphore(%arg17 : memref<!tpu.dma_semaphore, #tpu.memory_space<semaphore_mem>>) src(%arg11 : memref<64x128xf32, #tpu.memory_space<vmem>>) dst(%dma_wait3A_238 : memref<10240x128xf32, #tpu.memory_space<vmem_shared>>)
        } else {
        }
        %add3A_170 = arith.constant 2 : i32
        %add3A_171 = arith.addi %add3A_153, %add3A_170 : i32
        %dma_start3A_172 = arith.constant 0 : i32
        %dma_start3A_173 = tpu.memref_slice %arg7[%add3A_171, %dma_start3A_172] : memref<32x64xi32, #tpu.memory_space<vmem>> -> memref<1x64xi32, #tpu.memory_space<vmem>>
        %dma_start3A_174 = tpu.memref_squeeze %dma_start3A_173 : memref<1x64xi32, #tpu.memory_space<vmem>> -> memref<64xi32, #tpu.memory_space<vmem>>
        %dma_start3A_175 = arith.constant 0 : i32
        %dma_start3A_176 = arith.constant 0 : i32
        %dma_start3A_177 = tpu.memref_slice %arg2[%dma_start3A_175, %dma_start3A_176] : memref<20000x128xf32, #tpu.memory_space<hbm>> -> memref<20000x128xf32, #tpu.memory_space<hbm>>
        tpu.enqueue_indirect_dma source(%dma_start3A_177 : memref<20000x128xf32, #tpu.memory_space<hbm>>) target(%arg11 : memref<64x128xf32, #tpu.memory_space<vmem>>) offsets(%dma_start3A_174 : memref<64xi32, #tpu.memory_space<vmem>>) semaphore(%arg14 : memref<!tpu.dma_semaphore, #tpu.memory_space<semaphore_mem>>)
        %add3A_178 = arith.constant 1 : i32
        %add3A_179 = arith.addi %add3A_151, %add3A_178 : i32
        %dma_wait3A_180 = arith.constant 0 : i32
        %dma_wait3A_181 = tpu.memref_slice %arg7[%add3A_179, %dma_wait3A_180] : memref<32x64xi32, #tpu.memory_space<vmem>> -> memref<1x64xi32, #tpu.memory_space<vmem>>
        %dma_wait3A_182 = tpu.memref_squeeze %dma_wait3A_181 : memref<1x64xi32, #tpu.memory_space<vmem>> -> memref<64xi32, #tpu.memory_space<vmem>>
        %dma_wait3A_183 = arith.constant 0 : i32
        %dma_wait3A_184 = arith.constant 0 : i32
        %dma_wait3A_185 = tpu.memref_slice %arg2[%dma_wait3A_183, %dma_wait3A_184] : memref<20000x128xf32, #tpu.memory_space<hbm>> -> memref<20000x128xf32, #tpu.memory_space<hbm>>
        tpu.wait_indirect_dma semaphore(%arg13 : memref<!tpu.dma_semaphore, #tpu.memory_space<semaphore_mem>>) src(%dma_wait3A_185 : memref<20000x128xf32, #tpu.memory_space<hbm>>) dst(%arg10 : memref<64x128xf32, #tpu.memory_space<vmem>>)
        %dma_start3A_186 = arith.constant 0 : i32
        %dma_start3A_187 = tpu.memref_slice %arg8[%add3A_179, %dma_start3A_186] : memref<32x64xi32, #tpu.memory_space<vmem>> -> memref<1x64xi32, #tpu.memory_space<vmem>>
        %dma_start3A_188 = tpu.memref_squeeze %dma_start3A_187 : memref<1x64xi32, #tpu.memory_space<vmem>> -> memref<64xi32, #tpu.memory_space<vmem>>
        %dma_start3A_189 = arith.constant 0 : i32
        %dma_start3A_190 = arith.constant 0 : i32
        %dma_start3A_191 = tpu.memref_slice %arg18[%dma_start3A_189, %dma_start3A_190] : memref<10240x128xf32, #tpu.memory_space<vmem_shared>> -> memref<10240x128xf32, #tpu.memory_space<vmem_shared>>
        tpu.enqueue_indirect_dma source(%arg10 : memref<64x128xf32, #tpu.memory_space<vmem>>) target(%dma_start3A_191 : memref<10240x128xf32, #tpu.memory_space<vmem_shared>>) offsets(%dma_start3A_188 : memref<64xi32, #tpu.memory_space<vmem>>) semaphore(%arg16 : memref<!tpu.dma_semaphore, #tpu.memory_space<semaphore_mem>>) {add = true}
        %ge3A_192 = arith.constant 1 : i32
        %ge3A_193 = arith.cmpi sge, %add3A_179, %ge3A_192 : i32
        %convert_element_type3A_194 = arith.extui %ge3A_193 : i1 to i32
        %cond3A_195 = arith.constant 0 : i32
        %cond3A_196 = arith.cmpi ne, %convert_element_type3A_194, %cond3A_195 : i32
        scf.if %cond3A_196 {
          %dma_wait3A_232 = arith.constant 0 : i32
          %dma_wait3A_233 = arith.constant 0 : i32
          %dma_wait3A_234 = tpu.memref_slice %arg8[%dma_wait3A_232, %dma_wait3A_233] : memref<32x64xi32, #tpu.memory_space<vmem>> -> memref<1x64xi32, #tpu.memory_space<vmem>>
          %dma_wait3A_235 = tpu.memref_squeeze %dma_wait3A_234 : memref<1x64xi32, #tpu.memory_space<vmem>> -> memref<64xi32, #tpu.memory_space<vmem>>
          %dma_wait3A_236 = arith.constant 0 : i32
          %dma_wait3A_237 = arith.constant 0 : i32
          %dma_wait3A_238 = tpu.memref_slice %arg18[%dma_wait3A_236, %dma_wait3A_237] : memref<10240x128xf32, #tpu.memory_space<vmem_shared>> -> memref<10240x128xf32, #tpu.memory_space<vmem_shared>>
          tpu.wait_indirect_dma semaphore(%arg15 : memref<!tpu.dma_semaphore, #tpu.memory_space<semaphore_mem>>) src(%arg9 : memref<64x128xf32, #tpu.memory_space<vmem>>) dst(%dma_wait3A_238 : memref<10240x128xf32, #tpu.memory_space<vmem_shared>>)
        } else {
        }
        %add3A_197 = arith.constant 2 : i32
        %add3A_198 = arith.addi %add3A_179, %add3A_197 : i32
        %dma_start3A_199 = arith.constant 0 : i32
        %dma_start3A_200 = tpu.memref_slice %arg7[%add3A_198, %dma_start3A_199] : memref<32x64xi32, #tpu.memory_space<vmem>> -> memref<1x64xi32, #tpu.memory_space<vmem>>
        %dma_start3A_201 = tpu.memref_squeeze %dma_start3A_200 : memref<1x64xi32, #tpu.memory_space<vmem>> -> memref<64xi32, #tpu.memory_space<vmem>>
        %dma_start3A_202 = arith.constant 0 : i32
        %dma_start3A_203 = arith.constant 0 : i32
        %dma_start3A_204 = tpu.memref_slice %arg2[%dma_start3A_202, %dma_start3A_203] : memref<20000x128xf32, #tpu.memory_space<hbm>> -> memref<20000x128xf32, #tpu.memory_space<hbm>>
        tpu.enqueue_indirect_dma source(%dma_start3A_204 : memref<20000x128xf32, #tpu.memory_space<hbm>>) target(%arg9 : memref<64x128xf32, #tpu.memory_space<vmem>>) offsets(%dma_start3A_201 : memref<64xi32, #tpu.memory_space<vmem>>) semaphore(%arg12 : memref<!tpu.dma_semaphore, #tpu.memory_space<semaphore_mem>>)
        %add3A_205 = arith.constant 2 : i32
        %add3A_206 = arith.addi %add3A_151, %add3A_205 : i32
        %dma_wait3A_207 = arith.constant 0 : i32
        %dma_wait3A_208 = tpu.memref_slice %arg7[%add3A_206, %dma_wait3A_207] : memref<32x64xi32, #tpu.memory_space<vmem>> -> memref<1x64xi32, #tpu.memory_space<vmem>>
        %dma_wait3A_209 = tpu.memref_squeeze %dma_wait3A_208 : memref<1x64xi32, #tpu.memory_space<vmem>> -> memref<64xi32, #tpu.memory_space<vmem>>
        %dma_wait3A_210 = arith.constant 0 : i32
        %dma_wait3A_211 = arith.constant 0 : i32
        %dma_wait3A_212 = tpu.memref_slice %arg2[%dma_wait3A_210, %dma_wait3A_211] : memref<20000x128xf32, #tpu.memory_space<hbm>> -> memref<20000x128xf32, #tpu.memory_space<hbm>>
        tpu.wait_indirect_dma semaphore(%arg14 : memref<!tpu.dma_semaphore, #tpu.memory_space<semaphore_mem>>) src(%dma_wait3A_212 : memref<20000x128xf32, #tpu.memory_space<hbm>>) dst(%arg11 : memref<64x128xf32, #tpu.memory_space<vmem>>)
        %dma_start3A_213 = arith.constant 0 : i32
        %dma_start3A_214 = tpu.memref_slice %arg8[%add3A_206, %dma_start3A_213] : memref<32x64xi32, #tpu.memory_space<vmem>> -> memref<1x64xi32, #tpu.memory_space<vmem>>
        %dma_start3A_215 = tpu.memref_squeeze %dma_start3A_214 : memref<1x64xi32, #tpu.memory_space<vmem>> -> memref<64xi32, #tpu.memory_space<vmem>>
        %dma_start3A_216 = arith.constant 0 : i32
        %dma_start3A_217 = arith.constant 0 : i32
        %dma_start3A_218 = tpu.memref_slice %arg18[%dma_start3A_216, %dma_start3A_217] : memref<10240x128xf32, #tpu.memory_space<vmem_shared>> -> memref<10240x128xf32, #tpu.memory_space<vmem_shared>>
        tpu.enqueue_indirect_dma source(%arg11 : memref<64x128xf32, #tpu.memory_space<vmem>>) target(%dma_start3A_218 : memref<10240x128xf32, #tpu.memory_space<vmem_shared>>) offsets(%dma_start3A_215 : memref<64xi32, #tpu.memory_space<vmem>>) semaphore(%arg17 : memref<!tpu.dma_semaphore, #tpu.memory_space<semaphore_mem>>) {add = true}
        %ge3A_219 = arith.constant 1 : i32
        %ge3A_220 = arith.cmpi sge, %add3A_206, %ge3A_219 : i32
        %convert_element_type3A_221 = arith.extui %ge3A_220 : i1 to i32
        %cond3A_222 = arith.constant 0 : i32
        %cond3A_223 = arith.cmpi ne, %convert_element_type3A_221, %cond3A_222 : i32
        scf.if %cond3A_223 {
          %dma_wait3A_232 = arith.constant 0 : i32
          %dma_wait3A_233 = arith.constant 0 : i32
          %dma_wait3A_234 = tpu.memref_slice %arg8[%dma_wait3A_232, %dma_wait3A_233] : memref<32x64xi32, #tpu.memory_space<vmem>> -> memref<1x64xi32, #tpu.memory_space<vmem>>
          %dma_wait3A_235 = tpu.memref_squeeze %dma_wait3A_234 : memref<1x64xi32, #tpu.memory_space<vmem>> -> memref<64xi32, #tpu.memory_space<vmem>>
          %dma_wait3A_236 = arith.constant 0 : i32
          %dma_wait3A_237 = arith.constant 0 : i32
          %dma_wait3A_238 = tpu.memref_slice %arg18[%dma_wait3A_236, %dma_wait3A_237] : memref<10240x128xf32, #tpu.memory_space<vmem_shared>> -> memref<10240x128xf32, #tpu.memory_space<vmem_shared>>
          tpu.wait_indirect_dma semaphore(%arg16 : memref<!tpu.dma_semaphore, #tpu.memory_space<semaphore_mem>>) src(%arg10 : memref<64x128xf32, #tpu.memory_space<vmem>>) dst(%dma_wait3A_238 : memref<10240x128xf32, #tpu.memory_space<vmem_shared>>)
        } else {
        }
        %add3A_224 = arith.constant 2 : i32
        %add3A_225 = arith.addi %add3A_206, %add3A_224 : i32
        %dma_start3A_226 = arith.constant 0 : i32
        %dma_start3A_227 = tpu.memref_slice %arg7[%add3A_225, %dma_start3A_226] : memref<32x64xi32, #tpu.memory_space<vmem>> -> memref<1x64xi32, #tpu.memory_space<vmem>>
        %dma_start3A_228 = tpu.memref_squeeze %dma_start3A_227 : memref<1x64xi32, #tpu.memory_space<vmem>> -> memref<64xi32, #tpu.memory_space<vmem>>
        %dma_start3A_229 = arith.constant 0 : i32
        %dma_start3A_230 = arith.constant 0 : i32
        %dma_start3A_231 = tpu.memref_slice %arg2[%dma_start3A_229, %dma_start3A_230] : memref<20000x128xf32, #tpu.memory_space<hbm>> -> memref<20000x128xf32, #tpu.memory_space<hbm>>
        tpu.enqueue_indirect_dma source(%dma_start3A_231 : memref<20000x128xf32, #tpu.memory_space<hbm>>) target(%arg10 : memref<64x128xf32, #tpu.memory_space<vmem>>) offsets(%dma_start3A_228 : memref<64xi32, #tpu.memory_space<vmem>>) semaphore(%arg13 : memref<!tpu.dma_semaphore, #tpu.memory_space<semaphore_mem>>)
      }
      %scan3A_123 = arith.constant 10 : i32
      %dma_wait3A_124 = arith.constant 30 : i32
      %dma_wait3A_125 = arith.constant 0 : i32
      %dma_wait3A_126 = tpu.memref_slice %arg7[%dma_wait3A_124, %dma_wait3A_125] : memref<32x64xi32, #tpu.memory_space<vmem>> -> memref<1x64xi32, #tpu.memory_space<vmem>>
      %dma_wait3A_127 = tpu.memref_squeeze %dma_wait3A_126 : memref<1x64xi32, #tpu.memory_space<vmem>> -> memref<64xi32, #tpu.memory_space<vmem>>
      %dma_wait3A_128 = arith.constant 0 : i32
      %dma_wait3A_129 = arith.constant 0 : i32
      %dma_wait3A_130 = tpu.memref_slice %arg2[%dma_wait3A_128, %dma_wait3A_129] : memref<20000x128xf32, #tpu.memory_space<hbm>> -> memref<20000x128xf32, #tpu.memory_space<hbm>>
      tpu.wait_indirect_dma semaphore(%arg12 : memref<!tpu.dma_semaphore, #tpu.memory_space<semaphore_mem>>) src(%dma_wait3A_130 : memref<20000x128xf32, #tpu.memory_space<hbm>>) dst(%arg9 : memref<64x128xf32, #tpu.memory_space<vmem>>)
      %run_scoped3A_131 = arith.constant 30 : i32
      "tpu.region"() ({
        %run_scoped3A_147 = tpu.sem_alloc : memref<!tpu.dma_semaphore, #tpu.memory_space<semaphore_mem>>
        %dma_start3A_148 = arith.constant 0 : i32
        %dma_start3A_149 = tpu.memref_slice %arg8[%run_scoped3A_131, %dma_start3A_148] : memref<32x64xi32, #tpu.memory_space<vmem>> -> memref<1x64xi32, #tpu.memory_space<vmem>>
        %dma_start3A_150 = tpu.memref_squeeze %dma_start3A_149 : memref<1x64xi32, #tpu.memory_space<vmem>> -> memref<64xi32, #tpu.memory_space<vmem>>
        %dma_start3A_151 = arith.constant 0 : i32
        %dma_start3A_152 = arith.constant 0 : i32
        %dma_start3A_153 = tpu.memref_slice %arg18[%dma_start3A_151, %dma_start3A_152] : memref<10240x128xf32, #tpu.memory_space<vmem_shared>> -> memref<10240x128xf32, #tpu.memory_space<vmem_shared>>
        tpu.enqueue_indirect_dma source(%arg9 : memref<64x128xf32, #tpu.memory_space<vmem>>) target(%dma_start3A_153 : memref<10240x128xf32, #tpu.memory_space<vmem_shared>>) offsets(%dma_start3A_150 : memref<64xi32, #tpu.memory_space<vmem>>) semaphore(%run_scoped3A_147 : memref<!tpu.dma_semaphore, #tpu.memory_space<semaphore_mem>>) {add = true}
        %dma_wait3A_154 = arith.constant 0 : i32
        %dma_wait3A_155 = tpu.memref_slice %arg8[%run_scoped3A_131, %dma_wait3A_154] : memref<32x64xi32, #tpu.memory_space<vmem>> -> memref<1x64xi32, #tpu.memory_space<vmem>>
        %dma_wait3A_156 = tpu.memref_squeeze %dma_wait3A_155 : memref<1x64xi32, #tpu.memory_space<vmem>> -> memref<64xi32, #tpu.memory_space<vmem>>
        %dma_wait3A_157 = arith.constant 0 : i32
        %dma_wait3A_158 = arith.constant 0 : i32
        %dma_wait3A_159 = tpu.memref_slice %arg18[%dma_wait3A_157, %dma_wait3A_158] : memref<10240x128xf32, #tpu.memory_space<vmem_shared>> -> memref<10240x128xf32, #tpu.memory_space<vmem_shared>>
        tpu.wait_indirect_dma semaphore(%run_scoped3A_147 : memref<!tpu.dma_semaphore, #tpu.memory_space<semaphore_mem>>) src(%arg9 : memref<64x128xf32, #tpu.memory_space<vmem>>) dst(%dma_wait3A_159 : memref<10240x128xf32, #tpu.memory_space<vmem_shared>>)
        tpu.yield
      }) : () -> ()
      %dma_wait3A_132 = arith.constant 31 : i32
      %dma_wait3A_133 = arith.constant 0 : i32
      %dma_wait3A_134 = tpu.memref_slice %arg7[%dma_wait3A_132, %dma_wait3A_133] : memref<32x64xi32, #tpu.memory_space<vmem>> -> memref<1x64xi32, #tpu.memory_space<vmem>>
      %dma_wait3A_135 = tpu.memref_squeeze %dma_wait3A_134 : memref<1x64xi32, #tpu.memory_space<vmem>> -> memref<64xi32, #tpu.memory_space<vmem>>
      %dma_wait3A_136 = arith.constant 0 : i32
      %dma_wait3A_137 = arith.constant 0 : i32
      %dma_wait3A_138 = tpu.memref_slice %arg2[%dma_wait3A_136, %dma_wait3A_137] : memref<20000x128xf32, #tpu.memory_space<hbm>> -> memref<20000x128xf32, #tpu.memory_space<hbm>>
      tpu.wait_indirect_dma semaphore(%arg13 : memref<!tpu.dma_semaphore, #tpu.memory_space<semaphore_mem>>) src(%dma_wait3A_138 : memref<20000x128xf32, #tpu.memory_space<hbm>>) dst(%arg10 : memref<64x128xf32, #tpu.memory_space<vmem>>)
      %run_scoped3A_139 = arith.constant 31 : i32
      "tpu.region"() ({
        %run_scoped3A_147 = tpu.sem_alloc : memref<!tpu.dma_semaphore, #tpu.memory_space<semaphore_mem>>
        %dma_start3A_148 = arith.constant 0 : i32
        %dma_start3A_149 = tpu.memref_slice %arg8[%run_scoped3A_139, %dma_start3A_148] : memref<32x64xi32, #tpu.memory_space<vmem>> -> memref<1x64xi32, #tpu.memory_space<vmem>>
        %dma_start3A_150 = tpu.memref_squeeze %dma_start3A_149 : memref<1x64xi32, #tpu.memory_space<vmem>> -> memref<64xi32, #tpu.memory_space<vmem>>
        %dma_start3A_151 = arith.constant 0 : i32
        %dma_start3A_152 = arith.constant 0 : i32
        %dma_start3A_153 = tpu.memref_slice %arg18[%dma_start3A_151, %dma_start3A_152] : memref<10240x128xf32, #tpu.memory_space<vmem_shared>> -> memref<10240x128xf32, #tpu.memory_space<vmem_shared>>
        tpu.enqueue_indirect_dma source(%arg10 : memref<64x128xf32, #tpu.memory_space<vmem>>) target(%dma_start3A_153 : memref<10240x128xf32, #tpu.memory_space<vmem_shared>>) offsets(%dma_start3A_150 : memref<64xi32, #tpu.memory_space<vmem>>) semaphore(%run_scoped3A_147 : memref<!tpu.dma_semaphore, #tpu.memory_space<semaphore_mem>>) {add = true}
        %dma_wait3A_154 = arith.constant 0 : i32
        %dma_wait3A_155 = tpu.memref_slice %arg8[%run_scoped3A_139, %dma_wait3A_154] : memref<32x64xi32, #tpu.memory_space<vmem>> -> memref<1x64xi32, #tpu.memory_space<vmem>>
        %dma_wait3A_156 = tpu.memref_squeeze %dma_wait3A_155 : memref<1x64xi32, #tpu.memory_space<vmem>> -> memref<64xi32, #tpu.memory_space<vmem>>
        %dma_wait3A_157 = arith.constant 0 : i32
        %dma_wait3A_158 = arith.constant 0 : i32
        %dma_wait3A_159 = tpu.memref_slice %arg18[%dma_wait3A_157, %dma_wait3A_158] : memref<10240x128xf32, #tpu.memory_space<vmem_shared>> -> memref<10240x128xf32, #tpu.memory_space<vmem_shared>>
        tpu.wait_indirect_dma semaphore(%run_scoped3A_147 : memref<!tpu.dma_semaphore, #tpu.memory_space<semaphore_mem>>) src(%arg10 : memref<64x128xf32, #tpu.memory_space<vmem>>) dst(%dma_wait3A_159 : memref<10240x128xf32, #tpu.memory_space<vmem_shared>>)
        tpu.yield
      }) : () -> ()
      %dma_wait3A_140 = arith.constant 0 : i32
      %dma_wait3A_141 = arith.constant 0 : i32
      %dma_wait3A_142 = tpu.memref_slice %arg8[%dma_wait3A_140, %dma_wait3A_141] : memref<32x64xi32, #tpu.memory_space<vmem>> -> memref<1x64xi32, #tpu.memory_space<vmem>>
      %dma_wait3A_143 = tpu.memref_squeeze %dma_wait3A_142 : memref<1x64xi32, #tpu.memory_space<vmem>> -> memref<64xi32, #tpu.memory_space<vmem>>
      %dma_wait3A_144 = arith.constant 0 : i32
      %dma_wait3A_145 = arith.constant 0 : i32
      %dma_wait3A_146 = tpu.memref_slice %arg18[%dma_wait3A_144, %dma_wait3A_145] : memref<10240x128xf32, #tpu.memory_space<vmem_shared>> -> memref<10240x128xf32, #tpu.memory_space<vmem_shared>>
      tpu.wait_indirect_dma semaphore(%arg17 : memref<!tpu.dma_semaphore, #tpu.memory_space<semaphore_mem>>) src(%arg11 : memref<64x128xf32, #tpu.memory_space<vmem>>) dst(%dma_wait3A_146 : memref<10240x128xf32, #tpu.memory_space<vmem_shared>>)
    }
    %scan3A_47 = arith.constant 3 : i32
    %add3A_48 = arith.constant 128 : i32
    %add3A_49 = arith.addi %mul3A_2, %add3A_48 : i32
    "tpu.region"() ({
      %run_scoped3A_97 = tpu.sem_alloc : memref<!tpu.dma_semaphore, #tpu.memory_space<semaphore_mem>>
      %dma_start3A_98 = arith.constant 0 : i32
      %dma_start3A_99 = tpu.memref_slice %arg3[%add3A_49, %dma_start3A_98] : memref<5120x64xi32, #tpu.memory_space<hbm>> -> memref<32x64xi32, #tpu.memory_space<hbm>>
      %dma_start3A_100 = arith.constant 0 : i32
      %dma_start3A_101 = tpu.memref_slice %arg3[%add3A_49, %dma_start3A_100] : memref<5120x64xi32, #tpu.memory_space<hbm>> -> memref<32x64xi32, #tpu.memory_space<hbm>>
      tpu.enqueue_dma source(%dma_start3A_101 : memref<32x64xi32, #tpu.memory_space<hbm>>) target(%arg7 : memref<32x64xi32, #tpu.memory_space<vmem>>) target_semaphore(%run_scoped3A_97 : memref<!tpu.dma_semaphore, #tpu.memory_space<semaphore_mem>>)
      %dma_wait3A_102 = arith.constant 0 : i32
      %dma_wait3A_103 = tpu.memref_slice %arg3[%add3A_49, %dma_wait3A_102] : memref<5120x64xi32, #tpu.memory_space<hbm>> -> memref<32x64xi32, #tpu.memory_space<hbm>>
      %dma_wait3A_104 = arith.constant 0 : i32
      %dma_wait3A_105 = tpu.memref_slice %arg3[%add3A_49, %dma_wait3A_104] : memref<5120x64xi32, #tpu.memory_space<hbm>> -> memref<32x64xi32, #tpu.memory_space<hbm>>
      tpu.wait_dma2 semaphore(%run_scoped3A_97 : memref<!tpu.dma_semaphore, #tpu.memory_space<semaphore_mem>>) src(%dma_wait3A_105 : memref<32x64xi32, #tpu.memory_space<hbm>>) dst(%arg7 : memref<32x64xi32, #tpu.memory_space<vmem>>)
      tpu.yield
    }) : () -> ()
    "tpu.region"() ({
      %run_scoped3A_97 = tpu.sem_alloc : memref<!tpu.dma_semaphore, #tpu.memory_space<semaphore_mem>>
      %dma_start3A_98 = arith.constant 0 : i32
      %dma_start3A_99 = tpu.memref_slice %arg4[%add3A_49, %dma_start3A_98] : memref<5120x64xi32, #tpu.memory_space<hbm>> -> memref<32x64xi32, #tpu.memory_space<hbm>>
      %dma_start3A_100 = arith.constant 0 : i32
      %dma_start3A_101 = tpu.memref_slice %arg4[%add3A_49, %dma_start3A_100] : memref<5120x64xi32, #tpu.memory_space<hbm>> -> memref<32x64xi32, #tpu.memory_space<hbm>>
      tpu.enqueue_dma source(%dma_start3A_101 : memref<32x64xi32, #tpu.memory_space<hbm>>) target(%arg8 : memref<32x64xi32, #tpu.memory_space<vmem>>) target_semaphore(%run_scoped3A_97 : memref<!tpu.dma_semaphore, #tpu.memory_space<semaphore_mem>>)
      %dma_wait3A_102 = arith.constant 0 : i32
      %dma_wait3A_103 = tpu.memref_slice %arg4[%add3A_49, %dma_wait3A_102] : memref<5120x64xi32, #tpu.memory_space<hbm>> -> memref<32x64xi32, #tpu.memory_space<hbm>>
      %dma_wait3A_104 = arith.constant 0 : i32
      %dma_wait3A_105 = tpu.memref_slice %arg4[%add3A_49, %dma_wait3A_104] : memref<5120x64xi32, #tpu.memory_space<hbm>> -> memref<32x64xi32, #tpu.memory_space<hbm>>
      tpu.wait_dma2 semaphore(%run_scoped3A_97 : memref<!tpu.dma_semaphore, #tpu.memory_space<semaphore_mem>>) src(%dma_wait3A_105 : memref<32x64xi32, #tpu.memory_space<hbm>>) dst(%arg8 : memref<32x64xi32, #tpu.memory_space<vmem>>)
      tpu.yield
    }) : () -> ()
    %dma_start3A_50 = arith.constant 0 : i32
    %dma_start3A_51 = arith.constant 0 : i32
    %dma_start3A_52 = tpu.memref_slice %arg7[%dma_start3A_50, %dma_start3A_51] : memref<32x64xi32, #tpu.memory_space<vmem>> -> memref<1x64xi32, #tpu.memory_space<vmem>>
    %dma_start3A_53 = tpu.memref_squeeze %dma_start3A_52 : memref<1x64xi32, #tpu.memory_space<vmem>> -> memref<64xi32, #tpu.memory_space<vmem>>
    %dma_start3A_54 = arith.constant 0 : i32
    %dma_start3A_55 = arith.constant 0 : i32
    %dma_start3A_56 = tpu.memref_slice %arg2[%dma_start3A_54, %dma_start3A_55] : memref<20000x128xf32, #tpu.memory_space<hbm>> -> memref<20000x128xf32, #tpu.memory_space<hbm>>
    tpu.enqueue_indirect_dma source(%dma_start3A_56 : memref<20000x128xf32, #tpu.memory_space<hbm>>) target(%arg9 : memref<64x128xf32, #tpu.memory_space<vmem>>) offsets(%dma_start3A_53 : memref<64xi32, #tpu.memory_space<vmem>>) semaphore(%arg12 : memref<!tpu.dma_semaphore, #tpu.memory_space<semaphore_mem>>)
    %dma_start3A_57 = arith.constant 1 : i32
    %dma_start3A_58 = arith.constant 0 : i32
    %dma_start3A_59 = tpu.memref_slice %arg7[%dma_start3A_57, %dma_start3A_58] : memref<32x64xi32, #tpu.memory_space<vmem>> -> memref<1x64xi32, #tpu.memory_space<vmem>>
    %dma_start3A_60 = tpu.memref_squeeze %dma_start3A_59 : memref<1x64xi32, #tpu.memory_space<vmem>> -> memref<64xi32, #tpu.memory_space<vmem>>
    %dma_start3A_61 = arith.constant 0 : i32
    %dma_start3A_62 = arith.constant 0 : i32
    %dma_start3A_63 = tpu.memref_slice %arg2[%dma_start3A_61, %dma_start3A_62] : memref<20000x128xf32, #tpu.memory_space<hbm>> -> memref<20000x128xf32, #tpu.memory_space<hbm>>
    tpu.enqueue_indirect_dma source(%dma_start3A_63 : memref<20000x128xf32, #tpu.memory_space<hbm>>) target(%arg10 : memref<64x128xf32, #tpu.memory_space<vmem>>) offsets(%dma_start3A_60 : memref<64xi32, #tpu.memory_space<vmem>>) semaphore(%arg13 : memref<!tpu.dma_semaphore, #tpu.memory_space<semaphore_mem>>)
    %scan3A_64 = arith.constant 0 : i32
    %scan3A_65 = arith.constant 9 : i32
    %scan3A_66 = arith.addi %scan3A_64, %scan3A_65 : i32
    %scan3A_67 = arith.constant 1 : i32
    scf.for %scan3A_97 = %scan3A_64 to %scan3A_66 step %scan3A_67  : i32 {
      %mul3A_98 = arith.constant 3 : i32
      %mul3A_99 = arith.muli %scan3A_97, %mul3A_98 : i32
      %add3A_100 = arith.constant 0 : i32
      %add3A_101 = arith.addi %add3A_100, %mul3A_99 : i32
      %add3A_102 = arith.constant 0 : i32
      %add3A_103 = arith.addi %add3A_101, %add3A_102 : i32
      %dma_wait3A_104 = arith.constant 0 : i32
      %dma_wait3A_105 = tpu.memref_slice %arg7[%add3A_103, %dma_wait3A_104] : memref<32x64xi32, #tpu.memory_space<vmem>> -> memref<1x64xi32, #tpu.memory_space<vmem>>
      %dma_wait3A_106 = tpu.memref_squeeze %dma_wait3A_105 : memref<1x64xi32, #tpu.memory_space<vmem>> -> memref<64xi32, #tpu.memory_space<vmem>>
      %dma_wait3A_107 = arith.constant 0 : i32
      %dma_wait3A_108 = arith.constant 0 : i32
      %dma_wait3A_109 = tpu.memref_slice %arg2[%dma_wait3A_107, %dma_wait3A_108] : memref<20000x128xf32, #tpu.memory_space<hbm>> -> memref<20000x128xf32, #tpu.memory_space<hbm>>
      tpu.wait_indirect_dma semaphore(%arg12 : memref<!tpu.dma_semaphore, #tpu.memory_space<semaphore_mem>>) src(%dma_wait3A_109 : memref<20000x128xf32, #tpu.memory_space<hbm>>) dst(%arg9 : memref<64x128xf32, #tpu.memory_space<vmem>>)
      %dma_start3A_110 = arith.constant 0 : i32
      %dma_start3A_111 = tpu.memref_slice %arg8[%add3A_103, %dma_start3A_110] : memref<32x64xi32, #tpu.memory_space<vmem>> -> memref<1x64xi32, #tpu.memory_space<vmem>>
      %dma_start3A_112 = tpu.memref_squeeze %dma_start3A_111 : memref<1x64xi32, #tpu.memory_space<vmem>> -> memref<64xi32, #tpu.memory_space<vmem>>
      %dma_start3A_113 = arith.constant 0 : i32
      %dma_start3A_114 = arith.constant 0 : i32
      %dma_start3A_115 = tpu.memref_slice %arg18[%dma_start3A_113, %dma_start3A_114] : memref<10240x128xf32, #tpu.memory_space<vmem_shared>> -> memref<10240x128xf32, #tpu.memory_space<vmem_shared>>
      tpu.enqueue_indirect_dma source(%arg9 : memref<64x128xf32, #tpu.memory_space<vmem>>) target(%dma_start3A_115 : memref<10240x128xf32, #tpu.memory_space<vmem_shared>>) offsets(%dma_start3A_112 : memref<64xi32, #tpu.memory_space<vmem>>) semaphore(%arg15 : memref<!tpu.dma_semaphore, #tpu.memory_space<semaphore_mem>>) {add = true}
      %ge3A = arith.constant 1 : i32
      %ge3A_116 = arith.cmpi sge, %add3A_103, %ge3A : i32
      %convert_element_type3A_117 = arith.extui %ge3A_116 : i1 to i32
      %cond3A_118 = arith.constant 0 : i32
      %cond3A_119 = arith.cmpi ne, %convert_element_type3A_117, %cond3A_118 : i32
      scf.if %cond3A_119 {
        %dma_wait3A_182 = arith.constant 0 : i32
        %dma_wait3A_183 = arith.constant 0 : i32
        %dma_wait3A_184 = tpu.memref_slice %arg8[%dma_wait3A_182, %dma_wait3A_183] : memref<32x64xi32, #tpu.memory_space<vmem>> -> memref<1x64xi32, #tpu.memory_space<vmem>>
        %dma_wait3A_185 = tpu.memref_squeeze %dma_wait3A_184 : memref<1x64xi32, #tpu.memory_space<vmem>> -> memref<64xi32, #tpu.memory_space<vmem>>
        %dma_wait3A_186 = arith.constant 0 : i32
        %dma_wait3A_187 = arith.constant 0 : i32
        %dma_wait3A_188 = tpu.memref_slice %arg18[%dma_wait3A_186, %dma_wait3A_187] : memref<10240x128xf32, #tpu.memory_space<vmem_shared>> -> memref<10240x128xf32, #tpu.memory_space<vmem_shared>>
        tpu.wait_indirect_dma semaphore(%arg17 : memref<!tpu.dma_semaphore, #tpu.memory_space<semaphore_mem>>) src(%arg11 : memref<64x128xf32, #tpu.memory_space<vmem>>) dst(%dma_wait3A_188 : memref<10240x128xf32, #tpu.memory_space<vmem_shared>>)
      } else {
      }
      %add3A_120 = arith.constant 2 : i32
      %add3A_121 = arith.addi %add3A_103, %add3A_120 : i32
      %dma_start3A_122 = arith.constant 0 : i32
      %dma_start3A_123 = tpu.memref_slice %arg7[%add3A_121, %dma_start3A_122] : memref<32x64xi32, #tpu.memory_space<vmem>> -> memref<1x64xi32, #tpu.memory_space<vmem>>
      %dma_start3A_124 = tpu.memref_squeeze %dma_start3A_123 : memref<1x64xi32, #tpu.memory_space<vmem>> -> memref<64xi32, #tpu.memory_space<vmem>>
      %dma_start3A_125 = arith.constant 0 : i32
      %dma_start3A_126 = arith.constant 0 : i32
      %dma_start3A_127 = tpu.memref_slice %arg2[%dma_start3A_125, %dma_start3A_126] : memref<20000x128xf32, #tpu.memory_space<hbm>> -> memref<20000x128xf32, #tpu.memory_space<hbm>>
      tpu.enqueue_indirect_dma source(%dma_start3A_127 : memref<20000x128xf32, #tpu.memory_space<hbm>>) target(%arg11 : memref<64x128xf32, #tpu.memory_space<vmem>>) offsets(%dma_start3A_124 : memref<64xi32, #tpu.memory_space<vmem>>) semaphore(%arg14 : memref<!tpu.dma_semaphore, #tpu.memory_space<semaphore_mem>>)
      %add3A_128 = arith.constant 1 : i32
      %add3A_129 = arith.addi %add3A_101, %add3A_128 : i32
      %dma_wait3A_130 = arith.constant 0 : i32
      %dma_wait3A_131 = tpu.memref_slice %arg7[%add3A_129, %dma_wait3A_130] : memref<32x64xi32, #tpu.memory_space<vmem>> -> memref<1x64xi32, #tpu.memory_space<vmem>>
      %dma_wait3A_132 = tpu.memref_squeeze %dma_wait3A_131 : memref<1x64xi32, #tpu.memory_space<vmem>> -> memref<64xi32, #tpu.memory_space<vmem>>
      %dma_wait3A_133 = arith.constant 0 : i32
      %dma_wait3A_134 = arith.constant 0 : i32
      %dma_wait3A_135 = tpu.memref_slice %arg2[%dma_wait3A_133, %dma_wait3A_134] : memref<20000x128xf32, #tpu.memory_space<hbm>> -> memref<20000x128xf32, #tpu.memory_space<hbm>>
      tpu.wait_indirect_dma semaphore(%arg13 : memref<!tpu.dma_semaphore, #tpu.memory_space<semaphore_mem>>) src(%dma_wait3A_135 : memref<20000x128xf32, #tpu.memory_space<hbm>>) dst(%arg10 : memref<64x128xf32, #tpu.memory_space<vmem>>)
      %dma_start3A_136 = arith.constant 0 : i32
      %dma_start3A_137 = tpu.memref_slice %arg8[%add3A_129, %dma_start3A_136] : memref<32x64xi32, #tpu.memory_space<vmem>> -> memref<1x64xi32, #tpu.memory_space<vmem>>
      %dma_start3A_138 = tpu.memref_squeeze %dma_start3A_137 : memref<1x64xi32, #tpu.memory_space<vmem>> -> memref<64xi32, #tpu.memory_space<vmem>>
      %dma_start3A_139 = arith.constant 0 : i32
      %dma_start3A_140 = arith.constant 0 : i32
      %dma_start3A_141 = tpu.memref_slice %arg18[%dma_start3A_139, %dma_start3A_140] : memref<10240x128xf32, #tpu.memory_space<vmem_shared>> -> memref<10240x128xf32, #tpu.memory_space<vmem_shared>>
      tpu.enqueue_indirect_dma source(%arg10 : memref<64x128xf32, #tpu.memory_space<vmem>>) target(%dma_start3A_141 : memref<10240x128xf32, #tpu.memory_space<vmem_shared>>) offsets(%dma_start3A_138 : memref<64xi32, #tpu.memory_space<vmem>>) semaphore(%arg16 : memref<!tpu.dma_semaphore, #tpu.memory_space<semaphore_mem>>) {add = true}
      %ge3A_142 = arith.constant 1 : i32
      %ge3A_143 = arith.cmpi sge, %add3A_129, %ge3A_142 : i32
      %convert_element_type3A_144 = arith.extui %ge3A_143 : i1 to i32
      %cond3A_145 = arith.constant 0 : i32
      %cond3A_146 = arith.cmpi ne, %convert_element_type3A_144, %cond3A_145 : i32
      scf.if %cond3A_146 {
        %dma_wait3A_182 = arith.constant 0 : i32
        %dma_wait3A_183 = arith.constant 0 : i32
        %dma_wait3A_184 = tpu.memref_slice %arg8[%dma_wait3A_182, %dma_wait3A_183] : memref<32x64xi32, #tpu.memory_space<vmem>> -> memref<1x64xi32, #tpu.memory_space<vmem>>
        %dma_wait3A_185 = tpu.memref_squeeze %dma_wait3A_184 : memref<1x64xi32, #tpu.memory_space<vmem>> -> memref<64xi32, #tpu.memory_space<vmem>>
        %dma_wait3A_186 = arith.constant 0 : i32
        %dma_wait3A_187 = arith.constant 0 : i32
        %dma_wait3A_188 = tpu.memref_slice %arg18[%dma_wait3A_186, %dma_wait3A_187] : memref<10240x128xf32, #tpu.memory_space<vmem_shared>> -> memref<10240x128xf32, #tpu.memory_space<vmem_shared>>
        tpu.wait_indirect_dma semaphore(%arg15 : memref<!tpu.dma_semaphore, #tpu.memory_space<semaphore_mem>>) src(%arg9 : memref<64x128xf32, #tpu.memory_space<vmem>>) dst(%dma_wait3A_188 : memref<10240x128xf32, #tpu.memory_space<vmem_shared>>)
      } else {
      }
      %add3A_147 = arith.constant 2 : i32
      %add3A_148 = arith.addi %add3A_129, %add3A_147 : i32
      %dma_start3A_149 = arith.constant 0 : i32
      %dma_start3A_150 = tpu.memref_slice %arg7[%add3A_148, %dma_start3A_149] : memref<32x64xi32, #tpu.memory_space<vmem>> -> memref<1x64xi32, #tpu.memory_space<vmem>>
      %dma_start3A_151 = tpu.memref_squeeze %dma_start3A_150 : memref<1x64xi32, #tpu.memory_space<vmem>> -> memref<64xi32, #tpu.memory_space<vmem>>
      %dma_start3A_152 = arith.constant 0 : i32
      %dma_start3A_153 = arith.constant 0 : i32
      %dma_start3A_154 = tpu.memref_slice %arg2[%dma_start3A_152, %dma_start3A_153] : memref<20000x128xf32, #tpu.memory_space<hbm>> -> memref<20000x128xf32, #tpu.memory_space<hbm>>
      tpu.enqueue_indirect_dma source(%dma_start3A_154 : memref<20000x128xf32, #tpu.memory_space<hbm>>) target(%arg9 : memref<64x128xf32, #tpu.memory_space<vmem>>) offsets(%dma_start3A_151 : memref<64xi32, #tpu.memory_space<vmem>>) semaphore(%arg12 : memref<!tpu.dma_semaphore, #tpu.memory_space<semaphore_mem>>)
      %add3A_155 = arith.constant 2 : i32
      %add3A_156 = arith.addi %add3A_101, %add3A_155 : i32
      %dma_wait3A_157 = arith.constant 0 : i32
      %dma_wait3A_158 = tpu.memref_slice %arg7[%add3A_156, %dma_wait3A_157] : memref<32x64xi32, #tpu.memory_space<vmem>> -> memref<1x64xi32, #tpu.memory_space<vmem>>
      %dma_wait3A_159 = tpu.memref_squeeze %dma_wait3A_158 : memref<1x64xi32, #tpu.memory_space<vmem>> -> memref<64xi32, #tpu.memory_space<vmem>>
      %dma_wait3A_160 = arith.constant 0 : i32
      %dma_wait3A_161 = arith.constant 0 : i32
      %dma_wait3A_162 = tpu.memref_slice %arg2[%dma_wait3A_160, %dma_wait3A_161] : memref<20000x128xf32, #tpu.memory_space<hbm>> -> memref<20000x128xf32, #tpu.memory_space<hbm>>
      tpu.wait_indirect_dma semaphore(%arg14 : memref<!tpu.dma_semaphore, #tpu.memory_space<semaphore_mem>>) src(%dma_wait3A_162 : memref<20000x128xf32, #tpu.memory_space<hbm>>) dst(%arg11 : memref<64x128xf32, #tpu.memory_space<vmem>>)
      %dma_start3A_163 = arith.constant 0 : i32
      %dma_start3A_164 = tpu.memref_slice %arg8[%add3A_156, %dma_start3A_163] : memref<32x64xi32, #tpu.memory_space<vmem>> -> memref<1x64xi32, #tpu.memory_space<vmem>>
      %dma_start3A_165 = tpu.memref_squeeze %dma_start3A_164 : memref<1x64xi32, #tpu.memory_space<vmem>> -> memref<64xi32, #tpu.memory_space<vmem>>
      %dma_start3A_166 = arith.constant 0 : i32
      %dma_start3A_167 = arith.constant 0 : i32
      %dma_start3A_168 = tpu.memref_slice %arg18[%dma_start3A_166, %dma_start3A_167] : memref<10240x128xf32, #tpu.memory_space<vmem_shared>> -> memref<10240x128xf32, #tpu.memory_space<vmem_shared>>
      tpu.enqueue_indirect_dma source(%arg11 : memref<64x128xf32, #tpu.memory_space<vmem>>) target(%dma_start3A_168 : memref<10240x128xf32, #tpu.memory_space<vmem_shared>>) offsets(%dma_start3A_165 : memref<64xi32, #tpu.memory_space<vmem>>) semaphore(%arg17 : memref<!tpu.dma_semaphore, #tpu.memory_space<semaphore_mem>>) {add = true}
      %ge3A_169 = arith.constant 1 : i32
      %ge3A_170 = arith.cmpi sge, %add3A_156, %ge3A_169 : i32
      %convert_element_type3A_171 = arith.extui %ge3A_170 : i1 to i32
      %cond3A_172 = arith.constant 0 : i32
      %cond3A_173 = arith.cmpi ne, %convert_element_type3A_171, %cond3A_172 : i32
      scf.if %cond3A_173 {
        %dma_wait3A_182 = arith.constant 0 : i32
        %dma_wait3A_183 = arith.constant 0 : i32
        %dma_wait3A_184 = tpu.memref_slice %arg8[%dma_wait3A_182, %dma_wait3A_183] : memref<32x64xi32, #tpu.memory_space<vmem>> -> memref<1x64xi32, #tpu.memory_space<vmem>>
        %dma_wait3A_185 = tpu.memref_squeeze %dma_wait3A_184 : memref<1x64xi32, #tpu.memory_space<vmem>> -> memref<64xi32, #tpu.memory_space<vmem>>
        %dma_wait3A_186 = arith.constant 0 : i32
        %dma_wait3A_187 = arith.constant 0 : i32
        %dma_wait3A_188 = tpu.memref_slice %arg18[%dma_wait3A_186, %dma_wait3A_187] : memref<10240x128xf32, #tpu.memory_space<vmem_shared>> -> memref<10240x128xf32, #tpu.memory_space<vmem_shared>>
        tpu.wait_indirect_dma semaphore(%arg16 : memref<!tpu.dma_semaphore, #tpu.memory_space<semaphore_mem>>) src(%arg10 : memref<64x128xf32, #tpu.memory_space<vmem>>) dst(%dma_wait3A_188 : memref<10240x128xf32, #tpu.memory_space<vmem_shared>>)
      } else {
      }
      %add3A_174 = arith.constant 2 : i32
      %add3A_175 = arith.addi %add3A_156, %add3A_174 : i32
      %dma_start3A_176 = arith.constant 0 : i32
      %dma_start3A_177 = tpu.memref_slice %arg7[%add3A_175, %dma_start3A_176] : memref<32x64xi32, #tpu.memory_space<vmem>> -> memref<1x64xi32, #tpu.memory_space<vmem>>
      %dma_start3A_178 = tpu.memref_squeeze %dma_start3A_177 : memref<1x64xi32, #tpu.memory_space<vmem>> -> memref<64xi32, #tpu.memory_space<vmem>>
      %dma_start3A_179 = arith.constant 0 : i32
      %dma_start3A_180 = arith.constant 0 : i32
      %dma_start3A_181 = tpu.memref_slice %arg2[%dma_start3A_179, %dma_start3A_180] : memref<20000x128xf32, #tpu.memory_space<hbm>> -> memref<20000x128xf32, #tpu.memory_space<hbm>>
      tpu.enqueue_indirect_dma source(%dma_start3A_181 : memref<20000x128xf32, #tpu.memory_space<hbm>>) target(%arg10 : memref<64x128xf32, #tpu.memory_space<vmem>>) offsets(%dma_start3A_178 : memref<64xi32, #tpu.memory_space<vmem>>) semaphore(%arg13 : memref<!tpu.dma_semaphore, #tpu.memory_space<semaphore_mem>>)
    }
    %scan3A_68 = arith.constant 9 : i32
    %dma_wait3A_69 = arith.constant 27 : i32
    %dma_wait3A_70 = arith.constant 0 : i32
    %dma_wait3A_71 = tpu.memref_slice %arg7[%dma_wait3A_69, %dma_wait3A_70] : memref<32x64xi32, #tpu.memory_space<vmem>> -> memref<1x64xi32, #tpu.memory_space<vmem>>
    %dma_wait3A_72 = tpu.memref_squeeze %dma_wait3A_71 : memref<1x64xi32, #tpu.memory_space<vmem>> -> memref<64xi32, #tpu.memory_space<vmem>>
    %dma_wait3A_73 = arith.constant 0 : i32
    %dma_wait3A_74 = arith.constant 0 : i32
    %dma_wait3A_75 = tpu.memref_slice %arg2[%dma_wait3A_73, %dma_wait3A_74] : memref<20000x128xf32, #tpu.memory_space<hbm>> -> memref<20000x128xf32, #tpu.memory_space<hbm>>
    tpu.wait_indirect_dma semaphore(%arg12 : memref<!tpu.dma_semaphore, #tpu.memory_space<semaphore_mem>>) src(%dma_wait3A_75 : memref<20000x128xf32, #tpu.memory_space<hbm>>) dst(%arg9 : memref<64x128xf32, #tpu.memory_space<vmem>>)
    %run_scoped3A_76 = arith.constant 27 : i32
    "tpu.region"() ({
      %run_scoped3A_97 = tpu.sem_alloc : memref<!tpu.dma_semaphore, #tpu.memory_space<semaphore_mem>>
      %dma_start3A_98 = arith.constant 0 : i32
      %dma_start3A_99 = tpu.memref_slice %arg8[%run_scoped3A_76, %dma_start3A_98] : memref<32x64xi32, #tpu.memory_space<vmem>> -> memref<1x64xi32, #tpu.memory_space<vmem>>
      %dma_start3A_100 = tpu.memref_squeeze %dma_start3A_99 : memref<1x64xi32, #tpu.memory_space<vmem>> -> memref<64xi32, #tpu.memory_space<vmem>>
      %dma_start3A_101 = arith.constant 0 : i32
      %dma_start3A_102 = arith.constant 0 : i32
      %dma_start3A_103 = tpu.memref_slice %arg18[%dma_start3A_101, %dma_start3A_102] : memref<10240x128xf32, #tpu.memory_space<vmem_shared>> -> memref<10240x128xf32, #tpu.memory_space<vmem_shared>>
      tpu.enqueue_indirect_dma source(%arg9 : memref<64x128xf32, #tpu.memory_space<vmem>>) target(%dma_start3A_103 : memref<10240x128xf32, #tpu.memory_space<vmem_shared>>) offsets(%dma_start3A_100 : memref<64xi32, #tpu.memory_space<vmem>>) semaphore(%run_scoped3A_97 : memref<!tpu.dma_semaphore, #tpu.memory_space<semaphore_mem>>) {add = true}
      %dma_wait3A_104 = arith.constant 0 : i32
      %dma_wait3A_105 = tpu.memref_slice %arg8[%run_scoped3A_76, %dma_wait3A_104] : memref<32x64xi32, #tpu.memory_space<vmem>> -> memref<1x64xi32, #tpu.memory_space<vmem>>
      %dma_wait3A_106 = tpu.memref_squeeze %dma_wait3A_105 : memref<1x64xi32, #tpu.memory_space<vmem>> -> memref<64xi32, #tpu.memory_space<vmem>>
      %dma_wait3A_107 = arith.constant 0 : i32
      %dma_wait3A_108 = arith.constant 0 : i32
      %dma_wait3A_109 = tpu.memref_slice %arg18[%dma_wait3A_107, %dma_wait3A_108] : memref<10240x128xf32, #tpu.memory_space<vmem_shared>> -> memref<10240x128xf32, #tpu.memory_space<vmem_shared>>
      tpu.wait_indirect_dma semaphore(%run_scoped3A_97 : memref<!tpu.dma_semaphore, #tpu.memory_space<semaphore_mem>>) src(%arg9 : memref<64x128xf32, #tpu.memory_space<vmem>>) dst(%dma_wait3A_109 : memref<10240x128xf32, #tpu.memory_space<vmem_shared>>)
      tpu.yield
    }) : () -> ()
    %dma_wait3A_77 = arith.constant 28 : i32
    %dma_wait3A_78 = arith.constant 0 : i32
    %dma_wait3A_79 = tpu.memref_slice %arg7[%dma_wait3A_77, %dma_wait3A_78] : memref<32x64xi32, #tpu.memory_space<vmem>> -> memref<1x64xi32, #tpu.memory_space<vmem>>
    %dma_wait3A_80 = tpu.memref_squeeze %dma_wait3A_79 : memref<1x64xi32, #tpu.memory_space<vmem>> -> memref<64xi32, #tpu.memory_space<vmem>>
    %dma_wait3A_81 = arith.constant 0 : i32
    %dma_wait3A_82 = arith.constant 0 : i32
    %dma_wait3A_83 = tpu.memref_slice %arg2[%dma_wait3A_81, %dma_wait3A_82] : memref<20000x128xf32, #tpu.memory_space<hbm>> -> memref<20000x128xf32, #tpu.memory_space<hbm>>
    tpu.wait_indirect_dma semaphore(%arg13 : memref<!tpu.dma_semaphore, #tpu.memory_space<semaphore_mem>>) src(%dma_wait3A_83 : memref<20000x128xf32, #tpu.memory_space<hbm>>) dst(%arg10 : memref<64x128xf32, #tpu.memory_space<vmem>>)
    %run_scoped3A_84 = arith.constant 28 : i32
    "tpu.region"() ({
      %run_scoped3A_97 = tpu.sem_alloc : memref<!tpu.dma_semaphore, #tpu.memory_space<semaphore_mem>>
      %dma_start3A_98 = arith.constant 0 : i32
      %dma_start3A_99 = tpu.memref_slice %arg8[%run_scoped3A_84, %dma_start3A_98] : memref<32x64xi32, #tpu.memory_space<vmem>> -> memref<1x64xi32, #tpu.memory_space<vmem>>
      %dma_start3A_100 = tpu.memref_squeeze %dma_start3A_99 : memref<1x64xi32, #tpu.memory_space<vmem>> -> memref<64xi32, #tpu.memory_space<vmem>>
      %dma_start3A_101 = arith.constant 0 : i32
      %dma_start3A_102 = arith.constant 0 : i32
      %dma_start3A_103 = tpu.memref_slice %arg18[%dma_start3A_101, %dma_start3A_102] : memref<10240x128xf32, #tpu.memory_space<vmem_shared>> -> memref<10240x128xf32, #tpu.memory_space<vmem_shared>>
      tpu.enqueue_indirect_dma source(%arg10 : memref<64x128xf32, #tpu.memory_space<vmem>>) target(%dma_start3A_103 : memref<10240x128xf32, #tpu.memory_space<vmem_shared>>) offsets(%dma_start3A_100 : memref<64xi32, #tpu.memory_space<vmem>>) semaphore(%run_scoped3A_97 : memref<!tpu.dma_semaphore, #tpu.memory_space<semaphore_mem>>) {add = true}
      %dma_wait3A_104 = arith.constant 0 : i32
      %dma_wait3A_105 = tpu.memref_slice %arg8[%run_scoped3A_84, %dma_wait3A_104] : memref<32x64xi32, #tpu.memory_space<vmem>> -> memref<1x64xi32, #tpu.memory_space<vmem>>
      %dma_wait3A_106 = tpu.memref_squeeze %dma_wait3A_105 : memref<1x64xi32, #tpu.memory_space<vmem>> -> memref<64xi32, #tpu.memory_space<vmem>>
      %dma_wait3A_107 = arith.constant 0 : i32
      %dma_wait3A_108 = arith.constant 0 : i32
      %dma_wait3A_109 = tpu.memref_slice %arg18[%dma_wait3A_107, %dma_wait3A_108] : memref<10240x128xf32, #tpu.memory_space<vmem_shared>> -> memref<10240x128xf32, #tpu.memory_space<vmem_shared>>
      tpu.wait_indirect_dma semaphore(%run_scoped3A_97 : memref<!tpu.dma_semaphore, #tpu.memory_space<semaphore_mem>>) src(%arg10 : memref<64x128xf32, #tpu.memory_space<vmem>>) dst(%dma_wait3A_109 : memref<10240x128xf32, #tpu.memory_space<vmem_shared>>)
      tpu.yield
    }) : () -> ()
    %dma_wait3A_85 = arith.constant 0 : i32
    %dma_wait3A_86 = arith.constant 0 : i32
    %dma_wait3A_87 = tpu.memref_slice %arg8[%dma_wait3A_85, %dma_wait3A_86] : memref<32x64xi32, #tpu.memory_space<vmem>> -> memref<1x64xi32, #tpu.memory_space<vmem>>
    %dma_wait3A_88 = tpu.memref_squeeze %dma_wait3A_87 : memref<1x64xi32, #tpu.memory_space<vmem>> -> memref<64xi32, #tpu.memory_space<vmem>>
    %dma_wait3A_89 = arith.constant 0 : i32
    %dma_wait3A_90 = arith.constant 0 : i32
    %dma_wait3A_91 = tpu.memref_slice %arg18[%dma_wait3A_89, %dma_wait3A_90] : memref<10240x128xf32, #tpu.memory_space<vmem_shared>> -> memref<10240x128xf32, #tpu.memory_space<vmem_shared>>
    tpu.wait_indirect_dma semaphore(%arg17 : memref<!tpu.dma_semaphore, #tpu.memory_space<semaphore_mem>>) src(%arg11 : memref<64x128xf32, #tpu.memory_space<vmem>>) dst(%dma_wait3A_91 : memref<10240x128xf32, #tpu.memory_space<vmem_shared>>)
    %barrier3A_92 = arith.constant 0 : index
    tpu.barrier barrier_id(%barrier3A_92)
    %eq3A = arith.constant 0 : i32
    %eq3A_93 = arith.cmpi eq, %arg0, %eq3A : i32
    %jit3A = arith.constant 10000 : i32
    %jit3A_94 = arith.constant 0 : i32
    %select_n3A = arith.select %eq3A_93, %jit3A, %jit3A_94 : i32
    %lt3A = arith.constant 10 : i32
    %lt3A_95 = arith.cmpi slt, %arg1, %lt3A : i32
    %convert_element_type3A = arith.extui %lt3A_95 : i1 to i32
    %cond3A = arith.constant 0 : i32
    %cond3A_96 = arith.cmpi ne, %convert_element_type3A, %cond3A : i32
    scf.if %cond3A_96 {
      %mul3A_97 = arith.constant 1000 : i32
      %mul3A_98 = arith.muli %arg1, %mul3A_97 : i32
      %mul3A_99 = arith.constant 1000 : i32
      %mul3A_100 = arith.muli %arg1, %mul3A_99 : i32
      %add3A_101 = arith.addi %select_n3A, %mul3A_100 : i32
      "tpu.region"() ({
        %run_scoped3A_102 = tpu.sem_alloc : memref<!tpu.dma_semaphore, #tpu.memory_space<semaphore_mem>>
        %dma_start3A_103 = arith.constant 0 : i32
        %dma_start3A_104 = tpu.memref_slice %arg6[%add3A_101, %dma_start3A_103] : memref<20000x128xf32, #tpu.memory_space<hbm>> -> memref<1000x128xf32, #tpu.memory_space<hbm>>
        %dma_start3A_105 = arith.constant 0 : i32
        %dma_start3A_106 = tpu.memref_slice %arg18[%mul3A_98, %dma_start3A_105] : memref<10240x128xf32, #tpu.memory_space<vmem_shared>> -> memref<1000x128xf32, #tpu.memory_space<vmem_shared>>
        tpu.enqueue_dma source(%dma_start3A_106 : memref<1000x128xf32, #tpu.memory_space<vmem_shared>>) target(%dma_start3A_104 : memref<1000x128xf32, #tpu.memory_space<hbm>>) target_semaphore(%run_scoped3A_102 : memref<!tpu.dma_semaphore, #tpu.memory_space<semaphore_mem>>)
        %dma_wait3A_107 = arith.constant 0 : i32
        %dma_wait3A_108 = tpu.memref_slice %arg6[%add3A_101, %dma_wait3A_107] : memref<20000x128xf32, #tpu.memory_space<hbm>> -> memref<1000x128xf32, #tpu.memory_space<hbm>>
        %dma_wait3A_109 = arith.constant 0 : i32
        %dma_wait3A_110 = tpu.memref_slice %arg18[%mul3A_98, %dma_wait3A_109] : memref<10240x128xf32, #tpu.memory_space<vmem_shared>> -> memref<1000x128xf32, #tpu.memory_space<vmem_shared>>
        tpu.wait_dma2 semaphore(%run_scoped3A_102 : memref<!tpu.dma_semaphore, #tpu.memory_space<semaphore_mem>>) src(%dma_wait3A_110 : memref<1000x128xf32, #tpu.memory_space<vmem_shared>>) dst(%dma_wait3A_108 : memref<1000x128xf32, #tpu.memory_space<hbm>>)
        tpu.yield
      }) : () -> ()
    } else {
    }
    return
  }
}

#map = affine_map<(d0, d1) -> (0, 0)>
#map1 = affine_map<(d0, d1) -> (0)>
module attributes {stable_mosaic.version = 14 : i64} {
  func.func @_sc_deg_body(%arg0: i32, %arg1: i32, %arg2: memref<5120x64xi32, #tpu.memory_space<hbm>>, %arg3: memref<64xf32, #tpu.memory_space<hbm>>, %arg4: memref<640xf32, #tpu.memory_space<hbm>>, %arg5: memref<20000xf32, #tpu.memory_space<hbm>>, %arg6: memref<160x64xi32, #tpu.memory_space<vmem>>, %arg7: memref<64xf32, #tpu.memory_space<vmem>>, %arg8: memref<1000xf32, #tpu.memory_space<vmem>>, %arg9: memref<10240xf32, #tpu.memory_space<vmem_shared>>, %arg10: memref<!tpu.dma_semaphore, #tpu.memory_space<semaphore_mem>>) attributes {dimension_semantics = [#tpu.dimension_semantics<core_parallel>, #tpu.dimension_semantics<subcore_parallel>], iteration_bounds = array<i64: 2, 16>, scalar_prefetch = 0 : i64, scratch_operands = 5 : i64, tpu.core_type = #tpu.core_type<sc_vector_subcore>, window_params = [{transform_indices = #map}, {transform_indices = #map1}, {transform_indices = #map1}, {transform_indices = #map1}]} {
    %mul3A = arith.constant 640 : i32
    %mul3A_0 = arith.muli %arg1, %mul3A : i32
    "tpu.region"() ({
      %run_scoped3A = tpu.sem_alloc : memref<!tpu.dma_semaphore, #tpu.memory_space<semaphore_mem>>
      %dma_start3A = tpu.memref_slice %arg9[%mul3A_0] : memref<10240xf32, #tpu.memory_space<vmem_shared>> -> memref<640xf32, #tpu.memory_space<vmem_shared>>
      tpu.enqueue_dma source(%arg4 : memref<640xf32, #tpu.memory_space<hbm>>) target(%dma_start3A : memref<640xf32, #tpu.memory_space<vmem_shared>>) target_semaphore(%run_scoped3A : memref<!tpu.dma_semaphore, #tpu.memory_space<semaphore_mem>>)
      %dma_wait3A = tpu.memref_slice %arg9[%mul3A_0] : memref<10240xf32, #tpu.memory_space<vmem_shared>> -> memref<640xf32, #tpu.memory_space<vmem_shared>>
      tpu.wait_dma2 semaphore(%run_scoped3A : memref<!tpu.dma_semaphore, #tpu.memory_space<semaphore_mem>>) src(%arg4 : memref<640xf32, #tpu.memory_space<hbm>>) dst(%dma_wait3A : memref<640xf32, #tpu.memory_space<vmem_shared>>)
      tpu.yield
    }) : () -> ()
    "tpu.region"() ({
      %run_scoped3A = tpu.sem_alloc : memref<!tpu.dma_semaphore, #tpu.memory_space<semaphore_mem>>
      tpu.enqueue_dma source(%arg3 : memref<64xf32, #tpu.memory_space<hbm>>) target(%arg7 : memref<64xf32, #tpu.memory_space<vmem>>) target_semaphore(%run_scoped3A : memref<!tpu.dma_semaphore, #tpu.memory_space<semaphore_mem>>)
      tpu.wait_dma2 semaphore(%run_scoped3A : memref<!tpu.dma_semaphore, #tpu.memory_space<semaphore_mem>>) src(%arg3 : memref<64xf32, #tpu.memory_space<hbm>>) dst(%arg7 : memref<64xf32, #tpu.memory_space<vmem>>)
      tpu.yield
    }) : () -> ()
    %mul3A_1 = arith.constant 16 : i32
    %mul3A_2 = arith.muli %arg0, %mul3A_1 : i32
    %add3A = arith.addi %mul3A_2, %arg1 : i32
    %mul3A_3 = arith.constant 160 : i32
    %mul3A_4 = arith.muli %add3A, %mul3A_3 : i32
    "tpu.region"() ({
      %run_scoped3A = tpu.sem_alloc : memref<!tpu.dma_semaphore, #tpu.memory_space<semaphore_mem>>
      %dma_start3A = arith.constant 0 : i32
      %dma_start3A_14 = tpu.memref_slice %arg2[%mul3A_4, %dma_start3A] : memref<5120x64xi32, #tpu.memory_space<hbm>> -> memref<160x64xi32, #tpu.memory_space<hbm>>
      %dma_start3A_15 = arith.constant 0 : i32
      %dma_start3A_16 = tpu.memref_slice %arg2[%mul3A_4, %dma_start3A_15] : memref<5120x64xi32, #tpu.memory_space<hbm>> -> memref<160x64xi32, #tpu.memory_space<hbm>>
      tpu.enqueue_dma source(%dma_start3A_16 : memref<160x64xi32, #tpu.memory_space<hbm>>) target(%arg6 : memref<160x64xi32, #tpu.memory_space<vmem>>) target_semaphore(%run_scoped3A : memref<!tpu.dma_semaphore, #tpu.memory_space<semaphore_mem>>)
      %dma_wait3A = arith.constant 0 : i32
      %dma_wait3A_17 = tpu.memref_slice %arg2[%mul3A_4, %dma_wait3A] : memref<5120x64xi32, #tpu.memory_space<hbm>> -> memref<160x64xi32, #tpu.memory_space<hbm>>
      %dma_wait3A_18 = arith.constant 0 : i32
      %dma_wait3A_19 = tpu.memref_slice %arg2[%mul3A_4, %dma_wait3A_18] : memref<5120x64xi32, #tpu.memory_space<hbm>> -> memref<160x64xi32, #tpu.memory_space<hbm>>
      tpu.wait_dma2 semaphore(%run_scoped3A : memref<!tpu.dma_semaphore, #tpu.memory_space<semaphore_mem>>) src(%dma_wait3A_19 : memref<160x64xi32, #tpu.memory_space<hbm>>) dst(%arg6 : memref<160x64xi32, #tpu.memory_space<vmem>>)
      tpu.yield
    }) : () -> ()
    %barrier3A = arith.constant 0 : index
    tpu.barrier barrier_id(%barrier3A)
    %scan3A = arith.constant 0 : i32
    %scan3A_5 = arith.constant 160 : i32
    %scan3A_6 = arith.addi %scan3A, %scan3A_5 : i32
    %scan3A_7 = arith.constant 1 : i32
    scf.for %scan3A_14 = %scan3A to %scan3A_6 step %scan3A_7  : i32 {
      %mul3A_15 = arith.constant 1 : i32
      %mul3A_16 = arith.muli %scan3A_14, %mul3A_15 : i32
      %add3A_17 = arith.constant 0 : i32
      %add3A_18 = arith.addi %add3A_17, %mul3A_16 : i32
      "tpu.region"() ({
        %run_scoped3A = tpu.sem_alloc : memref<!tpu.dma_semaphore, #tpu.memory_space<semaphore_mem>>
        %dma_start3A = arith.constant 0 : i32
        %dma_start3A_19 = tpu.memref_slice %arg6[%add3A_18, %dma_start3A] : memref<160x64xi32, #tpu.memory_space<vmem>> -> memref<1x64xi32, #tpu.memory_space<vmem>>
        %dma_start3A_20 = tpu.memref_squeeze %dma_start3A_19 : memref<1x64xi32, #tpu.memory_space<vmem>> -> memref<64xi32, #tpu.memory_space<vmem>>
        %dma_start3A_21 = arith.constant 0 : i32
        %dma_start3A_22 = tpu.memref_slice %arg9[%dma_start3A_21] : memref<10240xf32, #tpu.memory_space<vmem_shared>> -> memref<10240xf32, #tpu.memory_space<vmem_shared>>
        tpu.enqueue_indirect_dma source(%arg7 : memref<64xf32, #tpu.memory_space<vmem>>) target(%dma_start3A_22 : memref<10240xf32, #tpu.memory_space<vmem_shared>>) offsets(%dma_start3A_20 : memref<64xi32, #tpu.memory_space<vmem>>) semaphore(%run_scoped3A : memref<!tpu.dma_semaphore, #tpu.memory_space<semaphore_mem>>) {add = true}
        %dma_wait3A = arith.constant 0 : i32
        %dma_wait3A_23 = tpu.memref_slice %arg6[%add3A_18, %dma_wait3A] : memref<160x64xi32, #tpu.memory_space<vmem>> -> memref<1x64xi32, #tpu.memory_space<vmem>>
        %dma_wait3A_24 = tpu.memref_squeeze %dma_wait3A_23 : memref<1x64xi32, #tpu.memory_space<vmem>> -> memref<64xi32, #tpu.memory_space<vmem>>
        %dma_wait3A_25 = arith.constant 0 : i32
        %dma_wait3A_26 = tpu.memref_slice %arg9[%dma_wait3A_25] : memref<10240xf32, #tpu.memory_space<vmem_shared>> -> memref<10240xf32, #tpu.memory_space<vmem_shared>>
        tpu.wait_indirect_dma semaphore(%run_scoped3A : memref<!tpu.dma_semaphore, #tpu.memory_space<semaphore_mem>>) src(%arg7 : memref<64xf32, #tpu.memory_space<vmem>>) dst(%dma_wait3A_26 : memref<10240xf32, #tpu.memory_space<vmem_shared>>)
        tpu.yield
      }) : () -> ()
    }
    %scan3A_8 = arith.constant 160 : i32
    %barrier3A_9 = arith.constant 0 : index
    tpu.barrier barrier_id(%barrier3A_9)
    %eq3A = arith.constant 0 : i32
    %eq3A_10 = arith.cmpi eq, %arg0, %eq3A : i32
    %jit3A = arith.constant 10000 : i32
    %jit3A_11 = arith.constant 0 : i32
    %select_n3A = arith.select %eq3A_10, %jit3A, %jit3A_11 : i32
    %lt3A = arith.constant 10 : i32
    %lt3A_12 = arith.cmpi slt, %arg1, %lt3A : i32
    %convert_element_type3A = arith.extui %lt3A_12 : i1 to i32
    %cond3A = arith.constant 0 : i32
    %cond3A_13 = arith.cmpi ne, %convert_element_type3A, %cond3A : i32
    scf.if %cond3A_13 {
      %mul3A_14 = arith.constant 1000 : i32
      %mul3A_15 = arith.muli %arg1, %mul3A_14 : i32
      "tpu.region"() ({
        %run_scoped3A = tpu.sem_alloc : memref<!tpu.dma_semaphore, #tpu.memory_space<semaphore_mem>>
        %dma_start3A = tpu.memref_slice %arg9[%mul3A_15] : memref<10240xf32, #tpu.memory_space<vmem_shared>> -> memref<1000xf32, #tpu.memory_space<vmem_shared>>
        %dma_start3A_19 = tpu.memref_slice %arg9[%mul3A_15] : memref<10240xf32, #tpu.memory_space<vmem_shared>> -> memref<1000xf32, #tpu.memory_space<vmem_shared>>
        tpu.enqueue_dma source(%dma_start3A_19 : memref<1000xf32, #tpu.memory_space<vmem_shared>>) target(%arg8 : memref<1000xf32, #tpu.memory_space<vmem>>) target_semaphore(%run_scoped3A : memref<!tpu.dma_semaphore, #tpu.memory_space<semaphore_mem>>)
        %dma_wait3A = tpu.memref_slice %arg9[%mul3A_15] : memref<10240xf32, #tpu.memory_space<vmem_shared>> -> memref<1000xf32, #tpu.memory_space<vmem_shared>>
        %dma_wait3A_20 = tpu.memref_slice %arg9[%mul3A_15] : memref<10240xf32, #tpu.memory_space<vmem_shared>> -> memref<1000xf32, #tpu.memory_space<vmem_shared>>
        tpu.wait_dma2 semaphore(%run_scoped3A : memref<!tpu.dma_semaphore, #tpu.memory_space<semaphore_mem>>) src(%dma_wait3A_20 : memref<1000xf32, #tpu.memory_space<vmem_shared>>) dst(%arg8 : memref<1000xf32, #tpu.memory_space<vmem>>)
        tpu.yield
      }) : () -> ()
      %mul3A_16 = arith.constant 1000 : i32
      %mul3A_17 = arith.muli %arg1, %mul3A_16 : i32
      %add3A_18 = arith.addi %select_n3A, %mul3A_17 : i32
      "tpu.region"() ({
        %run_scoped3A = tpu.sem_alloc : memref<!tpu.dma_semaphore, #tpu.memory_space<semaphore_mem>>
        %dma_start3A = tpu.memref_slice %arg5[%add3A_18] : memref<20000xf32, #tpu.memory_space<hbm>> -> memref<1000xf32, #tpu.memory_space<hbm>>
        %dma_start3A_19 = tpu.memref_slice %arg5[%add3A_18] : memref<20000xf32, #tpu.memory_space<hbm>> -> memref<1000xf32, #tpu.memory_space<hbm>>
        tpu.enqueue_dma source(%arg8 : memref<1000xf32, #tpu.memory_space<vmem>>) target(%dma_start3A_19 : memref<1000xf32, #tpu.memory_space<hbm>>) target_semaphore(%run_scoped3A : memref<!tpu.dma_semaphore, #tpu.memory_space<semaphore_mem>>)
        %dma_wait3A = tpu.memref_slice %arg5[%add3A_18] : memref<20000xf32, #tpu.memory_space<hbm>> -> memref<1000xf32, #tpu.memory_space<hbm>>
        %dma_wait3A_20 = tpu.memref_slice %arg5[%add3A_18] : memref<20000xf32, #tpu.memory_space<hbm>> -> memref<1000xf32, #tpu.memory_space<hbm>>
        tpu.wait_dma2 semaphore(%run_scoped3A : memref<!tpu.dma_semaphore, #tpu.memory_space<semaphore_mem>>) src(%arg8 : memref<1000xf32, #tpu.memory_space<vmem>>) dst(%dma_wait3A_20 : memref<1000xf32, #tpu.memory_space<hbm>>)
        tpu.yield
      }) : () -> ()
    } else {
    }
    return
  }
}

#map = affine_map<(d0, d1) -> (0, 0)>
module attributes {stable_mosaic.version = 14 : i64} {
  func.func @_sc_scatter_body(%arg0: i32, %arg1: i32, %arg2: memref<20000x128xf32, #tpu.memory_space<hbm>>, %arg3: memref<5120x64xi32, #tpu.memory_space<hbm>>, %arg4: memref<5120x64xi32, #tpu.memory_space<hbm>>, %arg5: memref<640x128xf32, #tpu.memory_space<hbm>>, %arg6: memref<20000x128xf32, #tpu.memory_space<hbm>>, %arg7: memref<32x64xi32, #tpu.memory_space<vmem>>, %arg8: memref<32x64xi32, #tpu.memory_space<vmem>>, %arg9: memref<64x128xf32, #tpu.memory_space<vmem>>, %arg10: memref<64x128xf32, #tpu.memory_space<vmem>>, %arg11: memref<64x128xf32, #tpu.memory_space<vmem>>, %arg12: memref<!tpu.dma_semaphore, #tpu.memory_space<semaphore_mem>>, %arg13: memref<!tpu.dma_semaphore, #tpu.memory_space<semaphore_mem>>, %arg14: memref<!tpu.dma_semaphore, #tpu.memory_space<semaphore_mem>>, %arg15: memref<!tpu.dma_semaphore, #tpu.memory_space<semaphore_mem>>, %arg16: memref<!tpu.dma_semaphore, #tpu.memory_space<semaphore_mem>>, %arg17: memref<!tpu.dma_semaphore, #tpu.memory_space<semaphore_mem>>, %arg18: memref<10240x128xf32, #tpu.memory_space<vmem_shared>>) attributes {dimension_semantics = [#tpu.dimension_semantics<core_parallel>, #tpu.dimension_semantics<subcore_parallel>], iteration_bounds = array<i64: 2, 16>, scalar_prefetch = 0 : i64, scratch_operands = 12 : i64, tpu.core_type = #tpu.core_type<sc_vector_subcore>, window_params = [{transform_indices = #map}, {transform_indices = #map}, {transform_indices = #map}, {transform_indices = #map}, {transform_indices = #map}]} {
    %mul3A = arith.constant 16 : i32
    %mul3A_0 = arith.muli %arg0, %mul3A : i32
    %add3A = arith.addi %mul3A_0, %arg1 : i32
    %mul3A_1 = arith.constant 160 : i32
    %mul3A_2 = arith.muli %add3A, %mul3A_1 : i32
    "tpu.region"() ({
      %run_scoped3A_97 = tpu.sem_alloc : memref<!tpu.dma_semaphore, #tpu.memory_space<semaphore_mem>>
      %dma_start3A_98 = arith.constant 0 : i32
      %dma_start3A_99 = tpu.memref_slice %arg3[%mul3A_2, %dma_start3A_98] : memref<5120x64xi32, #tpu.memory_space<hbm>> -> memref<32x64xi32, #tpu.memory_space<hbm>>
      %dma_start3A_100 = arith.constant 0 : i32
      %dma_start3A_101 = tpu.memref_slice %arg3[%mul3A_2, %dma_start3A_100] : memref<5120x64xi32, #tpu.memory_space<hbm>> -> memref<32x64xi32, #tpu.memory_space<hbm>>
      tpu.enqueue_dma source(%dma_start3A_101 : memref<32x64xi32, #tpu.memory_space<hbm>>) target(%arg7 : memref<32x64xi32, #tpu.memory_space<vmem>>) target_semaphore(%run_scoped3A_97 : memref<!tpu.dma_semaphore, #tpu.memory_space<semaphore_mem>>)
      %dma_wait3A_102 = arith.constant 0 : i32
      %dma_wait3A_103 = tpu.memref_slice %arg3[%mul3A_2, %dma_wait3A_102] : memref<5120x64xi32, #tpu.memory_space<hbm>> -> memref<32x64xi32, #tpu.memory_space<hbm>>
      %dma_wait3A_104 = arith.constant 0 : i32
      %dma_wait3A_105 = tpu.memref_slice %arg3[%mul3A_2, %dma_wait3A_104] : memref<5120x64xi32, #tpu.memory_space<hbm>> -> memref<32x64xi32, #tpu.memory_space<hbm>>
      tpu.wait_dma2 semaphore(%run_scoped3A_97 : memref<!tpu.dma_semaphore, #tpu.memory_space<semaphore_mem>>) src(%dma_wait3A_105 : memref<32x64xi32, #tpu.memory_space<hbm>>) dst(%arg7 : memref<32x64xi32, #tpu.memory_space<vmem>>)
      tpu.yield
    }) : () -> ()
    "tpu.region"() ({
      %run_scoped3A_97 = tpu.sem_alloc : memref<!tpu.dma_semaphore, #tpu.memory_space<semaphore_mem>>
      %dma_start3A_98 = arith.constant 0 : i32
      %dma_start3A_99 = tpu.memref_slice %arg4[%mul3A_2, %dma_start3A_98] : memref<5120x64xi32, #tpu.memory_space<hbm>> -> memref<32x64xi32, #tpu.memory_space<hbm>>
      %dma_start3A_100 = arith.constant 0 : i32
      %dma_start3A_101 = tpu.memref_slice %arg4[%mul3A_2, %dma_start3A_100] : memref<5120x64xi32, #tpu.memory_space<hbm>> -> memref<32x64xi32, #tpu.memory_space<hbm>>
      tpu.enqueue_dma source(%dma_start3A_101 : memref<32x64xi32, #tpu.memory_space<hbm>>) target(%arg8 : memref<32x64xi32, #tpu.memory_space<vmem>>) target_semaphore(%run_scoped3A_97 : memref<!tpu.dma_semaphore, #tpu.memory_space<semaphore_mem>>)
      %dma_wait3A_102 = arith.constant 0 : i32
      %dma_wait3A_103 = tpu.memref_slice %arg4[%mul3A_2, %dma_wait3A_102] : memref<5120x64xi32, #tpu.memory_space<hbm>> -> memref<32x64xi32, #tpu.memory_space<hbm>>
      %dma_wait3A_104 = arith.constant 0 : i32
      %dma_wait3A_105 = tpu.memref_slice %arg4[%mul3A_2, %dma_wait3A_104] : memref<5120x64xi32, #tpu.memory_space<hbm>> -> memref<32x64xi32, #tpu.memory_space<hbm>>
      tpu.wait_dma2 semaphore(%run_scoped3A_97 : memref<!tpu.dma_semaphore, #tpu.memory_space<semaphore_mem>>) src(%dma_wait3A_105 : memref<32x64xi32, #tpu.memory_space<hbm>>) dst(%arg8 : memref<32x64xi32, #tpu.memory_space<vmem>>)
      tpu.yield
    }) : () -> ()
    %dma_start3A = arith.constant 0 : i32
    %dma_start3A_3 = arith.constant 0 : i32
    %dma_start3A_4 = tpu.memref_slice %arg7[%dma_start3A, %dma_start3A_3] : memref<32x64xi32, #tpu.memory_space<vmem>> -> memref<1x64xi32, #tpu.memory_space<vmem>>
    %dma_start3A_5 = tpu.memref_squeeze %dma_start3A_4 : memref<1x64xi32, #tpu.memory_space<vmem>> -> memref<64xi32, #tpu.memory_space<vmem>>
    %dma_start3A_6 = arith.constant 0 : i32
    %dma_start3A_7 = arith.constant 0 : i32
    %dma_start3A_8 = tpu.memref_slice %arg2[%dma_start3A_6, %dma_start3A_7] : memref<20000x128xf32, #tpu.memory_space<hbm>> -> memref<20000x128xf32, #tpu.memory_space<hbm>>
    tpu.enqueue_indirect_dma source(%dma_start3A_8 : memref<20000x128xf32, #tpu.memory_space<hbm>>) target(%arg9 : memref<64x128xf32, #tpu.memory_space<vmem>>) offsets(%dma_start3A_5 : memref<64xi32, #tpu.memory_space<vmem>>) semaphore(%arg12 : memref<!tpu.dma_semaphore, #tpu.memory_space<semaphore_mem>>)
    %dma_start3A_9 = arith.constant 1 : i32
    %dma_start3A_10 = arith.constant 0 : i32
    %dma_start3A_11 = tpu.memref_slice %arg7[%dma_start3A_9, %dma_start3A_10] : memref<32x64xi32, #tpu.memory_space<vmem>> -> memref<1x64xi32, #tpu.memory_space<vmem>>
    %dma_start3A_12 = tpu.memref_squeeze %dma_start3A_11 : memref<1x64xi32, #tpu.memory_space<vmem>> -> memref<64xi32, #tpu.memory_space<vmem>>
    %dma_start3A_13 = arith.constant 0 : i32
    %dma_start3A_14 = arith.constant 0 : i32
    %dma_start3A_15 = tpu.memref_slice %arg2[%dma_start3A_13, %dma_start3A_14] : memref<20000x128xf32, #tpu.memory_space<hbm>> -> memref<20000x128xf32, #tpu.memory_space<hbm>>
    tpu.enqueue_indirect_dma source(%dma_start3A_15 : memref<20000x128xf32, #tpu.memory_space<hbm>>) target(%arg10 : memref<64x128xf32, #tpu.memory_space<vmem>>) offsets(%dma_start3A_12 : memref<64xi32, #tpu.memory_space<vmem>>) semaphore(%arg13 : memref<!tpu.dma_semaphore, #tpu.memory_space<semaphore_mem>>)
    %mul3A_16 = arith.constant 640 : i32
    %mul3A_17 = arith.muli %arg1, %mul3A_16 : i32
    "tpu.region"() ({
      %run_scoped3A_97 = tpu.sem_alloc : memref<!tpu.dma_semaphore, #tpu.memory_space<semaphore_mem>>
      %dma_start3A_98 = arith.constant 0 : i32
      %dma_start3A_99 = tpu.memref_slice %arg18[%mul3A_17, %dma_start3A_98] : memref<10240x128xf32, #tpu.memory_space<vmem_shared>> -> memref<640x128xf32, #tpu.memory_space<vmem_shared>>
      tpu.enqueue_dma source(%arg5 : memref<640x128xf32, #tpu.memory_space<hbm>>) target(%dma_start3A_99 : memref<640x128xf32, #tpu.memory_space<vmem_shared>>) target_semaphore(%run_scoped3A_97 : memref<!tpu.dma_semaphore, #tpu.memory_space<semaphore_mem>>)
      %dma_wait3A_100 = arith.constant 0 : i32
      %dma_wait3A_101 = tpu.memref_slice %arg18[%mul3A_17, %dma_wait3A_100] : memref<10240x128xf32, #tpu.memory_space<vmem_shared>> -> memref<640x128xf32, #tpu.memory_space<vmem_shared>>
      tpu.wait_dma2 semaphore(%run_scoped3A_97 : memref<!tpu.dma_semaphore, #tpu.memory_space<semaphore_mem>>) src(%arg5 : memref<640x128xf32, #tpu.memory_space<hbm>>) dst(%dma_wait3A_101 : memref<640x128xf32, #tpu.memory_space<vmem_shared>>)
      tpu.yield
    }) : () -> ()
    %barrier3A = arith.constant 0 : index
    tpu.barrier barrier_id(%barrier3A)
    %scan3A = arith.constant 0 : i32
    %scan3A_18 = arith.constant 10 : i32
    %scan3A_19 = arith.addi %scan3A, %scan3A_18 : i32
    %scan3A_20 = arith.constant 1 : i32
    scf.for %scan3A_97 = %scan3A to %scan3A_19 step %scan3A_20  : i32 {
      %mul3A_98 = arith.constant 3 : i32
      %mul3A_99 = arith.muli %scan3A_97, %mul3A_98 : i32
      %add3A_100 = arith.constant 0 : i32
      %add3A_101 = arith.addi %add3A_100, %mul3A_99 : i32
      %add3A_102 = arith.constant 0 : i32
      %add3A_103 = arith.addi %add3A_101, %add3A_102 : i32
      %dma_wait3A_104 = arith.constant 0 : i32
      %dma_wait3A_105 = tpu.memref_slice %arg7[%add3A_103, %dma_wait3A_104] : memref<32x64xi32, #tpu.memory_space<vmem>> -> memref<1x64xi32, #tpu.memory_space<vmem>>
      %dma_wait3A_106 = tpu.memref_squeeze %dma_wait3A_105 : memref<1x64xi32, #tpu.memory_space<vmem>> -> memref<64xi32, #tpu.memory_space<vmem>>
      %dma_wait3A_107 = arith.constant 0 : i32
      %dma_wait3A_108 = arith.constant 0 : i32
      %dma_wait3A_109 = tpu.memref_slice %arg2[%dma_wait3A_107, %dma_wait3A_108] : memref<20000x128xf32, #tpu.memory_space<hbm>> -> memref<20000x128xf32, #tpu.memory_space<hbm>>
      tpu.wait_indirect_dma semaphore(%arg12 : memref<!tpu.dma_semaphore, #tpu.memory_space<semaphore_mem>>) src(%dma_wait3A_109 : memref<20000x128xf32, #tpu.memory_space<hbm>>) dst(%arg9 : memref<64x128xf32, #tpu.memory_space<vmem>>)
      %dma_start3A_110 = arith.constant 0 : i32
      %dma_start3A_111 = tpu.memref_slice %arg8[%add3A_103, %dma_start3A_110] : memref<32x64xi32, #tpu.memory_space<vmem>> -> memref<1x64xi32, #tpu.memory_space<vmem>>
      %dma_start3A_112 = tpu.memref_squeeze %dma_start3A_111 : memref<1x64xi32, #tpu.memory_space<vmem>> -> memref<64xi32, #tpu.memory_space<vmem>>
      %dma_start3A_113 = arith.constant 0 : i32
      %dma_start3A_114 = arith.constant 0 : i32
      %dma_start3A_115 = tpu.memref_slice %arg18[%dma_start3A_113, %dma_start3A_114] : memref<10240x128xf32, #tpu.memory_space<vmem_shared>> -> memref<10240x128xf32, #tpu.memory_space<vmem_shared>>
      tpu.enqueue_indirect_dma source(%arg9 : memref<64x128xf32, #tpu.memory_space<vmem>>) target(%dma_start3A_115 : memref<10240x128xf32, #tpu.memory_space<vmem_shared>>) offsets(%dma_start3A_112 : memref<64xi32, #tpu.memory_space<vmem>>) semaphore(%arg15 : memref<!tpu.dma_semaphore, #tpu.memory_space<semaphore_mem>>) {add = true}
      %ge3A = arith.constant 1 : i32
      %ge3A_116 = arith.cmpi sge, %add3A_103, %ge3A : i32
      %convert_element_type3A_117 = arith.extui %ge3A_116 : i1 to i32
      %cond3A_118 = arith.constant 0 : i32
      %cond3A_119 = arith.cmpi ne, %convert_element_type3A_117, %cond3A_118 : i32
      scf.if %cond3A_119 {
        %dma_wait3A_182 = arith.constant 0 : i32
        %dma_wait3A_183 = arith.constant 0 : i32
        %dma_wait3A_184 = tpu.memref_slice %arg8[%dma_wait3A_182, %dma_wait3A_183] : memref<32x64xi32, #tpu.memory_space<vmem>> -> memref<1x64xi32, #tpu.memory_space<vmem>>
        %dma_wait3A_185 = tpu.memref_squeeze %dma_wait3A_184 : memref<1x64xi32, #tpu.memory_space<vmem>> -> memref<64xi32, #tpu.memory_space<vmem>>
        %dma_wait3A_186 = arith.constant 0 : i32
        %dma_wait3A_187 = arith.constant 0 : i32
        %dma_wait3A_188 = tpu.memref_slice %arg18[%dma_wait3A_186, %dma_wait3A_187] : memref<10240x128xf32, #tpu.memory_space<vmem_shared>> -> memref<10240x128xf32, #tpu.memory_space<vmem_shared>>
        tpu.wait_indirect_dma semaphore(%arg17 : memref<!tpu.dma_semaphore, #tpu.memory_space<semaphore_mem>>) src(%arg11 : memref<64x128xf32, #tpu.memory_space<vmem>>) dst(%dma_wait3A_188 : memref<10240x128xf32, #tpu.memory_space<vmem_shared>>)
      } else {
      }
      %add3A_120 = arith.constant 2 : i32
      %add3A_121 = arith.addi %add3A_103, %add3A_120 : i32
      %dma_start3A_122 = arith.constant 0 : i32
      %dma_start3A_123 = tpu.memref_slice %arg7[%add3A_121, %dma_start3A_122] : memref<32x64xi32, #tpu.memory_space<vmem>> -> memref<1x64xi32, #tpu.memory_space<vmem>>
      %dma_start3A_124 = tpu.memref_squeeze %dma_start3A_123 : memref<1x64xi32, #tpu.memory_space<vmem>> -> memref<64xi32, #tpu.memory_space<vmem>>
      %dma_start3A_125 = arith.constant 0 : i32
      %dma_start3A_126 = arith.constant 0 : i32
      %dma_start3A_127 = tpu.memref_slice %arg2[%dma_start3A_125, %dma_start3A_126] : memref<20000x128xf32, #tpu.memory_space<hbm>> -> memref<20000x128xf32, #tpu.memory_space<hbm>>
      tpu.enqueue_indirect_dma source(%dma_start3A_127 : memref<20000x128xf32, #tpu.memory_space<hbm>>) target(%arg11 : memref<64x128xf32, #tpu.memory_space<vmem>>) offsets(%dma_start3A_124 : memref<64xi32, #tpu.memory_space<vmem>>) semaphore(%arg14 : memref<!tpu.dma_semaphore, #tpu.memory_space<semaphore_mem>>)
      %add3A_128 = arith.constant 1 : i32
      %add3A_129 = arith.addi %add3A_101, %add3A_128 : i32
      %dma_wait3A_130 = arith.constant 0 : i32
      %dma_wait3A_131 = tpu.memref_slice %arg7[%add3A_129, %dma_wait3A_130] : memref<32x64xi32, #tpu.memory_space<vmem>> -> memref<1x64xi32, #tpu.memory_space<vmem>>
      %dma_wait3A_132 = tpu.memref_squeeze %dma_wait3A_131 : memref<1x64xi32, #tpu.memory_space<vmem>> -> memref<64xi32, #tpu.memory_space<vmem>>
      %dma_wait3A_133 = arith.constant 0 : i32
      %dma_wait3A_134 = arith.constant 0 : i32
      %dma_wait3A_135 = tpu.memref_slice %arg2[%dma_wait3A_133, %dma_wait3A_134] : memref<20000x128xf32, #tpu.memory_space<hbm>> -> memref<20000x128xf32, #tpu.memory_space<hbm>>
      tpu.wait_indirect_dma semaphore(%arg13 : memref<!tpu.dma_semaphore, #tpu.memory_space<semaphore_mem>>) src(%dma_wait3A_135 : memref<20000x128xf32, #tpu.memory_space<hbm>>) dst(%arg10 : memref<64x128xf32, #tpu.memory_space<vmem>>)
      %dma_start3A_136 = arith.constant 0 : i32
      %dma_start3A_137 = tpu.memref_slice %arg8[%add3A_129, %dma_start3A_136] : memref<32x64xi32, #tpu.memory_space<vmem>> -> memref<1x64xi32, #tpu.memory_space<vmem>>
      %dma_start3A_138 = tpu.memref_squeeze %dma_start3A_137 : memref<1x64xi32, #tpu.memory_space<vmem>> -> memref<64xi32, #tpu.memory_space<vmem>>
      %dma_start3A_139 = arith.constant 0 : i32
      %dma_start3A_140 = arith.constant 0 : i32
      %dma_start3A_141 = tpu.memref_slice %arg18[%dma_start3A_139, %dma_start3A_140] : memref<10240x128xf32, #tpu.memory_space<vmem_shared>> -> memref<10240x128xf32, #tpu.memory_space<vmem_shared>>
      tpu.enqueue_indirect_dma source(%arg10 : memref<64x128xf32, #tpu.memory_space<vmem>>) target(%dma_start3A_141 : memref<10240x128xf32, #tpu.memory_space<vmem_shared>>) offsets(%dma_start3A_138 : memref<64xi32, #tpu.memory_space<vmem>>) semaphore(%arg16 : memref<!tpu.dma_semaphore, #tpu.memory_space<semaphore_mem>>) {add = true}
      %ge3A_142 = arith.constant 1 : i32
      %ge3A_143 = arith.cmpi sge, %add3A_129, %ge3A_142 : i32
      %convert_element_type3A_144 = arith.extui %ge3A_143 : i1 to i32
      %cond3A_145 = arith.constant 0 : i32
      %cond3A_146 = arith.cmpi ne, %convert_element_type3A_144, %cond3A_145 : i32
      scf.if %cond3A_146 {
        %dma_wait3A_182 = arith.constant 0 : i32
        %dma_wait3A_183 = arith.constant 0 : i32
        %dma_wait3A_184 = tpu.memref_slice %arg8[%dma_wait3A_182, %dma_wait3A_183] : memref<32x64xi32, #tpu.memory_space<vmem>> -> memref<1x64xi32, #tpu.memory_space<vmem>>
        %dma_wait3A_185 = tpu.memref_squeeze %dma_wait3A_184 : memref<1x64xi32, #tpu.memory_space<vmem>> -> memref<64xi32, #tpu.memory_space<vmem>>
        %dma_wait3A_186 = arith.constant 0 : i32
        %dma_wait3A_187 = arith.constant 0 : i32
        %dma_wait3A_188 = tpu.memref_slice %arg18[%dma_wait3A_186, %dma_wait3A_187] : memref<10240x128xf32, #tpu.memory_space<vmem_shared>> -> memref<10240x128xf32, #tpu.memory_space<vmem_shared>>
        tpu.wait_indirect_dma semaphore(%arg15 : memref<!tpu.dma_semaphore, #tpu.memory_space<semaphore_mem>>) src(%arg9 : memref<64x128xf32, #tpu.memory_space<vmem>>) dst(%dma_wait3A_188 : memref<10240x128xf32, #tpu.memory_space<vmem_shared>>)
      } else {
      }
      %add3A_147 = arith.constant 2 : i32
      %add3A_148 = arith.addi %add3A_129, %add3A_147 : i32
      %dma_start3A_149 = arith.constant 0 : i32
      %dma_start3A_150 = tpu.memref_slice %arg7[%add3A_148, %dma_start3A_149] : memref<32x64xi32, #tpu.memory_space<vmem>> -> memref<1x64xi32, #tpu.memory_space<vmem>>
      %dma_start3A_151 = tpu.memref_squeeze %dma_start3A_150 : memref<1x64xi32, #tpu.memory_space<vmem>> -> memref<64xi32, #tpu.memory_space<vmem>>
      %dma_start3A_152 = arith.constant 0 : i32
      %dma_start3A_153 = arith.constant 0 : i32
      %dma_start3A_154 = tpu.memref_slice %arg2[%dma_start3A_152, %dma_start3A_153] : memref<20000x128xf32, #tpu.memory_space<hbm>> -> memref<20000x128xf32, #tpu.memory_space<hbm>>
      tpu.enqueue_indirect_dma source(%dma_start3A_154 : memref<20000x128xf32, #tpu.memory_space<hbm>>) target(%arg9 : memref<64x128xf32, #tpu.memory_space<vmem>>) offsets(%dma_start3A_151 : memref<64xi32, #tpu.memory_space<vmem>>) semaphore(%arg12 : memref<!tpu.dma_semaphore, #tpu.memory_space<semaphore_mem>>)
      %add3A_155 = arith.constant 2 : i32
      %add3A_156 = arith.addi %add3A_101, %add3A_155 : i32
      %dma_wait3A_157 = arith.constant 0 : i32
      %dma_wait3A_158 = tpu.memref_slice %arg7[%add3A_156, %dma_wait3A_157] : memref<32x64xi32, #tpu.memory_space<vmem>> -> memref<1x64xi32, #tpu.memory_space<vmem>>
      %dma_wait3A_159 = tpu.memref_squeeze %dma_wait3A_158 : memref<1x64xi32, #tpu.memory_space<vmem>> -> memref<64xi32, #tpu.memory_space<vmem>>
      %dma_wait3A_160 = arith.constant 0 : i32
      %dma_wait3A_161 = arith.constant 0 : i32
      %dma_wait3A_162 = tpu.memref_slice %arg2[%dma_wait3A_160, %dma_wait3A_161] : memref<20000x128xf32, #tpu.memory_space<hbm>> -> memref<20000x128xf32, #tpu.memory_space<hbm>>
      tpu.wait_indirect_dma semaphore(%arg14 : memref<!tpu.dma_semaphore, #tpu.memory_space<semaphore_mem>>) src(%dma_wait3A_162 : memref<20000x128xf32, #tpu.memory_space<hbm>>) dst(%arg11 : memref<64x128xf32, #tpu.memory_space<vmem>>)
      %dma_start3A_163 = arith.constant 0 : i32
      %dma_start3A_164 = tpu.memref_slice %arg8[%add3A_156, %dma_start3A_163] : memref<32x64xi32, #tpu.memory_space<vmem>> -> memref<1x64xi32, #tpu.memory_space<vmem>>
      %dma_start3A_165 = tpu.memref_squeeze %dma_start3A_164 : memref<1x64xi32, #tpu.memory_space<vmem>> -> memref<64xi32, #tpu.memory_space<vmem>>
      %dma_start3A_166 = arith.constant 0 : i32
      %dma_start3A_167 = arith.constant 0 : i32
      %dma_start3A_168 = tpu.memref_slice %arg18[%dma_start3A_166, %dma_start3A_167] : memref<10240x128xf32, #tpu.memory_space<vmem_shared>> -> memref<10240x128xf32, #tpu.memory_space<vmem_shared>>
      tpu.enqueue_indirect_dma source(%arg11 : memref<64x128xf32, #tpu.memory_space<vmem>>) target(%dma_start3A_168 : memref<10240x128xf32, #tpu.memory_space<vmem_shared>>) offsets(%dma_start3A_165 : memref<64xi32, #tpu.memory_space<vmem>>) semaphore(%arg17 : memref<!tpu.dma_semaphore, #tpu.memory_space<semaphore_mem>>) {add = true}
      %ge3A_169 = arith.constant 1 : i32
      %ge3A_170 = arith.cmpi sge, %add3A_156, %ge3A_169 : i32
      %convert_element_type3A_171 = arith.extui %ge3A_170 : i1 to i32
      %cond3A_172 = arith.constant 0 : i32
      %cond3A_173 = arith.cmpi ne, %convert_element_type3A_171, %cond3A_172 : i32
      scf.if %cond3A_173 {
        %dma_wait3A_182 = arith.constant 0 : i32
        %dma_wait3A_183 = arith.constant 0 : i32
        %dma_wait3A_184 = tpu.memref_slice %arg8[%dma_wait3A_182, %dma_wait3A_183] : memref<32x64xi32, #tpu.memory_space<vmem>> -> memref<1x64xi32, #tpu.memory_space<vmem>>
        %dma_wait3A_185 = tpu.memref_squeeze %dma_wait3A_184 : memref<1x64xi32, #tpu.memory_space<vmem>> -> memref<64xi32, #tpu.memory_space<vmem>>
        %dma_wait3A_186 = arith.constant 0 : i32
        %dma_wait3A_187 = arith.constant 0 : i32
        %dma_wait3A_188 = tpu.memref_slice %arg18[%dma_wait3A_186, %dma_wait3A_187] : memref<10240x128xf32, #tpu.memory_space<vmem_shared>> -> memref<10240x128xf32, #tpu.memory_space<vmem_shared>>
        tpu.wait_indirect_dma semaphore(%arg16 : memref<!tpu.dma_semaphore, #tpu.memory_space<semaphore_mem>>) src(%arg10 : memref<64x128xf32, #tpu.memory_space<vmem>>) dst(%dma_wait3A_188 : memref<10240x128xf32, #tpu.memory_space<vmem_shared>>)
      } else {
      }
      %add3A_174 = arith.constant 2 : i32
      %add3A_175 = arith.addi %add3A_156, %add3A_174 : i32
      %dma_start3A_176 = arith.constant 0 : i32
      %dma_start3A_177 = tpu.memref_slice %arg7[%add3A_175, %dma_start3A_176] : memref<32x64xi32, #tpu.memory_space<vmem>> -> memref<1x64xi32, #tpu.memory_space<vmem>>
      %dma_start3A_178 = tpu.memref_squeeze %dma_start3A_177 : memref<1x64xi32, #tpu.memory_space<vmem>> -> memref<64xi32, #tpu.memory_space<vmem>>
      %dma_start3A_179 = arith.constant 0 : i32
      %dma_start3A_180 = arith.constant 0 : i32
      %dma_start3A_181 = tpu.memref_slice %arg2[%dma_start3A_179, %dma_start3A_180] : memref<20000x128xf32, #tpu.memory_space<hbm>> -> memref<20000x128xf32, #tpu.memory_space<hbm>>
      tpu.enqueue_indirect_dma source(%dma_start3A_181 : memref<20000x128xf32, #tpu.memory_space<hbm>>) target(%arg10 : memref<64x128xf32, #tpu.memory_space<vmem>>) offsets(%dma_start3A_178 : memref<64xi32, #tpu.memory_space<vmem>>) semaphore(%arg13 : memref<!tpu.dma_semaphore, #tpu.memory_space<semaphore_mem>>)
    }
    %scan3A_21 = arith.constant 10 : i32
    %dma_wait3A = arith.constant 30 : i32
    %dma_wait3A_22 = arith.constant 0 : i32
    %dma_wait3A_23 = tpu.memref_slice %arg7[%dma_wait3A, %dma_wait3A_22] : memref<32x64xi32, #tpu.memory_space<vmem>> -> memref<1x64xi32, #tpu.memory_space<vmem>>
    %dma_wait3A_24 = tpu.memref_squeeze %dma_wait3A_23 : memref<1x64xi32, #tpu.memory_space<vmem>> -> memref<64xi32, #tpu.memory_space<vmem>>
    %dma_wait3A_25 = arith.constant 0 : i32
    %dma_wait3A_26 = arith.constant 0 : i32
    %dma_wait3A_27 = tpu.memref_slice %arg2[%dma_wait3A_25, %dma_wait3A_26] : memref<20000x128xf32, #tpu.memory_space<hbm>> -> memref<20000x128xf32, #tpu.memory_space<hbm>>
    tpu.wait_indirect_dma semaphore(%arg12 : memref<!tpu.dma_semaphore, #tpu.memory_space<semaphore_mem>>) src(%dma_wait3A_27 : memref<20000x128xf32, #tpu.memory_space<hbm>>) dst(%arg9 : memref<64x128xf32, #tpu.memory_space<vmem>>)
    %run_scoped3A = arith.constant 30 : i32
    "tpu.region"() ({
      %run_scoped3A_97 = tpu.sem_alloc : memref<!tpu.dma_semaphore, #tpu.memory_space<semaphore_mem>>
      %dma_start3A_98 = arith.constant 0 : i32
      %dma_start3A_99 = tpu.memref_slice %arg8[%run_scoped3A, %dma_start3A_98] : memref<32x64xi32, #tpu.memory_space<vmem>> -> memref<1x64xi32, #tpu.memory_space<vmem>>
      %dma_start3A_100 = tpu.memref_squeeze %dma_start3A_99 : memref<1x64xi32, #tpu.memory_space<vmem>> -> memref<64xi32, #tpu.memory_space<vmem>>
      %dma_start3A_101 = arith.constant 0 : i32
      %dma_start3A_102 = arith.constant 0 : i32
      %dma_start3A_103 = tpu.memref_slice %arg18[%dma_start3A_101, %dma_start3A_102] : memref<10240x128xf32, #tpu.memory_space<vmem_shared>> -> memref<10240x128xf32, #tpu.memory_space<vmem_shared>>
      tpu.enqueue_indirect_dma source(%arg9 : memref<64x128xf32, #tpu.memory_space<vmem>>) target(%dma_start3A_103 : memref<10240x128xf32, #tpu.memory_space<vmem_shared>>) offsets(%dma_start3A_100 : memref<64xi32, #tpu.memory_space<vmem>>) semaphore(%run_scoped3A_97 : memref<!tpu.dma_semaphore, #tpu.memory_space<semaphore_mem>>) {add = true}
      %dma_wait3A_104 = arith.constant 0 : i32
      %dma_wait3A_105 = tpu.memref_slice %arg8[%run_scoped3A, %dma_wait3A_104] : memref<32x64xi32, #tpu.memory_space<vmem>> -> memref<1x64xi32, #tpu.memory_space<vmem>>
      %dma_wait3A_106 = tpu.memref_squeeze %dma_wait3A_105 : memref<1x64xi32, #tpu.memory_space<vmem>> -> memref<64xi32, #tpu.memory_space<vmem>>
      %dma_wait3A_107 = arith.constant 0 : i32
      %dma_wait3A_108 = arith.constant 0 : i32
      %dma_wait3A_109 = tpu.memref_slice %arg18[%dma_wait3A_107, %dma_wait3A_108] : memref<10240x128xf32, #tpu.memory_space<vmem_shared>> -> memref<10240x128xf32, #tpu.memory_space<vmem_shared>>
      tpu.wait_indirect_dma semaphore(%run_scoped3A_97 : memref<!tpu.dma_semaphore, #tpu.memory_space<semaphore_mem>>) src(%arg9 : memref<64x128xf32, #tpu.memory_space<vmem>>) dst(%dma_wait3A_109 : memref<10240x128xf32, #tpu.memory_space<vmem_shared>>)
      tpu.yield
    }) : () -> ()
    %dma_wait3A_28 = arith.constant 31 : i32
    %dma_wait3A_29 = arith.constant 0 : i32
    %dma_wait3A_30 = tpu.memref_slice %arg7[%dma_wait3A_28, %dma_wait3A_29] : memref<32x64xi32, #tpu.memory_space<vmem>> -> memref<1x64xi32, #tpu.memory_space<vmem>>
    %dma_wait3A_31 = tpu.memref_squeeze %dma_wait3A_30 : memref<1x64xi32, #tpu.memory_space<vmem>> -> memref<64xi32, #tpu.memory_space<vmem>>
    %dma_wait3A_32 = arith.constant 0 : i32
    %dma_wait3A_33 = arith.constant 0 : i32
    %dma_wait3A_34 = tpu.memref_slice %arg2[%dma_wait3A_32, %dma_wait3A_33] : memref<20000x128xf32, #tpu.memory_space<hbm>> -> memref<20000x128xf32, #tpu.memory_space<hbm>>
    tpu.wait_indirect_dma semaphore(%arg13 : memref<!tpu.dma_semaphore, #tpu.memory_space<semaphore_mem>>) src(%dma_wait3A_34 : memref<20000x128xf32, #tpu.memory_space<hbm>>) dst(%arg10 : memref<64x128xf32, #tpu.memory_space<vmem>>)
    %run_scoped3A_35 = arith.constant 31 : i32
    "tpu.region"() ({
      %run_scoped3A_97 = tpu.sem_alloc : memref<!tpu.dma_semaphore, #tpu.memory_space<semaphore_mem>>
      %dma_start3A_98 = arith.constant 0 : i32
      %dma_start3A_99 = tpu.memref_slice %arg8[%run_scoped3A_35, %dma_start3A_98] : memref<32x64xi32, #tpu.memory_space<vmem>> -> memref<1x64xi32, #tpu.memory_space<vmem>>
      %dma_start3A_100 = tpu.memref_squeeze %dma_start3A_99 : memref<1x64xi32, #tpu.memory_space<vmem>> -> memref<64xi32, #tpu.memory_space<vmem>>
      %dma_start3A_101 = arith.constant 0 : i32
      %dma_start3A_102 = arith.constant 0 : i32
      %dma_start3A_103 = tpu.memref_slice %arg18[%dma_start3A_101, %dma_start3A_102] : memref<10240x128xf32, #tpu.memory_space<vmem_shared>> -> memref<10240x128xf32, #tpu.memory_space<vmem_shared>>
      tpu.enqueue_indirect_dma source(%arg10 : memref<64x128xf32, #tpu.memory_space<vmem>>) target(%dma_start3A_103 : memref<10240x128xf32, #tpu.memory_space<vmem_shared>>) offsets(%dma_start3A_100 : memref<64xi32, #tpu.memory_space<vmem>>) semaphore(%run_scoped3A_97 : memref<!tpu.dma_semaphore, #tpu.memory_space<semaphore_mem>>) {add = true}
      %dma_wait3A_104 = arith.constant 0 : i32
      %dma_wait3A_105 = tpu.memref_slice %arg8[%run_scoped3A_35, %dma_wait3A_104] : memref<32x64xi32, #tpu.memory_space<vmem>> -> memref<1x64xi32, #tpu.memory_space<vmem>>
      %dma_wait3A_106 = tpu.memref_squeeze %dma_wait3A_105 : memref<1x64xi32, #tpu.memory_space<vmem>> -> memref<64xi32, #tpu.memory_space<vmem>>
      %dma_wait3A_107 = arith.constant 0 : i32
      %dma_wait3A_108 = arith.constant 0 : i32
      %dma_wait3A_109 = tpu.memref_slice %arg18[%dma_wait3A_107, %dma_wait3A_108] : memref<10240x128xf32, #tpu.memory_space<vmem_shared>> -> memref<10240x128xf32, #tpu.memory_space<vmem_shared>>
      tpu.wait_indirect_dma semaphore(%run_scoped3A_97 : memref<!tpu.dma_semaphore, #tpu.memory_space<semaphore_mem>>) src(%arg10 : memref<64x128xf32, #tpu.memory_space<vmem>>) dst(%dma_wait3A_109 : memref<10240x128xf32, #tpu.memory_space<vmem_shared>>)
      tpu.yield
    }) : () -> ()
    %dma_wait3A_36 = arith.constant 0 : i32
    %dma_wait3A_37 = arith.constant 0 : i32
    %dma_wait3A_38 = tpu.memref_slice %arg8[%dma_wait3A_36, %dma_wait3A_37] : memref<32x64xi32, #tpu.memory_space<vmem>> -> memref<1x64xi32, #tpu.memory_space<vmem>>
    %dma_wait3A_39 = tpu.memref_squeeze %dma_wait3A_38 : memref<1x64xi32, #tpu.memory_space<vmem>> -> memref<64xi32, #tpu.memory_space<vmem>>
    %dma_wait3A_40 = arith.constant 0 : i32
    %dma_wait3A_41 = arith.constant 0 : i32
    %dma_wait3A_42 = tpu.memref_slice %arg18[%dma_wait3A_40, %dma_wait3A_41] : memref<10240x128xf32, #tpu.memory_space<vmem_shared>> -> memref<10240x128xf32, #tpu.memory_space<vmem_shared>>
    tpu.wait_indirect_dma semaphore(%arg17 : memref<!tpu.dma_semaphore, #tpu.memory_space<semaphore_mem>>) src(%arg11 : memref<64x128xf32, #tpu.memory_space<vmem>>) dst(%dma_wait3A_42 : memref<10240x128xf32, #tpu.memory_space<vmem_shared>>)
    %scan3A_43 = arith.constant 0 : i32
    %scan3A_44 = arith.constant 3 : i32
    %scan3A_45 = arith.addi %scan3A_43, %scan3A_44 : i32
    %scan3A_46 = arith.constant 1 : i32
    scf.for %scan3A_97 = %scan3A_43 to %scan3A_45 step %scan3A_46  : i32 {
      %mul3A_98 = arith.constant 1 : i32
      %mul3A_99 = arith.muli %scan3A_97, %mul3A_98 : i32
      %add3A_100 = arith.constant 1 : i32
      %add3A_101 = arith.addi %add3A_100, %mul3A_99 : i32
      %mul3A_102 = arith.constant 32 : i32
      %mul3A_103 = arith.muli %add3A_101, %mul3A_102 : i32
      %add3A_104 = arith.addi %mul3A_2, %mul3A_103 : i32
      "tpu.region"() ({
        %run_scoped3A_147 = tpu.sem_alloc : memref<!tpu.dma_semaphore, #tpu.memory_space<semaphore_mem>>
        %dma_start3A_148 = arith.constant 0 : i32
        %dma_start3A_149 = tpu.memref_slice %arg3[%add3A_104, %dma_start3A_148] : memref<5120x64xi32, #tpu.memory_space<hbm>> -> memref<32x64xi32, #tpu.memory_space<hbm>>
        %dma_start3A_150 = arith.constant 0 : i32
        %dma_start3A_151 = tpu.memref_slice %arg3[%add3A_104, %dma_start3A_150] : memref<5120x64xi32, #tpu.memory_space<hbm>> -> memref<32x64xi32, #tpu.memory_space<hbm>>
        tpu.enqueue_dma source(%dma_start3A_151 : memref<32x64xi32, #tpu.memory_space<hbm>>) target(%arg7 : memref<32x64xi32, #tpu.memory_space<vmem>>) target_semaphore(%run_scoped3A_147 : memref<!tpu.dma_semaphore, #tpu.memory_space<semaphore_mem>>)
        %dma_wait3A_152 = arith.constant 0 : i32
        %dma_wait3A_153 = tpu.memref_slice %arg3[%add3A_104, %dma_wait3A_152] : memref<5120x64xi32, #tpu.memory_space<hbm>> -> memref<32x64xi32, #tpu.memory_space<hbm>>
        %dma_wait3A_154 = arith.constant 0 : i32
        %dma_wait3A_155 = tpu.memref_slice %arg3[%add3A_104, %dma_wait3A_154] : memref<5120x64xi32, #tpu.memory_space<hbm>> -> memref<32x64xi32, #tpu.memory_space<hbm>>
        tpu.wait_dma2 semaphore(%run_scoped3A_147 : memref<!tpu.dma_semaphore, #tpu.memory_space<semaphore_mem>>) src(%dma_wait3A_155 : memref<32x64xi32, #tpu.memory_space<hbm>>) dst(%arg7 : memref<32x64xi32, #tpu.memory_space<vmem>>)
        tpu.yield
      }) : () -> ()
      "tpu.region"() ({
        %run_scoped3A_147 = tpu.sem_alloc : memref<!tpu.dma_semaphore, #tpu.memory_space<semaphore_mem>>
        %dma_start3A_148 = arith.constant 0 : i32
        %dma_start3A_149 = tpu.memref_slice %arg4[%add3A_104, %dma_start3A_148] : memref<5120x64xi32, #tpu.memory_space<hbm>> -> memref<32x64xi32, #tpu.memory_space<hbm>>
        %dma_start3A_150 = arith.constant 0 : i32
        %dma_start3A_151 = tpu.memref_slice %arg4[%add3A_104, %dma_start3A_150] : memref<5120x64xi32, #tpu.memory_space<hbm>> -> memref<32x64xi32, #tpu.memory_space<hbm>>
        tpu.enqueue_dma source(%dma_start3A_151 : memref<32x64xi32, #tpu.memory_space<hbm>>) target(%arg8 : memref<32x64xi32, #tpu.memory_space<vmem>>) target_semaphore(%run_scoped3A_147 : memref<!tpu.dma_semaphore, #tpu.memory_space<semaphore_mem>>)
        %dma_wait3A_152 = arith.constant 0 : i32
        %dma_wait3A_153 = tpu.memref_slice %arg4[%add3A_104, %dma_wait3A_152] : memref<5120x64xi32, #tpu.memory_space<hbm>> -> memref<32x64xi32, #tpu.memory_space<hbm>>
        %dma_wait3A_154 = arith.constant 0 : i32
        %dma_wait3A_155 = tpu.memref_slice %arg4[%add3A_104, %dma_wait3A_154] : memref<5120x64xi32, #tpu.memory_space<hbm>> -> memref<32x64xi32, #tpu.memory_space<hbm>>
        tpu.wait_dma2 semaphore(%run_scoped3A_147 : memref<!tpu.dma_semaphore, #tpu.memory_space<semaphore_mem>>) src(%dma_wait3A_155 : memref<32x64xi32, #tpu.memory_space<hbm>>) dst(%arg8 : memref<32x64xi32, #tpu.memory_space<vmem>>)
        tpu.yield
      }) : () -> ()
      %dma_start3A_105 = arith.constant 0 : i32
      %dma_start3A_106 = arith.constant 0 : i32
      %dma_start3A_107 = tpu.memref_slice %arg7[%dma_start3A_105, %dma_start3A_106] : memref<32x64xi32, #tpu.memory_space<vmem>> -> memref<1x64xi32, #tpu.memory_space<vmem>>
      %dma_start3A_108 = tpu.memref_squeeze %dma_start3A_107 : memref<1x64xi32, #tpu.memory_space<vmem>> -> memref<64xi32, #tpu.memory_space<vmem>>
      %dma_start3A_109 = arith.constant 0 : i32
      %dma_start3A_110 = arith.constant 0 : i32
      %dma_start3A_111 = tpu.memref_slice %arg2[%dma_start3A_109, %dma_start3A_110] : memref<20000x128xf32, #tpu.memory_space<hbm>> -> memref<20000x128xf32, #tpu.memory_space<hbm>>
      tpu.enqueue_indirect_dma source(%dma_start3A_111 : memref<20000x128xf32, #tpu.memory_space<hbm>>) target(%arg9 : memref<64x128xf32, #tpu.memory_space<vmem>>) offsets(%dma_start3A_108 : memref<64xi32, #tpu.memory_space<vmem>>) semaphore(%arg12 : memref<!tpu.dma_semaphore, #tpu.memory_space<semaphore_mem>>)
      %dma_start3A_112 = arith.constant 1 : i32
      %dma_start3A_113 = arith.constant 0 : i32
      %dma_start3A_114 = tpu.memref_slice %arg7[%dma_start3A_112, %dma_start3A_113] : memref<32x64xi32, #tpu.memory_space<vmem>> -> memref<1x64xi32, #tpu.memory_space<vmem>>
      %dma_start3A_115 = tpu.memref_squeeze %dma_start3A_114 : memref<1x64xi32, #tpu.memory_space<vmem>> -> memref<64xi32, #tpu.memory_space<vmem>>
      %dma_start3A_116 = arith.constant 0 : i32
      %dma_start3A_117 = arith.constant 0 : i32
      %dma_start3A_118 = tpu.memref_slice %arg2[%dma_start3A_116, %dma_start3A_117] : memref<20000x128xf32, #tpu.memory_space<hbm>> -> memref<20000x128xf32, #tpu.memory_space<hbm>>
      tpu.enqueue_indirect_dma source(%dma_start3A_118 : memref<20000x128xf32, #tpu.memory_space<hbm>>) target(%arg10 : memref<64x128xf32, #tpu.memory_space<vmem>>) offsets(%dma_start3A_115 : memref<64xi32, #tpu.memory_space<vmem>>) semaphore(%arg13 : memref<!tpu.dma_semaphore, #tpu.memory_space<semaphore_mem>>)
      %scan3A_119 = arith.constant 0 : i32
      %scan3A_120 = arith.constant 10 : i32
      %scan3A_121 = arith.addi %scan3A_119, %scan3A_120 : i32
      %scan3A_122 = arith.constant 1 : i32
      scf.for %scan3A_147 = %scan3A_119 to %scan3A_121 step %scan3A_122  : i32 {
        %mul3A_148 = arith.constant 3 : i32
        %mul3A_149 = arith.muli %scan3A_147, %mul3A_148 : i32
        %add3A_150 = arith.constant 0 : i32
        %add3A_151 = arith.addi %add3A_150, %mul3A_149 : i32
        %add3A_152 = arith.constant 0 : i32
        %add3A_153 = arith.addi %add3A_151, %add3A_152 : i32
        %dma_wait3A_154 = arith.constant 0 : i32
        %dma_wait3A_155 = tpu.memref_slice %arg7[%add3A_153, %dma_wait3A_154] : memref<32x64xi32, #tpu.memory_space<vmem>> -> memref<1x64xi32, #tpu.memory_space<vmem>>
        %dma_wait3A_156 = tpu.memref_squeeze %dma_wait3A_155 : memref<1x64xi32, #tpu.memory_space<vmem>> -> memref<64xi32, #tpu.memory_space<vmem>>
        %dma_wait3A_157 = arith.constant 0 : i32
        %dma_wait3A_158 = arith.constant 0 : i32
        %dma_wait3A_159 = tpu.memref_slice %arg2[%dma_wait3A_157, %dma_wait3A_158] : memref<20000x128xf32, #tpu.memory_space<hbm>> -> memref<20000x128xf32, #tpu.memory_space<hbm>>
        tpu.wait_indirect_dma semaphore(%arg12 : memref<!tpu.dma_semaphore, #tpu.memory_space<semaphore_mem>>) src(%dma_wait3A_159 : memref<20000x128xf32, #tpu.memory_space<hbm>>) dst(%arg9 : memref<64x128xf32, #tpu.memory_space<vmem>>)
        %dma_start3A_160 = arith.constant 0 : i32
        %dma_start3A_161 = tpu.memref_slice %arg8[%add3A_153, %dma_start3A_160] : memref<32x64xi32, #tpu.memory_space<vmem>> -> memref<1x64xi32, #tpu.memory_space<vmem>>
        %dma_start3A_162 = tpu.memref_squeeze %dma_start3A_161 : memref<1x64xi32, #tpu.memory_space<vmem>> -> memref<64xi32, #tpu.memory_space<vmem>>
        %dma_start3A_163 = arith.constant 0 : i32
        %dma_start3A_164 = arith.constant 0 : i32
        %dma_start3A_165 = tpu.memref_slice %arg18[%dma_start3A_163, %dma_start3A_164] : memref<10240x128xf32, #tpu.memory_space<vmem_shared>> -> memref<10240x128xf32, #tpu.memory_space<vmem_shared>>
        tpu.enqueue_indirect_dma source(%arg9 : memref<64x128xf32, #tpu.memory_space<vmem>>) target(%dma_start3A_165 : memref<10240x128xf32, #tpu.memory_space<vmem_shared>>) offsets(%dma_start3A_162 : memref<64xi32, #tpu.memory_space<vmem>>) semaphore(%arg15 : memref<!tpu.dma_semaphore, #tpu.memory_space<semaphore_mem>>) {add = true}
        %ge3A = arith.constant 1 : i32
        %ge3A_166 = arith.cmpi sge, %add3A_153, %ge3A : i32
        %convert_element_type3A_167 = arith.extui %ge3A_166 : i1 to i32
        %cond3A_168 = arith.constant 0 : i32
        %cond3A_169 = arith.cmpi ne, %convert_element_type3A_167, %cond3A_168 : i32
        scf.if %cond3A_169 {
          %dma_wait3A_232 = arith.constant 0 : i32
          %dma_wait3A_233 = arith.constant 0 : i32
          %dma_wait3A_234 = tpu.memref_slice %arg8[%dma_wait3A_232, %dma_wait3A_233] : memref<32x64xi32, #tpu.memory_space<vmem>> -> memref<1x64xi32, #tpu.memory_space<vmem>>
          %dma_wait3A_235 = tpu.memref_squeeze %dma_wait3A_234 : memref<1x64xi32, #tpu.memory_space<vmem>> -> memref<64xi32, #tpu.memory_space<vmem>>
          %dma_wait3A_236 = arith.constant 0 : i32
          %dma_wait3A_237 = arith.constant 0 : i32
          %dma_wait3A_238 = tpu.memref_slice %arg18[%dma_wait3A_236, %dma_wait3A_237] : memref<10240x128xf32, #tpu.memory_space<vmem_shared>> -> memref<10240x128xf32, #tpu.memory_space<vmem_shared>>
          tpu.wait_indirect_dma semaphore(%arg17 : memref<!tpu.dma_semaphore, #tpu.memory_space<semaphore_mem>>) src(%arg11 : memref<64x128xf32, #tpu.memory_space<vmem>>) dst(%dma_wait3A_238 : memref<10240x128xf32, #tpu.memory_space<vmem_shared>>)
        } else {
        }
        %add3A_170 = arith.constant 2 : i32
        %add3A_171 = arith.addi %add3A_153, %add3A_170 : i32
        %dma_start3A_172 = arith.constant 0 : i32
        %dma_start3A_173 = tpu.memref_slice %arg7[%add3A_171, %dma_start3A_172] : memref<32x64xi32, #tpu.memory_space<vmem>> -> memref<1x64xi32, #tpu.memory_space<vmem>>
        %dma_start3A_174 = tpu.memref_squeeze %dma_start3A_173 : memref<1x64xi32, #tpu.memory_space<vmem>> -> memref<64xi32, #tpu.memory_space<vmem>>
        %dma_start3A_175 = arith.constant 0 : i32
        %dma_start3A_176 = arith.constant 0 : i32
        %dma_start3A_177 = tpu.memref_slice %arg2[%dma_start3A_175, %dma_start3A_176] : memref<20000x128xf32, #tpu.memory_space<hbm>> -> memref<20000x128xf32, #tpu.memory_space<hbm>>
        tpu.enqueue_indirect_dma source(%dma_start3A_177 : memref<20000x128xf32, #tpu.memory_space<hbm>>) target(%arg11 : memref<64x128xf32, #tpu.memory_space<vmem>>) offsets(%dma_start3A_174 : memref<64xi32, #tpu.memory_space<vmem>>) semaphore(%arg14 : memref<!tpu.dma_semaphore, #tpu.memory_space<semaphore_mem>>)
        %add3A_178 = arith.constant 1 : i32
        %add3A_179 = arith.addi %add3A_151, %add3A_178 : i32
        %dma_wait3A_180 = arith.constant 0 : i32
        %dma_wait3A_181 = tpu.memref_slice %arg7[%add3A_179, %dma_wait3A_180] : memref<32x64xi32, #tpu.memory_space<vmem>> -> memref<1x64xi32, #tpu.memory_space<vmem>>
        %dma_wait3A_182 = tpu.memref_squeeze %dma_wait3A_181 : memref<1x64xi32, #tpu.memory_space<vmem>> -> memref<64xi32, #tpu.memory_space<vmem>>
        %dma_wait3A_183 = arith.constant 0 : i32
        %dma_wait3A_184 = arith.constant 0 : i32
        %dma_wait3A_185 = tpu.memref_slice %arg2[%dma_wait3A_183, %dma_wait3A_184] : memref<20000x128xf32, #tpu.memory_space<hbm>> -> memref<20000x128xf32, #tpu.memory_space<hbm>>
        tpu.wait_indirect_dma semaphore(%arg13 : memref<!tpu.dma_semaphore, #tpu.memory_space<semaphore_mem>>) src(%dma_wait3A_185 : memref<20000x128xf32, #tpu.memory_space<hbm>>) dst(%arg10 : memref<64x128xf32, #tpu.memory_space<vmem>>)
        %dma_start3A_186 = arith.constant 0 : i32
        %dma_start3A_187 = tpu.memref_slice %arg8[%add3A_179, %dma_start3A_186] : memref<32x64xi32, #tpu.memory_space<vmem>> -> memref<1x64xi32, #tpu.memory_space<vmem>>
        %dma_start3A_188 = tpu.memref_squeeze %dma_start3A_187 : memref<1x64xi32, #tpu.memory_space<vmem>> -> memref<64xi32, #tpu.memory_space<vmem>>
        %dma_start3A_189 = arith.constant 0 : i32
        %dma_start3A_190 = arith.constant 0 : i32
        %dma_start3A_191 = tpu.memref_slice %arg18[%dma_start3A_189, %dma_start3A_190] : memref<10240x128xf32, #tpu.memory_space<vmem_shared>> -> memref<10240x128xf32, #tpu.memory_space<vmem_shared>>
        tpu.enqueue_indirect_dma source(%arg10 : memref<64x128xf32, #tpu.memory_space<vmem>>) target(%dma_start3A_191 : memref<10240x128xf32, #tpu.memory_space<vmem_shared>>) offsets(%dma_start3A_188 : memref<64xi32, #tpu.memory_space<vmem>>) semaphore(%arg16 : memref<!tpu.dma_semaphore, #tpu.memory_space<semaphore_mem>>) {add = true}
        %ge3A_192 = arith.constant 1 : i32
        %ge3A_193 = arith.cmpi sge, %add3A_179, %ge3A_192 : i32
        %convert_element_type3A_194 = arith.extui %ge3A_193 : i1 to i32
        %cond3A_195 = arith.constant 0 : i32
        %cond3A_196 = arith.cmpi ne, %convert_element_type3A_194, %cond3A_195 : i32
        scf.if %cond3A_196 {
          %dma_wait3A_232 = arith.constant 0 : i32
          %dma_wait3A_233 = arith.constant 0 : i32
          %dma_wait3A_234 = tpu.memref_slice %arg8[%dma_wait3A_232, %dma_wait3A_233] : memref<32x64xi32, #tpu.memory_space<vmem>> -> memref<1x64xi32, #tpu.memory_space<vmem>>
          %dma_wait3A_235 = tpu.memref_squeeze %dma_wait3A_234 : memref<1x64xi32, #tpu.memory_space<vmem>> -> memref<64xi32, #tpu.memory_space<vmem>>
          %dma_wait3A_236 = arith.constant 0 : i32
          %dma_wait3A_237 = arith.constant 0 : i32
          %dma_wait3A_238 = tpu.memref_slice %arg18[%dma_wait3A_236, %dma_wait3A_237] : memref<10240x128xf32, #tpu.memory_space<vmem_shared>> -> memref<10240x128xf32, #tpu.memory_space<vmem_shared>>
          tpu.wait_indirect_dma semaphore(%arg15 : memref<!tpu.dma_semaphore, #tpu.memory_space<semaphore_mem>>) src(%arg9 : memref<64x128xf32, #tpu.memory_space<vmem>>) dst(%dma_wait3A_238 : memref<10240x128xf32, #tpu.memory_space<vmem_shared>>)
        } else {
        }
        %add3A_197 = arith.constant 2 : i32
        %add3A_198 = arith.addi %add3A_179, %add3A_197 : i32
        %dma_start3A_199 = arith.constant 0 : i32
        %dma_start3A_200 = tpu.memref_slice %arg7[%add3A_198, %dma_start3A_199] : memref<32x64xi32, #tpu.memory_space<vmem>> -> memref<1x64xi32, #tpu.memory_space<vmem>>
        %dma_start3A_201 = tpu.memref_squeeze %dma_start3A_200 : memref<1x64xi32, #tpu.memory_space<vmem>> -> memref<64xi32, #tpu.memory_space<vmem>>
        %dma_start3A_202 = arith.constant 0 : i32
        %dma_start3A_203 = arith.constant 0 : i32
        %dma_start3A_204 = tpu.memref_slice %arg2[%dma_start3A_202, %dma_start3A_203] : memref<20000x128xf32, #tpu.memory_space<hbm>> -> memref<20000x128xf32, #tpu.memory_space<hbm>>
        tpu.enqueue_indirect_dma source(%dma_start3A_204 : memref<20000x128xf32, #tpu.memory_space<hbm>>) target(%arg9 : memref<64x128xf32, #tpu.memory_space<vmem>>) offsets(%dma_start3A_201 : memref<64xi32, #tpu.memory_space<vmem>>) semaphore(%arg12 : memref<!tpu.dma_semaphore, #tpu.memory_space<semaphore_mem>>)
        %add3A_205 = arith.constant 2 : i32
        %add3A_206 = arith.addi %add3A_151, %add3A_205 : i32
        %dma_wait3A_207 = arith.constant 0 : i32
        %dma_wait3A_208 = tpu.memref_slice %arg7[%add3A_206, %dma_wait3A_207] : memref<32x64xi32, #tpu.memory_space<vmem>> -> memref<1x64xi32, #tpu.memory_space<vmem>>
        %dma_wait3A_209 = tpu.memref_squeeze %dma_wait3A_208 : memref<1x64xi32, #tpu.memory_space<vmem>> -> memref<64xi32, #tpu.memory_space<vmem>>
        %dma_wait3A_210 = arith.constant 0 : i32
        %dma_wait3A_211 = arith.constant 0 : i32
        %dma_wait3A_212 = tpu.memref_slice %arg2[%dma_wait3A_210, %dma_wait3A_211] : memref<20000x128xf32, #tpu.memory_space<hbm>> -> memref<20000x128xf32, #tpu.memory_space<hbm>>
        tpu.wait_indirect_dma semaphore(%arg14 : memref<!tpu.dma_semaphore, #tpu.memory_space<semaphore_mem>>) src(%dma_wait3A_212 : memref<20000x128xf32, #tpu.memory_space<hbm>>) dst(%arg11 : memref<64x128xf32, #tpu.memory_space<vmem>>)
        %dma_start3A_213 = arith.constant 0 : i32
        %dma_start3A_214 = tpu.memref_slice %arg8[%add3A_206, %dma_start3A_213] : memref<32x64xi32, #tpu.memory_space<vmem>> -> memref<1x64xi32, #tpu.memory_space<vmem>>
        %dma_start3A_215 = tpu.memref_squeeze %dma_start3A_214 : memref<1x64xi32, #tpu.memory_space<vmem>> -> memref<64xi32, #tpu.memory_space<vmem>>
        %dma_start3A_216 = arith.constant 0 : i32
        %dma_start3A_217 = arith.constant 0 : i32
        %dma_start3A_218 = tpu.memref_slice %arg18[%dma_start3A_216, %dma_start3A_217] : memref<10240x128xf32, #tpu.memory_space<vmem_shared>> -> memref<10240x128xf32, #tpu.memory_space<vmem_shared>>
        tpu.enqueue_indirect_dma source(%arg11 : memref<64x128xf32, #tpu.memory_space<vmem>>) target(%dma_start3A_218 : memref<10240x128xf32, #tpu.memory_space<vmem_shared>>) offsets(%dma_start3A_215 : memref<64xi32, #tpu.memory_space<vmem>>) semaphore(%arg17 : memref<!tpu.dma_semaphore, #tpu.memory_space<semaphore_mem>>) {add = true}
        %ge3A_219 = arith.constant 1 : i32
        %ge3A_220 = arith.cmpi sge, %add3A_206, %ge3A_219 : i32
        %convert_element_type3A_221 = arith.extui %ge3A_220 : i1 to i32
        %cond3A_222 = arith.constant 0 : i32
        %cond3A_223 = arith.cmpi ne, %convert_element_type3A_221, %cond3A_222 : i32
        scf.if %cond3A_223 {
          %dma_wait3A_232 = arith.constant 0 : i32
          %dma_wait3A_233 = arith.constant 0 : i32
          %dma_wait3A_234 = tpu.memref_slice %arg8[%dma_wait3A_232, %dma_wait3A_233] : memref<32x64xi32, #tpu.memory_space<vmem>> -> memref<1x64xi32, #tpu.memory_space<vmem>>
          %dma_wait3A_235 = tpu.memref_squeeze %dma_wait3A_234 : memref<1x64xi32, #tpu.memory_space<vmem>> -> memref<64xi32, #tpu.memory_space<vmem>>
          %dma_wait3A_236 = arith.constant 0 : i32
          %dma_wait3A_237 = arith.constant 0 : i32
          %dma_wait3A_238 = tpu.memref_slice %arg18[%dma_wait3A_236, %dma_wait3A_237] : memref<10240x128xf32, #tpu.memory_space<vmem_shared>> -> memref<10240x128xf32, #tpu.memory_space<vmem_shared>>
          tpu.wait_indirect_dma semaphore(%arg16 : memref<!tpu.dma_semaphore, #tpu.memory_space<semaphore_mem>>) src(%arg10 : memref<64x128xf32, #tpu.memory_space<vmem>>) dst(%dma_wait3A_238 : memref<10240x128xf32, #tpu.memory_space<vmem_shared>>)
        } else {
        }
        %add3A_224 = arith.constant 2 : i32
        %add3A_225 = arith.addi %add3A_206, %add3A_224 : i32
        %dma_start3A_226 = arith.constant 0 : i32
        %dma_start3A_227 = tpu.memref_slice %arg7[%add3A_225, %dma_start3A_226] : memref<32x64xi32, #tpu.memory_space<vmem>> -> memref<1x64xi32, #tpu.memory_space<vmem>>
        %dma_start3A_228 = tpu.memref_squeeze %dma_start3A_227 : memref<1x64xi32, #tpu.memory_space<vmem>> -> memref<64xi32, #tpu.memory_space<vmem>>
        %dma_start3A_229 = arith.constant 0 : i32
        %dma_start3A_230 = arith.constant 0 : i32
        %dma_start3A_231 = tpu.memref_slice %arg2[%dma_start3A_229, %dma_start3A_230] : memref<20000x128xf32, #tpu.memory_space<hbm>> -> memref<20000x128xf32, #tpu.memory_space<hbm>>
        tpu.enqueue_indirect_dma source(%dma_start3A_231 : memref<20000x128xf32, #tpu.memory_space<hbm>>) target(%arg10 : memref<64x128xf32, #tpu.memory_space<vmem>>) offsets(%dma_start3A_228 : memref<64xi32, #tpu.memory_space<vmem>>) semaphore(%arg13 : memref<!tpu.dma_semaphore, #tpu.memory_space<semaphore_mem>>)
      }
      %scan3A_123 = arith.constant 10 : i32
      %dma_wait3A_124 = arith.constant 30 : i32
      %dma_wait3A_125 = arith.constant 0 : i32
      %dma_wait3A_126 = tpu.memref_slice %arg7[%dma_wait3A_124, %dma_wait3A_125] : memref<32x64xi32, #tpu.memory_space<vmem>> -> memref<1x64xi32, #tpu.memory_space<vmem>>
      %dma_wait3A_127 = tpu.memref_squeeze %dma_wait3A_126 : memref<1x64xi32, #tpu.memory_space<vmem>> -> memref<64xi32, #tpu.memory_space<vmem>>
      %dma_wait3A_128 = arith.constant 0 : i32
      %dma_wait3A_129 = arith.constant 0 : i32
      %dma_wait3A_130 = tpu.memref_slice %arg2[%dma_wait3A_128, %dma_wait3A_129] : memref<20000x128xf32, #tpu.memory_space<hbm>> -> memref<20000x128xf32, #tpu.memory_space<hbm>>
      tpu.wait_indirect_dma semaphore(%arg12 : memref<!tpu.dma_semaphore, #tpu.memory_space<semaphore_mem>>) src(%dma_wait3A_130 : memref<20000x128xf32, #tpu.memory_space<hbm>>) dst(%arg9 : memref<64x128xf32, #tpu.memory_space<vmem>>)
      %run_scoped3A_131 = arith.constant 30 : i32
      "tpu.region"() ({
        %run_scoped3A_147 = tpu.sem_alloc : memref<!tpu.dma_semaphore, #tpu.memory_space<semaphore_mem>>
        %dma_start3A_148 = arith.constant 0 : i32
        %dma_start3A_149 = tpu.memref_slice %arg8[%run_scoped3A_131, %dma_start3A_148] : memref<32x64xi32, #tpu.memory_space<vmem>> -> memref<1x64xi32, #tpu.memory_space<vmem>>
        %dma_start3A_150 = tpu.memref_squeeze %dma_start3A_149 : memref<1x64xi32, #tpu.memory_space<vmem>> -> memref<64xi32, #tpu.memory_space<vmem>>
        %dma_start3A_151 = arith.constant 0 : i32
        %dma_start3A_152 = arith.constant 0 : i32
        %dma_start3A_153 = tpu.memref_slice %arg18[%dma_start3A_151, %dma_start3A_152] : memref<10240x128xf32, #tpu.memory_space<vmem_shared>> -> memref<10240x128xf32, #tpu.memory_space<vmem_shared>>
        tpu.enqueue_indirect_dma source(%arg9 : memref<64x128xf32, #tpu.memory_space<vmem>>) target(%dma_start3A_153 : memref<10240x128xf32, #tpu.memory_space<vmem_shared>>) offsets(%dma_start3A_150 : memref<64xi32, #tpu.memory_space<vmem>>) semaphore(%run_scoped3A_147 : memref<!tpu.dma_semaphore, #tpu.memory_space<semaphore_mem>>) {add = true}
        %dma_wait3A_154 = arith.constant 0 : i32
        %dma_wait3A_155 = tpu.memref_slice %arg8[%run_scoped3A_131, %dma_wait3A_154] : memref<32x64xi32, #tpu.memory_space<vmem>> -> memref<1x64xi32, #tpu.memory_space<vmem>>
        %dma_wait3A_156 = tpu.memref_squeeze %dma_wait3A_155 : memref<1x64xi32, #tpu.memory_space<vmem>> -> memref<64xi32, #tpu.memory_space<vmem>>
        %dma_wait3A_157 = arith.constant 0 : i32
        %dma_wait3A_158 = arith.constant 0 : i32
        %dma_wait3A_159 = tpu.memref_slice %arg18[%dma_wait3A_157, %dma_wait3A_158] : memref<10240x128xf32, #tpu.memory_space<vmem_shared>> -> memref<10240x128xf32, #tpu.memory_space<vmem_shared>>
        tpu.wait_indirect_dma semaphore(%run_scoped3A_147 : memref<!tpu.dma_semaphore, #tpu.memory_space<semaphore_mem>>) src(%arg9 : memref<64x128xf32, #tpu.memory_space<vmem>>) dst(%dma_wait3A_159 : memref<10240x128xf32, #tpu.memory_space<vmem_shared>>)
        tpu.yield
      }) : () -> ()
      %dma_wait3A_132 = arith.constant 31 : i32
      %dma_wait3A_133 = arith.constant 0 : i32
      %dma_wait3A_134 = tpu.memref_slice %arg7[%dma_wait3A_132, %dma_wait3A_133] : memref<32x64xi32, #tpu.memory_space<vmem>> -> memref<1x64xi32, #tpu.memory_space<vmem>>
      %dma_wait3A_135 = tpu.memref_squeeze %dma_wait3A_134 : memref<1x64xi32, #tpu.memory_space<vmem>> -> memref<64xi32, #tpu.memory_space<vmem>>
      %dma_wait3A_136 = arith.constant 0 : i32
      %dma_wait3A_137 = arith.constant 0 : i32
      %dma_wait3A_138 = tpu.memref_slice %arg2[%dma_wait3A_136, %dma_wait3A_137] : memref<20000x128xf32, #tpu.memory_space<hbm>> -> memref<20000x128xf32, #tpu.memory_space<hbm>>
      tpu.wait_indirect_dma semaphore(%arg13 : memref<!tpu.dma_semaphore, #tpu.memory_space<semaphore_mem>>) src(%dma_wait3A_138 : memref<20000x128xf32, #tpu.memory_space<hbm>>) dst(%arg10 : memref<64x128xf32, #tpu.memory_space<vmem>>)
      %run_scoped3A_139 = arith.constant 31 : i32
      "tpu.region"() ({
        %run_scoped3A_147 = tpu.sem_alloc : memref<!tpu.dma_semaphore, #tpu.memory_space<semaphore_mem>>
        %dma_start3A_148 = arith.constant 0 : i32
        %dma_start3A_149 = tpu.memref_slice %arg8[%run_scoped3A_139, %dma_start3A_148] : memref<32x64xi32, #tpu.memory_space<vmem>> -> memref<1x64xi32, #tpu.memory_space<vmem>>
        %dma_start3A_150 = tpu.memref_squeeze %dma_start3A_149 : memref<1x64xi32, #tpu.memory_space<vmem>> -> memref<64xi32, #tpu.memory_space<vmem>>
        %dma_start3A_151 = arith.constant 0 : i32
        %dma_start3A_152 = arith.constant 0 : i32
        %dma_start3A_153 = tpu.memref_slice %arg18[%dma_start3A_151, %dma_start3A_152] : memref<10240x128xf32, #tpu.memory_space<vmem_shared>> -> memref<10240x128xf32, #tpu.memory_space<vmem_shared>>
        tpu.enqueue_indirect_dma source(%arg10 : memref<64x128xf32, #tpu.memory_space<vmem>>) target(%dma_start3A_153 : memref<10240x128xf32, #tpu.memory_space<vmem_shared>>) offsets(%dma_start3A_150 : memref<64xi32, #tpu.memory_space<vmem>>) semaphore(%run_scoped3A_147 : memref<!tpu.dma_semaphore, #tpu.memory_space<semaphore_mem>>) {add = true}
        %dma_wait3A_154 = arith.constant 0 : i32
        %dma_wait3A_155 = tpu.memref_slice %arg8[%run_scoped3A_139, %dma_wait3A_154] : memref<32x64xi32, #tpu.memory_space<vmem>> -> memref<1x64xi32, #tpu.memory_space<vmem>>
        %dma_wait3A_156 = tpu.memref_squeeze %dma_wait3A_155 : memref<1x64xi32, #tpu.memory_space<vmem>> -> memref<64xi32, #tpu.memory_space<vmem>>
        %dma_wait3A_157 = arith.constant 0 : i32
        %dma_wait3A_158 = arith.constant 0 : i32
        %dma_wait3A_159 = tpu.memref_slice %arg18[%dma_wait3A_157, %dma_wait3A_158] : memref<10240x128xf32, #tpu.memory_space<vmem_shared>> -> memref<10240x128xf32, #tpu.memory_space<vmem_shared>>
        tpu.wait_indirect_dma semaphore(%run_scoped3A_147 : memref<!tpu.dma_semaphore, #tpu.memory_space<semaphore_mem>>) src(%arg10 : memref<64x128xf32, #tpu.memory_space<vmem>>) dst(%dma_wait3A_159 : memref<10240x128xf32, #tpu.memory_space<vmem_shared>>)
        tpu.yield
      }) : () -> ()
      %dma_wait3A_140 = arith.constant 0 : i32
      %dma_wait3A_141 = arith.constant 0 : i32
      %dma_wait3A_142 = tpu.memref_slice %arg8[%dma_wait3A_140, %dma_wait3A_141] : memref<32x64xi32, #tpu.memory_space<vmem>> -> memref<1x64xi32, #tpu.memory_space<vmem>>
      %dma_wait3A_143 = tpu.memref_squeeze %dma_wait3A_142 : memref<1x64xi32, #tpu.memory_space<vmem>> -> memref<64xi32, #tpu.memory_space<vmem>>
      %dma_wait3A_144 = arith.constant 0 : i32
      %dma_wait3A_145 = arith.constant 0 : i32
      %dma_wait3A_146 = tpu.memref_slice %arg18[%dma_wait3A_144, %dma_wait3A_145] : memref<10240x128xf32, #tpu.memory_space<vmem_shared>> -> memref<10240x128xf32, #tpu.memory_space<vmem_shared>>
      tpu.wait_indirect_dma semaphore(%arg17 : memref<!tpu.dma_semaphore, #tpu.memory_space<semaphore_mem>>) src(%arg11 : memref<64x128xf32, #tpu.memory_space<vmem>>) dst(%dma_wait3A_146 : memref<10240x128xf32, #tpu.memory_space<vmem_shared>>)
    }
    %scan3A_47 = arith.constant 3 : i32
    %add3A_48 = arith.constant 128 : i32
    %add3A_49 = arith.addi %mul3A_2, %add3A_48 : i32
    "tpu.region"() ({
      %run_scoped3A_97 = tpu.sem_alloc : memref<!tpu.dma_semaphore, #tpu.memory_space<semaphore_mem>>
      %dma_start3A_98 = arith.constant 0 : i32
      %dma_start3A_99 = tpu.memref_slice %arg3[%add3A_49, %dma_start3A_98] : memref<5120x64xi32, #tpu.memory_space<hbm>> -> memref<32x64xi32, #tpu.memory_space<hbm>>
      %dma_start3A_100 = arith.constant 0 : i32
      %dma_start3A_101 = tpu.memref_slice %arg3[%add3A_49, %dma_start3A_100] : memref<5120x64xi32, #tpu.memory_space<hbm>> -> memref<32x64xi32, #tpu.memory_space<hbm>>
      tpu.enqueue_dma source(%dma_start3A_101 : memref<32x64xi32, #tpu.memory_space<hbm>>) target(%arg7 : memref<32x64xi32, #tpu.memory_space<vmem>>) target_semaphore(%run_scoped3A_97 : memref<!tpu.dma_semaphore, #tpu.memory_space<semaphore_mem>>)
      %dma_wait3A_102 = arith.constant 0 : i32
      %dma_wait3A_103 = tpu.memref_slice %arg3[%add3A_49, %dma_wait3A_102] : memref<5120x64xi32, #tpu.memory_space<hbm>> -> memref<32x64xi32, #tpu.memory_space<hbm>>
      %dma_wait3A_104 = arith.constant 0 : i32
      %dma_wait3A_105 = tpu.memref_slice %arg3[%add3A_49, %dma_wait3A_104] : memref<5120x64xi32, #tpu.memory_space<hbm>> -> memref<32x64xi32, #tpu.memory_space<hbm>>
      tpu.wait_dma2 semaphore(%run_scoped3A_97 : memref<!tpu.dma_semaphore, #tpu.memory_space<semaphore_mem>>) src(%dma_wait3A_105 : memref<32x64xi32, #tpu.memory_space<hbm>>) dst(%arg7 : memref<32x64xi32, #tpu.memory_space<vmem>>)
      tpu.yield
    }) : () -> ()
    "tpu.region"() ({
      %run_scoped3A_97 = tpu.sem_alloc : memref<!tpu.dma_semaphore, #tpu.memory_space<semaphore_mem>>
      %dma_start3A_98 = arith.constant 0 : i32
      %dma_start3A_99 = tpu.memref_slice %arg4[%add3A_49, %dma_start3A_98] : memref<5120x64xi32, #tpu.memory_space<hbm>> -> memref<32x64xi32, #tpu.memory_space<hbm>>
      %dma_start3A_100 = arith.constant 0 : i32
      %dma_start3A_101 = tpu.memref_slice %arg4[%add3A_49, %dma_start3A_100] : memref<5120x64xi32, #tpu.memory_space<hbm>> -> memref<32x64xi32, #tpu.memory_space<hbm>>
      tpu.enqueue_dma source(%dma_start3A_101 : memref<32x64xi32, #tpu.memory_space<hbm>>) target(%arg8 : memref<32x64xi32, #tpu.memory_space<vmem>>) target_semaphore(%run_scoped3A_97 : memref<!tpu.dma_semaphore, #tpu.memory_space<semaphore_mem>>)
      %dma_wait3A_102 = arith.constant 0 : i32
      %dma_wait3A_103 = tpu.memref_slice %arg4[%add3A_49, %dma_wait3A_102] : memref<5120x64xi32, #tpu.memory_space<hbm>> -> memref<32x64xi32, #tpu.memory_space<hbm>>
      %dma_wait3A_104 = arith.constant 0 : i32
      %dma_wait3A_105 = tpu.memref_slice %arg4[%add3A_49, %dma_wait3A_104] : memref<5120x64xi32, #tpu.memory_space<hbm>> -> memref<32x64xi32, #tpu.memory_space<hbm>>
      tpu.wait_dma2 semaphore(%run_scoped3A_97 : memref<!tpu.dma_semaphore, #tpu.memory_space<semaphore_mem>>) src(%dma_wait3A_105 : memref<32x64xi32, #tpu.memory_space<hbm>>) dst(%arg8 : memref<32x64xi32, #tpu.memory_space<vmem>>)
      tpu.yield
    }) : () -> ()
    %dma_start3A_50 = arith.constant 0 : i32
    %dma_start3A_51 = arith.constant 0 : i32
    %dma_start3A_52 = tpu.memref_slice %arg7[%dma_start3A_50, %dma_start3A_51] : memref<32x64xi32, #tpu.memory_space<vmem>> -> memref<1x64xi32, #tpu.memory_space<vmem>>
    %dma_start3A_53 = tpu.memref_squeeze %dma_start3A_52 : memref<1x64xi32, #tpu.memory_space<vmem>> -> memref<64xi32, #tpu.memory_space<vmem>>
    %dma_start3A_54 = arith.constant 0 : i32
    %dma_start3A_55 = arith.constant 0 : i32
    %dma_start3A_56 = tpu.memref_slice %arg2[%dma_start3A_54, %dma_start3A_55] : memref<20000x128xf32, #tpu.memory_space<hbm>> -> memref<20000x128xf32, #tpu.memory_space<hbm>>
    tpu.enqueue_indirect_dma source(%dma_start3A_56 : memref<20000x128xf32, #tpu.memory_space<hbm>>) target(%arg9 : memref<64x128xf32, #tpu.memory_space<vmem>>) offsets(%dma_start3A_53 : memref<64xi32, #tpu.memory_space<vmem>>) semaphore(%arg12 : memref<!tpu.dma_semaphore, #tpu.memory_space<semaphore_mem>>)
    %dma_start3A_57 = arith.constant 1 : i32
    %dma_start3A_58 = arith.constant 0 : i32
    %dma_start3A_59 = tpu.memref_slice %arg7[%dma_start3A_57, %dma_start3A_58] : memref<32x64xi32, #tpu.memory_space<vmem>> -> memref<1x64xi32, #tpu.memory_space<vmem>>
    %dma_start3A_60 = tpu.memref_squeeze %dma_start3A_59 : memref<1x64xi32, #tpu.memory_space<vmem>> -> memref<64xi32, #tpu.memory_space<vmem>>
    %dma_start3A_61 = arith.constant 0 : i32
    %dma_start3A_62 = arith.constant 0 : i32
    %dma_start3A_63 = tpu.memref_slice %arg2[%dma_start3A_61, %dma_start3A_62] : memref<20000x128xf32, #tpu.memory_space<hbm>> -> memref<20000x128xf32, #tpu.memory_space<hbm>>
    tpu.enqueue_indirect_dma source(%dma_start3A_63 : memref<20000x128xf32, #tpu.memory_space<hbm>>) target(%arg10 : memref<64x128xf32, #tpu.memory_space<vmem>>) offsets(%dma_start3A_60 : memref<64xi32, #tpu.memory_space<vmem>>) semaphore(%arg13 : memref<!tpu.dma_semaphore, #tpu.memory_space<semaphore_mem>>)
    %scan3A_64 = arith.constant 0 : i32
    %scan3A_65 = arith.constant 9 : i32
    %scan3A_66 = arith.addi %scan3A_64, %scan3A_65 : i32
    %scan3A_67 = arith.constant 1 : i32
    scf.for %scan3A_97 = %scan3A_64 to %scan3A_66 step %scan3A_67  : i32 {
      %mul3A_98 = arith.constant 3 : i32
      %mul3A_99 = arith.muli %scan3A_97, %mul3A_98 : i32
      %add3A_100 = arith.constant 0 : i32
      %add3A_101 = arith.addi %add3A_100, %mul3A_99 : i32
      %add3A_102 = arith.constant 0 : i32
      %add3A_103 = arith.addi %add3A_101, %add3A_102 : i32
      %dma_wait3A_104 = arith.constant 0 : i32
      %dma_wait3A_105 = tpu.memref_slice %arg7[%add3A_103, %dma_wait3A_104] : memref<32x64xi32, #tpu.memory_space<vmem>> -> memref<1x64xi32, #tpu.memory_space<vmem>>
      %dma_wait3A_106 = tpu.memref_squeeze %dma_wait3A_105 : memref<1x64xi32, #tpu.memory_space<vmem>> -> memref<64xi32, #tpu.memory_space<vmem>>
      %dma_wait3A_107 = arith.constant 0 : i32
      %dma_wait3A_108 = arith.constant 0 : i32
      %dma_wait3A_109 = tpu.memref_slice %arg2[%dma_wait3A_107, %dma_wait3A_108] : memref<20000x128xf32, #tpu.memory_space<hbm>> -> memref<20000x128xf32, #tpu.memory_space<hbm>>
      tpu.wait_indirect_dma semaphore(%arg12 : memref<!tpu.dma_semaphore, #tpu.memory_space<semaphore_mem>>) src(%dma_wait3A_109 : memref<20000x128xf32, #tpu.memory_space<hbm>>) dst(%arg9 : memref<64x128xf32, #tpu.memory_space<vmem>>)
      %dma_start3A_110 = arith.constant 0 : i32
      %dma_start3A_111 = tpu.memref_slice %arg8[%add3A_103, %dma_start3A_110] : memref<32x64xi32, #tpu.memory_space<vmem>> -> memref<1x64xi32, #tpu.memory_space<vmem>>
      %dma_start3A_112 = tpu.memref_squeeze %dma_start3A_111 : memref<1x64xi32, #tpu.memory_space<vmem>> -> memref<64xi32, #tpu.memory_space<vmem>>
      %dma_start3A_113 = arith.constant 0 : i32
      %dma_start3A_114 = arith.constant 0 : i32
      %dma_start3A_115 = tpu.memref_slice %arg18[%dma_start3A_113, %dma_start3A_114] : memref<10240x128xf32, #tpu.memory_space<vmem_shared>> -> memref<10240x128xf32, #tpu.memory_space<vmem_shared>>
      tpu.enqueue_indirect_dma source(%arg9 : memref<64x128xf32, #tpu.memory_space<vmem>>) target(%dma_start3A_115 : memref<10240x128xf32, #tpu.memory_space<vmem_shared>>) offsets(%dma_start3A_112 : memref<64xi32, #tpu.memory_space<vmem>>) semaphore(%arg15 : memref<!tpu.dma_semaphore, #tpu.memory_space<semaphore_mem>>) {add = true}
      %ge3A = arith.constant 1 : i32
      %ge3A_116 = arith.cmpi sge, %add3A_103, %ge3A : i32
      %convert_element_type3A_117 = arith.extui %ge3A_116 : i1 to i32
      %cond3A_118 = arith.constant 0 : i32
      %cond3A_119 = arith.cmpi ne, %convert_element_type3A_117, %cond3A_118 : i32
      scf.if %cond3A_119 {
        %dma_wait3A_182 = arith.constant 0 : i32
        %dma_wait3A_183 = arith.constant 0 : i32
        %dma_wait3A_184 = tpu.memref_slice %arg8[%dma_wait3A_182, %dma_wait3A_183] : memref<32x64xi32, #tpu.memory_space<vmem>> -> memref<1x64xi32, #tpu.memory_space<vmem>>
        %dma_wait3A_185 = tpu.memref_squeeze %dma_wait3A_184 : memref<1x64xi32, #tpu.memory_space<vmem>> -> memref<64xi32, #tpu.memory_space<vmem>>
        %dma_wait3A_186 = arith.constant 0 : i32
        %dma_wait3A_187 = arith.constant 0 : i32
        %dma_wait3A_188 = tpu.memref_slice %arg18[%dma_wait3A_186, %dma_wait3A_187] : memref<10240x128xf32, #tpu.memory_space<vmem_shared>> -> memref<10240x128xf32, #tpu.memory_space<vmem_shared>>
        tpu.wait_indirect_dma semaphore(%arg17 : memref<!tpu.dma_semaphore, #tpu.memory_space<semaphore_mem>>) src(%arg11 : memref<64x128xf32, #tpu.memory_space<vmem>>) dst(%dma_wait3A_188 : memref<10240x128xf32, #tpu.memory_space<vmem_shared>>)
      } else {
      }
      %add3A_120 = arith.constant 2 : i32
      %add3A_121 = arith.addi %add3A_103, %add3A_120 : i32
      %dma_start3A_122 = arith.constant 0 : i32
      %dma_start3A_123 = tpu.memref_slice %arg7[%add3A_121, %dma_start3A_122] : memref<32x64xi32, #tpu.memory_space<vmem>> -> memref<1x64xi32, #tpu.memory_space<vmem>>
      %dma_start3A_124 = tpu.memref_squeeze %dma_start3A_123 : memref<1x64xi32, #tpu.memory_space<vmem>> -> memref<64xi32, #tpu.memory_space<vmem>>
      %dma_start3A_125 = arith.constant 0 : i32
      %dma_start3A_126 = arith.constant 0 : i32
      %dma_start3A_127 = tpu.memref_slice %arg2[%dma_start3A_125, %dma_start3A_126] : memref<20000x128xf32, #tpu.memory_space<hbm>> -> memref<20000x128xf32, #tpu.memory_space<hbm>>
      tpu.enqueue_indirect_dma source(%dma_start3A_127 : memref<20000x128xf32, #tpu.memory_space<hbm>>) target(%arg11 : memref<64x128xf32, #tpu.memory_space<vmem>>) offsets(%dma_start3A_124 : memref<64xi32, #tpu.memory_space<vmem>>) semaphore(%arg14 : memref<!tpu.dma_semaphore, #tpu.memory_space<semaphore_mem>>)
      %add3A_128 = arith.constant 1 : i32
      %add3A_129 = arith.addi %add3A_101, %add3A_128 : i32
      %dma_wait3A_130 = arith.constant 0 : i32
      %dma_wait3A_131 = tpu.memref_slice %arg7[%add3A_129, %dma_wait3A_130] : memref<32x64xi32, #tpu.memory_space<vmem>> -> memref<1x64xi32, #tpu.memory_space<vmem>>
      %dma_wait3A_132 = tpu.memref_squeeze %dma_wait3A_131 : memref<1x64xi32, #tpu.memory_space<vmem>> -> memref<64xi32, #tpu.memory_space<vmem>>
      %dma_wait3A_133 = arith.constant 0 : i32
      %dma_wait3A_134 = arith.constant 0 : i32
      %dma_wait3A_135 = tpu.memref_slice %arg2[%dma_wait3A_133, %dma_wait3A_134] : memref<20000x128xf32, #tpu.memory_space<hbm>> -> memref<20000x128xf32, #tpu.memory_space<hbm>>
      tpu.wait_indirect_dma semaphore(%arg13 : memref<!tpu.dma_semaphore, #tpu.memory_space<semaphore_mem>>) src(%dma_wait3A_135 : memref<20000x128xf32, #tpu.memory_space<hbm>>) dst(%arg10 : memref<64x128xf32, #tpu.memory_space<vmem>>)
      %dma_start3A_136 = arith.constant 0 : i32
      %dma_start3A_137 = tpu.memref_slice %arg8[%add3A_129, %dma_start3A_136] : memref<32x64xi32, #tpu.memory_space<vmem>> -> memref<1x64xi32, #tpu.memory_space<vmem>>
      %dma_start3A_138 = tpu.memref_squeeze %dma_start3A_137 : memref<1x64xi32, #tpu.memory_space<vmem>> -> memref<64xi32, #tpu.memory_space<vmem>>
      %dma_start3A_139 = arith.constant 0 : i32
      %dma_start3A_140 = arith.constant 0 : i32
      %dma_start3A_141 = tpu.memref_slice %arg18[%dma_start3A_139, %dma_start3A_140] : memref<10240x128xf32, #tpu.memory_space<vmem_shared>> -> memref<10240x128xf32, #tpu.memory_space<vmem_shared>>
      tpu.enqueue_indirect_dma source(%arg10 : memref<64x128xf32, #tpu.memory_space<vmem>>) target(%dma_start3A_141 : memref<10240x128xf32, #tpu.memory_space<vmem_shared>>) offsets(%dma_start3A_138 : memref<64xi32, #tpu.memory_space<vmem>>) semaphore(%arg16 : memref<!tpu.dma_semaphore, #tpu.memory_space<semaphore_mem>>) {add = true}
      %ge3A_142 = arith.constant 1 : i32
      %ge3A_143 = arith.cmpi sge, %add3A_129, %ge3A_142 : i32
      %convert_element_type3A_144 = arith.extui %ge3A_143 : i1 to i32
      %cond3A_145 = arith.constant 0 : i32
      %cond3A_146 = arith.cmpi ne, %convert_element_type3A_144, %cond3A_145 : i32
      scf.if %cond3A_146 {
        %dma_wait3A_182 = arith.constant 0 : i32
        %dma_wait3A_183 = arith.constant 0 : i32
        %dma_wait3A_184 = tpu.memref_slice %arg8[%dma_wait3A_182, %dma_wait3A_183] : memref<32x64xi32, #tpu.memory_space<vmem>> -> memref<1x64xi32, #tpu.memory_space<vmem>>
        %dma_wait3A_185 = tpu.memref_squeeze %dma_wait3A_184 : memref<1x64xi32, #tpu.memory_space<vmem>> -> memref<64xi32, #tpu.memory_space<vmem>>
        %dma_wait3A_186 = arith.constant 0 : i32
        %dma_wait3A_187 = arith.constant 0 : i32
        %dma_wait3A_188 = tpu.memref_slice %arg18[%dma_wait3A_186, %dma_wait3A_187] : memref<10240x128xf32, #tpu.memory_space<vmem_shared>> -> memref<10240x128xf32, #tpu.memory_space<vmem_shared>>
        tpu.wait_indirect_dma semaphore(%arg15 : memref<!tpu.dma_semaphore, #tpu.memory_space<semaphore_mem>>) src(%arg9 : memref<64x128xf32, #tpu.memory_space<vmem>>) dst(%dma_wait3A_188 : memref<10240x128xf32, #tpu.memory_space<vmem_shared>>)
      } else {
      }
      %add3A_147 = arith.constant 2 : i32
      %add3A_148 = arith.addi %add3A_129, %add3A_147 : i32
      %dma_start3A_149 = arith.constant 0 : i32
      %dma_start3A_150 = tpu.memref_slice %arg7[%add3A_148, %dma_start3A_149] : memref<32x64xi32, #tpu.memory_space<vmem>> -> memref<1x64xi32, #tpu.memory_space<vmem>>
      %dma_start3A_151 = tpu.memref_squeeze %dma_start3A_150 : memref<1x64xi32, #tpu.memory_space<vmem>> -> memref<64xi32, #tpu.memory_space<vmem>>
      %dma_start3A_152 = arith.constant 0 : i32
      %dma_start3A_153 = arith.constant 0 : i32
      %dma_start3A_154 = tpu.memref_slice %arg2[%dma_start3A_152, %dma_start3A_153] : memref<20000x128xf32, #tpu.memory_space<hbm>> -> memref<20000x128xf32, #tpu.memory_space<hbm>>
      tpu.enqueue_indirect_dma source(%dma_start3A_154 : memref<20000x128xf32, #tpu.memory_space<hbm>>) target(%arg9 : memref<64x128xf32, #tpu.memory_space<vmem>>) offsets(%dma_start3A_151 : memref<64xi32, #tpu.memory_space<vmem>>) semaphore(%arg12 : memref<!tpu.dma_semaphore, #tpu.memory_space<semaphore_mem>>)
      %add3A_155 = arith.constant 2 : i32
      %add3A_156 = arith.addi %add3A_101, %add3A_155 : i32
      %dma_wait3A_157 = arith.constant 0 : i32
      %dma_wait3A_158 = tpu.memref_slice %arg7[%add3A_156, %dma_wait3A_157] : memref<32x64xi32, #tpu.memory_space<vmem>> -> memref<1x64xi32, #tpu.memory_space<vmem>>
      %dma_wait3A_159 = tpu.memref_squeeze %dma_wait3A_158 : memref<1x64xi32, #tpu.memory_space<vmem>> -> memref<64xi32, #tpu.memory_space<vmem>>
      %dma_wait3A_160 = arith.constant 0 : i32
      %dma_wait3A_161 = arith.constant 0 : i32
      %dma_wait3A_162 = tpu.memref_slice %arg2[%dma_wait3A_160, %dma_wait3A_161] : memref<20000x128xf32, #tpu.memory_space<hbm>> -> memref<20000x128xf32, #tpu.memory_space<hbm>>
      tpu.wait_indirect_dma semaphore(%arg14 : memref<!tpu.dma_semaphore, #tpu.memory_space<semaphore_mem>>) src(%dma_wait3A_162 : memref<20000x128xf32, #tpu.memory_space<hbm>>) dst(%arg11 : memref<64x128xf32, #tpu.memory_space<vmem>>)
      %dma_start3A_163 = arith.constant 0 : i32
      %dma_start3A_164 = tpu.memref_slice %arg8[%add3A_156, %dma_start3A_163] : memref<32x64xi32, #tpu.memory_space<vmem>> -> memref<1x64xi32, #tpu.memory_space<vmem>>
      %dma_start3A_165 = tpu.memref_squeeze %dma_start3A_164 : memref<1x64xi32, #tpu.memory_space<vmem>> -> memref<64xi32, #tpu.memory_space<vmem>>
      %dma_start3A_166 = arith.constant 0 : i32
      %dma_start3A_167 = arith.constant 0 : i32
      %dma_start3A_168 = tpu.memref_slice %arg18[%dma_start3A_166, %dma_start3A_167] : memref<10240x128xf32, #tpu.memory_space<vmem_shared>> -> memref<10240x128xf32, #tpu.memory_space<vmem_shared>>
      tpu.enqueue_indirect_dma source(%arg11 : memref<64x128xf32, #tpu.memory_space<vmem>>) target(%dma_start3A_168 : memref<10240x128xf32, #tpu.memory_space<vmem_shared>>) offsets(%dma_start3A_165 : memref<64xi32, #tpu.memory_space<vmem>>) semaphore(%arg17 : memref<!tpu.dma_semaphore, #tpu.memory_space<semaphore_mem>>) {add = true}
      %ge3A_169 = arith.constant 1 : i32
      %ge3A_170 = arith.cmpi sge, %add3A_156, %ge3A_169 : i32
      %convert_element_type3A_171 = arith.extui %ge3A_170 : i1 to i32
      %cond3A_172 = arith.constant 0 : i32
      %cond3A_173 = arith.cmpi ne, %convert_element_type3A_171, %cond3A_172 : i32
      scf.if %cond3A_173 {
        %dma_wait3A_182 = arith.constant 0 : i32
        %dma_wait3A_183 = arith.constant 0 : i32
        %dma_wait3A_184 = tpu.memref_slice %arg8[%dma_wait3A_182, %dma_wait3A_183] : memref<32x64xi32, #tpu.memory_space<vmem>> -> memref<1x64xi32, #tpu.memory_space<vmem>>
        %dma_wait3A_185 = tpu.memref_squeeze %dma_wait3A_184 : memref<1x64xi32, #tpu.memory_space<vmem>> -> memref<64xi32, #tpu.memory_space<vmem>>
        %dma_wait3A_186 = arith.constant 0 : i32
        %dma_wait3A_187 = arith.constant 0 : i32
        %dma_wait3A_188 = tpu.memref_slice %arg18[%dma_wait3A_186, %dma_wait3A_187] : memref<10240x128xf32, #tpu.memory_space<vmem_shared>> -> memref<10240x128xf32, #tpu.memory_space<vmem_shared>>
        tpu.wait_indirect_dma semaphore(%arg16 : memref<!tpu.dma_semaphore, #tpu.memory_space<semaphore_mem>>) src(%arg10 : memref<64x128xf32, #tpu.memory_space<vmem>>) dst(%dma_wait3A_188 : memref<10240x128xf32, #tpu.memory_space<vmem_shared>>)
      } else {
      }
      %add3A_174 = arith.constant 2 : i32
      %add3A_175 = arith.addi %add3A_156, %add3A_174 : i32
      %dma_start3A_176 = arith.constant 0 : i32
      %dma_start3A_177 = tpu.memref_slice %arg7[%add3A_175, %dma_start3A_176] : memref<32x64xi32, #tpu.memory_space<vmem>> -> memref<1x64xi32, #tpu.memory_space<vmem>>
      %dma_start3A_178 = tpu.memref_squeeze %dma_start3A_177 : memref<1x64xi32, #tpu.memory_space<vmem>> -> memref<64xi32, #tpu.memory_space<vmem>>
      %dma_start3A_179 = arith.constant 0 : i32
      %dma_start3A_180 = arith.constant 0 : i32
      %dma_start3A_181 = tpu.memref_slice %arg2[%dma_start3A_179, %dma_start3A_180] : memref<20000x128xf32, #tpu.memory_space<hbm>> -> memref<20000x128xf32, #tpu.memory_space<hbm>>
      tpu.enqueue_indirect_dma source(%dma_start3A_181 : memref<20000x128xf32, #tpu.memory_space<hbm>>) target(%arg10 : memref<64x128xf32, #tpu.memory_space<vmem>>) offsets(%dma_start3A_178 : memref<64xi32, #tpu.memory_space<vmem>>) semaphore(%arg13 : memref<!tpu.dma_semaphore, #tpu.memory_space<semaphore_mem>>)
    }
    %scan3A_68 = arith.constant 9 : i32
    %dma_wait3A_69 = arith.constant 27 : i32
    %dma_wait3A_70 = arith.constant 0 : i32
    %dma_wait3A_71 = tpu.memref_slice %arg7[%dma_wait3A_69, %dma_wait3A_70] : memref<32x64xi32, #tpu.memory_space<vmem>> -> memref<1x64xi32, #tpu.memory_space<vmem>>
    %dma_wait3A_72 = tpu.memref_squeeze %dma_wait3A_71 : memref<1x64xi32, #tpu.memory_space<vmem>> -> memref<64xi32, #tpu.memory_space<vmem>>
    %dma_wait3A_73 = arith.constant 0 : i32
    %dma_wait3A_74 = arith.constant 0 : i32
    %dma_wait3A_75 = tpu.memref_slice %arg2[%dma_wait3A_73, %dma_wait3A_74] : memref<20000x128xf32, #tpu.memory_space<hbm>> -> memref<20000x128xf32, #tpu.memory_space<hbm>>
    tpu.wait_indirect_dma semaphore(%arg12 : memref<!tpu.dma_semaphore, #tpu.memory_space<semaphore_mem>>) src(%dma_wait3A_75 : memref<20000x128xf32, #tpu.memory_space<hbm>>) dst(%arg9 : memref<64x128xf32, #tpu.memory_space<vmem>>)
    %run_scoped3A_76 = arith.constant 27 : i32
    "tpu.region"() ({
      %run_scoped3A_97 = tpu.sem_alloc : memref<!tpu.dma_semaphore, #tpu.memory_space<semaphore_mem>>
      %dma_start3A_98 = arith.constant 0 : i32
      %dma_start3A_99 = tpu.memref_slice %arg8[%run_scoped3A_76, %dma_start3A_98] : memref<32x64xi32, #tpu.memory_space<vmem>> -> memref<1x64xi32, #tpu.memory_space<vmem>>
      %dma_start3A_100 = tpu.memref_squeeze %dma_start3A_99 : memref<1x64xi32, #tpu.memory_space<vmem>> -> memref<64xi32, #tpu.memory_space<vmem>>
      %dma_start3A_101 = arith.constant 0 : i32
      %dma_start3A_102 = arith.constant 0 : i32
      %dma_start3A_103 = tpu.memref_slice %arg18[%dma_start3A_101, %dma_start3A_102] : memref<10240x128xf32, #tpu.memory_space<vmem_shared>> -> memref<10240x128xf32, #tpu.memory_space<vmem_shared>>
      tpu.enqueue_indirect_dma source(%arg9 : memref<64x128xf32, #tpu.memory_space<vmem>>) target(%dma_start3A_103 : memref<10240x128xf32, #tpu.memory_space<vmem_shared>>) offsets(%dma_start3A_100 : memref<64xi32, #tpu.memory_space<vmem>>) semaphore(%run_scoped3A_97 : memref<!tpu.dma_semaphore, #tpu.memory_space<semaphore_mem>>) {add = true}
      %dma_wait3A_104 = arith.constant 0 : i32
      %dma_wait3A_105 = tpu.memref_slice %arg8[%run_scoped3A_76, %dma_wait3A_104] : memref<32x64xi32, #tpu.memory_space<vmem>> -> memref<1x64xi32, #tpu.memory_space<vmem>>
      %dma_wait3A_106 = tpu.memref_squeeze %dma_wait3A_105 : memref<1x64xi32, #tpu.memory_space<vmem>> -> memref<64xi32, #tpu.memory_space<vmem>>
      %dma_wait3A_107 = arith.constant 0 : i32
      %dma_wait3A_108 = arith.constant 0 : i32
      %dma_wait3A_109 = tpu.memref_slice %arg18[%dma_wait3A_107, %dma_wait3A_108] : memref<10240x128xf32, #tpu.memory_space<vmem_shared>> -> memref<10240x128xf32, #tpu.memory_space<vmem_shared>>
      tpu.wait_indirect_dma semaphore(%run_scoped3A_97 : memref<!tpu.dma_semaphore, #tpu.memory_space<semaphore_mem>>) src(%arg9 : memref<64x128xf32, #tpu.memory_space<vmem>>) dst(%dma_wait3A_109 : memref<10240x128xf32, #tpu.memory_space<vmem_shared>>)
      tpu.yield
    }) : () -> ()
    %dma_wait3A_77 = arith.constant 28 : i32
    %dma_wait3A_78 = arith.constant 0 : i32
    %dma_wait3A_79 = tpu.memref_slice %arg7[%dma_wait3A_77, %dma_wait3A_78] : memref<32x64xi32, #tpu.memory_space<vmem>> -> memref<1x64xi32, #tpu.memory_space<vmem>>
    %dma_wait3A_80 = tpu.memref_squeeze %dma_wait3A_79 : memref<1x64xi32, #tpu.memory_space<vmem>> -> memref<64xi32, #tpu.memory_space<vmem>>
    %dma_wait3A_81 = arith.constant 0 : i32
    %dma_wait3A_82 = arith.constant 0 : i32
    %dma_wait3A_83 = tpu.memref_slice %arg2[%dma_wait3A_81, %dma_wait3A_82] : memref<20000x128xf32, #tpu.memory_space<hbm>> -> memref<20000x128xf32, #tpu.memory_space<hbm>>
    tpu.wait_indirect_dma semaphore(%arg13 : memref<!tpu.dma_semaphore, #tpu.memory_space<semaphore_mem>>) src(%dma_wait3A_83 : memref<20000x128xf32, #tpu.memory_space<hbm>>) dst(%arg10 : memref<64x128xf32, #tpu.memory_space<vmem>>)
    %run_scoped3A_84 = arith.constant 28 : i32
    "tpu.region"() ({
      %run_scoped3A_97 = tpu.sem_alloc : memref<!tpu.dma_semaphore, #tpu.memory_space<semaphore_mem>>
      %dma_start3A_98 = arith.constant 0 : i32
      %dma_start3A_99 = tpu.memref_slice %arg8[%run_scoped3A_84, %dma_start3A_98] : memref<32x64xi32, #tpu.memory_space<vmem>> -> memref<1x64xi32, #tpu.memory_space<vmem>>
      %dma_start3A_100 = tpu.memref_squeeze %dma_start3A_99 : memref<1x64xi32, #tpu.memory_space<vmem>> -> memref<64xi32, #tpu.memory_space<vmem>>
      %dma_start3A_101 = arith.constant 0 : i32
      %dma_start3A_102 = arith.constant 0 : i32
      %dma_start3A_103 = tpu.memref_slice %arg18[%dma_start3A_101, %dma_start3A_102] : memref<10240x128xf32, #tpu.memory_space<vmem_shared>> -> memref<10240x128xf32, #tpu.memory_space<vmem_shared>>
      tpu.enqueue_indirect_dma source(%arg10 : memref<64x128xf32, #tpu.memory_space<vmem>>) target(%dma_start3A_103 : memref<10240x128xf32, #tpu.memory_space<vmem_shared>>) offsets(%dma_start3A_100 : memref<64xi32, #tpu.memory_space<vmem>>) semaphore(%run_scoped3A_97 : memref<!tpu.dma_semaphore, #tpu.memory_space<semaphore_mem>>) {add = true}
      %dma_wait3A_104 = arith.constant 0 : i32
      %dma_wait3A_105 = tpu.memref_slice %arg8[%run_scoped3A_84, %dma_wait3A_104] : memref<32x64xi32, #tpu.memory_space<vmem>> -> memref<1x64xi32, #tpu.memory_space<vmem>>
      %dma_wait3A_106 = tpu.memref_squeeze %dma_wait3A_105 : memref<1x64xi32, #tpu.memory_space<vmem>> -> memref<64xi32, #tpu.memory_space<vmem>>
      %dma_wait3A_107 = arith.constant 0 : i32
      %dma_wait3A_108 = arith.constant 0 : i32
      %dma_wait3A_109 = tpu.memref_slice %arg18[%dma_wait3A_107, %dma_wait3A_108] : memref<10240x128xf32, #tpu.memory_space<vmem_shared>> -> memref<10240x128xf32, #tpu.memory_space<vmem_shared>>
      tpu.wait_indirect_dma semaphore(%run_scoped3A_97 : memref<!tpu.dma_semaphore, #tpu.memory_space<semaphore_mem>>) src(%arg10 : memref<64x128xf32, #tpu.memory_space<vmem>>) dst(%dma_wait3A_109 : memref<10240x128xf32, #tpu.memory_space<vmem_shared>>)
      tpu.yield
    }) : () -> ()
    %dma_wait3A_85 = arith.constant 0 : i32
    %dma_wait3A_86 = arith.constant 0 : i32
    %dma_wait3A_87 = tpu.memref_slice %arg8[%dma_wait3A_85, %dma_wait3A_86] : memref<32x64xi32, #tpu.memory_space<vmem>> -> memref<1x64xi32, #tpu.memory_space<vmem>>
    %dma_wait3A_88 = tpu.memref_squeeze %dma_wait3A_87 : memref<1x64xi32, #tpu.memory_space<vmem>> -> memref<64xi32, #tpu.memory_space<vmem>>
    %dma_wait3A_89 = arith.constant 0 : i32
    %dma_wait3A_90 = arith.constant 0 : i32
    %dma_wait3A_91 = tpu.memref_slice %arg18[%dma_wait3A_89, %dma_wait3A_90] : memref<10240x128xf32, #tpu.memory_space<vmem_shared>> -> memref<10240x128xf32, #tpu.memory_space<vmem_shared>>
    tpu.wait_indirect_dma semaphore(%arg17 : memref<!tpu.dma_semaphore, #tpu.memory_space<semaphore_mem>>) src(%arg11 : memref<64x128xf32, #tpu.memory_space<vmem>>) dst(%dma_wait3A_91 : memref<10240x128xf32, #tpu.memory_space<vmem_shared>>)
    %barrier3A_92 = arith.constant 0 : index
    tpu.barrier barrier_id(%barrier3A_92)
    %eq3A = arith.constant 0 : i32
    %eq3A_93 = arith.cmpi eq, %arg0, %eq3A : i32
    %jit3A = arith.constant 10000 : i32
    %jit3A_94 = arith.constant 0 : i32
    %select_n3A = arith.select %eq3A_93, %jit3A, %jit3A_94 : i32
    %lt3A = arith.constant 10 : i32
    %lt3A_95 = arith.cmpi slt, %arg1, %lt3A : i32
    %convert_element_type3A = arith.extui %lt3A_95 : i1 to i32
    %cond3A = arith.constant 0 : i32
    %cond3A_96 = arith.cmpi ne, %convert_element_type3A, %cond3A : i32
    scf.if %cond3A_96 {
      %mul3A_97 = arith.constant 1000 : i32
      %mul3A_98 = arith.muli %arg1, %mul3A_97 : i32
      %mul3A_99 = arith.constant 1000 : i32
      %mul3A_100 = arith.muli %arg1, %mul3A_99 : i32
      %add3A_101 = arith.addi %select_n3A, %mul3A_100 : i32
      "tpu.region"() ({
        %run_scoped3A_102 = tpu.sem_alloc : memref<!tpu.dma_semaphore, #tpu.memory_space<semaphore_mem>>
        %dma_start3A_103 = arith.constant 0 : i32
        %dma_start3A_104 = tpu.memref_slice %arg6[%add3A_101, %dma_start3A_103] : memref<20000x128xf32, #tpu.memory_space<hbm>> -> memref<1000x128xf32, #tpu.memory_space<hbm>>
        %dma_start3A_105 = arith.constant 0 : i32
        %dma_start3A_106 = tpu.memref_slice %arg18[%mul3A_98, %dma_start3A_105] : memref<10240x128xf32, #tpu.memory_space<vmem_shared>> -> memref<1000x128xf32, #tpu.memory_space<vmem_shared>>
        tpu.enqueue_dma source(%dma_start3A_106 : memref<1000x128xf32, #tpu.memory_space<vmem_shared>>) target(%dma_start3A_104 : memref<1000x128xf32, #tpu.memory_space<hbm>>) target_semaphore(%run_scoped3A_102 : memref<!tpu.dma_semaphore, #tpu.memory_space<semaphore_mem>>)
        %dma_wait3A_107 = arith.constant 0 : i32
        %dma_wait3A_108 = tpu.memref_slice %arg6[%add3A_101, %dma_wait3A_107] : memref<20000x128xf32, #tpu.memory_space<hbm>> -> memref<1000x128xf32, #tpu.memory_space<hbm>>
        %dma_wait3A_109 = arith.constant 0 : i32
        %dma_wait3A_110 = tpu.memref_slice %arg18[%mul3A_98, %dma_wait3A_109] : memref<10240x128xf32, #tpu.memory_space<vmem_shared>> -> memref<1000x128xf32, #tpu.memory_space<vmem_shared>>
        tpu.wait_dma2 semaphore(%run_scoped3A_102 : memref<!tpu.dma_semaphore, #tpu.memory_space<semaphore_mem>>) src(%dma_wait3A_110 : memref<1000x128xf32, #tpu.memory_space<vmem_shared>>) dst(%dma_wait3A_108 : memref<1000x128xf32, #tpu.memory_space<hbm>>)
        tpu.yield
      }) : () -> ()
    } else {
    }
    return
  }
}

#map = affine_map<(d0, d1) -> (0, 0)>
module attributes {stable_mosaic.version = 14 : i64} {
  func.func @_sc_scatter_body(%arg0: i32, %arg1: i32, %arg2: memref<20000x128xf32, #tpu.memory_space<hbm>>, %arg3: memref<5120x64xi32, #tpu.memory_space<hbm>>, %arg4: memref<5120x64xi32, #tpu.memory_space<hbm>>, %arg5: memref<640x128xf32, #tpu.memory_space<hbm>>, %arg6: memref<20000x128xf32, #tpu.memory_space<hbm>>, %arg7: memref<32x64xi32, #tpu.memory_space<vmem>>, %arg8: memref<32x64xi32, #tpu.memory_space<vmem>>, %arg9: memref<64x128xf32, #tpu.memory_space<vmem>>, %arg10: memref<64x128xf32, #tpu.memory_space<vmem>>, %arg11: memref<64x128xf32, #tpu.memory_space<vmem>>, %arg12: memref<!tpu.dma_semaphore, #tpu.memory_space<semaphore_mem>>, %arg13: memref<!tpu.dma_semaphore, #tpu.memory_space<semaphore_mem>>, %arg14: memref<!tpu.dma_semaphore, #tpu.memory_space<semaphore_mem>>, %arg15: memref<!tpu.dma_semaphore, #tpu.memory_space<semaphore_mem>>, %arg16: memref<!tpu.dma_semaphore, #tpu.memory_space<semaphore_mem>>, %arg17: memref<!tpu.dma_semaphore, #tpu.memory_space<semaphore_mem>>, %arg18: memref<10240x128xf32, #tpu.memory_space<vmem_shared>>) attributes {dimension_semantics = [#tpu.dimension_semantics<core_parallel>, #tpu.dimension_semantics<subcore_parallel>], iteration_bounds = array<i64: 2, 16>, scalar_prefetch = 0 : i64, scratch_operands = 12 : i64, tpu.core_type = #tpu.core_type<sc_vector_subcore>, window_params = [{transform_indices = #map}, {transform_indices = #map}, {transform_indices = #map}, {transform_indices = #map}, {transform_indices = #map}]} {
    %mul3A = arith.constant 16 : i32
    %mul3A_0 = arith.muli %arg0, %mul3A : i32
    %add3A = arith.addi %mul3A_0, %arg1 : i32
    %mul3A_1 = arith.constant 160 : i32
    %mul3A_2 = arith.muli %add3A, %mul3A_1 : i32
    "tpu.region"() ({
      %run_scoped3A_97 = tpu.sem_alloc : memref<!tpu.dma_semaphore, #tpu.memory_space<semaphore_mem>>
      %dma_start3A_98 = arith.constant 0 : i32
      %dma_start3A_99 = tpu.memref_slice %arg3[%mul3A_2, %dma_start3A_98] : memref<5120x64xi32, #tpu.memory_space<hbm>> -> memref<32x64xi32, #tpu.memory_space<hbm>>
      %dma_start3A_100 = arith.constant 0 : i32
      %dma_start3A_101 = tpu.memref_slice %arg3[%mul3A_2, %dma_start3A_100] : memref<5120x64xi32, #tpu.memory_space<hbm>> -> memref<32x64xi32, #tpu.memory_space<hbm>>
      tpu.enqueue_dma source(%dma_start3A_101 : memref<32x64xi32, #tpu.memory_space<hbm>>) target(%arg7 : memref<32x64xi32, #tpu.memory_space<vmem>>) target_semaphore(%run_scoped3A_97 : memref<!tpu.dma_semaphore, #tpu.memory_space<semaphore_mem>>)
      %dma_wait3A_102 = arith.constant 0 : i32
      %dma_wait3A_103 = tpu.memref_slice %arg3[%mul3A_2, %dma_wait3A_102] : memref<5120x64xi32, #tpu.memory_space<hbm>> -> memref<32x64xi32, #tpu.memory_space<hbm>>
      %dma_wait3A_104 = arith.constant 0 : i32
      %dma_wait3A_105 = tpu.memref_slice %arg3[%mul3A_2, %dma_wait3A_104] : memref<5120x64xi32, #tpu.memory_space<hbm>> -> memref<32x64xi32, #tpu.memory_space<hbm>>
      tpu.wait_dma2 semaphore(%run_scoped3A_97 : memref<!tpu.dma_semaphore, #tpu.memory_space<semaphore_mem>>) src(%dma_wait3A_105 : memref<32x64xi32, #tpu.memory_space<hbm>>) dst(%arg7 : memref<32x64xi32, #tpu.memory_space<vmem>>)
      tpu.yield
    }) : () -> ()
    "tpu.region"() ({
      %run_scoped3A_97 = tpu.sem_alloc : memref<!tpu.dma_semaphore, #tpu.memory_space<semaphore_mem>>
      %dma_start3A_98 = arith.constant 0 : i32
      %dma_start3A_99 = tpu.memref_slice %arg4[%mul3A_2, %dma_start3A_98] : memref<5120x64xi32, #tpu.memory_space<hbm>> -> memref<32x64xi32, #tpu.memory_space<hbm>>
      %dma_start3A_100 = arith.constant 0 : i32
      %dma_start3A_101 = tpu.memref_slice %arg4[%mul3A_2, %dma_start3A_100] : memref<5120x64xi32, #tpu.memory_space<hbm>> -> memref<32x64xi32, #tpu.memory_space<hbm>>
      tpu.enqueue_dma source(%dma_start3A_101 : memref<32x64xi32, #tpu.memory_space<hbm>>) target(%arg8 : memref<32x64xi32, #tpu.memory_space<vmem>>) target_semaphore(%run_scoped3A_97 : memref<!tpu.dma_semaphore, #tpu.memory_space<semaphore_mem>>)
      %dma_wait3A_102 = arith.constant 0 : i32
      %dma_wait3A_103 = tpu.memref_slice %arg4[%mul3A_2, %dma_wait3A_102] : memref<5120x64xi32, #tpu.memory_space<hbm>> -> memref<32x64xi32, #tpu.memory_space<hbm>>
      %dma_wait3A_104 = arith.constant 0 : i32
      %dma_wait3A_105 = tpu.memref_slice %arg4[%mul3A_2, %dma_wait3A_104] : memref<5120x64xi32, #tpu.memory_space<hbm>> -> memref<32x64xi32, #tpu.memory_space<hbm>>
      tpu.wait_dma2 semaphore(%run_scoped3A_97 : memref<!tpu.dma_semaphore, #tpu.memory_space<semaphore_mem>>) src(%dma_wait3A_105 : memref<32x64xi32, #tpu.memory_space<hbm>>) dst(%arg8 : memref<32x64xi32, #tpu.memory_space<vmem>>)
      tpu.yield
    }) : () -> ()
    %dma_start3A = arith.constant 0 : i32
    %dma_start3A_3 = arith.constant 0 : i32
    %dma_start3A_4 = tpu.memref_slice %arg7[%dma_start3A, %dma_start3A_3] : memref<32x64xi32, #tpu.memory_space<vmem>> -> memref<1x64xi32, #tpu.memory_space<vmem>>
    %dma_start3A_5 = tpu.memref_squeeze %dma_start3A_4 : memref<1x64xi32, #tpu.memory_space<vmem>> -> memref<64xi32, #tpu.memory_space<vmem>>
    %dma_start3A_6 = arith.constant 0 : i32
    %dma_start3A_7 = arith.constant 0 : i32
    %dma_start3A_8 = tpu.memref_slice %arg2[%dma_start3A_6, %dma_start3A_7] : memref<20000x128xf32, #tpu.memory_space<hbm>> -> memref<20000x128xf32, #tpu.memory_space<hbm>>
    tpu.enqueue_indirect_dma source(%dma_start3A_8 : memref<20000x128xf32, #tpu.memory_space<hbm>>) target(%arg9 : memref<64x128xf32, #tpu.memory_space<vmem>>) offsets(%dma_start3A_5 : memref<64xi32, #tpu.memory_space<vmem>>) semaphore(%arg12 : memref<!tpu.dma_semaphore, #tpu.memory_space<semaphore_mem>>)
    %dma_start3A_9 = arith.constant 1 : i32
    %dma_start3A_10 = arith.constant 0 : i32
    %dma_start3A_11 = tpu.memref_slice %arg7[%dma_start3A_9, %dma_start3A_10] : memref<32x64xi32, #tpu.memory_space<vmem>> -> memref<1x64xi32, #tpu.memory_space<vmem>>
    %dma_start3A_12 = tpu.memref_squeeze %dma_start3A_11 : memref<1x64xi32, #tpu.memory_space<vmem>> -> memref<64xi32, #tpu.memory_space<vmem>>
    %dma_start3A_13 = arith.constant 0 : i32
    %dma_start3A_14 = arith.constant 0 : i32
    %dma_start3A_15 = tpu.memref_slice %arg2[%dma_start3A_13, %dma_start3A_14] : memref<20000x128xf32, #tpu.memory_space<hbm>> -> memref<20000x128xf32, #tpu.memory_space<hbm>>
    tpu.enqueue_indirect_dma source(%dma_start3A_15 : memref<20000x128xf32, #tpu.memory_space<hbm>>) target(%arg10 : memref<64x128xf32, #tpu.memory_space<vmem>>) offsets(%dma_start3A_12 : memref<64xi32, #tpu.memory_space<vmem>>) semaphore(%arg13 : memref<!tpu.dma_semaphore, #tpu.memory_space<semaphore_mem>>)
    %mul3A_16 = arith.constant 640 : i32
    %mul3A_17 = arith.muli %arg1, %mul3A_16 : i32
    "tpu.region"() ({
      %run_scoped3A_97 = tpu.sem_alloc : memref<!tpu.dma_semaphore, #tpu.memory_space<semaphore_mem>>
      %dma_start3A_98 = arith.constant 0 : i32
      %dma_start3A_99 = tpu.memref_slice %arg18[%mul3A_17, %dma_start3A_98] : memref<10240x128xf32, #tpu.memory_space<vmem_shared>> -> memref<640x128xf32, #tpu.memory_space<vmem_shared>>
      tpu.enqueue_dma source(%arg5 : memref<640x128xf32, #tpu.memory_space<hbm>>) target(%dma_start3A_99 : memref<640x128xf32, #tpu.memory_space<vmem_shared>>) target_semaphore(%run_scoped3A_97 : memref<!tpu.dma_semaphore, #tpu.memory_space<semaphore_mem>>)
      %dma_wait3A_100 = arith.constant 0 : i32
      %dma_wait3A_101 = tpu.memref_slice %arg18[%mul3A_17, %dma_wait3A_100] : memref<10240x128xf32, #tpu.memory_space<vmem_shared>> -> memref<640x128xf32, #tpu.memory_space<vmem_shared>>
      tpu.wait_dma2 semaphore(%run_scoped3A_97 : memref<!tpu.dma_semaphore, #tpu.memory_space<semaphore_mem>>) src(%arg5 : memref<640x128xf32, #tpu.memory_space<hbm>>) dst(%dma_wait3A_101 : memref<640x128xf32, #tpu.memory_space<vmem_shared>>)
      tpu.yield
    }) : () -> ()
    %barrier3A = arith.constant 0 : index
    tpu.barrier barrier_id(%barrier3A)
    %scan3A = arith.constant 0 : i32
    %scan3A_18 = arith.constant 10 : i32
    %scan3A_19 = arith.addi %scan3A, %scan3A_18 : i32
    %scan3A_20 = arith.constant 1 : i32
    scf.for %scan3A_97 = %scan3A to %scan3A_19 step %scan3A_20  : i32 {
      %mul3A_98 = arith.constant 3 : i32
      %mul3A_99 = arith.muli %scan3A_97, %mul3A_98 : i32
      %add3A_100 = arith.constant 0 : i32
      %add3A_101 = arith.addi %add3A_100, %mul3A_99 : i32
      %add3A_102 = arith.constant 0 : i32
      %add3A_103 = arith.addi %add3A_101, %add3A_102 : i32
      %dma_wait3A_104 = arith.constant 0 : i32
      %dma_wait3A_105 = tpu.memref_slice %arg7[%add3A_103, %dma_wait3A_104] : memref<32x64xi32, #tpu.memory_space<vmem>> -> memref<1x64xi32, #tpu.memory_space<vmem>>
      %dma_wait3A_106 = tpu.memref_squeeze %dma_wait3A_105 : memref<1x64xi32, #tpu.memory_space<vmem>> -> memref<64xi32, #tpu.memory_space<vmem>>
      %dma_wait3A_107 = arith.constant 0 : i32
      %dma_wait3A_108 = arith.constant 0 : i32
      %dma_wait3A_109 = tpu.memref_slice %arg2[%dma_wait3A_107, %dma_wait3A_108] : memref<20000x128xf32, #tpu.memory_space<hbm>> -> memref<20000x128xf32, #tpu.memory_space<hbm>>
      tpu.wait_indirect_dma semaphore(%arg12 : memref<!tpu.dma_semaphore, #tpu.memory_space<semaphore_mem>>) src(%dma_wait3A_109 : memref<20000x128xf32, #tpu.memory_space<hbm>>) dst(%arg9 : memref<64x128xf32, #tpu.memory_space<vmem>>)
      %dma_start3A_110 = arith.constant 0 : i32
      %dma_start3A_111 = tpu.memref_slice %arg8[%add3A_103, %dma_start3A_110] : memref<32x64xi32, #tpu.memory_space<vmem>> -> memref<1x64xi32, #tpu.memory_space<vmem>>
      %dma_start3A_112 = tpu.memref_squeeze %dma_start3A_111 : memref<1x64xi32, #tpu.memory_space<vmem>> -> memref<64xi32, #tpu.memory_space<vmem>>
      %dma_start3A_113 = arith.constant 0 : i32
      %dma_start3A_114 = arith.constant 0 : i32
      %dma_start3A_115 = tpu.memref_slice %arg18[%dma_start3A_113, %dma_start3A_114] : memref<10240x128xf32, #tpu.memory_space<vmem_shared>> -> memref<10240x128xf32, #tpu.memory_space<vmem_shared>>
      tpu.enqueue_indirect_dma source(%arg9 : memref<64x128xf32, #tpu.memory_space<vmem>>) target(%dma_start3A_115 : memref<10240x128xf32, #tpu.memory_space<vmem_shared>>) offsets(%dma_start3A_112 : memref<64xi32, #tpu.memory_space<vmem>>) semaphore(%arg15 : memref<!tpu.dma_semaphore, #tpu.memory_space<semaphore_mem>>) {add = true}
      %ge3A = arith.constant 1 : i32
      %ge3A_116 = arith.cmpi sge, %add3A_103, %ge3A : i32
      %convert_element_type3A_117 = arith.extui %ge3A_116 : i1 to i32
      %cond3A_118 = arith.constant 0 : i32
      %cond3A_119 = arith.cmpi ne, %convert_element_type3A_117, %cond3A_118 : i32
      scf.if %cond3A_119 {
        %dma_wait3A_182 = arith.constant 0 : i32
        %dma_wait3A_183 = arith.constant 0 : i32
        %dma_wait3A_184 = tpu.memref_slice %arg8[%dma_wait3A_182, %dma_wait3A_183] : memref<32x64xi32, #tpu.memory_space<vmem>> -> memref<1x64xi32, #tpu.memory_space<vmem>>
        %dma_wait3A_185 = tpu.memref_squeeze %dma_wait3A_184 : memref<1x64xi32, #tpu.memory_space<vmem>> -> memref<64xi32, #tpu.memory_space<vmem>>
        %dma_wait3A_186 = arith.constant 0 : i32
        %dma_wait3A_187 = arith.constant 0 : i32
        %dma_wait3A_188 = tpu.memref_slice %arg18[%dma_wait3A_186, %dma_wait3A_187] : memref<10240x128xf32, #tpu.memory_space<vmem_shared>> -> memref<10240x128xf32, #tpu.memory_space<vmem_shared>>
        tpu.wait_indirect_dma semaphore(%arg17 : memref<!tpu.dma_semaphore, #tpu.memory_space<semaphore_mem>>) src(%arg11 : memref<64x128xf32, #tpu.memory_space<vmem>>) dst(%dma_wait3A_188 : memref<10240x128xf32, #tpu.memory_space<vmem_shared>>)
      } else {
      }
      %add3A_120 = arith.constant 2 : i32
      %add3A_121 = arith.addi %add3A_103, %add3A_120 : i32
      %dma_start3A_122 = arith.constant 0 : i32
      %dma_start3A_123 = tpu.memref_slice %arg7[%add3A_121, %dma_start3A_122] : memref<32x64xi32, #tpu.memory_space<vmem>> -> memref<1x64xi32, #tpu.memory_space<vmem>>
      %dma_start3A_124 = tpu.memref_squeeze %dma_start3A_123 : memref<1x64xi32, #tpu.memory_space<vmem>> -> memref<64xi32, #tpu.memory_space<vmem>>
      %dma_start3A_125 = arith.constant 0 : i32
      %dma_start3A_126 = arith.constant 0 : i32
      %dma_start3A_127 = tpu.memref_slice %arg2[%dma_start3A_125, %dma_start3A_126] : memref<20000x128xf32, #tpu.memory_space<hbm>> -> memref<20000x128xf32, #tpu.memory_space<hbm>>
      tpu.enqueue_indirect_dma source(%dma_start3A_127 : memref<20000x128xf32, #tpu.memory_space<hbm>>) target(%arg11 : memref<64x128xf32, #tpu.memory_space<vmem>>) offsets(%dma_start3A_124 : memref<64xi32, #tpu.memory_space<vmem>>) semaphore(%arg14 : memref<!tpu.dma_semaphore, #tpu.memory_space<semaphore_mem>>)
      %add3A_128 = arith.constant 1 : i32
      %add3A_129 = arith.addi %add3A_101, %add3A_128 : i32
      %dma_wait3A_130 = arith.constant 0 : i32
      %dma_wait3A_131 = tpu.memref_slice %arg7[%add3A_129, %dma_wait3A_130] : memref<32x64xi32, #tpu.memory_space<vmem>> -> memref<1x64xi32, #tpu.memory_space<vmem>>
      %dma_wait3A_132 = tpu.memref_squeeze %dma_wait3A_131 : memref<1x64xi32, #tpu.memory_space<vmem>> -> memref<64xi32, #tpu.memory_space<vmem>>
      %dma_wait3A_133 = arith.constant 0 : i32
      %dma_wait3A_134 = arith.constant 0 : i32
      %dma_wait3A_135 = tpu.memref_slice %arg2[%dma_wait3A_133, %dma_wait3A_134] : memref<20000x128xf32, #tpu.memory_space<hbm>> -> memref<20000x128xf32, #tpu.memory_space<hbm>>
      tpu.wait_indirect_dma semaphore(%arg13 : memref<!tpu.dma_semaphore, #tpu.memory_space<semaphore_mem>>) src(%dma_wait3A_135 : memref<20000x128xf32, #tpu.memory_space<hbm>>) dst(%arg10 : memref<64x128xf32, #tpu.memory_space<vmem>>)
      %dma_start3A_136 = arith.constant 0 : i32
      %dma_start3A_137 = tpu.memref_slice %arg8[%add3A_129, %dma_start3A_136] : memref<32x64xi32, #tpu.memory_space<vmem>> -> memref<1x64xi32, #tpu.memory_space<vmem>>
      %dma_start3A_138 = tpu.memref_squeeze %dma_start3A_137 : memref<1x64xi32, #tpu.memory_space<vmem>> -> memref<64xi32, #tpu.memory_space<vmem>>
      %dma_start3A_139 = arith.constant 0 : i32
      %dma_start3A_140 = arith.constant 0 : i32
      %dma_start3A_141 = tpu.memref_slice %arg18[%dma_start3A_139, %dma_start3A_140] : memref<10240x128xf32, #tpu.memory_space<vmem_shared>> -> memref<10240x128xf32, #tpu.memory_space<vmem_shared>>
      tpu.enqueue_indirect_dma source(%arg10 : memref<64x128xf32, #tpu.memory_space<vmem>>) target(%dma_start3A_141 : memref<10240x128xf32, #tpu.memory_space<vmem_shared>>) offsets(%dma_start3A_138 : memref<64xi32, #tpu.memory_space<vmem>>) semaphore(%arg16 : memref<!tpu.dma_semaphore, #tpu.memory_space<semaphore_mem>>) {add = true}
      %ge3A_142 = arith.constant 1 : i32
      %ge3A_143 = arith.cmpi sge, %add3A_129, %ge3A_142 : i32
      %convert_element_type3A_144 = arith.extui %ge3A_143 : i1 to i32
      %cond3A_145 = arith.constant 0 : i32
      %cond3A_146 = arith.cmpi ne, %convert_element_type3A_144, %cond3A_145 : i32
      scf.if %cond3A_146 {
        %dma_wait3A_182 = arith.constant 0 : i32
        %dma_wait3A_183 = arith.constant 0 : i32
        %dma_wait3A_184 = tpu.memref_slice %arg8[%dma_wait3A_182, %dma_wait3A_183] : memref<32x64xi32, #tpu.memory_space<vmem>> -> memref<1x64xi32, #tpu.memory_space<vmem>>
        %dma_wait3A_185 = tpu.memref_squeeze %dma_wait3A_184 : memref<1x64xi32, #tpu.memory_space<vmem>> -> memref<64xi32, #tpu.memory_space<vmem>>
        %dma_wait3A_186 = arith.constant 0 : i32
        %dma_wait3A_187 = arith.constant 0 : i32
        %dma_wait3A_188 = tpu.memref_slice %arg18[%dma_wait3A_186, %dma_wait3A_187] : memref<10240x128xf32, #tpu.memory_space<vmem_shared>> -> memref<10240x128xf32, #tpu.memory_space<vmem_shared>>
        tpu.wait_indirect_dma semaphore(%arg15 : memref<!tpu.dma_semaphore, #tpu.memory_space<semaphore_mem>>) src(%arg9 : memref<64x128xf32, #tpu.memory_space<vmem>>) dst(%dma_wait3A_188 : memref<10240x128xf32, #tpu.memory_space<vmem_shared>>)
      } else {
      }
      %add3A_147 = arith.constant 2 : i32
      %add3A_148 = arith.addi %add3A_129, %add3A_147 : i32
      %dma_start3A_149 = arith.constant 0 : i32
      %dma_start3A_150 = tpu.memref_slice %arg7[%add3A_148, %dma_start3A_149] : memref<32x64xi32, #tpu.memory_space<vmem>> -> memref<1x64xi32, #tpu.memory_space<vmem>>
      %dma_start3A_151 = tpu.memref_squeeze %dma_start3A_150 : memref<1x64xi32, #tpu.memory_space<vmem>> -> memref<64xi32, #tpu.memory_space<vmem>>
      %dma_start3A_152 = arith.constant 0 : i32
      %dma_start3A_153 = arith.constant 0 : i32
      %dma_start3A_154 = tpu.memref_slice %arg2[%dma_start3A_152, %dma_start3A_153] : memref<20000x128xf32, #tpu.memory_space<hbm>> -> memref<20000x128xf32, #tpu.memory_space<hbm>>
      tpu.enqueue_indirect_dma source(%dma_start3A_154 : memref<20000x128xf32, #tpu.memory_space<hbm>>) target(%arg9 : memref<64x128xf32, #tpu.memory_space<vmem>>) offsets(%dma_start3A_151 : memref<64xi32, #tpu.memory_space<vmem>>) semaphore(%arg12 : memref<!tpu.dma_semaphore, #tpu.memory_space<semaphore_mem>>)
      %add3A_155 = arith.constant 2 : i32
      %add3A_156 = arith.addi %add3A_101, %add3A_155 : i32
      %dma_wait3A_157 = arith.constant 0 : i32
      %dma_wait3A_158 = tpu.memref_slice %arg7[%add3A_156, %dma_wait3A_157] : memref<32x64xi32, #tpu.memory_space<vmem>> -> memref<1x64xi32, #tpu.memory_space<vmem>>
      %dma_wait3A_159 = tpu.memref_squeeze %dma_wait3A_158 : memref<1x64xi32, #tpu.memory_space<vmem>> -> memref<64xi32, #tpu.memory_space<vmem>>
      %dma_wait3A_160 = arith.constant 0 : i32
      %dma_wait3A_161 = arith.constant 0 : i32
      %dma_wait3A_162 = tpu.memref_slice %arg2[%dma_wait3A_160, %dma_wait3A_161] : memref<20000x128xf32, #tpu.memory_space<hbm>> -> memref<20000x128xf32, #tpu.memory_space<hbm>>
      tpu.wait_indirect_dma semaphore(%arg14 : memref<!tpu.dma_semaphore, #tpu.memory_space<semaphore_mem>>) src(%dma_wait3A_162 : memref<20000x128xf32, #tpu.memory_space<hbm>>) dst(%arg11 : memref<64x128xf32, #tpu.memory_space<vmem>>)
      %dma_start3A_163 = arith.constant 0 : i32
      %dma_start3A_164 = tpu.memref_slice %arg8[%add3A_156, %dma_start3A_163] : memref<32x64xi32, #tpu.memory_space<vmem>> -> memref<1x64xi32, #tpu.memory_space<vmem>>
      %dma_start3A_165 = tpu.memref_squeeze %dma_start3A_164 : memref<1x64xi32, #tpu.memory_space<vmem>> -> memref<64xi32, #tpu.memory_space<vmem>>
      %dma_start3A_166 = arith.constant 0 : i32
      %dma_start3A_167 = arith.constant 0 : i32
      %dma_start3A_168 = tpu.memref_slice %arg18[%dma_start3A_166, %dma_start3A_167] : memref<10240x128xf32, #tpu.memory_space<vmem_shared>> -> memref<10240x128xf32, #tpu.memory_space<vmem_shared>>
      tpu.enqueue_indirect_dma source(%arg11 : memref<64x128xf32, #tpu.memory_space<vmem>>) target(%dma_start3A_168 : memref<10240x128xf32, #tpu.memory_space<vmem_shared>>) offsets(%dma_start3A_165 : memref<64xi32, #tpu.memory_space<vmem>>) semaphore(%arg17 : memref<!tpu.dma_semaphore, #tpu.memory_space<semaphore_mem>>) {add = true}
      %ge3A_169 = arith.constant 1 : i32
      %ge3A_170 = arith.cmpi sge, %add3A_156, %ge3A_169 : i32
      %convert_element_type3A_171 = arith.extui %ge3A_170 : i1 to i32
      %cond3A_172 = arith.constant 0 : i32
      %cond3A_173 = arith.cmpi ne, %convert_element_type3A_171, %cond3A_172 : i32
      scf.if %cond3A_173 {
        %dma_wait3A_182 = arith.constant 0 : i32
        %dma_wait3A_183 = arith.constant 0 : i32
        %dma_wait3A_184 = tpu.memref_slice %arg8[%dma_wait3A_182, %dma_wait3A_183] : memref<32x64xi32, #tpu.memory_space<vmem>> -> memref<1x64xi32, #tpu.memory_space<vmem>>
        %dma_wait3A_185 = tpu.memref_squeeze %dma_wait3A_184 : memref<1x64xi32, #tpu.memory_space<vmem>> -> memref<64xi32, #tpu.memory_space<vmem>>
        %dma_wait3A_186 = arith.constant 0 : i32
        %dma_wait3A_187 = arith.constant 0 : i32
        %dma_wait3A_188 = tpu.memref_slice %arg18[%dma_wait3A_186, %dma_wait3A_187] : memref<10240x128xf32, #tpu.memory_space<vmem_shared>> -> memref<10240x128xf32, #tpu.memory_space<vmem_shared>>
        tpu.wait_indirect_dma semaphore(%arg16 : memref<!tpu.dma_semaphore, #tpu.memory_space<semaphore_mem>>) src(%arg10 : memref<64x128xf32, #tpu.memory_space<vmem>>) dst(%dma_wait3A_188 : memref<10240x128xf32, #tpu.memory_space<vmem_shared>>)
      } else {
      }
      %add3A_174 = arith.constant 2 : i32
      %add3A_175 = arith.addi %add3A_156, %add3A_174 : i32
      %dma_start3A_176 = arith.constant 0 : i32
      %dma_start3A_177 = tpu.memref_slice %arg7[%add3A_175, %dma_start3A_176] : memref<32x64xi32, #tpu.memory_space<vmem>> -> memref<1x64xi32, #tpu.memory_space<vmem>>
      %dma_start3A_178 = tpu.memref_squeeze %dma_start3A_177 : memref<1x64xi32, #tpu.memory_space<vmem>> -> memref<64xi32, #tpu.memory_space<vmem>>
      %dma_start3A_179 = arith.constant 0 : i32
      %dma_start3A_180 = arith.constant 0 : i32
      %dma_start3A_181 = tpu.memref_slice %arg2[%dma_start3A_179, %dma_start3A_180] : memref<20000x128xf32, #tpu.memory_space<hbm>> -> memref<20000x128xf32, #tpu.memory_space<hbm>>
      tpu.enqueue_indirect_dma source(%dma_start3A_181 : memref<20000x128xf32, #tpu.memory_space<hbm>>) target(%arg10 : memref<64x128xf32, #tpu.memory_space<vmem>>) offsets(%dma_start3A_178 : memref<64xi32, #tpu.memory_space<vmem>>) semaphore(%arg13 : memref<!tpu.dma_semaphore, #tpu.memory_space<semaphore_mem>>)
    }
    %scan3A_21 = arith.constant 10 : i32
    %dma_wait3A = arith.constant 30 : i32
    %dma_wait3A_22 = arith.constant 0 : i32
    %dma_wait3A_23 = tpu.memref_slice %arg7[%dma_wait3A, %dma_wait3A_22] : memref<32x64xi32, #tpu.memory_space<vmem>> -> memref<1x64xi32, #tpu.memory_space<vmem>>
    %dma_wait3A_24 = tpu.memref_squeeze %dma_wait3A_23 : memref<1x64xi32, #tpu.memory_space<vmem>> -> memref<64xi32, #tpu.memory_space<vmem>>
    %dma_wait3A_25 = arith.constant 0 : i32
    %dma_wait3A_26 = arith.constant 0 : i32
    %dma_wait3A_27 = tpu.memref_slice %arg2[%dma_wait3A_25, %dma_wait3A_26] : memref<20000x128xf32, #tpu.memory_space<hbm>> -> memref<20000x128xf32, #tpu.memory_space<hbm>>
    tpu.wait_indirect_dma semaphore(%arg12 : memref<!tpu.dma_semaphore, #tpu.memory_space<semaphore_mem>>) src(%dma_wait3A_27 : memref<20000x128xf32, #tpu.memory_space<hbm>>) dst(%arg9 : memref<64x128xf32, #tpu.memory_space<vmem>>)
    %run_scoped3A = arith.constant 30 : i32
    "tpu.region"() ({
      %run_scoped3A_97 = tpu.sem_alloc : memref<!tpu.dma_semaphore, #tpu.memory_space<semaphore_mem>>
      %dma_start3A_98 = arith.constant 0 : i32
      %dma_start3A_99 = tpu.memref_slice %arg8[%run_scoped3A, %dma_start3A_98] : memref<32x64xi32, #tpu.memory_space<vmem>> -> memref<1x64xi32, #tpu.memory_space<vmem>>
      %dma_start3A_100 = tpu.memref_squeeze %dma_start3A_99 : memref<1x64xi32, #tpu.memory_space<vmem>> -> memref<64xi32, #tpu.memory_space<vmem>>
      %dma_start3A_101 = arith.constant 0 : i32
      %dma_start3A_102 = arith.constant 0 : i32
      %dma_start3A_103 = tpu.memref_slice %arg18[%dma_start3A_101, %dma_start3A_102] : memref<10240x128xf32, #tpu.memory_space<vmem_shared>> -> memref<10240x128xf32, #tpu.memory_space<vmem_shared>>
      tpu.enqueue_indirect_dma source(%arg9 : memref<64x128xf32, #tpu.memory_space<vmem>>) target(%dma_start3A_103 : memref<10240x128xf32, #tpu.memory_space<vmem_shared>>) offsets(%dma_start3A_100 : memref<64xi32, #tpu.memory_space<vmem>>) semaphore(%run_scoped3A_97 : memref<!tpu.dma_semaphore, #tpu.memory_space<semaphore_mem>>) {add = true}
      %dma_wait3A_104 = arith.constant 0 : i32
      %dma_wait3A_105 = tpu.memref_slice %arg8[%run_scoped3A, %dma_wait3A_104] : memref<32x64xi32, #tpu.memory_space<vmem>> -> memref<1x64xi32, #tpu.memory_space<vmem>>
      %dma_wait3A_106 = tpu.memref_squeeze %dma_wait3A_105 : memref<1x64xi32, #tpu.memory_space<vmem>> -> memref<64xi32, #tpu.memory_space<vmem>>
      %dma_wait3A_107 = arith.constant 0 : i32
      %dma_wait3A_108 = arith.constant 0 : i32
      %dma_wait3A_109 = tpu.memref_slice %arg18[%dma_wait3A_107, %dma_wait3A_108] : memref<10240x128xf32, #tpu.memory_space<vmem_shared>> -> memref<10240x128xf32, #tpu.memory_space<vmem_shared>>
      tpu.wait_indirect_dma semaphore(%run_scoped3A_97 : memref<!tpu.dma_semaphore, #tpu.memory_space<semaphore_mem>>) src(%arg9 : memref<64x128xf32, #tpu.memory_space<vmem>>) dst(%dma_wait3A_109 : memref<10240x128xf32, #tpu.memory_space<vmem_shared>>)
      tpu.yield
    }) : () -> ()
    %dma_wait3A_28 = arith.constant 31 : i32
    %dma_wait3A_29 = arith.constant 0 : i32
    %dma_wait3A_30 = tpu.memref_slice %arg7[%dma_wait3A_28, %dma_wait3A_29] : memref<32x64xi32, #tpu.memory_space<vmem>> -> memref<1x64xi32, #tpu.memory_space<vmem>>
    %dma_wait3A_31 = tpu.memref_squeeze %dma_wait3A_30 : memref<1x64xi32, #tpu.memory_space<vmem>> -> memref<64xi32, #tpu.memory_space<vmem>>
    %dma_wait3A_32 = arith.constant 0 : i32
    %dma_wait3A_33 = arith.constant 0 : i32
    %dma_wait3A_34 = tpu.memref_slice %arg2[%dma_wait3A_32, %dma_wait3A_33] : memref<20000x128xf32, #tpu.memory_space<hbm>> -> memref<20000x128xf32, #tpu.memory_space<hbm>>
    tpu.wait_indirect_dma semaphore(%arg13 : memref<!tpu.dma_semaphore, #tpu.memory_space<semaphore_mem>>) src(%dma_wait3A_34 : memref<20000x128xf32, #tpu.memory_space<hbm>>) dst(%arg10 : memref<64x128xf32, #tpu.memory_space<vmem>>)
    %run_scoped3A_35 = arith.constant 31 : i32
    "tpu.region"() ({
      %run_scoped3A_97 = tpu.sem_alloc : memref<!tpu.dma_semaphore, #tpu.memory_space<semaphore_mem>>
      %dma_start3A_98 = arith.constant 0 : i32
      %dma_start3A_99 = tpu.memref_slice %arg8[%run_scoped3A_35, %dma_start3A_98] : memref<32x64xi32, #tpu.memory_space<vmem>> -> memref<1x64xi32, #tpu.memory_space<vmem>>
      %dma_start3A_100 = tpu.memref_squeeze %dma_start3A_99 : memref<1x64xi32, #tpu.memory_space<vmem>> -> memref<64xi32, #tpu.memory_space<vmem>>
      %dma_start3A_101 = arith.constant 0 : i32
      %dma_start3A_102 = arith.constant 0 : i32
      %dma_start3A_103 = tpu.memref_slice %arg18[%dma_start3A_101, %dma_start3A_102] : memref<10240x128xf32, #tpu.memory_space<vmem_shared>> -> memref<10240x128xf32, #tpu.memory_space<vmem_shared>>
      tpu.enqueue_indirect_dma source(%arg10 : memref<64x128xf32, #tpu.memory_space<vmem>>) target(%dma_start3A_103 : memref<10240x128xf32, #tpu.memory_space<vmem_shared>>) offsets(%dma_start3A_100 : memref<64xi32, #tpu.memory_space<vmem>>) semaphore(%run_scoped3A_97 : memref<!tpu.dma_semaphore, #tpu.memory_space<semaphore_mem>>) {add = true}
      %dma_wait3A_104 = arith.constant 0 : i32
      %dma_wait3A_105 = tpu.memref_slice %arg8[%run_scoped3A_35, %dma_wait3A_104] : memref<32x64xi32, #tpu.memory_space<vmem>> -> memref<1x64xi32, #tpu.memory_space<vmem>>
      %dma_wait3A_106 = tpu.memref_squeeze %dma_wait3A_105 : memref<1x64xi32, #tpu.memory_space<vmem>> -> memref<64xi32, #tpu.memory_space<vmem>>
      %dma_wait3A_107 = arith.constant 0 : i32
      %dma_wait3A_108 = arith.constant 0 : i32
      %dma_wait3A_109 = tpu.memref_slice %arg18[%dma_wait3A_107, %dma_wait3A_108] : memref<10240x128xf32, #tpu.memory_space<vmem_shared>> -> memref<10240x128xf32, #tpu.memory_space<vmem_shared>>
      tpu.wait_indirect_dma semaphore(%run_scoped3A_97 : memref<!tpu.dma_semaphore, #tpu.memory_space<semaphore_mem>>) src(%arg10 : memref<64x128xf32, #tpu.memory_space<vmem>>) dst(%dma_wait3A_109 : memref<10240x128xf32, #tpu.memory_space<vmem_shared>>)
      tpu.yield
    }) : () -> ()
    %dma_wait3A_36 = arith.constant 0 : i32
    %dma_wait3A_37 = arith.constant 0 : i32
    %dma_wait3A_38 = tpu.memref_slice %arg8[%dma_wait3A_36, %dma_wait3A_37] : memref<32x64xi32, #tpu.memory_space<vmem>> -> memref<1x64xi32, #tpu.memory_space<vmem>>
    %dma_wait3A_39 = tpu.memref_squeeze %dma_wait3A_38 : memref<1x64xi32, #tpu.memory_space<vmem>> -> memref<64xi32, #tpu.memory_space<vmem>>
    %dma_wait3A_40 = arith.constant 0 : i32
    %dma_wait3A_41 = arith.constant 0 : i32
    %dma_wait3A_42 = tpu.memref_slice %arg18[%dma_wait3A_40, %dma_wait3A_41] : memref<10240x128xf32, #tpu.memory_space<vmem_shared>> -> memref<10240x128xf32, #tpu.memory_space<vmem_shared>>
    tpu.wait_indirect_dma semaphore(%arg17 : memref<!tpu.dma_semaphore, #tpu.memory_space<semaphore_mem>>) src(%arg11 : memref<64x128xf32, #tpu.memory_space<vmem>>) dst(%dma_wait3A_42 : memref<10240x128xf32, #tpu.memory_space<vmem_shared>>)
    %scan3A_43 = arith.constant 0 : i32
    %scan3A_44 = arith.constant 3 : i32
    %scan3A_45 = arith.addi %scan3A_43, %scan3A_44 : i32
    %scan3A_46 = arith.constant 1 : i32
    scf.for %scan3A_97 = %scan3A_43 to %scan3A_45 step %scan3A_46  : i32 {
      %mul3A_98 = arith.constant 1 : i32
      %mul3A_99 = arith.muli %scan3A_97, %mul3A_98 : i32
      %add3A_100 = arith.constant 1 : i32
      %add3A_101 = arith.addi %add3A_100, %mul3A_99 : i32
      %mul3A_102 = arith.constant 32 : i32
      %mul3A_103 = arith.muli %add3A_101, %mul3A_102 : i32
      %add3A_104 = arith.addi %mul3A_2, %mul3A_103 : i32
      "tpu.region"() ({
        %run_scoped3A_147 = tpu.sem_alloc : memref<!tpu.dma_semaphore, #tpu.memory_space<semaphore_mem>>
        %dma_start3A_148 = arith.constant 0 : i32
        %dma_start3A_149 = tpu.memref_slice %arg3[%add3A_104, %dma_start3A_148] : memref<5120x64xi32, #tpu.memory_space<hbm>> -> memref<32x64xi32, #tpu.memory_space<hbm>>
        %dma_start3A_150 = arith.constant 0 : i32
        %dma_start3A_151 = tpu.memref_slice %arg3[%add3A_104, %dma_start3A_150] : memref<5120x64xi32, #tpu.memory_space<hbm>> -> memref<32x64xi32, #tpu.memory_space<hbm>>
        tpu.enqueue_dma source(%dma_start3A_151 : memref<32x64xi32, #tpu.memory_space<hbm>>) target(%arg7 : memref<32x64xi32, #tpu.memory_space<vmem>>) target_semaphore(%run_scoped3A_147 : memref<!tpu.dma_semaphore, #tpu.memory_space<semaphore_mem>>)
        %dma_wait3A_152 = arith.constant 0 : i32
        %dma_wait3A_153 = tpu.memref_slice %arg3[%add3A_104, %dma_wait3A_152] : memref<5120x64xi32, #tpu.memory_space<hbm>> -> memref<32x64xi32, #tpu.memory_space<hbm>>
        %dma_wait3A_154 = arith.constant 0 : i32
        %dma_wait3A_155 = tpu.memref_slice %arg3[%add3A_104, %dma_wait3A_154] : memref<5120x64xi32, #tpu.memory_space<hbm>> -> memref<32x64xi32, #tpu.memory_space<hbm>>
        tpu.wait_dma2 semaphore(%run_scoped3A_147 : memref<!tpu.dma_semaphore, #tpu.memory_space<semaphore_mem>>) src(%dma_wait3A_155 : memref<32x64xi32, #tpu.memory_space<hbm>>) dst(%arg7 : memref<32x64xi32, #tpu.memory_space<vmem>>)
        tpu.yield
      }) : () -> ()
      "tpu.region"() ({
        %run_scoped3A_147 = tpu.sem_alloc : memref<!tpu.dma_semaphore, #tpu.memory_space<semaphore_mem>>
        %dma_start3A_148 = arith.constant 0 : i32
        %dma_start3A_149 = tpu.memref_slice %arg4[%add3A_104, %dma_start3A_148] : memref<5120x64xi32, #tpu.memory_space<hbm>> -> memref<32x64xi32, #tpu.memory_space<hbm>>
        %dma_start3A_150 = arith.constant 0 : i32
        %dma_start3A_151 = tpu.memref_slice %arg4[%add3A_104, %dma_start3A_150] : memref<5120x64xi32, #tpu.memory_space<hbm>> -> memref<32x64xi32, #tpu.memory_space<hbm>>
        tpu.enqueue_dma source(%dma_start3A_151 : memref<32x64xi32, #tpu.memory_space<hbm>>) target(%arg8 : memref<32x64xi32, #tpu.memory_space<vmem>>) target_semaphore(%run_scoped3A_147 : memref<!tpu.dma_semaphore, #tpu.memory_space<semaphore_mem>>)
        %dma_wait3A_152 = arith.constant 0 : i32
        %dma_wait3A_153 = tpu.memref_slice %arg4[%add3A_104, %dma_wait3A_152] : memref<5120x64xi32, #tpu.memory_space<hbm>> -> memref<32x64xi32, #tpu.memory_space<hbm>>
        %dma_wait3A_154 = arith.constant 0 : i32
        %dma_wait3A_155 = tpu.memref_slice %arg4[%add3A_104, %dma_wait3A_154] : memref<5120x64xi32, #tpu.memory_space<hbm>> -> memref<32x64xi32, #tpu.memory_space<hbm>>
        tpu.wait_dma2 semaphore(%run_scoped3A_147 : memref<!tpu.dma_semaphore, #tpu.memory_space<semaphore_mem>>) src(%dma_wait3A_155 : memref<32x64xi32, #tpu.memory_space<hbm>>) dst(%arg8 : memref<32x64xi32, #tpu.memory_space<vmem>>)
        tpu.yield
      }) : () -> ()
      %dma_start3A_105 = arith.constant 0 : i32
      %dma_start3A_106 = arith.constant 0 : i32
      %dma_start3A_107 = tpu.memref_slice %arg7[%dma_start3A_105, %dma_start3A_106] : memref<32x64xi32, #tpu.memory_space<vmem>> -> memref<1x64xi32, #tpu.memory_space<vmem>>
      %dma_start3A_108 = tpu.memref_squeeze %dma_start3A_107 : memref<1x64xi32, #tpu.memory_space<vmem>> -> memref<64xi32, #tpu.memory_space<vmem>>
      %dma_start3A_109 = arith.constant 0 : i32
      %dma_start3A_110 = arith.constant 0 : i32
      %dma_start3A_111 = tpu.memref_slice %arg2[%dma_start3A_109, %dma_start3A_110] : memref<20000x128xf32, #tpu.memory_space<hbm>> -> memref<20000x128xf32, #tpu.memory_space<hbm>>
      tpu.enqueue_indirect_dma source(%dma_start3A_111 : memref<20000x128xf32, #tpu.memory_space<hbm>>) target(%arg9 : memref<64x128xf32, #tpu.memory_space<vmem>>) offsets(%dma_start3A_108 : memref<64xi32, #tpu.memory_space<vmem>>) semaphore(%arg12 : memref<!tpu.dma_semaphore, #tpu.memory_space<semaphore_mem>>)
      %dma_start3A_112 = arith.constant 1 : i32
      %dma_start3A_113 = arith.constant 0 : i32
      %dma_start3A_114 = tpu.memref_slice %arg7[%dma_start3A_112, %dma_start3A_113] : memref<32x64xi32, #tpu.memory_space<vmem>> -> memref<1x64xi32, #tpu.memory_space<vmem>>
      %dma_start3A_115 = tpu.memref_squeeze %dma_start3A_114 : memref<1x64xi32, #tpu.memory_space<vmem>> -> memref<64xi32, #tpu.memory_space<vmem>>
      %dma_start3A_116 = arith.constant 0 : i32
      %dma_start3A_117 = arith.constant 0 : i32
      %dma_start3A_118 = tpu.memref_slice %arg2[%dma_start3A_116, %dma_start3A_117] : memref<20000x128xf32, #tpu.memory_space<hbm>> -> memref<20000x128xf32, #tpu.memory_space<hbm>>
      tpu.enqueue_indirect_dma source(%dma_start3A_118 : memref<20000x128xf32, #tpu.memory_space<hbm>>) target(%arg10 : memref<64x128xf32, #tpu.memory_space<vmem>>) offsets(%dma_start3A_115 : memref<64xi32, #tpu.memory_space<vmem>>) semaphore(%arg13 : memref<!tpu.dma_semaphore, #tpu.memory_space<semaphore_mem>>)
      %scan3A_119 = arith.constant 0 : i32
      %scan3A_120 = arith.constant 10 : i32
      %scan3A_121 = arith.addi %scan3A_119, %scan3A_120 : i32
      %scan3A_122 = arith.constant 1 : i32
      scf.for %scan3A_147 = %scan3A_119 to %scan3A_121 step %scan3A_122  : i32 {
        %mul3A_148 = arith.constant 3 : i32
        %mul3A_149 = arith.muli %scan3A_147, %mul3A_148 : i32
        %add3A_150 = arith.constant 0 : i32
        %add3A_151 = arith.addi %add3A_150, %mul3A_149 : i32
        %add3A_152 = arith.constant 0 : i32
        %add3A_153 = arith.addi %add3A_151, %add3A_152 : i32
        %dma_wait3A_154 = arith.constant 0 : i32
        %dma_wait3A_155 = tpu.memref_slice %arg7[%add3A_153, %dma_wait3A_154] : memref<32x64xi32, #tpu.memory_space<vmem>> -> memref<1x64xi32, #tpu.memory_space<vmem>>
        %dma_wait3A_156 = tpu.memref_squeeze %dma_wait3A_155 : memref<1x64xi32, #tpu.memory_space<vmem>> -> memref<64xi32, #tpu.memory_space<vmem>>
        %dma_wait3A_157 = arith.constant 0 : i32
        %dma_wait3A_158 = arith.constant 0 : i32
        %dma_wait3A_159 = tpu.memref_slice %arg2[%dma_wait3A_157, %dma_wait3A_158] : memref<20000x128xf32, #tpu.memory_space<hbm>> -> memref<20000x128xf32, #tpu.memory_space<hbm>>
        tpu.wait_indirect_dma semaphore(%arg12 : memref<!tpu.dma_semaphore, #tpu.memory_space<semaphore_mem>>) src(%dma_wait3A_159 : memref<20000x128xf32, #tpu.memory_space<hbm>>) dst(%arg9 : memref<64x128xf32, #tpu.memory_space<vmem>>)
        %dma_start3A_160 = arith.constant 0 : i32
        %dma_start3A_161 = tpu.memref_slice %arg8[%add3A_153, %dma_start3A_160] : memref<32x64xi32, #tpu.memory_space<vmem>> -> memref<1x64xi32, #tpu.memory_space<vmem>>
        %dma_start3A_162 = tpu.memref_squeeze %dma_start3A_161 : memref<1x64xi32, #tpu.memory_space<vmem>> -> memref<64xi32, #tpu.memory_space<vmem>>
        %dma_start3A_163 = arith.constant 0 : i32
        %dma_start3A_164 = arith.constant 0 : i32
        %dma_start3A_165 = tpu.memref_slice %arg18[%dma_start3A_163, %dma_start3A_164] : memref<10240x128xf32, #tpu.memory_space<vmem_shared>> -> memref<10240x128xf32, #tpu.memory_space<vmem_shared>>
        tpu.enqueue_indirect_dma source(%arg9 : memref<64x128xf32, #tpu.memory_space<vmem>>) target(%dma_start3A_165 : memref<10240x128xf32, #tpu.memory_space<vmem_shared>>) offsets(%dma_start3A_162 : memref<64xi32, #tpu.memory_space<vmem>>) semaphore(%arg15 : memref<!tpu.dma_semaphore, #tpu.memory_space<semaphore_mem>>) {add = true}
        %ge3A = arith.constant 1 : i32
        %ge3A_166 = arith.cmpi sge, %add3A_153, %ge3A : i32
        %convert_element_type3A_167 = arith.extui %ge3A_166 : i1 to i32
        %cond3A_168 = arith.constant 0 : i32
        %cond3A_169 = arith.cmpi ne, %convert_element_type3A_167, %cond3A_168 : i32
        scf.if %cond3A_169 {
          %dma_wait3A_232 = arith.constant 0 : i32
          %dma_wait3A_233 = arith.constant 0 : i32
          %dma_wait3A_234 = tpu.memref_slice %arg8[%dma_wait3A_232, %dma_wait3A_233] : memref<32x64xi32, #tpu.memory_space<vmem>> -> memref<1x64xi32, #tpu.memory_space<vmem>>
          %dma_wait3A_235 = tpu.memref_squeeze %dma_wait3A_234 : memref<1x64xi32, #tpu.memory_space<vmem>> -> memref<64xi32, #tpu.memory_space<vmem>>
          %dma_wait3A_236 = arith.constant 0 : i32
          %dma_wait3A_237 = arith.constant 0 : i32
          %dma_wait3A_238 = tpu.memref_slice %arg18[%dma_wait3A_236, %dma_wait3A_237] : memref<10240x128xf32, #tpu.memory_space<vmem_shared>> -> memref<10240x128xf32, #tpu.memory_space<vmem_shared>>
          tpu.wait_indirect_dma semaphore(%arg17 : memref<!tpu.dma_semaphore, #tpu.memory_space<semaphore_mem>>) src(%arg11 : memref<64x128xf32, #tpu.memory_space<vmem>>) dst(%dma_wait3A_238 : memref<10240x128xf32, #tpu.memory_space<vmem_shared>>)
        } else {
        }
        %add3A_170 = arith.constant 2 : i32
        %add3A_171 = arith.addi %add3A_153, %add3A_170 : i32
        %dma_start3A_172 = arith.constant 0 : i32
        %dma_start3A_173 = tpu.memref_slice %arg7[%add3A_171, %dma_start3A_172] : memref<32x64xi32, #tpu.memory_space<vmem>> -> memref<1x64xi32, #tpu.memory_space<vmem>>
        %dma_start3A_174 = tpu.memref_squeeze %dma_start3A_173 : memref<1x64xi32, #tpu.memory_space<vmem>> -> memref<64xi32, #tpu.memory_space<vmem>>
        %dma_start3A_175 = arith.constant 0 : i32
        %dma_start3A_176 = arith.constant 0 : i32
        %dma_start3A_177 = tpu.memref_slice %arg2[%dma_start3A_175, %dma_start3A_176] : memref<20000x128xf32, #tpu.memory_space<hbm>> -> memref<20000x128xf32, #tpu.memory_space<hbm>>
        tpu.enqueue_indirect_dma source(%dma_start3A_177 : memref<20000x128xf32, #tpu.memory_space<hbm>>) target(%arg11 : memref<64x128xf32, #tpu.memory_space<vmem>>) offsets(%dma_start3A_174 : memref<64xi32, #tpu.memory_space<vmem>>) semaphore(%arg14 : memref<!tpu.dma_semaphore, #tpu.memory_space<semaphore_mem>>)
        %add3A_178 = arith.constant 1 : i32
        %add3A_179 = arith.addi %add3A_151, %add3A_178 : i32
        %dma_wait3A_180 = arith.constant 0 : i32
        %dma_wait3A_181 = tpu.memref_slice %arg7[%add3A_179, %dma_wait3A_180] : memref<32x64xi32, #tpu.memory_space<vmem>> -> memref<1x64xi32, #tpu.memory_space<vmem>>
        %dma_wait3A_182 = tpu.memref_squeeze %dma_wait3A_181 : memref<1x64xi32, #tpu.memory_space<vmem>> -> memref<64xi32, #tpu.memory_space<vmem>>
        %dma_wait3A_183 = arith.constant 0 : i32
        %dma_wait3A_184 = arith.constant 0 : i32
        %dma_wait3A_185 = tpu.memref_slice %arg2[%dma_wait3A_183, %dma_wait3A_184] : memref<20000x128xf32, #tpu.memory_space<hbm>> -> memref<20000x128xf32, #tpu.memory_space<hbm>>
        tpu.wait_indirect_dma semaphore(%arg13 : memref<!tpu.dma_semaphore, #tpu.memory_space<semaphore_mem>>) src(%dma_wait3A_185 : memref<20000x128xf32, #tpu.memory_space<hbm>>) dst(%arg10 : memref<64x128xf32, #tpu.memory_space<vmem>>)
        %dma_start3A_186 = arith.constant 0 : i32
        %dma_start3A_187 = tpu.memref_slice %arg8[%add3A_179, %dma_start3A_186] : memref<32x64xi32, #tpu.memory_space<vmem>> -> memref<1x64xi32, #tpu.memory_space<vmem>>
        %dma_start3A_188 = tpu.memref_squeeze %dma_start3A_187 : memref<1x64xi32, #tpu.memory_space<vmem>> -> memref<64xi32, #tpu.memory_space<vmem>>
        %dma_start3A_189 = arith.constant 0 : i32
        %dma_start3A_190 = arith.constant 0 : i32
        %dma_start3A_191 = tpu.memref_slice %arg18[%dma_start3A_189, %dma_start3A_190] : memref<10240x128xf32, #tpu.memory_space<vmem_shared>> -> memref<10240x128xf32, #tpu.memory_space<vmem_shared>>
        tpu.enqueue_indirect_dma source(%arg10 : memref<64x128xf32, #tpu.memory_space<vmem>>) target(%dma_start3A_191 : memref<10240x128xf32, #tpu.memory_space<vmem_shared>>) offsets(%dma_start3A_188 : memref<64xi32, #tpu.memory_space<vmem>>) semaphore(%arg16 : memref<!tpu.dma_semaphore, #tpu.memory_space<semaphore_mem>>) {add = true}
        %ge3A_192 = arith.constant 1 : i32
        %ge3A_193 = arith.cmpi sge, %add3A_179, %ge3A_192 : i32
        %convert_element_type3A_194 = arith.extui %ge3A_193 : i1 to i32
        %cond3A_195 = arith.constant 0 : i32
        %cond3A_196 = arith.cmpi ne, %convert_element_type3A_194, %cond3A_195 : i32
        scf.if %cond3A_196 {
          %dma_wait3A_232 = arith.constant 0 : i32
          %dma_wait3A_233 = arith.constant 0 : i32
          %dma_wait3A_234 = tpu.memref_slice %arg8[%dma_wait3A_232, %dma_wait3A_233] : memref<32x64xi32, #tpu.memory_space<vmem>> -> memref<1x64xi32, #tpu.memory_space<vmem>>
          %dma_wait3A_235 = tpu.memref_squeeze %dma_wait3A_234 : memref<1x64xi32, #tpu.memory_space<vmem>> -> memref<64xi32, #tpu.memory_space<vmem>>
          %dma_wait3A_236 = arith.constant 0 : i32
          %dma_wait3A_237 = arith.constant 0 : i32
          %dma_wait3A_238 = tpu.memref_slice %arg18[%dma_wait3A_236, %dma_wait3A_237] : memref<10240x128xf32, #tpu.memory_space<vmem_shared>> -> memref<10240x128xf32, #tpu.memory_space<vmem_shared>>
          tpu.wait_indirect_dma semaphore(%arg15 : memref<!tpu.dma_semaphore, #tpu.memory_space<semaphore_mem>>) src(%arg9 : memref<64x128xf32, #tpu.memory_space<vmem>>) dst(%dma_wait3A_238 : memref<10240x128xf32, #tpu.memory_space<vmem_shared>>)
        } else {
        }
        %add3A_197 = arith.constant 2 : i32
        %add3A_198 = arith.addi %add3A_179, %add3A_197 : i32
        %dma_start3A_199 = arith.constant 0 : i32
        %dma_start3A_200 = tpu.memref_slice %arg7[%add3A_198, %dma_start3A_199] : memref<32x64xi32, #tpu.memory_space<vmem>> -> memref<1x64xi32, #tpu.memory_space<vmem>>
        %dma_start3A_201 = tpu.memref_squeeze %dma_start3A_200 : memref<1x64xi32, #tpu.memory_space<vmem>> -> memref<64xi32, #tpu.memory_space<vmem>>
        %dma_start3A_202 = arith.constant 0 : i32
        %dma_start3A_203 = arith.constant 0 : i32
        %dma_start3A_204 = tpu.memref_slice %arg2[%dma_start3A_202, %dma_start3A_203] : memref<20000x128xf32, #tpu.memory_space<hbm>> -> memref<20000x128xf32, #tpu.memory_space<hbm>>
        tpu.enqueue_indirect_dma source(%dma_start3A_204 : memref<20000x128xf32, #tpu.memory_space<hbm>>) target(%arg9 : memref<64x128xf32, #tpu.memory_space<vmem>>) offsets(%dma_start3A_201 : memref<64xi32, #tpu.memory_space<vmem>>) semaphore(%arg12 : memref<!tpu.dma_semaphore, #tpu.memory_space<semaphore_mem>>)
        %add3A_205 = arith.constant 2 : i32
        %add3A_206 = arith.addi %add3A_151, %add3A_205 : i32
        %dma_wait3A_207 = arith.constant 0 : i32
        %dma_wait3A_208 = tpu.memref_slice %arg7[%add3A_206, %dma_wait3A_207] : memref<32x64xi32, #tpu.memory_space<vmem>> -> memref<1x64xi32, #tpu.memory_space<vmem>>
        %dma_wait3A_209 = tpu.memref_squeeze %dma_wait3A_208 : memref<1x64xi32, #tpu.memory_space<vmem>> -> memref<64xi32, #tpu.memory_space<vmem>>
        %dma_wait3A_210 = arith.constant 0 : i32
        %dma_wait3A_211 = arith.constant 0 : i32
        %dma_wait3A_212 = tpu.memref_slice %arg2[%dma_wait3A_210, %dma_wait3A_211] : memref<20000x128xf32, #tpu.memory_space<hbm>> -> memref<20000x128xf32, #tpu.memory_space<hbm>>
        tpu.wait_indirect_dma semaphore(%arg14 : memref<!tpu.dma_semaphore, #tpu.memory_space<semaphore_mem>>) src(%dma_wait3A_212 : memref<20000x128xf32, #tpu.memory_space<hbm>>) dst(%arg11 : memref<64x128xf32, #tpu.memory_space<vmem>>)
        %dma_start3A_213 = arith.constant 0 : i32
        %dma_start3A_214 = tpu.memref_slice %arg8[%add3A_206, %dma_start3A_213] : memref<32x64xi32, #tpu.memory_space<vmem>> -> memref<1x64xi32, #tpu.memory_space<vmem>>
        %dma_start3A_215 = tpu.memref_squeeze %dma_start3A_214 : memref<1x64xi32, #tpu.memory_space<vmem>> -> memref<64xi32, #tpu.memory_space<vmem>>
        %dma_start3A_216 = arith.constant 0 : i32
        %dma_start3A_217 = arith.constant 0 : i32
        %dma_start3A_218 = tpu.memref_slice %arg18[%dma_start3A_216, %dma_start3A_217] : memref<10240x128xf32, #tpu.memory_space<vmem_shared>> -> memref<10240x128xf32, #tpu.memory_space<vmem_shared>>
        tpu.enqueue_indirect_dma source(%arg11 : memref<64x128xf32, #tpu.memory_space<vmem>>) target(%dma_start3A_218 : memref<10240x128xf32, #tpu.memory_space<vmem_shared>>) offsets(%dma_start3A_215 : memref<64xi32, #tpu.memory_space<vmem>>) semaphore(%arg17 : memref<!tpu.dma_semaphore, #tpu.memory_space<semaphore_mem>>) {add = true}
        %ge3A_219 = arith.constant 1 : i32
        %ge3A_220 = arith.cmpi sge, %add3A_206, %ge3A_219 : i32
        %convert_element_type3A_221 = arith.extui %ge3A_220 : i1 to i32
        %cond3A_222 = arith.constant 0 : i32
        %cond3A_223 = arith.cmpi ne, %convert_element_type3A_221, %cond3A_222 : i32
        scf.if %cond3A_223 {
          %dma_wait3A_232 = arith.constant 0 : i32
          %dma_wait3A_233 = arith.constant 0 : i32
          %dma_wait3A_234 = tpu.memref_slice %arg8[%dma_wait3A_232, %dma_wait3A_233] : memref<32x64xi32, #tpu.memory_space<vmem>> -> memref<1x64xi32, #tpu.memory_space<vmem>>
          %dma_wait3A_235 = tpu.memref_squeeze %dma_wait3A_234 : memref<1x64xi32, #tpu.memory_space<vmem>> -> memref<64xi32, #tpu.memory_space<vmem>>
          %dma_wait3A_236 = arith.constant 0 : i32
          %dma_wait3A_237 = arith.constant 0 : i32
          %dma_wait3A_238 = tpu.memref_slice %arg18[%dma_wait3A_236, %dma_wait3A_237] : memref<10240x128xf32, #tpu.memory_space<vmem_shared>> -> memref<10240x128xf32, #tpu.memory_space<vmem_shared>>
          tpu.wait_indirect_dma semaphore(%arg16 : memref<!tpu.dma_semaphore, #tpu.memory_space<semaphore_mem>>) src(%arg10 : memref<64x128xf32, #tpu.memory_space<vmem>>) dst(%dma_wait3A_238 : memref<10240x128xf32, #tpu.memory_space<vmem_shared>>)
        } else {
        }
        %add3A_224 = arith.constant 2 : i32
        %add3A_225 = arith.addi %add3A_206, %add3A_224 : i32
        %dma_start3A_226 = arith.constant 0 : i32
        %dma_start3A_227 = tpu.memref_slice %arg7[%add3A_225, %dma_start3A_226] : memref<32x64xi32, #tpu.memory_space<vmem>> -> memref<1x64xi32, #tpu.memory_space<vmem>>
        %dma_start3A_228 = tpu.memref_squeeze %dma_start3A_227 : memref<1x64xi32, #tpu.memory_space<vmem>> -> memref<64xi32, #tpu.memory_space<vmem>>
        %dma_start3A_229 = arith.constant 0 : i32
        %dma_start3A_230 = arith.constant 0 : i32
        %dma_start3A_231 = tpu.memref_slice %arg2[%dma_start3A_229, %dma_start3A_230] : memref<20000x128xf32, #tpu.memory_space<hbm>> -> memref<20000x128xf32, #tpu.memory_space<hbm>>
        tpu.enqueue_indirect_dma source(%dma_start3A_231 : memref<20000x128xf32, #tpu.memory_space<hbm>>) target(%arg10 : memref<64x128xf32, #tpu.memory_space<vmem>>) offsets(%dma_start3A_228 : memref<64xi32, #tpu.memory_space<vmem>>) semaphore(%arg13 : memref<!tpu.dma_semaphore, #tpu.memory_space<semaphore_mem>>)
      }
      %scan3A_123 = arith.constant 10 : i32
      %dma_wait3A_124 = arith.constant 30 : i32
      %dma_wait3A_125 = arith.constant 0 : i32
      %dma_wait3A_126 = tpu.memref_slice %arg7[%dma_wait3A_124, %dma_wait3A_125] : memref<32x64xi32, #tpu.memory_space<vmem>> -> memref<1x64xi32, #tpu.memory_space<vmem>>
      %dma_wait3A_127 = tpu.memref_squeeze %dma_wait3A_126 : memref<1x64xi32, #tpu.memory_space<vmem>> -> memref<64xi32, #tpu.memory_space<vmem>>
      %dma_wait3A_128 = arith.constant 0 : i32
      %dma_wait3A_129 = arith.constant 0 : i32
      %dma_wait3A_130 = tpu.memref_slice %arg2[%dma_wait3A_128, %dma_wait3A_129] : memref<20000x128xf32, #tpu.memory_space<hbm>> -> memref<20000x128xf32, #tpu.memory_space<hbm>>
      tpu.wait_indirect_dma semaphore(%arg12 : memref<!tpu.dma_semaphore, #tpu.memory_space<semaphore_mem>>) src(%dma_wait3A_130 : memref<20000x128xf32, #tpu.memory_space<hbm>>) dst(%arg9 : memref<64x128xf32, #tpu.memory_space<vmem>>)
      %run_scoped3A_131 = arith.constant 30 : i32
      "tpu.region"() ({
        %run_scoped3A_147 = tpu.sem_alloc : memref<!tpu.dma_semaphore, #tpu.memory_space<semaphore_mem>>
        %dma_start3A_148 = arith.constant 0 : i32
        %dma_start3A_149 = tpu.memref_slice %arg8[%run_scoped3A_131, %dma_start3A_148] : memref<32x64xi32, #tpu.memory_space<vmem>> -> memref<1x64xi32, #tpu.memory_space<vmem>>
        %dma_start3A_150 = tpu.memref_squeeze %dma_start3A_149 : memref<1x64xi32, #tpu.memory_space<vmem>> -> memref<64xi32, #tpu.memory_space<vmem>>
        %dma_start3A_151 = arith.constant 0 : i32
        %dma_start3A_152 = arith.constant 0 : i32
        %dma_start3A_153 = tpu.memref_slice %arg18[%dma_start3A_151, %dma_start3A_152] : memref<10240x128xf32, #tpu.memory_space<vmem_shared>> -> memref<10240x128xf32, #tpu.memory_space<vmem_shared>>
        tpu.enqueue_indirect_dma source(%arg9 : memref<64x128xf32, #tpu.memory_space<vmem>>) target(%dma_start3A_153 : memref<10240x128xf32, #tpu.memory_space<vmem_shared>>) offsets(%dma_start3A_150 : memref<64xi32, #tpu.memory_space<vmem>>) semaphore(%run_scoped3A_147 : memref<!tpu.dma_semaphore, #tpu.memory_space<semaphore_mem>>) {add = true}
        %dma_wait3A_154 = arith.constant 0 : i32
        %dma_wait3A_155 = tpu.memref_slice %arg8[%run_scoped3A_131, %dma_wait3A_154] : memref<32x64xi32, #tpu.memory_space<vmem>> -> memref<1x64xi32, #tpu.memory_space<vmem>>
        %dma_wait3A_156 = tpu.memref_squeeze %dma_wait3A_155 : memref<1x64xi32, #tpu.memory_space<vmem>> -> memref<64xi32, #tpu.memory_space<vmem>>
        %dma_wait3A_157 = arith.constant 0 : i32
        %dma_wait3A_158 = arith.constant 0 : i32
        %dma_wait3A_159 = tpu.memref_slice %arg18[%dma_wait3A_157, %dma_wait3A_158] : memref<10240x128xf32, #tpu.memory_space<vmem_shared>> -> memref<10240x128xf32, #tpu.memory_space<vmem_shared>>
        tpu.wait_indirect_dma semaphore(%run_scoped3A_147 : memref<!tpu.dma_semaphore, #tpu.memory_space<semaphore_mem>>) src(%arg9 : memref<64x128xf32, #tpu.memory_space<vmem>>) dst(%dma_wait3A_159 : memref<10240x128xf32, #tpu.memory_space<vmem_shared>>)
        tpu.yield
      }) : () -> ()
      %dma_wait3A_132 = arith.constant 31 : i32
      %dma_wait3A_133 = arith.constant 0 : i32
      %dma_wait3A_134 = tpu.memref_slice %arg7[%dma_wait3A_132, %dma_wait3A_133] : memref<32x64xi32, #tpu.memory_space<vmem>> -> memref<1x64xi32, #tpu.memory_space<vmem>>
      %dma_wait3A_135 = tpu.memref_squeeze %dma_wait3A_134 : memref<1x64xi32, #tpu.memory_space<vmem>> -> memref<64xi32, #tpu.memory_space<vmem>>
      %dma_wait3A_136 = arith.constant 0 : i32
      %dma_wait3A_137 = arith.constant 0 : i32
      %dma_wait3A_138 = tpu.memref_slice %arg2[%dma_wait3A_136, %dma_wait3A_137] : memref<20000x128xf32, #tpu.memory_space<hbm>> -> memref<20000x128xf32, #tpu.memory_space<hbm>>
      tpu.wait_indirect_dma semaphore(%arg13 : memref<!tpu.dma_semaphore, #tpu.memory_space<semaphore_mem>>) src(%dma_wait3A_138 : memref<20000x128xf32, #tpu.memory_space<hbm>>) dst(%arg10 : memref<64x128xf32, #tpu.memory_space<vmem>>)
      %run_scoped3A_139 = arith.constant 31 : i32
      "tpu.region"() ({
        %run_scoped3A_147 = tpu.sem_alloc : memref<!tpu.dma_semaphore, #tpu.memory_space<semaphore_mem>>
        %dma_start3A_148 = arith.constant 0 : i32
        %dma_start3A_149 = tpu.memref_slice %arg8[%run_scoped3A_139, %dma_start3A_148] : memref<32x64xi32, #tpu.memory_space<vmem>> -> memref<1x64xi32, #tpu.memory_space<vmem>>
        %dma_start3A_150 = tpu.memref_squeeze %dma_start3A_149 : memref<1x64xi32, #tpu.memory_space<vmem>> -> memref<64xi32, #tpu.memory_space<vmem>>
        %dma_start3A_151 = arith.constant 0 : i32
        %dma_start3A_152 = arith.constant 0 : i32
        %dma_start3A_153 = tpu.memref_slice %arg18[%dma_start3A_151, %dma_start3A_152] : memref<10240x128xf32, #tpu.memory_space<vmem_shared>> -> memref<10240x128xf32, #tpu.memory_space<vmem_shared>>
        tpu.enqueue_indirect_dma source(%arg10 : memref<64x128xf32, #tpu.memory_space<vmem>>) target(%dma_start3A_153 : memref<10240x128xf32, #tpu.memory_space<vmem_shared>>) offsets(%dma_start3A_150 : memref<64xi32, #tpu.memory_space<vmem>>) semaphore(%run_scoped3A_147 : memref<!tpu.dma_semaphore, #tpu.memory_space<semaphore_mem>>) {add = true}
        %dma_wait3A_154 = arith.constant 0 : i32
        %dma_wait3A_155 = tpu.memref_slice %arg8[%run_scoped3A_139, %dma_wait3A_154] : memref<32x64xi32, #tpu.memory_space<vmem>> -> memref<1x64xi32, #tpu.memory_space<vmem>>
        %dma_wait3A_156 = tpu.memref_squeeze %dma_wait3A_155 : memref<1x64xi32, #tpu.memory_space<vmem>> -> memref<64xi32, #tpu.memory_space<vmem>>
        %dma_wait3A_157 = arith.constant 0 : i32
        %dma_wait3A_158 = arith.constant 0 : i32
        %dma_wait3A_159 = tpu.memref_slice %arg18[%dma_wait3A_157, %dma_wait3A_158] : memref<10240x128xf32, #tpu.memory_space<vmem_shared>> -> memref<10240x128xf32, #tpu.memory_space<vmem_shared>>
        tpu.wait_indirect_dma semaphore(%run_scoped3A_147 : memref<!tpu.dma_semaphore, #tpu.memory_space<semaphore_mem>>) src(%arg10 : memref<64x128xf32, #tpu.memory_space<vmem>>) dst(%dma_wait3A_159 : memref<10240x128xf32, #tpu.memory_space<vmem_shared>>)
        tpu.yield
      }) : () -> ()
      %dma_wait3A_140 = arith.constant 0 : i32
      %dma_wait3A_141 = arith.constant 0 : i32
      %dma_wait3A_142 = tpu.memref_slice %arg8[%dma_wait3A_140, %dma_wait3A_141] : memref<32x64xi32, #tpu.memory_space<vmem>> -> memref<1x64xi32, #tpu.memory_space<vmem>>
      %dma_wait3A_143 = tpu.memref_squeeze %dma_wait3A_142 : memref<1x64xi32, #tpu.memory_space<vmem>> -> memref<64xi32, #tpu.memory_space<vmem>>
      %dma_wait3A_144 = arith.constant 0 : i32
      %dma_wait3A_145 = arith.constant 0 : i32
      %dma_wait3A_146 = tpu.memref_slice %arg18[%dma_wait3A_144, %dma_wait3A_145] : memref<10240x128xf32, #tpu.memory_space<vmem_shared>> -> memref<10240x128xf32, #tpu.memory_space<vmem_shared>>
      tpu.wait_indirect_dma semaphore(%arg17 : memref<!tpu.dma_semaphore, #tpu.memory_space<semaphore_mem>>) src(%arg11 : memref<64x128xf32, #tpu.memory_space<vmem>>) dst(%dma_wait3A_146 : memref<10240x128xf32, #tpu.memory_space<vmem_shared>>)
    }
    %scan3A_47 = arith.constant 3 : i32
    %add3A_48 = arith.constant 128 : i32
    %add3A_49 = arith.addi %mul3A_2, %add3A_48 : i32
    "tpu.region"() ({
      %run_scoped3A_97 = tpu.sem_alloc : memref<!tpu.dma_semaphore, #tpu.memory_space<semaphore_mem>>
      %dma_start3A_98 = arith.constant 0 : i32
      %dma_start3A_99 = tpu.memref_slice %arg3[%add3A_49, %dma_start3A_98] : memref<5120x64xi32, #tpu.memory_space<hbm>> -> memref<32x64xi32, #tpu.memory_space<hbm>>
      %dma_start3A_100 = arith.constant 0 : i32
      %dma_start3A_101 = tpu.memref_slice %arg3[%add3A_49, %dma_start3A_100] : memref<5120x64xi32, #tpu.memory_space<hbm>> -> memref<32x64xi32, #tpu.memory_space<hbm>>
      tpu.enqueue_dma source(%dma_start3A_101 : memref<32x64xi32, #tpu.memory_space<hbm>>) target(%arg7 : memref<32x64xi32, #tpu.memory_space<vmem>>) target_semaphore(%run_scoped3A_97 : memref<!tpu.dma_semaphore, #tpu.memory_space<semaphore_mem>>)
      %dma_wait3A_102 = arith.constant 0 : i32
      %dma_wait3A_103 = tpu.memref_slice %arg3[%add3A_49, %dma_wait3A_102] : memref<5120x64xi32, #tpu.memory_space<hbm>> -> memref<32x64xi32, #tpu.memory_space<hbm>>
      %dma_wait3A_104 = arith.constant 0 : i32
      %dma_wait3A_105 = tpu.memref_slice %arg3[%add3A_49, %dma_wait3A_104] : memref<5120x64xi32, #tpu.memory_space<hbm>> -> memref<32x64xi32, #tpu.memory_space<hbm>>
      tpu.wait_dma2 semaphore(%run_scoped3A_97 : memref<!tpu.dma_semaphore, #tpu.memory_space<semaphore_mem>>) src(%dma_wait3A_105 : memref<32x64xi32, #tpu.memory_space<hbm>>) dst(%arg7 : memref<32x64xi32, #tpu.memory_space<vmem>>)
      tpu.yield
    }) : () -> ()
    "tpu.region"() ({
      %run_scoped3A_97 = tpu.sem_alloc : memref<!tpu.dma_semaphore, #tpu.memory_space<semaphore_mem>>
      %dma_start3A_98 = arith.constant 0 : i32
      %dma_start3A_99 = tpu.memref_slice %arg4[%add3A_49, %dma_start3A_98] : memref<5120x64xi32, #tpu.memory_space<hbm>> -> memref<32x64xi32, #tpu.memory_space<hbm>>
      %dma_start3A_100 = arith.constant 0 : i32
      %dma_start3A_101 = tpu.memref_slice %arg4[%add3A_49, %dma_start3A_100] : memref<5120x64xi32, #tpu.memory_space<hbm>> -> memref<32x64xi32, #tpu.memory_space<hbm>>
      tpu.enqueue_dma source(%dma_start3A_101 : memref<32x64xi32, #tpu.memory_space<hbm>>) target(%arg8 : memref<32x64xi32, #tpu.memory_space<vmem>>) target_semaphore(%run_scoped3A_97 : memref<!tpu.dma_semaphore, #tpu.memory_space<semaphore_mem>>)
      %dma_wait3A_102 = arith.constant 0 : i32
      %dma_wait3A_103 = tpu.memref_slice %arg4[%add3A_49, %dma_wait3A_102] : memref<5120x64xi32, #tpu.memory_space<hbm>> -> memref<32x64xi32, #tpu.memory_space<hbm>>
      %dma_wait3A_104 = arith.constant 0 : i32
      %dma_wait3A_105 = tpu.memref_slice %arg4[%add3A_49, %dma_wait3A_104] : memref<5120x64xi32, #tpu.memory_space<hbm>> -> memref<32x64xi32, #tpu.memory_space<hbm>>
      tpu.wait_dma2 semaphore(%run_scoped3A_97 : memref<!tpu.dma_semaphore, #tpu.memory_space<semaphore_mem>>) src(%dma_wait3A_105 : memref<32x64xi32, #tpu.memory_space<hbm>>) dst(%arg8 : memref<32x64xi32, #tpu.memory_space<vmem>>)
      tpu.yield
    }) : () -> ()
    %dma_start3A_50 = arith.constant 0 : i32
    %dma_start3A_51 = arith.constant 0 : i32
    %dma_start3A_52 = tpu.memref_slice %arg7[%dma_start3A_50, %dma_start3A_51] : memref<32x64xi32, #tpu.memory_space<vmem>> -> memref<1x64xi32, #tpu.memory_space<vmem>>
    %dma_start3A_53 = tpu.memref_squeeze %dma_start3A_52 : memref<1x64xi32, #tpu.memory_space<vmem>> -> memref<64xi32, #tpu.memory_space<vmem>>
    %dma_start3A_54 = arith.constant 0 : i32
    %dma_start3A_55 = arith.constant 0 : i32
    %dma_start3A_56 = tpu.memref_slice %arg2[%dma_start3A_54, %dma_start3A_55] : memref<20000x128xf32, #tpu.memory_space<hbm>> -> memref<20000x128xf32, #tpu.memory_space<hbm>>
    tpu.enqueue_indirect_dma source(%dma_start3A_56 : memref<20000x128xf32, #tpu.memory_space<hbm>>) target(%arg9 : memref<64x128xf32, #tpu.memory_space<vmem>>) offsets(%dma_start3A_53 : memref<64xi32, #tpu.memory_space<vmem>>) semaphore(%arg12 : memref<!tpu.dma_semaphore, #tpu.memory_space<semaphore_mem>>)
    %dma_start3A_57 = arith.constant 1 : i32
    %dma_start3A_58 = arith.constant 0 : i32
    %dma_start3A_59 = tpu.memref_slice %arg7[%dma_start3A_57, %dma_start3A_58] : memref<32x64xi32, #tpu.memory_space<vmem>> -> memref<1x64xi32, #tpu.memory_space<vmem>>
    %dma_start3A_60 = tpu.memref_squeeze %dma_start3A_59 : memref<1x64xi32, #tpu.memory_space<vmem>> -> memref<64xi32, #tpu.memory_space<vmem>>
    %dma_start3A_61 = arith.constant 0 : i32
    %dma_start3A_62 = arith.constant 0 : i32
    %dma_start3A_63 = tpu.memref_slice %arg2[%dma_start3A_61, %dma_start3A_62] : memref<20000x128xf32, #tpu.memory_space<hbm>> -> memref<20000x128xf32, #tpu.memory_space<hbm>>
    tpu.enqueue_indirect_dma source(%dma_start3A_63 : memref<20000x128xf32, #tpu.memory_space<hbm>>) target(%arg10 : memref<64x128xf32, #tpu.memory_space<vmem>>) offsets(%dma_start3A_60 : memref<64xi32, #tpu.memory_space<vmem>>) semaphore(%arg13 : memref<!tpu.dma_semaphore, #tpu.memory_space<semaphore_mem>>)
    %scan3A_64 = arith.constant 0 : i32
    %scan3A_65 = arith.constant 9 : i32
    %scan3A_66 = arith.addi %scan3A_64, %scan3A_65 : i32
    %scan3A_67 = arith.constant 1 : i32
    scf.for %scan3A_97 = %scan3A_64 to %scan3A_66 step %scan3A_67  : i32 {
      %mul3A_98 = arith.constant 3 : i32
      %mul3A_99 = arith.muli %scan3A_97, %mul3A_98 : i32
      %add3A_100 = arith.constant 0 : i32
      %add3A_101 = arith.addi %add3A_100, %mul3A_99 : i32
      %add3A_102 = arith.constant 0 : i32
      %add3A_103 = arith.addi %add3A_101, %add3A_102 : i32
      %dma_wait3A_104 = arith.constant 0 : i32
      %dma_wait3A_105 = tpu.memref_slice %arg7[%add3A_103, %dma_wait3A_104] : memref<32x64xi32, #tpu.memory_space<vmem>> -> memref<1x64xi32, #tpu.memory_space<vmem>>
      %dma_wait3A_106 = tpu.memref_squeeze %dma_wait3A_105 : memref<1x64xi32, #tpu.memory_space<vmem>> -> memref<64xi32, #tpu.memory_space<vmem>>
      %dma_wait3A_107 = arith.constant 0 : i32
      %dma_wait3A_108 = arith.constant 0 : i32
      %dma_wait3A_109 = tpu.memref_slice %arg2[%dma_wait3A_107, %dma_wait3A_108] : memref<20000x128xf32, #tpu.memory_space<hbm>> -> memref<20000x128xf32, #tpu.memory_space<hbm>>
      tpu.wait_indirect_dma semaphore(%arg12 : memref<!tpu.dma_semaphore, #tpu.memory_space<semaphore_mem>>) src(%dma_wait3A_109 : memref<20000x128xf32, #tpu.memory_space<hbm>>) dst(%arg9 : memref<64x128xf32, #tpu.memory_space<vmem>>)
      %dma_start3A_110 = arith.constant 0 : i32
      %dma_start3A_111 = tpu.memref_slice %arg8[%add3A_103, %dma_start3A_110] : memref<32x64xi32, #tpu.memory_space<vmem>> -> memref<1x64xi32, #tpu.memory_space<vmem>>
      %dma_start3A_112 = tpu.memref_squeeze %dma_start3A_111 : memref<1x64xi32, #tpu.memory_space<vmem>> -> memref<64xi32, #tpu.memory_space<vmem>>
      %dma_start3A_113 = arith.constant 0 : i32
      %dma_start3A_114 = arith.constant 0 : i32
      %dma_start3A_115 = tpu.memref_slice %arg18[%dma_start3A_113, %dma_start3A_114] : memref<10240x128xf32, #tpu.memory_space<vmem_shared>> -> memref<10240x128xf32, #tpu.memory_space<vmem_shared>>
      tpu.enqueue_indirect_dma source(%arg9 : memref<64x128xf32, #tpu.memory_space<vmem>>) target(%dma_start3A_115 : memref<10240x128xf32, #tpu.memory_space<vmem_shared>>) offsets(%dma_start3A_112 : memref<64xi32, #tpu.memory_space<vmem>>) semaphore(%arg15 : memref<!tpu.dma_semaphore, #tpu.memory_space<semaphore_mem>>) {add = true}
      %ge3A = arith.constant 1 : i32
      %ge3A_116 = arith.cmpi sge, %add3A_103, %ge3A : i32
      %convert_element_type3A_117 = arith.extui %ge3A_116 : i1 to i32
      %cond3A_118 = arith.constant 0 : i32
      %cond3A_119 = arith.cmpi ne, %convert_element_type3A_117, %cond3A_118 : i32
      scf.if %cond3A_119 {
        %dma_wait3A_182 = arith.constant 0 : i32
        %dma_wait3A_183 = arith.constant 0 : i32
        %dma_wait3A_184 = tpu.memref_slice %arg8[%dma_wait3A_182, %dma_wait3A_183] : memref<32x64xi32, #tpu.memory_space<vmem>> -> memref<1x64xi32, #tpu.memory_space<vmem>>
        %dma_wait3A_185 = tpu.memref_squeeze %dma_wait3A_184 : memref<1x64xi32, #tpu.memory_space<vmem>> -> memref<64xi32, #tpu.memory_space<vmem>>
        %dma_wait3A_186 = arith.constant 0 : i32
        %dma_wait3A_187 = arith.constant 0 : i32
        %dma_wait3A_188 = tpu.memref_slice %arg18[%dma_wait3A_186, %dma_wait3A_187] : memref<10240x128xf32, #tpu.memory_space<vmem_shared>> -> memref<10240x128xf32, #tpu.memory_space<vmem_shared>>
        tpu.wait_indirect_dma semaphore(%arg17 : memref<!tpu.dma_semaphore, #tpu.memory_space<semaphore_mem>>) src(%arg11 : memref<64x128xf32, #tpu.memory_space<vmem>>) dst(%dma_wait3A_188 : memref<10240x128xf32, #tpu.memory_space<vmem_shared>>)
      } else {
      }
      %add3A_120 = arith.constant 2 : i32
      %add3A_121 = arith.addi %add3A_103, %add3A_120 : i32
      %dma_start3A_122 = arith.constant 0 : i32
      %dma_start3A_123 = tpu.memref_slice %arg7[%add3A_121, %dma_start3A_122] : memref<32x64xi32, #tpu.memory_space<vmem>> -> memref<1x64xi32, #tpu.memory_space<vmem>>
      %dma_start3A_124 = tpu.memref_squeeze %dma_start3A_123 : memref<1x64xi32, #tpu.memory_space<vmem>> -> memref<64xi32, #tpu.memory_space<vmem>>
      %dma_start3A_125 = arith.constant 0 : i32
      %dma_start3A_126 = arith.constant 0 : i32
      %dma_start3A_127 = tpu.memref_slice %arg2[%dma_start3A_125, %dma_start3A_126] : memref<20000x128xf32, #tpu.memory_space<hbm>> -> memref<20000x128xf32, #tpu.memory_space<hbm>>
      tpu.enqueue_indirect_dma source(%dma_start3A_127 : memref<20000x128xf32, #tpu.memory_space<hbm>>) target(%arg11 : memref<64x128xf32, #tpu.memory_space<vmem>>) offsets(%dma_start3A_124 : memref<64xi32, #tpu.memory_space<vmem>>) semaphore(%arg14 : memref<!tpu.dma_semaphore, #tpu.memory_space<semaphore_mem>>)
      %add3A_128 = arith.constant 1 : i32
      %add3A_129 = arith.addi %add3A_101, %add3A_128 : i32
      %dma_wait3A_130 = arith.constant 0 : i32
      %dma_wait3A_131 = tpu.memref_slice %arg7[%add3A_129, %dma_wait3A_130] : memref<32x64xi32, #tpu.memory_space<vmem>> -> memref<1x64xi32, #tpu.memory_space<vmem>>
      %dma_wait3A_132 = tpu.memref_squeeze %dma_wait3A_131 : memref<1x64xi32, #tpu.memory_space<vmem>> -> memref<64xi32, #tpu.memory_space<vmem>>
      %dma_wait3A_133 = arith.constant 0 : i32
      %dma_wait3A_134 = arith.constant 0 : i32
      %dma_wait3A_135 = tpu.memref_slice %arg2[%dma_wait3A_133, %dma_wait3A_134] : memref<20000x128xf32, #tpu.memory_space<hbm>> -> memref<20000x128xf32, #tpu.memory_space<hbm>>
      tpu.wait_indirect_dma semaphore(%arg13 : memref<!tpu.dma_semaphore, #tpu.memory_space<semaphore_mem>>) src(%dma_wait3A_135 : memref<20000x128xf32, #tpu.memory_space<hbm>>) dst(%arg10 : memref<64x128xf32, #tpu.memory_space<vmem>>)
      %dma_start3A_136 = arith.constant 0 : i32
      %dma_start3A_137 = tpu.memref_slice %arg8[%add3A_129, %dma_start3A_136] : memref<32x64xi32, #tpu.memory_space<vmem>> -> memref<1x64xi32, #tpu.memory_space<vmem>>
      %dma_start3A_138 = tpu.memref_squeeze %dma_start3A_137 : memref<1x64xi32, #tpu.memory_space<vmem>> -> memref<64xi32, #tpu.memory_space<vmem>>
      %dma_start3A_139 = arith.constant 0 : i32
      %dma_start3A_140 = arith.constant 0 : i32
      %dma_start3A_141 = tpu.memref_slice %arg18[%dma_start3A_139, %dma_start3A_140] : memref<10240x128xf32, #tpu.memory_space<vmem_shared>> -> memref<10240x128xf32, #tpu.memory_space<vmem_shared>>
      tpu.enqueue_indirect_dma source(%arg10 : memref<64x128xf32, #tpu.memory_space<vmem>>) target(%dma_start3A_141 : memref<10240x128xf32, #tpu.memory_space<vmem_shared>>) offsets(%dma_start3A_138 : memref<64xi32, #tpu.memory_space<vmem>>) semaphore(%arg16 : memref<!tpu.dma_semaphore, #tpu.memory_space<semaphore_mem>>) {add = true}
      %ge3A_142 = arith.constant 1 : i32
      %ge3A_143 = arith.cmpi sge, %add3A_129, %ge3A_142 : i32
      %convert_element_type3A_144 = arith.extui %ge3A_143 : i1 to i32
      %cond3A_145 = arith.constant 0 : i32
      %cond3A_146 = arith.cmpi ne, %convert_element_type3A_144, %cond3A_145 : i32
      scf.if %cond3A_146 {
        %dma_wait3A_182 = arith.constant 0 : i32
        %dma_wait3A_183 = arith.constant 0 : i32
        %dma_wait3A_184 = tpu.memref_slice %arg8[%dma_wait3A_182, %dma_wait3A_183] : memref<32x64xi32, #tpu.memory_space<vmem>> -> memref<1x64xi32, #tpu.memory_space<vmem>>
        %dma_wait3A_185 = tpu.memref_squeeze %dma_wait3A_184 : memref<1x64xi32, #tpu.memory_space<vmem>> -> memref<64xi32, #tpu.memory_space<vmem>>
        %dma_wait3A_186 = arith.constant 0 : i32
        %dma_wait3A_187 = arith.constant 0 : i32
        %dma_wait3A_188 = tpu.memref_slice %arg18[%dma_wait3A_186, %dma_wait3A_187] : memref<10240x128xf32, #tpu.memory_space<vmem_shared>> -> memref<10240x128xf32, #tpu.memory_space<vmem_shared>>
        tpu.wait_indirect_dma semaphore(%arg15 : memref<!tpu.dma_semaphore, #tpu.memory_space<semaphore_mem>>) src(%arg9 : memref<64x128xf32, #tpu.memory_space<vmem>>) dst(%dma_wait3A_188 : memref<10240x128xf32, #tpu.memory_space<vmem_shared>>)
      } else {
      }
      %add3A_147 = arith.constant 2 : i32
      %add3A_148 = arith.addi %add3A_129, %add3A_147 : i32
      %dma_start3A_149 = arith.constant 0 : i32
      %dma_start3A_150 = tpu.memref_slice %arg7[%add3A_148, %dma_start3A_149] : memref<32x64xi32, #tpu.memory_space<vmem>> -> memref<1x64xi32, #tpu.memory_space<vmem>>
      %dma_start3A_151 = tpu.memref_squeeze %dma_start3A_150 : memref<1x64xi32, #tpu.memory_space<vmem>> -> memref<64xi32, #tpu.memory_space<vmem>>
      %dma_start3A_152 = arith.constant 0 : i32
      %dma_start3A_153 = arith.constant 0 : i32
      %dma_start3A_154 = tpu.memref_slice %arg2[%dma_start3A_152, %dma_start3A_153] : memref<20000x128xf32, #tpu.memory_space<hbm>> -> memref<20000x128xf32, #tpu.memory_space<hbm>>
      tpu.enqueue_indirect_dma source(%dma_start3A_154 : memref<20000x128xf32, #tpu.memory_space<hbm>>) target(%arg9 : memref<64x128xf32, #tpu.memory_space<vmem>>) offsets(%dma_start3A_151 : memref<64xi32, #tpu.memory_space<vmem>>) semaphore(%arg12 : memref<!tpu.dma_semaphore, #tpu.memory_space<semaphore_mem>>)
      %add3A_155 = arith.constant 2 : i32
      %add3A_156 = arith.addi %add3A_101, %add3A_155 : i32
      %dma_wait3A_157 = arith.constant 0 : i32
      %dma_wait3A_158 = tpu.memref_slice %arg7[%add3A_156, %dma_wait3A_157] : memref<32x64xi32, #tpu.memory_space<vmem>> -> memref<1x64xi32, #tpu.memory_space<vmem>>
      %dma_wait3A_159 = tpu.memref_squeeze %dma_wait3A_158 : memref<1x64xi32, #tpu.memory_space<vmem>> -> memref<64xi32, #tpu.memory_space<vmem>>
      %dma_wait3A_160 = arith.constant 0 : i32
      %dma_wait3A_161 = arith.constant 0 : i32
      %dma_wait3A_162 = tpu.memref_slice %arg2[%dma_wait3A_160, %dma_wait3A_161] : memref<20000x128xf32, #tpu.memory_space<hbm>> -> memref<20000x128xf32, #tpu.memory_space<hbm>>
      tpu.wait_indirect_dma semaphore(%arg14 : memref<!tpu.dma_semaphore, #tpu.memory_space<semaphore_mem>>) src(%dma_wait3A_162 : memref<20000x128xf32, #tpu.memory_space<hbm>>) dst(%arg11 : memref<64x128xf32, #tpu.memory_space<vmem>>)
      %dma_start3A_163 = arith.constant 0 : i32
      %dma_start3A_164 = tpu.memref_slice %arg8[%add3A_156, %dma_start3A_163] : memref<32x64xi32, #tpu.memory_space<vmem>> -> memref<1x64xi32, #tpu.memory_space<vmem>>
      %dma_start3A_165 = tpu.memref_squeeze %dma_start3A_164 : memref<1x64xi32, #tpu.memory_space<vmem>> -> memref<64xi32, #tpu.memory_space<vmem>>
      %dma_start3A_166 = arith.constant 0 : i32
      %dma_start3A_167 = arith.constant 0 : i32
      %dma_start3A_168 = tpu.memref_slice %arg18[%dma_start3A_166, %dma_start3A_167] : memref<10240x128xf32, #tpu.memory_space<vmem_shared>> -> memref<10240x128xf32, #tpu.memory_space<vmem_shared>>
      tpu.enqueue_indirect_dma source(%arg11 : memref<64x128xf32, #tpu.memory_space<vmem>>) target(%dma_start3A_168 : memref<10240x128xf32, #tpu.memory_space<vmem_shared>>) offsets(%dma_start3A_165 : memref<64xi32, #tpu.memory_space<vmem>>) semaphore(%arg17 : memref<!tpu.dma_semaphore, #tpu.memory_space<semaphore_mem>>) {add = true}
      %ge3A_169 = arith.constant 1 : i32
      %ge3A_170 = arith.cmpi sge, %add3A_156, %ge3A_169 : i32
      %convert_element_type3A_171 = arith.extui %ge3A_170 : i1 to i32
      %cond3A_172 = arith.constant 0 : i32
      %cond3A_173 = arith.cmpi ne, %convert_element_type3A_171, %cond3A_172 : i32
      scf.if %cond3A_173 {
        %dma_wait3A_182 = arith.constant 0 : i32
        %dma_wait3A_183 = arith.constant 0 : i32
        %dma_wait3A_184 = tpu.memref_slice %arg8[%dma_wait3A_182, %dma_wait3A_183] : memref<32x64xi32, #tpu.memory_space<vmem>> -> memref<1x64xi32, #tpu.memory_space<vmem>>
        %dma_wait3A_185 = tpu.memref_squeeze %dma_wait3A_184 : memref<1x64xi32, #tpu.memory_space<vmem>> -> memref<64xi32, #tpu.memory_space<vmem>>
        %dma_wait3A_186 = arith.constant 0 : i32
        %dma_wait3A_187 = arith.constant 0 : i32
        %dma_wait3A_188 = tpu.memref_slice %arg18[%dma_wait3A_186, %dma_wait3A_187] : memref<10240x128xf32, #tpu.memory_space<vmem_shared>> -> memref<10240x128xf32, #tpu.memory_space<vmem_shared>>
        tpu.wait_indirect_dma semaphore(%arg16 : memref<!tpu.dma_semaphore, #tpu.memory_space<semaphore_mem>>) src(%arg10 : memref<64x128xf32, #tpu.memory_space<vmem>>) dst(%dma_wait3A_188 : memref<10240x128xf32, #tpu.memory_space<vmem_shared>>)
      } else {
      }
      %add3A_174 = arith.constant 2 : i32
      %add3A_175 = arith.addi %add3A_156, %add3A_174 : i32
      %dma_start3A_176 = arith.constant 0 : i32
      %dma_start3A_177 = tpu.memref_slice %arg7[%add3A_175, %dma_start3A_176] : memref<32x64xi32, #tpu.memory_space<vmem>> -> memref<1x64xi32, #tpu.memory_space<vmem>>
      %dma_start3A_178 = tpu.memref_squeeze %dma_start3A_177 : memref<1x64xi32, #tpu.memory_space<vmem>> -> memref<64xi32, #tpu.memory_space<vmem>>
      %dma_start3A_179 = arith.constant 0 : i32
      %dma_start3A_180 = arith.constant 0 : i32
      %dma_start3A_181 = tpu.memref_slice %arg2[%dma_start3A_179, %dma_start3A_180] : memref<20000x128xf32, #tpu.memory_space<hbm>> -> memref<20000x128xf32, #tpu.memory_space<hbm>>
      tpu.enqueue_indirect_dma source(%dma_start3A_181 : memref<20000x128xf32, #tpu.memory_space<hbm>>) target(%arg10 : memref<64x128xf32, #tpu.memory_space<vmem>>) offsets(%dma_start3A_178 : memref<64xi32, #tpu.memory_space<vmem>>) semaphore(%arg13 : memref<!tpu.dma_semaphore, #tpu.memory_space<semaphore_mem>>)
    }
    %scan3A_68 = arith.constant 9 : i32
    %dma_wait3A_69 = arith.constant 27 : i32
    %dma_wait3A_70 = arith.constant 0 : i32
    %dma_wait3A_71 = tpu.memref_slice %arg7[%dma_wait3A_69, %dma_wait3A_70] : memref<32x64xi32, #tpu.memory_space<vmem>> -> memref<1x64xi32, #tpu.memory_space<vmem>>
    %dma_wait3A_72 = tpu.memref_squeeze %dma_wait3A_71 : memref<1x64xi32, #tpu.memory_space<vmem>> -> memref<64xi32, #tpu.memory_space<vmem>>
    %dma_wait3A_73 = arith.constant 0 : i32
    %dma_wait3A_74 = arith.constant 0 : i32
    %dma_wait3A_75 = tpu.memref_slice %arg2[%dma_wait3A_73, %dma_wait3A_74] : memref<20000x128xf32, #tpu.memory_space<hbm>> -> memref<20000x128xf32, #tpu.memory_space<hbm>>
    tpu.wait_indirect_dma semaphore(%arg12 : memref<!tpu.dma_semaphore, #tpu.memory_space<semaphore_mem>>) src(%dma_wait3A_75 : memref<20000x128xf32, #tpu.memory_space<hbm>>) dst(%arg9 : memref<64x128xf32, #tpu.memory_space<vmem>>)
    %run_scoped3A_76 = arith.constant 27 : i32
    "tpu.region"() ({
      %run_scoped3A_97 = tpu.sem_alloc : memref<!tpu.dma_semaphore, #tpu.memory_space<semaphore_mem>>
      %dma_start3A_98 = arith.constant 0 : i32
      %dma_start3A_99 = tpu.memref_slice %arg8[%run_scoped3A_76, %dma_start3A_98] : memref<32x64xi32, #tpu.memory_space<vmem>> -> memref<1x64xi32, #tpu.memory_space<vmem>>
      %dma_start3A_100 = tpu.memref_squeeze %dma_start3A_99 : memref<1x64xi32, #tpu.memory_space<vmem>> -> memref<64xi32, #tpu.memory_space<vmem>>
      %dma_start3A_101 = arith.constant 0 : i32
      %dma_start3A_102 = arith.constant 0 : i32
      %dma_start3A_103 = tpu.memref_slice %arg18[%dma_start3A_101, %dma_start3A_102] : memref<10240x128xf32, #tpu.memory_space<vmem_shared>> -> memref<10240x128xf32, #tpu.memory_space<vmem_shared>>
      tpu.enqueue_indirect_dma source(%arg9 : memref<64x128xf32, #tpu.memory_space<vmem>>) target(%dma_start3A_103 : memref<10240x128xf32, #tpu.memory_space<vmem_shared>>) offsets(%dma_start3A_100 : memref<64xi32, #tpu.memory_space<vmem>>) semaphore(%run_scoped3A_97 : memref<!tpu.dma_semaphore, #tpu.memory_space<semaphore_mem>>) {add = true}
      %dma_wait3A_104 = arith.constant 0 : i32
      %dma_wait3A_105 = tpu.memref_slice %arg8[%run_scoped3A_76, %dma_wait3A_104] : memref<32x64xi32, #tpu.memory_space<vmem>> -> memref<1x64xi32, #tpu.memory_space<vmem>>
      %dma_wait3A_106 = tpu.memref_squeeze %dma_wait3A_105 : memref<1x64xi32, #tpu.memory_space<vmem>> -> memref<64xi32, #tpu.memory_space<vmem>>
      %dma_wait3A_107 = arith.constant 0 : i32
      %dma_wait3A_108 = arith.constant 0 : i32
      %dma_wait3A_109 = tpu.memref_slice %arg18[%dma_wait3A_107, %dma_wait3A_108] : memref<10240x128xf32, #tpu.memory_space<vmem_shared>> -> memref<10240x128xf32, #tpu.memory_space<vmem_shared>>
      tpu.wait_indirect_dma semaphore(%run_scoped3A_97 : memref<!tpu.dma_semaphore, #tpu.memory_space<semaphore_mem>>) src(%arg9 : memref<64x128xf32, #tpu.memory_space<vmem>>) dst(%dma_wait3A_109 : memref<10240x128xf32, #tpu.memory_space<vmem_shared>>)
      tpu.yield
    }) : () -> ()
    %dma_wait3A_77 = arith.constant 28 : i32
    %dma_wait3A_78 = arith.constant 0 : i32
    %dma_wait3A_79 = tpu.memref_slice %arg7[%dma_wait3A_77, %dma_wait3A_78] : memref<32x64xi32, #tpu.memory_space<vmem>> -> memref<1x64xi32, #tpu.memory_space<vmem>>
    %dma_wait3A_80 = tpu.memref_squeeze %dma_wait3A_79 : memref<1x64xi32, #tpu.memory_space<vmem>> -> memref<64xi32, #tpu.memory_space<vmem>>
    %dma_wait3A_81 = arith.constant 0 : i32
    %dma_wait3A_82 = arith.constant 0 : i32
    %dma_wait3A_83 = tpu.memref_slice %arg2[%dma_wait3A_81, %dma_wait3A_82] : memref<20000x128xf32, #tpu.memory_space<hbm>> -> memref<20000x128xf32, #tpu.memory_space<hbm>>
    tpu.wait_indirect_dma semaphore(%arg13 : memref<!tpu.dma_semaphore, #tpu.memory_space<semaphore_mem>>) src(%dma_wait3A_83 : memref<20000x128xf32, #tpu.memory_space<hbm>>) dst(%arg10 : memref<64x128xf32, #tpu.memory_space<vmem>>)
    %run_scoped3A_84 = arith.constant 28 : i32
    "tpu.region"() ({
      %run_scoped3A_97 = tpu.sem_alloc : memref<!tpu.dma_semaphore, #tpu.memory_space<semaphore_mem>>
      %dma_start3A_98 = arith.constant 0 : i32
      %dma_start3A_99 = tpu.memref_slice %arg8[%run_scoped3A_84, %dma_start3A_98] : memref<32x64xi32, #tpu.memory_space<vmem>> -> memref<1x64xi32, #tpu.memory_space<vmem>>
      %dma_start3A_100 = tpu.memref_squeeze %dma_start3A_99 : memref<1x64xi32, #tpu.memory_space<vmem>> -> memref<64xi32, #tpu.memory_space<vmem>>
      %dma_start3A_101 = arith.constant 0 : i32
      %dma_start3A_102 = arith.constant 0 : i32
      %dma_start3A_103 = tpu.memref_slice %arg18[%dma_start3A_101, %dma_start3A_102] : memref<10240x128xf32, #tpu.memory_space<vmem_shared>> -> memref<10240x128xf32, #tpu.memory_space<vmem_shared>>
      tpu.enqueue_indirect_dma source(%arg10 : memref<64x128xf32, #tpu.memory_space<vmem>>) target(%dma_start3A_103 : memref<10240x128xf32, #tpu.memory_space<vmem_shared>>) offsets(%dma_start3A_100 : memref<64xi32, #tpu.memory_space<vmem>>) semaphore(%run_scoped3A_97 : memref<!tpu.dma_semaphore, #tpu.memory_space<semaphore_mem>>) {add = true}
      %dma_wait3A_104 = arith.constant 0 : i32
      %dma_wait3A_105 = tpu.memref_slice %arg8[%run_scoped3A_84, %dma_wait3A_104] : memref<32x64xi32, #tpu.memory_space<vmem>> -> memref<1x64xi32, #tpu.memory_space<vmem>>
      %dma_wait3A_106 = tpu.memref_squeeze %dma_wait3A_105 : memref<1x64xi32, #tpu.memory_space<vmem>> -> memref<64xi32, #tpu.memory_space<vmem>>
      %dma_wait3A_107 = arith.constant 0 : i32
      %dma_wait3A_108 = arith.constant 0 : i32
      %dma_wait3A_109 = tpu.memref_slice %arg18[%dma_wait3A_107, %dma_wait3A_108] : memref<10240x128xf32, #tpu.memory_space<vmem_shared>> -> memref<10240x128xf32, #tpu.memory_space<vmem_shared>>
      tpu.wait_indirect_dma semaphore(%run_scoped3A_97 : memref<!tpu.dma_semaphore, #tpu.memory_space<semaphore_mem>>) src(%arg10 : memref<64x128xf32, #tpu.memory_space<vmem>>) dst(%dma_wait3A_109 : memref<10240x128xf32, #tpu.memory_space<vmem_shared>>)
      tpu.yield
    }) : () -> ()
    %dma_wait3A_85 = arith.constant 0 : i32
    %dma_wait3A_86 = arith.constant 0 : i32
    %dma_wait3A_87 = tpu.memref_slice %arg8[%dma_wait3A_85, %dma_wait3A_86] : memref<32x64xi32, #tpu.memory_space<vmem>> -> memref<1x64xi32, #tpu.memory_space<vmem>>
    %dma_wait3A_88 = tpu.memref_squeeze %dma_wait3A_87 : memref<1x64xi32, #tpu.memory_space<vmem>> -> memref<64xi32, #tpu.memory_space<vmem>>
    %dma_wait3A_89 = arith.constant 0 : i32
    %dma_wait3A_90 = arith.constant 0 : i32
    %dma_wait3A_91 = tpu.memref_slice %arg18[%dma_wait3A_89, %dma_wait3A_90] : memref<10240x128xf32, #tpu.memory_space<vmem_shared>> -> memref<10240x128xf32, #tpu.memory_space<vmem_shared>>
    tpu.wait_indirect_dma semaphore(%arg17 : memref<!tpu.dma_semaphore, #tpu.memory_space<semaphore_mem>>) src(%arg11 : memref<64x128xf32, #tpu.memory_space<vmem>>) dst(%dma_wait3A_91 : memref<10240x128xf32, #tpu.memory_space<vmem_shared>>)
    %barrier3A_92 = arith.constant 0 : index
    tpu.barrier barrier_id(%barrier3A_92)
    %eq3A = arith.constant 0 : i32
    %eq3A_93 = arith.cmpi eq, %arg0, %eq3A : i32
    %jit3A = arith.constant 10000 : i32
    %jit3A_94 = arith.constant 0 : i32
    %select_n3A = arith.select %eq3A_93, %jit3A, %jit3A_94 : i32
    %lt3A = arith.constant 10 : i32
    %lt3A_95 = arith.cmpi slt, %arg1, %lt3A : i32
    %convert_element_type3A = arith.extui %lt3A_95 : i1 to i32
    %cond3A = arith.constant 0 : i32
    %cond3A_96 = arith.cmpi ne, %convert_element_type3A, %cond3A : i32
    scf.if %cond3A_96 {
      %mul3A_97 = arith.constant 1000 : i32
      %mul3A_98 = arith.muli %arg1, %mul3A_97 : i32
      %mul3A_99 = arith.constant 1000 : i32
      %mul3A_100 = arith.muli %arg1, %mul3A_99 : i32
      %add3A_101 = arith.addi %select_n3A, %mul3A_100 : i32
      "tpu.region"() ({
        %run_scoped3A_102 = tpu.sem_alloc : memref<!tpu.dma_semaphore, #tpu.memory_space<semaphore_mem>>
        %dma_start3A_103 = arith.constant 0 : i32
        %dma_start3A_104 = tpu.memref_slice %arg6[%add3A_101, %dma_start3A_103] : memref<20000x128xf32, #tpu.memory_space<hbm>> -> memref<1000x128xf32, #tpu.memory_space<hbm>>
        %dma_start3A_105 = arith.constant 0 : i32
        %dma_start3A_106 = tpu.memref_slice %arg18[%mul3A_98, %dma_start3A_105] : memref<10240x128xf32, #tpu.memory_space<vmem_shared>> -> memref<1000x128xf32, #tpu.memory_space<vmem_shared>>
        tpu.enqueue_dma source(%dma_start3A_106 : memref<1000x128xf32, #tpu.memory_space<vmem_shared>>) target(%dma_start3A_104 : memref<1000x128xf32, #tpu.memory_space<hbm>>) target_semaphore(%run_scoped3A_102 : memref<!tpu.dma_semaphore, #tpu.memory_space<semaphore_mem>>)
        %dma_wait3A_107 = arith.constant 0 : i32
        %dma_wait3A_108 = tpu.memref_slice %arg6[%add3A_101, %dma_wait3A_107] : memref<20000x128xf32, #tpu.memory_space<hbm>> -> memref<1000x128xf32, #tpu.memory_space<hbm>>
        %dma_wait3A_109 = arith.constant 0 : i32
        %dma_wait3A_110 = tpu.memref_slice %arg18[%mul3A_98, %dma_wait3A_109] : memref<10240x128xf32, #tpu.memory_space<vmem_shared>> -> memref<1000x128xf32, #tpu.memory_space<vmem_shared>>
        tpu.wait_dma2 semaphore(%run_scoped3A_102 : memref<!tpu.dma_semaphore, #tpu.memory_space<semaphore_mem>>) src(%dma_wait3A_110 : memref<1000x128xf32, #tpu.memory_space<vmem_shared>>) dst(%dma_wait3A_108 : memref<1000x128xf32, #tpu.memory_space<hbm>>)
        tpu.yield
      }) : () -> ()
    } else {
    }
    return
  }
}

module attributes {stable_mosaic.version = 14 : i64} {
  func.func @_mm_first_body(%arg0: i32, %arg1: memref<2000x128xf32, #tpu.memory_space<vmem>>, %arg2: memref<128x128xf32, #tpu.memory_space<vmem>>, %arg3: memref<2000x1xf32, #tpu.memory_space<vmem>>, %arg4: memref<2000x128xf32, #tpu.memory_space<vmem>>) attributes {dimension_semantics = [#tpu.dimension_semantics<arbitrary>], iteration_bounds = array<i64: 10>, scalar_prefetch = 0 : i64, scratch_operands = 0 : i64, tpu.core_type = #tpu.core_type<tc>, window_params = [{transform_indices = @transform_0, window_bounds = array<i64: 2000, 128>}, {pipeline_mode = #tpu.pipeline_mode<synchronous>, transform_indices = @transform_1, window_bounds = array<i64: 128, 128>}, {transform_indices = @transform_2, window_bounds = array<i64: 2000, 1>}, {transform_indices = @transform_3, window_bounds = array<i64: 2000, 128>}]} {
    %get3A = arith.constant 0 : index
    %get3A_0 = arith.constant 0 : index
    %get3A_1 = vector.load %arg3[%get3A, %get3A_0] : memref<2000x1xf32, #tpu.memory_space<vmem>>, vector<2000x1xf32>
    %gt3A = arith.constant 0.000000e+00 : f32
    %gt3A_2 = vector.broadcast %gt3A : f32 to vector<2000x1xf32>
    %gt3A_3 = arith.cmpf ogt, %get3A_1, %gt3A_2 : vector<2000x1xf32>
    %rsqrt3A = math.rsqrt %get3A_1 : vector<2000x1xf32>
    %jit3A = arith.constant 0.000000e+00 : f32
    %broadcast_in_dim3A = vector.broadcast %jit3A : f32 to vector<2000x1xf32>
    %select_n3A = arith.select %gt3A_3, %rsqrt3A, %broadcast_in_dim3A : vector<2000x1xi1>, vector<2000x1xf32>
    %get3A_4 = arith.constant 0 : index
    %get3A_5 = arith.constant 0 : index
    %get3A_6 = vector.load %arg1[%get3A_4, %get3A_5] : memref<2000x128xf32, #tpu.memory_space<vmem>>, vector<2000x128xf32>
    %get3A_7 = arith.constant 0 : index
    %get3A_8 = arith.constant 0 : index
    %get3A_9 = vector.load %arg2[%get3A_7, %get3A_8] : memref<128x128xf32, #tpu.memory_space<vmem>>, vector<128x128xf32>
    %dot_general3A = arith.constant dense<0.000000e+00> : vector<2000x128xf32>
    %dot_general3A_10 = tpu.matmul %get3A_6, %get3A_9, %dot_general3A {dimension_numbers = #tpu.dot_dimension_numbers<[1], [0], [0], [1], [0, 0, 1, 1], [], []>, transpose_lhs_hint = false} : vector<2000x128xf32>, vector<128x128xf32>, vector<2000x128xf32> -> vector<2000x128xf32>
    %mul3A = vector.broadcast %select_n3A : vector<2000x1xf32> to vector<2000x128xf32>
    %mul3A_11 = arith.mulf %mul3A, %dot_general3A_10 : vector<2000x128xf32>
    %swap3A = arith.constant 0 : index
    %swap3A_12 = arith.constant 0 : index
    %swap3A_13 = vector.load %arg4[%swap3A, %swap3A_12] : memref<2000x128xf32, #tpu.memory_space<vmem>>, vector<2000x128xf32>
    tpu.vector_store %arg4[%swap3A, %swap3A_12], %mul3A_11 {strides = array<i32>} : memref<2000x128xf32, #tpu.memory_space<vmem>>, vector<2000x128xf32>,
    return
  }
  func.func @transform_0(%arg0: i32) -> (i32, i32) {
    %c0_i32 = arith.constant 0 : i32
    %c0_i32_0 = arith.constant 0 : i32
    return %arg0, %c0_i32 : i32, i32
  }
  func.func @transform_1(%arg0: i32) -> (i32, i32) {
    %c0_i32 = arith.constant 0 : i32
    %c0_i32_0 = arith.constant 0 : i32
    %c0_i32_1 = arith.constant 0 : i32
    return %c0_i32, %c0_i32_0 : i32, i32
  }
  func.func @transform_2(%arg0: i32) -> (i32, i32) {
    %c0_i32 = arith.constant 0 : i32
    %c0_i32_0 = arith.constant 0 : i32
    return %arg0, %c0_i32 : i32, i32
  }
  func.func @transform_3(%arg0: i32) -> (i32, i32) {
    %c0_i32 = arith.constant 0 : i32
    %c0_i32_0 = arith.constant 0 : i32
    return %arg0, %c0_i32 : i32, i32
  }
}

module attributes {stable_mosaic.version = 14 : i64} {
  func.func @_mm_mid_body(%arg0: i32, %arg1: memref<2000x128xf32, #tpu.memory_space<vmem>>, %arg2: memref<2000x1xf32, #tpu.memory_space<vmem>>, %arg3: memref<1x128xf32, #tpu.memory_space<vmem>>, %arg4: memref<1x128xf32, #tpu.memory_space<vmem>>, %arg5: memref<1x128xf32, #tpu.memory_space<vmem>>, %arg6: memref<128x128xf32, #tpu.memory_space<vmem>>, %arg7: memref<2000x128xf32, #tpu.memory_space<vmem>>) attributes {dimension_semantics = [#tpu.dimension_semantics<arbitrary>], iteration_bounds = array<i64: 10>, scalar_prefetch = 0 : i64, scratch_operands = 0 : i64, tpu.core_type = #tpu.core_type<tc>, window_params = [{transform_indices = @transform_0, window_bounds = array<i64: 2000, 128>}, {transform_indices = @transform_1, window_bounds = array<i64: 2000, 1>}, {pipeline_mode = #tpu.pipeline_mode<synchronous>, transform_indices = @transform_2, window_bounds = array<i64: 1, 128>}, {pipeline_mode = #tpu.pipeline_mode<synchronous>, transform_indices = @transform_3, window_bounds = array<i64: 1, 128>}, {pipeline_mode = #tpu.pipeline_mode<synchronous>, transform_indices = @transform_4, window_bounds = array<i64: 1, 128>}, {pipeline_mode = #tpu.pipeline_mode<synchronous>, transform_indices = @transform_5, window_bounds = array<i64: 128, 128>}, {transform_indices = @transform_6, window_bounds = array<i64: 2000, 128>}]} {
    %get3A = arith.constant 0 : index
    %get3A_0 = arith.constant 0 : index
    %get3A_1 = vector.load %arg2[%get3A, %get3A_0] : memref<2000x1xf32, #tpu.memory_space<vmem>>, vector<2000x1xf32>
    %gt3A = arith.constant 0.000000e+00 : f32
    %gt3A_2 = vector.broadcast %gt3A : f32 to vector<2000x1xf32>
    %gt3A_3 = arith.cmpf ogt, %get3A_1, %gt3A_2 : vector<2000x1xf32>
    %rsqrt3A = math.rsqrt %get3A_1 : vector<2000x1xf32>
    %jit3A = arith.constant 0.000000e+00 : f32
    %broadcast_in_dim3A = vector.broadcast %jit3A : f32 to vector<2000x1xf32>
    %select_n3A = arith.select %gt3A_3, %rsqrt3A, %broadcast_in_dim3A : vector<2000x1xi1>, vector<2000x1xf32>
    %get3A_4 = arith.constant 0 : index
    %get3A_5 = arith.constant 0 : index
    %get3A_6 = vector.load %arg1[%get3A_4, %get3A_5] : memref<2000x128xf32, #tpu.memory_space<vmem>>, vector<2000x128xf32>
    %mul3A = vector.broadcast %select_n3A : vector<2000x1xf32> to vector<2000x128xf32>
    %mul3A_7 = arith.mulf %mul3A, %get3A_6 : vector<2000x128xf32>
    %get3A_8 = arith.constant 0 : index
    %get3A_9 = arith.constant 0 : index
    %get3A_10 = vector.load %arg3[%get3A_8, %get3A_9] : memref<1x128xf32, #tpu.memory_space<vmem>>, vector<1x128xf32>
    %add3A = vector.broadcast %get3A_10 : vector<1x128xf32> to vector<2000x128xf32>
    %add3A_11 = arith.addf %mul3A_7, %add3A : vector<2000x128xf32>
    %mul3A_12 = arith.constant 0.999994993 : f32
    %mul3A_13 = vector.broadcast %mul3A_12 : f32 to vector<2000x128xf32>
    %mul3A_14 = arith.mulf %add3A_11, %mul3A_13 : vector<2000x128xf32>
    %get3A_15 = arith.constant 0 : index
    %get3A_16 = arith.constant 0 : index
    %get3A_17 = vector.load %arg4[%get3A_15, %get3A_16] : memref<1x128xf32, #tpu.memory_space<vmem>>, vector<1x128xf32>
    %mul3A_18 = vector.broadcast %get3A_17 : vector<1x128xf32> to vector<2000x128xf32>
    %mul3A_19 = arith.mulf %mul3A_18, %mul3A_14 : vector<2000x128xf32>
    %get3A_20 = arith.constant 0 : index
    %get3A_21 = arith.constant 0 : index
    %get3A_22 = vector.load %arg5[%get3A_20, %get3A_21] : memref<1x128xf32, #tpu.memory_space<vmem>>, vector<1x128xf32>
    %add3A_23 = vector.broadcast %get3A_22 : vector<1x128xf32> to vector<2000x128xf32>
    %add3A_24 = arith.addf %mul3A_19, %add3A_23 : vector<2000x128xf32>
    %max3A = arith.constant 0.000000e+00 : f32
    %max3A_25 = vector.broadcast %max3A : f32 to vector<2000x128xf32>
    %max3A_26 = arith.maximumf %add3A_24, %max3A_25 : vector<2000x128xf32>
    %get3A_27 = arith.constant 0 : index
    %get3A_28 = arith.constant 0 : index
    %get3A_29 = vector.load %arg6[%get3A_27, %get3A_28] : memref<128x128xf32, #tpu.memory_space<vmem>>, vector<128x128xf32>
    %dot_general3A = arith.constant dense<0.000000e+00> : vector<2000x128xf32>
    %dot_general3A_30 = tpu.matmul %max3A_26, %get3A_29, %dot_general3A {dimension_numbers = #tpu.dot_dimension_numbers<[1], [0], [0], [1], [0, 0, 1, 1], [], []>, transpose_lhs_hint = false} : vector<2000x128xf32>, vector<128x128xf32>, vector<2000x128xf32> -> vector<2000x128xf32>
    %mul3A_31 = vector.broadcast %select_n3A : vector<2000x1xf32> to vector<2000x128xf32>
    %mul3A_32 = arith.mulf %mul3A_31, %dot_general3A_30 : vector<2000x128xf32>
    %swap3A = arith.constant 0 : index
    %swap3A_33 = arith.constant 0 : index
    %swap3A_34 = vector.load %arg7[%swap3A, %swap3A_33] : memref<2000x128xf32, #tpu.memory_space<vmem>>, vector<2000x128xf32>
    tpu.vector_store %arg7[%swap3A, %swap3A_33], %mul3A_32 {strides = array<i32>} : memref<2000x128xf32, #tpu.memory_space<vmem>>, vector<2000x128xf32>,
    return
  }
  func.func @transform_0(%arg0: i32) -> (i32, i32) {
    %c0_i32 = arith.constant 0 : i32
    %c0_i32_0 = arith.constant 0 : i32
    return %arg0, %c0_i32 : i32, i32
  }
  func.func @transform_1(%arg0: i32) -> (i32, i32) {
    %c0_i32 = arith.constant 0 : i32
    %c0_i32_0 = arith.constant 0 : i32
    return %arg0, %c0_i32 : i32, i32
  }
  func.func @transform_2(%arg0: i32) -> (i32, i32) {
    %c0_i32 = arith.constant 0 : i32
    %c0_i32_0 = arith.constant 0 : i32
    %c0_i32_1 = arith.constant 0 : i32
    return %c0_i32, %c0_i32_0 : i32, i32
  }
  func.func @transform_3(%arg0: i32) -> (i32, i32) {
    %c0_i32 = arith.constant 0 : i32
    %c0_i32_0 = arith.constant 0 : i32
    %c0_i32_1 = arith.constant 0 : i32
    return %c0_i32, %c0_i32_0 : i32, i32
  }
  func.func @transform_4(%arg0: i32) -> (i32, i32) {
    %c0_i32 = arith.constant 0 : i32
    %c0_i32_0 = arith.constant 0 : i32
    %c0_i32_1 = arith.constant 0 : i32
    return %c0_i32, %c0_i32_0 : i32, i32
  }
  func.func @transform_5(%arg0: i32) -> (i32, i32) {
    %c0_i32 = arith.constant 0 : i32
    %c0_i32_0 = arith.constant 0 : i32
    %c0_i32_1 = arith.constant 0 : i32
    return %c0_i32, %c0_i32_0 : i32, i32
  }
  func.func @transform_6(%arg0: i32) -> (i32, i32) {
    %c0_i32 = arith.constant 0 : i32
    %c0_i32_0 = arith.constant 0 : i32
    return %arg0, %c0_i32 : i32, i32
  }
}

module attributes {stable_mosaic.version = 14 : i64} {
  func.func @_post_body(%arg0: i32, %arg1: memref<2000x128xf32, #tpu.memory_space<vmem>>, %arg2: memref<2000x1xf32, #tpu.memory_space<vmem>>, %arg3: memref<1x128xf32, #tpu.memory_space<vmem>>, %arg4: memref<1x128xf32, #tpu.memory_space<vmem>>, %arg5: memref<1x128xf32, #tpu.memory_space<vmem>>, %arg6: memref<2000x128xf32, #tpu.memory_space<vmem>>) attributes {dimension_semantics = [#tpu.dimension_semantics<arbitrary>], iteration_bounds = array<i64: 10>, scalar_prefetch = 0 : i64, scratch_operands = 0 : i64, tpu.core_type = #tpu.core_type<tc>, window_params = [{transform_indices = @transform_0, window_bounds = array<i64: 2000, 128>}, {transform_indices = @transform_1, window_bounds = array<i64: 2000, 1>}, {pipeline_mode = #tpu.pipeline_mode<synchronous>, transform_indices = @transform_2, window_bounds = array<i64: 1, 128>}, {pipeline_mode = #tpu.pipeline_mode<synchronous>, transform_indices = @transform_3, window_bounds = array<i64: 1, 128>}, {pipeline_mode = #tpu.pipeline_mode<synchronous>, transform_indices = @transform_4, window_bounds = array<i64: 1, 128>}, {transform_indices = @transform_5, window_bounds = array<i64: 2000, 128>}]} {
    %get3A = arith.constant 0 : index
    %get3A_0 = arith.constant 0 : index
    %get3A_1 = vector.load %arg2[%get3A, %get3A_0] : memref<2000x1xf32, #tpu.memory_space<vmem>>, vector<2000x1xf32>
    %gt3A = arith.constant 0.000000e+00 : f32
    %gt3A_2 = vector.broadcast %gt3A : f32 to vector<2000x1xf32>
    %gt3A_3 = arith.cmpf ogt, %get3A_1, %gt3A_2 : vector<2000x1xf32>
    %rsqrt3A = math.rsqrt %get3A_1 : vector<2000x1xf32>
    %jit3A = arith.constant 0.000000e+00 : f32
    %broadcast_in_dim3A = vector.broadcast %jit3A : f32 to vector<2000x1xf32>
    %select_n3A = arith.select %gt3A_3, %rsqrt3A, %broadcast_in_dim3A : vector<2000x1xi1>, vector<2000x1xf32>
    %get3A_4 = arith.constant 0 : index
    %get3A_5 = arith.constant 0 : index
    %get3A_6 = vector.load %arg1[%get3A_4, %get3A_5] : memref<2000x128xf32, #tpu.memory_space<vmem>>, vector<2000x128xf32>
    %mul3A = vector.broadcast %select_n3A : vector<2000x1xf32> to vector<2000x128xf32>
    %mul3A_7 = arith.mulf %mul3A, %get3A_6 : vector<2000x128xf32>
    %get3A_8 = arith.constant 0 : index
    %get3A_9 = arith.constant 0 : index
    %get3A_10 = vector.load %arg3[%get3A_8, %get3A_9] : memref<1x128xf32, #tpu.memory_space<vmem>>, vector<1x128xf32>
    %add3A = vector.broadcast %get3A_10 : vector<1x128xf32> to vector<2000x128xf32>
    %add3A_11 = arith.addf %mul3A_7, %add3A : vector<2000x128xf32>
    %mul3A_12 = arith.constant 0.999994993 : f32
    %mul3A_13 = vector.broadcast %mul3A_12 : f32 to vector<2000x128xf32>
    %mul3A_14 = arith.mulf %add3A_11, %mul3A_13 : vector<2000x128xf32>
    %get3A_15 = arith.constant 0 : index
    %get3A_16 = arith.constant 0 : index
    %get3A_17 = vector.load %arg4[%get3A_15, %get3A_16] : memref<1x128xf32, #tpu.memory_space<vmem>>, vector<1x128xf32>
    %mul3A_18 = vector.broadcast %get3A_17 : vector<1x128xf32> to vector<2000x128xf32>
    %mul3A_19 = arith.mulf %mul3A_18, %mul3A_14 : vector<2000x128xf32>
    %get3A_20 = arith.constant 0 : index
    %get3A_21 = arith.constant 0 : index
    %get3A_22 = vector.load %arg5[%get3A_20, %get3A_21] : memref<1x128xf32, #tpu.memory_space<vmem>>, vector<1x128xf32>
    %add3A_23 = vector.broadcast %get3A_22 : vector<1x128xf32> to vector<2000x128xf32>
    %add3A_24 = arith.addf %mul3A_19, %add3A_23 : vector<2000x128xf32>
    %max3A = arith.constant 0.000000e+00 : f32
    %max3A_25 = vector.broadcast %max3A : f32 to vector<2000x128xf32>
    %max3A_26 = arith.maximumf %add3A_24, %max3A_25 : vector<2000x128xf32>
    %swap3A = arith.constant 0 : index
    %swap3A_27 = arith.constant 0 : index
    %swap3A_28 = vector.load %arg6[%swap3A, %swap3A_27] : memref<2000x128xf32, #tpu.memory_space<vmem>>, vector<2000x128xf32>
    tpu.vector_store %arg6[%swap3A, %swap3A_27], %max3A_26 {strides = array<i32>} : memref<2000x128xf32, #tpu.memory_space<vmem>>, vector<2000x128xf32>,
    return
  }
  func.func @transform_0(%arg0: i32) -> (i32, i32) {
    %c0_i32 = arith.constant 0 : i32
    %c0_i32_0 = arith.constant 0 : i32
    return %arg0, %c0_i32 : i32, i32
  }
  func.func @transform_1(%arg0: i32) -> (i32, i32) {
    %c0_i32 = arith.constant 0 : i32
    %c0_i32_0 = arith.constant 0 : i32
    return %arg0, %c0_i32 : i32, i32
  }
  func.func @transform_2(%arg0: i32) -> (i32, i32) {
    %c0_i32 = arith.constant 0 : i32
    %c0_i32_0 = arith.constant 0 : i32
    %c0_i32_1 = arith.constant 0 : i32
    return %c0_i32, %c0_i32_0 : i32, i32
  }
  func.func @transform_3(%arg0: i32) -> (i32, i32) {
    %c0_i32 = arith.constant 0 : i32
    %c0_i32_0 = arith.constant 0 : i32
    %c0_i32_1 = arith.constant 0 : i32
    return %c0_i32, %c0_i32_0 : i32, i32
  }
  func.func @transform_4(%arg0: i32) -> (i32, i32) {
    %c0_i32 = arith.constant 0 : i32
    %c0_i32_0 = arith.constant 0 : i32
    %c0_i32_1 = arith.constant 0 : i32
    return %c0_i32, %c0_i32_0 : i32, i32
  }
  func.func @transform_5(%arg0: i32) -> (i32, i32) {
    %c0_i32 = arith.constant 0 : i32
    %c0_i32_0 = arith.constant 0 : i32
    return %arg0, %c0_i32 : i32, i32
  }
}

</mosaic_0001>

<sc_bundles>
// kernel: kernel.10.cloned.1.call-start
scs
__scs_entry_jumppad:
0x0: {  	(pc) =	sbr.rel $0x88, $3  }
0x1: {  	(tag) =	ssettag $0x0;
	lr =	simm.s32 $0x1  }
0x2: {  	[smem:$0x3F91] =	sst lr;
	_ =	strace $0xD0000000  }
0x3: {  	_ = 	snop  }
0x4: {  	_ = 	snop  }
0x5: {  	_ = 	snop  }
0x6: {  	_ = 	snop  }
0x7: {  	_ = 	snop  }
__scs_overlays_trampoline_lowered:
0x8: {  	[smem:$0x3FA0] =	sst s0  }
0x9: {  	[smem:$0x3FA1] =	sst s1  }
0xa: {  	[smem:$0x3FA2] =	sst s2  }
0xb: {  	[smem:$0x3FA3] =	sst s3  }
0xc: {  	[smem:$0x3FA4] =	sst s4  }
0xd: {  	[smem:$0x3FA5] =	sst s5  }
0xe: {  	[smem:$0x3FA6] =	sst s6  }
0xf: {  	[smem:$0x3FA7] =	sst s7  }
0x10: {  	[smem:$0x3FA8] =	sst s8  }
0x11: {  	[smem:$0x3FA9] =	sst s9;
	s0 =	simm.s32 @!p0 $0x0  }
0x12: {  	s1 =	sld [smem:$0x3F8F];
	s0 =	simm.s32 @p0 $0x1  }
0x13: {  	[smem:$0x3FAA] =	sst s0;
	s0 =	simm.s32 @!p1 $0x0  }
0x14: {  	s2 =	sld [smem:$0x3F8E];
	s0 =	simm.s32 @p1 $0x1  }
0x15: {  	[smem:$0x3FAB] =	sst s0;
	s0 =	simm.s32 @!p2 $0x0  }
0x16: {  	s3 =	sld [smem:$0x3FDB];
	s0 =	simm.s32 @p2 $0x1  }
0x17: {  	s4 =	simm.s32 $0x1BF5;
	[smem:$0x3FAD] =	sst s0  }
0x18: {  	s0 =	sld [smem:$0x3F90];
	_ =	swait.ge [sflag:s4], $0x0  }
0x19: {  	s7 =	sld [smem:$0x3F91]  }
0x1a: {  	s8 =	sadd.s32 $0xFFFFE003, lr  }
0x1b: {  	s9 =	sadd.s32 $0xFFFFFEF7, lr;
	s5 =	simm.s32 $0xFFFFFFFF;
	p2 =	slt.u32 s8, $0xFFFFF086  }
0x1c: {  	p1 =	slt.u32 s9, $0xF7A;
	s5 =	simm.s32 @!p2 $0x0  }
0x1d: {  	s5 =	simm.s32 @p1 $0x1;
	p0 =	seq.s32 s7, s2  }
0x1e: {  	s7 =	smul.u32 @!p0 $0xF7A, s2;
	p2 =	seq.s32 @!p0 s5, $0x0  }
0x1f: {  	s9 =	smul.u32 $0xF7A, s1;
	s8 =	simm.s32 @!p0 $0x1BF5;
	p2 =	por !p2, p0  }
0x20: {  	[sflag:s8] =	ssyncset.s32 @!p0 $0xFFFFF086;
	s6 =	sadd.s32 @!p0 s3, s7;
	s7 =	simm.s32 @!p0 $0x108  }
0x21: {  	s3 =	sadd.s32 s3, s9;
	s6 =	sadd.s32 @!p0 $0x88, s6;
	s7 =	simm.s32 @p2 $0x1082  }
0x22: {  	[simem:s7], [sflag:s8] =	dma.local @!p0 [hbm:s6], $0xF7A  }
0x23: {  	s9 =	sor.u32 $0xD0000000, s2;
	s6 =	simm.s32 $0x108;
	_ =	swait.ge @!p0 [sflag:s8], $0x0  }
0x24: {  	s3 =	sadd.s32 $0x88, s3;
	s6 =	simm.s32 @!p1 $0x1082;
	[sflag:s4] =	ssyncset.s32 $0xFFFFF086  }
0x25: {  	[simem:s6], [sflag:s4] =	dma.local [hbm:s3], $0xF7A  }
0x26: {  	[smem:$0x3F91] =	sst s1;
	(tag) =	ssettag s2;
	_ =	strace s9  }
0x27: {  	s1 =	sld [smem:$0x3FA1]  }
0x28: {  	s2 =	sld [smem:$0x3FA2]  }
0x29: {  	s4 =	sld [smem:$0x3FA4]  }
0x2a: {  	p0 =	seq.s32 s5, $0x0;
	s5 =	sld [smem:$0x3FA5]  }
0x2b: {  	s6 =	sld [smem:$0x3FA6]  }
0x2c: {  	s7 =	sld [smem:$0x3FA7]  }
0x2d: {  	s3 =	simm.s32 $0x108;
	s8 =	sld [smem:$0x3FA8]  }
0x2e: {  	s3 =	simm.s32 @!p0 $0x1082;
	s9 =	sld [smem:$0x3FA9]  }
0x2f: {  	lr =	sadd.s32 s0, s3;
	s0 =	sld [smem:$0x3FA0]  }
0x30: {  	s3 =	sld [smem:$0x3FA3]  }
0x31: {  	[smem:$0x3FAC] =	sst s10  }
0x32: {  	s10 =	sld [smem:$0x3FAA];
	_ =	sdelay $0x3  }
0x33: {  	p0 =	seq.s32 s10, $0x1;
	s10 =	sld [smem:$0x3FAC];
	_ =	sdelay $0x3  }
0x34: {  	[smem:$0x3FAC] =	sst s10  }
0x35: {  	s10 =	sld [smem:$0x3FAB];
	_ =	sdelay $0x3  }
0x36: {  	p1 =	seq.s32 s10, $0x1;
	s10 =	sld [smem:$0x3FAC];
	_ =	sdelay $0x3  }
0x37: {  	[smem:$0x3FAC] =	sst s10  }
0x38: {  	s10 =	sld [smem:$0x3FAD]  }
0x39: {  	_ = 	snop;
	(pc) =	sbr.ind lr, $3  }
0x3a: {  	_ = 	snop  }
0x3b: {  	_ = 	snop  }
0x3c: {  	p2 =	seq.s32 s10, $0x1;
	s10 =	sld [smem:$0x3FAC]  }
0x3d: {  	_ =	shalt  }
0x3e: {  	_ =	shalt  }
0x3f: {  	_ =	shalt  }
0x40: {  	_ =	shalt  }
0x41: {  	_ =	shalt  }
0x42: {  	_ =	shalt  }
0x43: {  	_ =	shalt  }
0x44: {  	_ =	shalt  }
0x45: {  	_ =	shalt  }
0x46: {  	_ =	shalt  }
0x47: {  	_ =	shalt  }
0x48: {  	_ =	shalt  }
0x49: {  	_ =	shalt  }
0x4a: {  	_ =	shalt  }
0x4b: {  	_ =	shalt  }
0x4c: {  	_ =	shalt  }
0x4d: {  	_ =	shalt  }
0x4e: {  	_ =	shalt  }
0x4f: {  	_ =	shalt  }
0x50: {  	_ =	shalt  }
0x51: {  	_ =	shalt  }
0x52: {  	_ =	shalt  }
0x53: {  	_ =	shalt  }
0x54: {  	_ =	shalt  }
0x55: {  	_ =	shalt  }
0x56: {  	_ =	shalt  }
0x57: {  	_ =	shalt  }
0x58: {  	_ =	shalt  }
0x59: {  	_ =	shalt  }
0x5a: {  	_ =	shalt  }
0x5b: {  	_ =	shalt  }
0x5c: {  	_ =	shalt  }
0x5d: {  	_ =	shalt  }
0x5e: {  	_ =	shalt  }
0x5f: {  	_ =	shalt  }
0x60: {  	_ =	shalt  }
0x61: {  	_ =	shalt  }
0x62: {  	_ =	shalt  }
0x63: {  	_ =	shalt  }
0x64: {  	_ =	shalt  }
0x65: {  	_ =	shalt  }
0x66: {  	_ =	shalt  }
0x67: {  	_ =	shalt  }
0x68: {  	_ =	shalt  }
0x69: {  	_ =	shalt  }
0x6a: {  	_ =	shalt  }
0x6b: {  	_ =	shalt  }
0x6c: {  	_ =	shalt  }
0x6d: {  	_ =	shalt  }
0x6e: {  	_ =	shalt  }
0x6f: {  	_ =	shalt  }
0x70: {  	_ =	shalt  }
0x71: {  	_ =	shalt  }
0x72: {  	_ =	shalt  }
0x73: {  	_ =	shalt  }
0x74: {  	_ =	shalt  }
0x75: {  	_ =	shalt  }
0x76: {  	_ =	shalt  }
0x77: {  	_ =	shalt  }
0x78: {  	_ =	shalt  }
0x79: {  	_ =	shalt  }
0x7a: {  	_ =	shalt  }
0x7b: {  	_ =	shalt  }
0x7c: {  	_ =	shalt  }
0x7d: {  	_ =	shalt  }
0x7e: {  	_ =	shalt  }
0x7f: {  	_ =	shalt  }
0x80: {  	_ =	shalt  }
0x81: {  	_ =	shalt  }
0x82: {  	_ =	shalt  }
0x83: {  	_ =	shalt  }
0x84: {  	_ =	shalt  }
0x85: {  	_ =	shalt  }
0x86: {  	_ =	shalt  }
0x87: {  	_ =	shalt  }
.Lfunc_end0:
.L_simem_size_0:
called_computation_lowered:
.L_overlay_start_0:
0x88: {  	s2 =	sld [smem:$0x3FD9]  }
0x89: {  	s3 =	sld [smem:$0x3FFE];
	_ =	sdelay $0x1  }
0x8a: {  	s1 =	srdreg.scid  }
0x8b: {  	s0 =	sand.u32 $0x1, s1  }
0x8c: {  	s14 =	sshll.u32 s0, $0xA;
	s2 =	sadd.s32 s3, s2  }
0x8d: {  	s2 =	sadd.s32 s2, s14  }
0x8e: {  	[smem:$0x3FB8] =	sst s2  }
0x8f: {  	_ = 	snop  }
0x90: {  	s2 =	sld [smem:$0x3FD0];
	_ =	sdelay $0x2  }
0x91: {  	s15 =	simm.s32 $0xA;
	s4 =	simm.s32 $0x10  }
0x92: {  	[smem:s4], [sflag:s15] =	dma.local [hbm:s2], $0x1  }
0x93: {  	_ =	swait.eq [sflag:s15], $0x1  }
0x94: {  	[sflag:s15] =	ssyncset.done $0x0  }
0x95: {  	[sflag:s15] =	ssyncadd.s32 $0xFFFFFFFF  }
0x96: {  	s16 =	sld [smem:$0x10];
	(tm) =	ssettm $0x1  }
0x97: {  	s17 =	sld [smem:$0x3FFB];
	_ =	sdelay $0x3  }
0x98: {  	_ =	strace s17  }
0x99: {  	s3 =	sld [smem:$0x3FFC];
	_ =	sdelay $0x3  }
0x9a: {  	_ =	strace s3  }
0x9b: {  	s3 =	sld [smem:$0x3FFD];
	_ =	sdelay $0x3  }
0x9c: {  	_ =	strace s3  }
0x9d: {  	_ =	strace $0x8FFFFFFF  }
0x9e: {  	s18 =	sld [smem:$0x3FDB];
	_ =	sdelay $0x1  }
0x9f: {  	s19 =	simm.s32 $_scs_section_size  }
0xa0: {  	s5 =	simm.s32 $_size__tile_overlayer_lowered;
	s6 =	simm.s32 $_tile_overlayer_lowered  }
0xa1: {  	s22 =	simm.s32 $0x1BFF;
	s21 =	sshll.u32 s6, $0x1;
	s3 =	sadd.s32 s19, s18  }
0xa2: {  	s7 =	simm.s32 $0x0;
	s20 =	sshll.u32 s5, $0x1;
	s5 =	sadd.s32 s21, s3  }
0xa3: {  	[timem:s7], [sflag:s22] =	dma.local [hbm:s5], s20  }
0xa4: {  	_ =	swait.ge [sflag:s22], s20  }
0xa5: {  	s4 =	ssub.s32 $0x0, s20;
	[sflag:s22] =	ssyncset.done $0x0  }
0xa6: {  	[sflag:s22] =	ssyncadd.s32 s4;
	_ =	sdelay $0x1  }
0xa7: {  	s23 =	simm.s32 $0x1B8B  }
0xa8: {  	_ =	swait.ge [sflag:s23], $0x1  }
0xa9: {  	[sflag:s23] =	ssyncset.done $0x0  }
0xaa: {  	s25 =	simm.s32 $0x1B8E;
	s24 =	sld [smem:$0x3FFE];
	[sflag:s23] =	ssyncadd.s32 $0xFFFFFFFF  }
0xab: {  	s26 =	simm.s32 $execute0_lowered;
	[smem:$0x3FD2] =	sst s25  }
0xac: {  	s5 =	sshll.u32 s26, $0x1;
	_ =	strace $0x80000046;
	[dreg:$0x1] =	wrdreg $0xFFFFFFFF  }
0xad: {  	s28 =	simm.s32 $_size_execute0_lowered;
	s3 =	sadd.s32 s3, s5;
	[dreg:$0x0] =	wrdreg $0x0  }
0xae: {  	s5 =	sshll.u32 s28, $0x1;
	[dreg:$0x2] =	wrdreg s3  }
0xaf: {  	[dreg:$0x3] =	wrdreg s5  }
0xb0: {  	[dreg:$0x4] =	wrdreg $0xC0  }
0xb1: {  	_ =	task [dreg:s7], $0x5FFFF  }
0xb2: {  	[dreg:$0x1] =	wrdreg $0xFFFFFFFF  }
0xb3: {  	[dreg:$0x0] =	wrdreg $0x60  }
0xb4: {  	[dreg:$0x2] =	wrdreg s16  }
0xb5: {  	[dreg:$0x3] =	wrdreg s24  }
0xb6: {  	[dreg:$0x4] =	wrdreg $0x54800  }
0xb7: {  	[dreg:$0x5] =	wrdreg $0x9  }
0xb8: {  	_ =	task.clear_ibuf [dreg:s7], $0x6FFFF;
	_ =	strace $0x90000046  }
0xb9: {  	s29 =	simm.s32 $0x9;
	_ =	strace $0x80000048  }
0xba: {  	_ =	swait.ge [sflag:s29], $0x1  }
0xbb: {  	[sflag:s29] =	ssyncadd.s32 $0xFFFFFFFF  }
0xbc: {  	_ =	strace $0x90000048  }
0xbd: {  	_ =	sfence  }
0xbe: {  	s30 =	sld [smem:$0x0];
	_ =	sdelay $0x2  }
0xbf: {  	s31 =	sshll.u32 s1, $0xD;
	s1 =	sshrl.u32 s1, $0x2  }
0xc0: {  	s3 =	sand.u32 $0x4000, s31;
	s1 =	sadd.s32 s1, s30  }
0xc1: {  	s0 =	sor.u32 s3, s0;
	s1 =	sshll.u32 s1, $0x11  }
0xc2: {  	s0 =	sor.u32 s1, s0  }
0xc3: {  	s0 =	sadd.s32 $0x8F2B, s0  }
0xc4: {  	[sflag:s0] =	ssyncadd.remote.s32 $0x1  }
0xc5: {  	_ =	sfence.sel $0xFFFF  }
0xc6: {  	[dreg:$0x0] =	wrdreg $0xFFFFFFFF;
	(pc) =	sbr.abs _section_cstart, $3  }
0xc7: {  	[dreg:$0x1] =	wrdreg $0xFFFFFFFF  }
0xc8: {  	_ =	task.clear_ibuf [dreg:s7], $0x2FFFF;
	_ =	strace $0x9FFFFFFF  }
0xc9: {  	(tm) =	ssettm $0x7FFFFFFF  }
tec
execute0_lowered:
.L_overlay_start_1:
0x0: {  	(tag) =	ssettag $0x1  }
0x1: {  	s7 =	rddreg [dreg:$0x0]  }
0x2: {  	s6 =	rddreg [dreg:$0x1]  }
0x3: {  	s2 =	rddreg [dreg:$0x2]  }
0x4: {  	s0 =	rddreg [dreg:$0x3]  }
0x5: {  	s4 =	srdreg.scid;
	s3 =	simm.s32 $0x0;
	s1 =	stileid.u32  }
0x6: {  	s5 =	simm.s32 $0x2710;
	s14 =	simm.s32 $0x40;
	s15 =	simm.s32 $0x0  }
0x7: {  	s8 =	sand.u32 $0x1, s4;
	s9 =	smul.u32 $0x3E8, s1;
	[smem:$0x7FF] =	sst s3  }
0x8: {  	s4 =	sadd.s32 $0x3400, s6;
	s12 =	smul.u32 $0xA00, s1;
	s31 =	sshll.u32 s1, $0x6  }
0x9: {  	p0 =	seq.s32 s8, $0x0;
	_ =	strace $0x80000047;
	s11 =	sshll.u32 s8, $0x4  }
0xa: {  	s8 =	ssub.s32 $0x2, s8;
	s5 =	simm.s32 @!p0 $0x0;
	s11 =	sor.u32 s1, s11  }
0xb: {  	s29 =	sshrl.u32 s8, $0x1;
	s30 =	sshrl.u32 s12, $0x2;
	p0 =	sgt.u32 s1, $0x9  }
0xc: {  	s10 =	sadd.s32 s9, s5;
	s5 =	sadd.s32 $0x3600, s6;
	s11 =	smul.u32 $0xA00, s11  }
0xd: {  	s13 =	ssub.s32 s8, s29;
	s12 =	sadd.s32 s30, s2;
	s10 =	sshrl.u32 s10, $0x3  }
0xe: {  	s8 =	sadd.s32 s9, s2;
	s10 =	sadd.s32 s10, s6;
	s6 =	sor.u32 $0x1C01, s31  }
0xf: {  	s7 =	sadd.s32 s7, s11;
	s11 =	sshrl.u32 s12, $0x3;
	s12 =	simm.s32 $0x1  }
0x10: {  	s9 =	sadd.s32 $0x3800, s10;
	s10 =	smax.u32 s13, $0x1;
	s13 =	simm.s32 $0x5000  }
.LBB2_1:
0x11: {  	[spmem:s11], [sflag:s6] =	dma.local [hbm:s5], $0x50  }
0x12: {  	_ =	swait.ge [sflag:s12], $0x50  }
0x13: {  	[sflag:s12] =	ssyncset.done $0x0  }
0x14: {  	[sflag:s12] =	ssyncadd.s32 $0xFFFFFFB0  }
0x15: {  	[tilespmem:s13], [sflag:$0x1] =	stream.linear.gather [hbm4b:s4+s3], $0x80, $0x38;
	[tilespmem:$0x5700] =	vst v63  }
0x16: {  	_ =	swait.ge [sflag:s12], $0x80  }
0x17: {  	[sflag:s12] =	ssyncset.done $0x0  }
0x18: {  	[sflag:s12] =	ssyncadd.s32 $0xFFFFFF80  }
0x19: {  	[tilespmem:s3], [sflag:$0x1] =	stream.linear.gather [hbm4b:s7+s3], $0x5000, $0x38;
	[tilespmem:$0x5700] =	vst v63  }
0x1a: {  	_ =	swait.ge [sflag:s12], $0x5000  }
0x1b: {  	[sflag:s12] =	ssyncset.done $0x0  }
0x1c: {  	[sflag:s12] =	ssyncadd.s32 $0xFFFFB000  }
0x1d: {  	s16 =	simm.s32 $0x0;
	[bflag:$0x0] =	sbarrier.arrive $0xFFFF  }
0x1e: {  	[spmem:s2] =	stream.indirect.scatter.add.f32 [tilespmem:s13], [sflag:$0x1], $0x1, s16, s14, $0xb8;
	[tilespmem:$0x5700] =	vst v63  }
0x1f: {  	_ =	swait.ge [sflag:s12], $0x40  }
0x20: {  	s16 =	simm.s32 $0x200;
	[sflag:s12] =	ssyncset.done $0x0  }
.LBB2_2:
0x21: {  	s17 =	sshra.s32 s16, $0x2;
	[sflag:s12] =	ssyncadd.s32 $0xFFFFFFC0;
	p1 =	sne.s32 s16, $0x13E00  }
0x22: {  	[spmem:s2] =	stream.indirect.scatter.add.f32 [tilespmem:s13], [sflag:$0x1], $0x1, s17, s14, $0xb8;
	[tilespmem:$0x5700] =	vst v63  }
.Ltmp0:
0x23: {  	_ = 	snop;
	(pc) =	sbr.rel @p1 .LBB2_2-.Ltmp0, $4  }
0x24: {  	_ = 	snop  }
0x25: {  	s16 =	sadd.s32 $0x200, s16  }
0x26: {  	_ =	swait.ge [sflag:s12], $0x40  }
0x27: {  	[sflag:s12] =	ssyncset.done $0x0  }
0x28: {  	[sflag:s12] =	ssyncadd.s32 $0xFFFFFFC0  }
0x29: {  	s16 =	simm.s32 @!p0 $0x5080;
	s17 =	simm.s32 @!p0 $0x1;
	[bflag:$0x0] =	sbarrier.arrive $0xFFFF  }
0x2a: {  	[tilespmem:s16], [sflag:$0x1] =	stream.linear.gather @!p0 [spmem:s8], $0x3E8, $0x38;
	[tilespmem:$0x5700] =	vst v63  }
0x2b: {  	s15 =	sadd.s32 $0x1, s15;
	_ =	swait.ge @!p0 [sflag:s17], $0x3E8  }
0x2c: {  	p1 =	sne.s32 s15, s10;
	[sflag:s17] =	ssyncset.done @!p0 $0x0  }
.Ltmp1:
0x2d: {  	s18 =	simm.s32 @!p0 $0x0;
	[sflag:s17] =	ssyncadd.s32 @!p0 $0xFFFFFC18;
	(pc) =	sbr.rel @p1 .LBB2_1-.Ltmp1, $4  }
0x2e: {  	[hbm4b:s9+s18] =	stream.linear.scatter @!p0 [tilespmem:s16], [sflag:$0x1], $0x3E8, $0x38;
	[tilespmem:$0x5700] =	vst v63  }
0x2f: {  	_ =	swait.ge @!p0 [sflag:s17], $0x3E8  }
0x30: {  	[sflag:s17] =	ssyncset.done @!p0 $0x0  }
0x31: {  	[sflag:s17] =	ssyncadd.s32 @!p0 $0xFFFFFC18  }
0x32: {  	_ =	sfence.sel $0x180000  }
0x33: {  	[bflag:$0x0] =	sbarrier.arrive $0xFFFF  }
0x34: {  	p0 =	sne.s32 s1, $0x0;
	_ =	strace $0x90000047  }
0x35: {  	s0 =	sadd.s32 @!p0 $0x100000, s0;
	[bflag:$0x2] =	sbarrier.arrive $0xFFFF  }
0x36: {  	[sflag:s0] =	ssyncadd.tile.s32 @!p0 $0x1;
	_ =	shalt  }
.Lfunc_end2:
_tile_overlayer_lowered:
.L_overlay_start_2:
0x37: {  	(tag) =	ssettag $0x2  }
0x38: {  	s0 =	rddreg [dreg:$0x0];
	s2 =	stileid.u32  }
0x39: {  	s1 =	rddreg [dreg:$0x1];
	p0 =	sne.s32 s2, $0x0  }
0x3a: {  	s3 =	rddreg [dreg:$0x2];
	[bflag:$0x3] =	sbarrier.arrive $0xFFFF;
	s2 =	simm.s32 @!p0 $0x1C01  }
0x3b: {  	[timem:s3], [sflag:s2] =	dma.local @!p0 [hbm:s0], s1  }
0x3c: {  	s0 =	simm.s32 @!p0 $0x1  }
0x3d: {  	_ =	swait.ge @!p0 [sflag:s0], s1  }
0x3e: {  	s1 =	ssub.s32 @!p0 $0x0, s1;
	[sflag:s0] =	ssyncset.done @!p0 $0x0  }
0x3f: {  	[sflag:s0] =	ssyncadd.s32 @!p0 s1  }
0x40: {  	[bflag:$0x3] =	sbarrier.arrive $0xFFFF  }
0x41: {  	_ =	shalt  }

// kernel: kernel.13.cloned.1.call-start
scs
__scs_entry_jumppad:
0x0: {  	(pc) =	sbr.rel $0x88, $3  }
0x1: {  	(tag) =	ssettag $0x0;
	lr =	simm.s32 $0x1  }
0x2: {  	[smem:$0x3F91] =	sst lr;
	_ =	strace $0xD0000000  }
0x3: {  	_ = 	snop  }
0x4: {  	_ = 	snop  }
0x5: {  	_ = 	snop  }
0x6: {  	_ = 	snop  }
0x7: {  	_ = 	snop  }
__scs_overlays_trampoline_lowered:
0x8: {  	[smem:$0x3FA0] =	sst s0  }
0x9: {  	[smem:$0x3FA1] =	sst s1  }
0xa: {  	[smem:$0x3FA2] =	sst s2  }
0xb: {  	[smem:$0x3FA3] =	sst s3  }
0xc: {  	[smem:$0x3FA4] =	sst s4  }
0xd: {  	[smem:$0x3FA5] =	sst s5  }
0xe: {  	[smem:$0x3FA6] =	sst s6  }
0xf: {  	[smem:$0x3FA7] =	sst s7  }
0x10: {  	[smem:$0x3FA8] =	sst s8  }
0x11: {  	[smem:$0x3FA9] =	sst s9;
	s0 =	simm.s32 @!p0 $0x0  }
0x12: {  	s1 =	sld [smem:$0x3F8F];
	s0 =	simm.s32 @p0 $0x1  }
0x13: {  	[smem:$0x3FAA] =	sst s0;
	s0 =	simm.s32 @!p1 $0x0  }
0x14: {  	s2 =	sld [smem:$0x3F8E];
	s0 =	simm.s32 @p1 $0x1  }
0x15: {  	[smem:$0x3FAB] =	sst s0;
	s0 =	simm.s32 @!p2 $0x0  }
0x16: {  	s3 =	sld [smem:$0x3FDB];
	s0 =	simm.s32 @p2 $0x1  }
0x17: {  	s4 =	simm.s32 $0x1BF5;
	[smem:$0x3FAD] =	sst s0  }
0x18: {  	s0 =	sld [smem:$0x3F90];
	_ =	swait.ge [sflag:s4], $0x0  }
0x19: {  	s7 =	sld [smem:$0x3F91]  }
0x1a: {  	s8 =	sadd.s32 $0xFFFFE003, lr  }
0x1b: {  	s9 =	sadd.s32 $0xFFFFFEF7, lr;
	s5 =	simm.s32 $0xFFFFFFFF;
	p2 =	slt.u32 s8, $0xFFFFF086  }
0x1c: {  	p1 =	slt.u32 s9, $0xF7A;
	s5 =	simm.s32 @!p2 $0x0  }
0x1d: {  	s5 =	simm.s32 @p1 $0x1;
	p0 =	seq.s32 s7, s2  }
0x1e: {  	s7 =	smul.u32 @!p0 $0xF7A, s2;
	p2 =	seq.s32 @!p0 s5, $0x0  }
0x1f: {  	s9 =	smul.u32 $0xF7A, s1;
	s8 =	simm.s32 @!p0 $0x1BF5;
	p2 =	por !p2, p0  }
0x20: {  	[sflag:s8] =	ssyncset.s32 @!p0 $0xFFFFF086;
	s6 =	sadd.s32 @!p0 s3, s7;
	s7 =	simm.s32 @!p0 $0x108  }
0x21: {  	s3 =	sadd.s32 s3, s9;
	s6 =	sadd.s32 @!p0 $0x88, s6;
	s7 =	simm.s32 @p2 $0x1082  }
0x22: {  	[simem:s7], [sflag:s8] =	dma.local @!p0 [hbm:s6], $0xF7A  }
0x23: {  	s9 =	sor.u32 $0xD0000000, s2;
	s6 =	simm.s32 $0x108;
	_ =	swait.ge @!p0 [sflag:s8], $0x0  }
0x24: {  	s3 =	sadd.s32 $0x88, s3;
	s6 =	simm.s32 @!p1 $0x1082;
	[sflag:s4] =	ssyncset.s32 $0xFFFFF086  }
0x25: {  	[simem:s6], [sflag:s4] =	dma.local [hbm:s3], $0xF7A  }
0x26: {  	[smem:$0x3F91] =	sst s1;
	(tag) =	ssettag s2;
	_ =	strace s9  }
0x27: {  	s1 =	sld [smem:$0x3FA1]  }
0x28: {  	s2 =	sld [smem:$0x3FA2]  }
0x29: {  	s4 =	sld [smem:$0x3FA4]  }
0x2a: {  	p0 =	seq.s32 s5, $0x0;
	s5 =	sld [smem:$0x3FA5]  }
0x2b: {  	s6 =	sld [smem:$0x3FA6]  }
0x2c: {  	s7 =	sld [smem:$0x3FA7]  }
0x2d: {  	s3 =	simm.s32 $0x108;
	s8 =	sld [smem:$0x3FA8]  }
0x2e: {  	s3 =	simm.s32 @!p0 $0x1082;
	s9 =	sld [smem:$0x3FA9]  }
0x2f: {  	lr =	sadd.s32 s0, s3;
	s0 =	sld [smem:$0x3FA0]  }
0x30: {  	s3 =	sld [smem:$0x3FA3]  }
0x31: {  	[smem:$0x3FAC] =	sst s10  }
0x32: {  	s10 =	sld [smem:$0x3FAA];
	_ =	sdelay $0x3  }
0x33: {  	p0 =	seq.s32 s10, $0x1;
	s10 =	sld [smem:$0x3FAC];
	_ =	sdelay $0x3  }
0x34: {  	[smem:$0x3FAC] =	sst s10  }
0x35: {  	s10 =	sld [smem:$0x3FAB];
	_ =	sdelay $0x3  }
0x36: {  	p1 =	seq.s32 s10, $0x1;
	s10 =	sld [smem:$0x3FAC];
	_ =	sdelay $0x3  }
0x37: {  	[smem:$0x3FAC] =	sst s10  }
0x38: {  	s10 =	sld [smem:$0x3FAD]  }
0x39: {  	_ = 	snop;
	(pc) =	sbr.ind lr, $3  }
0x3a: {  	_ = 	snop  }
0x3b: {  	_ = 	snop  }
0x3c: {  	p2 =	seq.s32 s10, $0x1;
	s10 =	sld [smem:$0x3FAC]  }
0x3d: {  	_ =	shalt  }
0x3e: {  	_ =	shalt  }
0x3f: {  	_ =	shalt  }
0x40: {  	_ =	shalt  }
0x41: {  	_ =	shalt  }
0x42: {  	_ =	shalt  }
0x43: {  	_ =	shalt  }
0x44: {  	_ =	shalt  }
0x45: {  	_ =	shalt  }
0x46: {  	_ =	shalt  }
0x47: {  	_ =	shalt  }
0x48: {  	_ =	shalt  }
0x49: {  	_ =	shalt  }
0x4a: {  	_ =	shalt  }
0x4b: {  	_ =	shalt  }
0x4c: {  	_ =	shalt  }
0x4d: {  	_ =	shalt  }
0x4e: {  	_ =	shalt  }
0x4f: {  	_ =	shalt  }
0x50: {  	_ =	shalt  }
0x51: {  	_ =	shalt  }
0x52: {  	_ =	shalt  }
0x53: {  	_ =	shalt  }
0x54: {  	_ =	shalt  }
0x55: {  	_ =	shalt  }
0x56: {  	_ =	shalt  }
0x57: {  	_ =	shalt  }
0x58: {  	_ =	shalt  }
0x59: {  	_ =	shalt  }
0x5a: {  	_ =	shalt  }
0x5b: {  	_ =	shalt  }
0x5c: {  	_ =	shalt  }
0x5d: {  	_ =	shalt  }
0x5e: {  	_ =	shalt  }
0x5f: {  	_ =	shalt  }
0x60: {  	_ =	shalt  }
0x61: {  	_ =	shalt  }
0x62: {  	_ =	shalt  }
0x63: {  	_ =	shalt  }
0x64: {  	_ =	shalt  }
0x65: {  	_ =	shalt  }
0x66: {  	_ =	shalt  }
0x67: {  	_ =	shalt  }
0x68: {  	_ =	shalt  }
0x69: {  	_ =	shalt  }
0x6a: {  	_ =	shalt  }
0x6b: {  	_ =	shalt  }
0x6c: {  	_ =	shalt  }
0x6d: {  	_ =	shalt  }
0x6e: {  	_ =	shalt  }
0x6f: {  	_ =	shalt  }
0x70: {  	_ =	shalt  }
0x71: {  	_ =	shalt  }
0x72: {  	_ =	shalt  }
0x73: {  	_ =	shalt  }
0x74: {  	_ =	shalt  }
0x75: {  	_ =	shalt  }
0x76: {  	_ =	shalt  }
0x77: {  	_ =	shalt  }
0x78: {  	_ =	shalt  }
0x79: {  	_ =	shalt  }
0x7a: {  	_ =	shalt  }
0x7b: {  	_ =	shalt  }
0x7c: {  	_ =	shalt  }
0x7d: {  	_ =	shalt  }
0x7e: {  	_ =	shalt  }
0x7f: {  	_ =	shalt  }
0x80: {  	_ =	shalt  }
0x81: {  	_ =	shalt  }
0x82: {  	_ =	shalt  }
0x83: {  	_ =	shalt  }
0x84: {  	_ =	shalt  }
0x85: {  	_ =	shalt  }
0x86: {  	_ =	shalt  }
0x87: {  	_ =	shalt  }
.Lfunc_end0:
.L_simem_size_0:
called_computation.1_lowered:
.L_overlay_start_0:
0x88: {  	s2 =	sld [smem:$0x3FD9]  }
0x89: {  	s3 =	sld [smem:$0x3FFE];
	_ =	sdelay $0x1  }
0x8a: {  	s1 =	srdreg.scid  }
0x8b: {  	s0 =	sand.u32 $0x1, s1  }
0x8c: {  	s14 =	sshll.u32 s0, $0xA;
	s2 =	sadd.s32 s3, s2  }
0x8d: {  	s2 =	sadd.s32 s2, s14  }
0x8e: {  	[smem:$0x3FB8] =	sst s2  }
0x8f: {  	_ = 	snop  }
0x90: {  	s2 =	sld [smem:$0x3FD0];
	_ =	sdelay $0x2  }
0x91: {  	s15 =	simm.s32 $0xA;
	s4 =	simm.s32 $0x10  }
0x92: {  	[smem:s4], [sflag:s15] =	dma.local [hbm:s2], $0x1  }
0x93: {  	_ =	swait.eq [sflag:s15], $0x1  }
0x94: {  	[sflag:s15] =	ssyncset.done $0x0  }
0x95: {  	s16 =	sld [smem:$0x10];
	[sflag:s15] =	ssyncadd.s32 $0xFFFFFFFF  }
0x96: {  	s17 =	sld [smem:$0x11];
	(tm) =	ssettm $0x1  }
0x97: {  	s18 =	sld [smem:$0x3FFB];
	_ =	sdelay $0x3  }
0x98: {  	_ =	strace s18  }
0x99: {  	s4 =	sld [smem:$0x3FFC];
	_ =	sdelay $0x3  }
0x9a: {  	_ =	strace s4  }
0x9b: {  	s4 =	sld [smem:$0x3FFD];
	_ =	sdelay $0x3  }
0x9c: {  	_ =	strace s4  }
0x9d: {  	_ =	strace $0x8FFFFFFF  }
0x9e: {  	s19 =	sld [smem:$0x3FDB];
	_ =	sdelay $0x1  }
0x9f: {  	s5 =	simm.s32 $_scs_section_size  }
0xa0: {  	s6 =	simm.s32 $_size__tile_overlayer_lowered;
	s7 =	simm.s32 $_tile_overlayer_lowered  }
0xa1: {  	s22 =	simm.s32 $0x1BFF;
	s21 =	sshll.u32 s7, $0x1;
	s4 =	sadd.s32 s5, s19  }
0xa2: {  	s8 =	simm.s32 $0x0;
	s20 =	sshll.u32 s6, $0x1;
	s6 =	sadd.s32 s21, s4  }
0xa3: {  	[timem:s8], [sflag:s22] =	dma.local [hbm:s6], s20  }
0xa4: {  	_ =	swait.ge [sflag:s22], s20  }
0xa5: {  	s5 =	ssub.s32 $0x0, s20;
	[sflag:s22] =	ssyncset.done $0x0  }
0xa6: {  	[sflag:s22] =	ssyncadd.s32 s5;
	_ =	sdelay $0x1  }
0xa7: {  	s23 =	simm.s32 $0x1B8B  }
0xa8: {  	_ =	swait.ge [sflag:s23], $0x1  }
0xa9: {  	[sflag:s23] =	ssyncset.done $0x0  }
0xaa: {  	s25 =	simm.s32 $0x1B8E;
	s24 =	sld [smem:$0x3FFE];
	[sflag:s23] =	ssyncadd.s32 $0xFFFFFFFF  }
0xab: {  	s26 =	simm.s32 $execute0_lowered;
	[smem:$0x3FD2] =	sst s25  }
0xac: {  	s6 =	sshll.u32 s26, $0x1;
	_ =	strace $0x80000049;
	[dreg:$0x1] =	wrdreg $0xFFFFFFFF  }
0xad: {  	s28 =	simm.s32 $_size_execute0_lowered;
	s4 =	sadd.s32 s4, s6;
	[dreg:$0x0] =	wrdreg $0x0  }
0xae: {  	s6 =	sshll.u32 s28, $0x1;
	[dreg:$0x2] =	wrdreg s4  }
0xaf: {  	[dreg:$0x3] =	wrdreg s6  }
0xb0: {  	[dreg:$0x4] =	wrdreg $0xC0  }
0xb1: {  	_ =	task [dreg:s8], $0x5FFFF  }
0xb2: {  	[dreg:$0x1] =	wrdreg $0xFFFFFFFF  }
0xb3: {  	[dreg:$0x0] =	wrdreg $0x60  }
0xb4: {  	[dreg:$0x2] =	wrdreg s24  }
0xb5: {  	[dreg:$0x3] =	wrdreg s17  }
0xb6: {  	[dreg:$0x4] =	wrdreg s16  }
0xb7: {  	[dreg:$0x5] =	wrdreg $0x80000  }
0xb8: {  	[dreg:$0x6] =	wrdreg $0x9  }
0xb9: {  	_ =	task.clear_ibuf [dreg:s8], $0x7FFFF;
	_ =	strace $0x90000049  }
0xba: {  	s29 =	simm.s32 $0x9;
	_ =	strace $0x8000004B  }
0xbb: {  	_ =	swait.ge [sflag:s29], $0x1  }
0xbc: {  	[sflag:s29] =	ssyncadd.s32 $0xFFFFFFFF  }
0xbd: {  	_ =	strace $0x9000004B  }
0xbe: {  	_ =	sfence  }
0xbf: {  	s30 =	sld [smem:$0x0];
	_ =	sdelay $0x2  }
0xc0: {  	s31 =	sshll.u32 s1, $0xD;
	s1 =	sshrl.u32 s1, $0x2  }
0xc1: {  	s3 =	sand.u32 $0x4000, s31;
	s1 =	sadd.s32 s1, s30  }
0xc2: {  	s0 =	sor.u32 s3, s0;
	s1 =	sshll.u32 s1, $0x11  }
0xc3: {  	s0 =	sor.u32 s1, s0  }
0xc4: {  	s0 =	sadd.s32 $0x8F2B, s0  }
0xc5: {  	[sflag:s0] =	ssyncadd.remote.s32 $0x1  }
0xc6: {  	_ =	sfence.sel $0xFFFF  }
0xc7: {  	[dreg:$0x0] =	wrdreg $0xFFFFFFFF;
	(pc) =	sbr.abs _section_cstart, $3  }
0xc8: {  	[dreg:$0x1] =	wrdreg $0xFFFFFFFF  }
0xc9: {  	_ =	task.clear_ibuf [dreg:s8], $0x2FFFF;
	_ =	strace $0x9FFFFFFF  }
0xca: {  	(tm) =	ssettm $0x7FFFFFFF  }
0xcb: {  	_ =	shalt  }
tec
execute0_lowered:
.L_overlay_start_1:
0x0: {  	(tag) =	ssettag $0x1  }
0x1: {  	s0 =	rddreg [dreg:$0x0]  }
0x2: {  	s1 =	rddreg [dreg:$0x1]  }
0x3: {  	s2 =	rddreg [dreg:$0x2]  }
0x4: {  	s3 =	rddreg [dreg:$0x3]  }
0x5: {  	s14 =	simm.s32 $0x0;
	s5 =	srdreg.scid;
	s4 =	stileid.u32  }
0x6: {  	s7 =	simm.s32 $0x2710;
	s15 =	simm.s32 $0x7;
	s28 =	simm.s32 $0x2  }
0x7: {  	s29 =	simm.s32 $0x1080;
	s30 =	simm.s32 $0x4;
	s31 =	simm.s32 $0x180  }
0x8: {  	s12 =	simm.s32 $0x1F80;
	s13 =	simm.s32 $0x0;
	s8 =	smul.u32 $0x3E8, s4  }
0x9: {  	[smem:$0x7FF] =	sst s14;
	s5 =	sand.u32 $0x1, s5;
	s11 =	smul.u32 $0x50000, s4  }
0xa: {  	s6 =	sadd.s32 $0x52400, s0;
	s10 =	sadd.s32 $0xA0600, s0;
	s19 =	smul.u32 $0x7D000, s4  }
0xb: {  	s25 =	sshll.u32 s4, $0x6;
	_ =	strace $0x8000004A;
	p0 =	seq.s32 s5, $0x0  }
0xc: {  	s9 =	sshll.u32 s5, $0x4;
	[dreg:$0x5] =	wrdreg s10;
	s5 =	ssub.s32 $0x2, s5  }
0xd: {  	s7 =	simm.s32 @!p0 $0x0;
	s9 =	sor.u32 s4, s9;
	s17 =	sshrl.u32 s5, $0x1  }
0xe: {  	s21 =	sshrl.u32 s11, $0x2;
	p0 =	sgt.u32 s4, $0x9;
	s16 =	smul.u32 $0xA00, s9  }
0xf: {  	s11 =	simm.s32 $0x1F00;
	s7 =	sadd.s32 s8, s7;
	s8 =	smul.u32 $0x5000, s9  }
0x10: {  	s5 =	ssub.s32 s5, s17;
	s9 =	sadd.s32 s21, s3;
	s17 =	simm.s32 $0x40  }
0x11: {  	s7 =	sshll.u32 s7, $0x4;
	s24 =	smax.u32 s5, $0x1;
	s26 =	sshrl.u32 s9, $0x3  }
0x12: {  	s5 =	simm.s32 $0x1100;
	s9 =	simm.s32 $0x200;
	s0 =	sadd.s32 s7, s0  }
0x13: {  	s18 =	sadd.s32 s1, s16;
	s20 =	sadd.s32 s2, s16;
	[dreg:$0xb] =	wrdreg s24  }
0x14: {  	s22 =	sshrl.u32 s8, $0x3;
	s7 =	sshrl.u32 s19, $0x2;
	[dreg:$0xd] =	wrdreg s26  }
0x15: {  	s16 =	simm.s32 $0x1000;
	s19 =	simm.s32 $0x80;
	[dreg:$0x6] =	wrdreg s18  }
0x16: {  	s24 =	simm.s32 $0x100;
	s26 =	simm.s32 $0x6000;
	[dreg:$0x7] =	wrdreg s20  }
0x17: {  	s10 =	sadd.s32 $0x800, s22;
	s7 =	sadd.s32 s7, s3;
	s0 =	sadd.s32 $0xA2E00, s0  }
0x18: {  	s18 =	simm.s32 $0x2000;
	s22 =	sor.u32 $0x1C07, s25;
	[dreg:$0xa] =	wrdreg s0  }
0x19: {  	s20 =	simm.s32 $0x4000;
	s23 =	sadd.s32 s1, s10;
	[dreg:$0xc] =	wrdreg s22  }
0x1a: {  	s10 =	sadd.s32 s2, s10;
	s0 =	sshrl.u32 @!p0 s7, $0x3;
	[dreg:$0x8] =	wrdreg s23  }
0x1b: {  	s7 =	simm.s32 $0x5;
	[dreg:$0x9] =	wrdreg s10;
	s23 =	simm.s32 $0x1  }
0x1c: {  	[dreg:$0xe] =	wrdreg s0;
	s0 =	simm.s32 $0x3;
	s10 =	simm.s32 $0x6  }
.LBB2_1:
0x1d: {  	s4 =	rddreg [dreg:$0x6]  }
0x1e: {  	[tilespmem:s14], [sflag:$0x7] =	stream.linear.gather [hbm4b:s4+s14], $0x1000, $0x38;
	[tilespmem:$0x1C000] =	vst v63  }
0x1f: {  	_ =	swait.ge [sflag:s15], $0x1000  }
0x20: {  	[sflag:s15] =	ssyncset.done $0x0  }
0x21: {  	s25 =	rddreg [dreg:$0x7];
	[sflag:s15] =	ssyncadd.s32 $0xFFFFF000  }
0x22: {  	[tilespmem:s16], [sflag:$0x7] =	stream.linear.gather [hbm4b:s25+s14], $0x1000, $0x38;
	[tilespmem:$0x1C000] =	vst v63  }
0x23: {  	_ =	swait.ge [sflag:s15], $0x1000  }
0x24: {  	[sflag:s15] =	ssyncset.done $0x0  }
0x25: {  	s21 =	rddreg [dreg:$0xd];
	[sflag:s15] =	ssyncadd.s32 $0xFFFFF000  }
0x26: {  	[tilespmem:s18], [sflag:$0x1] =	stream.indirect.gather [hbm4b:s6+s17], $0x80, s14, s17, $0xb8;
	[tilespmem:$0x1C000] =	vst v63  }
0x27: {  	s14 =	rddreg [dreg:$0x5]  }
0x28: {  	[tilespmem:s20], [sflag:$0x2] =	stream.indirect.gather [hbm4b:s6+s17], $0x80, s19, s17, $0xb8;
	[tilespmem:$0x1C000] =	vst v63  }
0x29: {  	[spmem:s21], [sflag:s22] =	dma.local [hbm:s14], $0x2800  }
0x2a: {  	_ =	swait.ge [sflag:s15], $0x2800  }
0x2b: {  	[sflag:s15] =	ssyncset.done $0x0  }
0x2c: {  	[sflag:s15] =	ssyncadd.s32 $0xFFFFD800  }
0x2d: {  	[bflag:$0x0] =	sbarrier.arrive $0xFFFF  }
0x2e: {  	_ =	swait.ge [sflag:s23], $0x2000  }
0x2f: {  	[sflag:s23] =	ssyncset.done $0x0  }
0x30: {  	[sflag:s23] =	ssyncadd.s32 $0xFFFFE000  }
0x31: {  	[spmem:s3] =	stream.indirect.scatter.add.f32 [tilespmem:s18], [sflag:$0x4], $0x80, s16, s17, $0xb8;
	[tilespmem:$0x1C000] =	vst v63  }
0x32: {  	_ = 	snop  }
0x33: {  	[tilespmem:s26], [sflag:$0x3] =	stream.indirect.gather [hbm4b:s6+s17], $0x80, s24, s17, $0xb8;
	[tilespmem:$0x1C000] =	vst v63  }
0x34: {  	_ =	swait.ge [sflag:s28], $0x2000  }
0x35: {  	[sflag:s28] =	ssyncset.done $0x0  }
0x36: {  	[sflag:s28] =	ssyncadd.s32 $0xFFFFE000  }
0x37: {  	[spmem:s3] =	stream.indirect.scatter.add.f32 [tilespmem:s20], [sflag:$0x5], $0x80, s29, s17, $0xb8;
	[tilespmem:$0x1C000] =	vst v63  }
0x38: {  	_ =	swait.ge [sflag:s30], $0x2000  }
0x39: {  	[sflag:s30] =	ssyncset.done $0x0  }
0x3a: {  	[sflag:s30] =	ssyncadd.s32 $0xFFFFE000  }
0x3b: {  	[tilespmem:s18], [sflag:$0x1] =	stream.indirect.gather [hbm4b:s6+s17], $0x80, s31, s17, $0xb8;
	[tilespmem:$0x1C000] =	vst v63  }
0x3c: {  	_ =	swait.ge [sflag:s0], $0x2000  }
0x3d: {  	[sflag:s0] =	ssyncset.done $0x0  }
0x3e: {  	[sflag:s0] =	ssyncadd.s32 $0xFFFFE000  }
0x3f: {  	[spmem:s3] =	stream.indirect.scatter.add.f32 [tilespmem:s26], [sflag:$0x6], $0x80, s5, s17, $0xb8;
	[tilespmem:$0x1C000] =	vst v63  }
0x40: {  	_ =	swait.ge [sflag:s7], $0x2000  }
0x41: {  	[sflag:s7] =	ssyncset.done $0x0  }
0x42: {  	[sflag:s7] =	ssyncadd.s32 $0xFFFFE000  }
0x43: {  	[tilespmem:s20], [sflag:$0x2] =	stream.indirect.gather [hbm4b:s6+s17], $0x80, s9, s17, $0xb8;
	[tilespmem:$0x1C000] =	vst v63  }
0x44: {  	_ =	swait.ge [sflag:s23], $0x2000  }
0x45: {  	[sflag:s23] =	ssyncset.done $0x0  }
0x46: {  	s25 =	simm.s32 $0x1180;
	[sflag:s23] =	ssyncadd.s32 $0xFFFFE000  }
0x47: {  	[spmem:s3] =	stream.indirect.scatter.add.f32 [tilespmem:s18], [sflag:$0x4], $0x80, s25, s17, $0xb8;
	[tilespmem:$0x1C000] =	vst v63  }
0x48: {  	_ =	swait.ge [sflag:s10], $0x2000  }
0x49: {  	[sflag:s10] =	ssyncset.done $0x0  }
0x4a: {  	s4 =	simm.s32 $0x280;
	[sflag:s10] =	ssyncadd.s32 $0xFFFFE000  }
0x4b: {  	[tilespmem:s26], [sflag:$0x3] =	stream.indirect.gather [hbm4b:s6+s17], $0x80, s4, s17, $0xb8;
	[tilespmem:$0x1C000] =	vst v63  }
0x4c: {  	_ =	swait.ge [sflag:s28], $0x2000  }
0x4d: {  	[sflag:s28] =	ssyncset.done $0x0  }
0x4e: {  	s21 =	simm.s32 $0x1200;
	[sflag:s28] =	ssyncadd.s32 $0xFFFFE000  }
0x4f: {  	[spmem:s3] =	stream.indirect.scatter.add.f32 [tilespmem:s20], [sflag:$0x5], $0x80, s21, s17, $0xb8;
	[tilespmem:$0x1C000] =	vst v63  }
0x50: {  	_ =	swait.ge [sflag:s30], $0x2000  }
0x51: {  	[sflag:s30] =	ssyncset.done $0x0  }
0x52: {  	s22 =	simm.s32 $0x300;
	[sflag:s30] =	ssyncadd.s32 $0xFFFFE000  }
0x53: {  	[tilespmem:s18], [sflag:$0x1] =	stream.indirect.gather [hbm4b:s6+s17], $0x80, s22, s17, $0xb8;
	[tilespmem:$0x1C000] =	vst v63  }
0x54: {  	_ =	swait.ge [sflag:s0], $0x2000  }
0x55: {  	[sflag:s0] =	ssyncset.done $0x0  }
0x56: {  	s25 =	simm.s32 $0x1280;
	[sflag:s0] =	ssyncadd.s32 $0xFFFFE000  }
0x57: {  	[spmem:s3] =	stream.indirect.scatter.add.f32 [tilespmem:s26], [sflag:$0x6], $0x80, s25, s17, $0xb8;
	[tilespmem:$0x1C000] =	vst v63  }
0x58: {  	_ =	swait.ge [sflag:s7], $0x2000  }
0x59: {  	[sflag:s7] =	ssyncset.done $0x0  }
0x5a: {  	s14 =	simm.s32 $0x600;
	s22 =	simm.s32 $0x380;
	[sflag:s7] =	ssyncadd.s32 $0xFFFFE000  }
.LBB2_2:
0x5b: {  	[tilespmem:s20], [sflag:$0x2] =	stream.indirect.gather [hbm4b:s6+s17], $0x80, s22, s17, $0xb8;
	[tilespmem:$0x1C000] =	vst v63  }
0x5c: {  	s21 =	smov.u32 s14  }
0x5d: {  	p1 =	sne.s32 s14, $0x3000;
	s14 =	sadd.s32 $0x600, s14;
	_ =	swait.ge [sflag:s23], $0x2000  }
0x5e: {  	s21 =	sshra.s32 s21, $0x2;
	[sflag:s23] =	ssyncset.done $0x0  }
0x5f: {  	s22 =	sadd.s32 $0x1180, s21;
	[sflag:s23] =	ssyncadd.s32 $0xFFFFE000  }
0x60: {  	[spmem:s3] =	stream.indirect.scatter.add.f32 [tilespmem:s18], [sflag:$0x4], $0x80, s22, s17, $0xb8;
	[tilespmem:$0x1C000] =	vst v63  }
0x61: {  	_ =	swait.ge [sflag:s10], $0x2000  }
0x62: {  	[sflag:s10] =	ssyncset.done $0x0  }
0x63: {  	s22 =	sadd.s32 $0x280, s21;
	[sflag:s10] =	ssyncadd.s32 $0xFFFFE000  }
0x64: {  	[tilespmem:s26], [sflag:$0x3] =	stream.indirect.gather [hbm4b:s6+s17], $0x80, s22, s17, $0xb8;
	[tilespmem:$0x1C000] =	vst v63  }
0x65: {  	_ =	swait.ge [sflag:s28], $0x2000  }
0x66: {  	[sflag:s28] =	ssyncset.done $0x0  }
0x67: {  	s22 =	sadd.s32 $0x1200, s21;
	[sflag:s28] =	ssyncadd.s32 $0xFFFFE000  }
0x68: {  	[spmem:s3] =	stream.indirect.scatter.add.f32 [tilespmem:s20], [sflag:$0x5], $0x80, s22, s17, $0xb8;
	[tilespmem:$0x1C000] =	vst v63  }
0x69: {  	_ =	swait.ge [sflag:s30], $0x2000  }
0x6a: {  	[sflag:s30] =	ssyncset.done $0x0  }
0x6b: {  	s22 =	sadd.s32 $0x300, s21;
	[sflag:s30] =	ssyncadd.s32 $0xFFFFE000  }
0x6c: {  	[tilespmem:s18], [sflag:$0x1] =	stream.indirect.gather [hbm4b:s6+s17], $0x80, s22, s17, $0xb8;
	[tilespmem:$0x1C000] =	vst v63  }
0x6d: {  	_ =	swait.ge [sflag:s0], $0x2000  }
0x6e: {  	[sflag:s0] =	ssyncset.done $0x0  }
.Ltmp0:
0x6f: {  	s22 =	sadd.s32 $0x1280, s21;
	[sflag:s0] =	ssyncadd.s32 $0xFFFFE000;
	(pc) =	sbr.rel @p1 .LBB2_2-.Ltmp0, $4  }
0x70: {  	[spmem:s3] =	stream.indirect.scatter.add.f32 [tilespmem:s26], [sflag:$0x6], $0x80, s22, s17, $0xb8;
	[tilespmem:$0x1C000] =	vst v63  }
0x71: {  	_ =	swait.ge [sflag:s7], $0x2000  }
0x72: {  	[sflag:s7] =	ssyncset.done $0x0  }
0x73: {  	s22 =	sadd.s32 $0x380, s21;
	[sflag:s7] =	ssyncadd.s32 $0xFFFFE000  }
0x74: {  	[tilespmem:s20], [sflag:$0x2] =	stream.indirect.gather [hbm4b:s6+s17], $0x80, s22, s17, $0xb8;
	[tilespmem:$0x1C000] =	vst v63  }
0x75: {  	_ =	swait.ge [sflag:s23], $0x2000  }
0x76: {  	[sflag:s23] =	ssyncset.done $0x0  }
0x77: {  	[sflag:s23] =	ssyncadd.s32 $0xFFFFE000  }
0x78: {  	[spmem:s3] =	stream.indirect.scatter.add.f32 [tilespmem:s18], [sflag:$0x7], $0x80, s11, s17, $0xb8;
	[tilespmem:$0x1C000] =	vst v63  }
0x79: {  	_ =	swait.ge [sflag:s15], $0x2000  }
0x7a: {  	[sflag:s15] =	ssyncset.done $0x0  }
0x7b: {  	[sflag:s15] =	ssyncadd.s32 $0xFFFFE000  }
0x7c: {  	_ =	swait.ge [sflag:s28], $0x2000  }
0x7d: {  	[sflag:s28] =	ssyncset.done $0x0  }
0x7e: {  	[sflag:s28] =	ssyncadd.s32 $0xFFFFE000  }
0x7f: {  	[spmem:s3] =	stream.indirect.scatter.add.f32 [tilespmem:s20], [sflag:$0x7], $0x80, s12, s17, $0xb8;
	[tilespmem:$0x1C000] =	vst v63  }
0x80: {  	_ =	swait.ge [sflag:s15], $0x2000  }
0x81: {  	[sflag:s15] =	ssyncset.done $0x0  }
0x82: {  	[sflag:s15] =	ssyncadd.s32 $0xFFFFE000  }
0x83: {  	_ =	swait.ge [sflag:s10], $0x2000  }
0x84: {  	[sflag:s10] =	ssyncset.done $0x0  }
0x85: {  	s14 =	simm.s32 $0x0;
	s22 =	simm.s32 $0x0;
	[sflag:s10] =	ssyncadd.s32 $0xFFFFE000  }
.LBB2_4:
0x86: {  	s22 =	sadd.s32 $0x1, s22  }
0x87: {  	s21 =	sshll.u32 s22, $0xC  }
0x88: {  	s21 =	sadd.s32 s8, s21  }
0x89: {  	s21 =	sshrl.u32 s21, $0x3  }
0x8a: {  	s25 =	sadd.s32 s1, s21  }
0x8b: {  	[tilespmem:s14], [sflag:$0x7] =	stream.linear.gather [hbm4b:s25+s14], $0x1000, $0x38;
	[tilespmem:$0x1C000] =	vst v63  }
0x8c: {  	_ =	swait.ge [sflag:s15], $0x1000  }
0x8d: {  	[sflag:s15] =	ssyncset.done $0x0  }
0x8e: {  	s21 =	sadd.s32 s2, s21;
	[sflag:s15] =	ssyncadd.s32 $0xFFFFF000  }
0x8f: {  	[tilespmem:s16], [sflag:$0x7] =	stream.linear.gather [hbm4b:s21+s14], $0x1000, $0x38;
	[tilespmem:$0x1C000] =	vst v63  }
0x90: {  	_ =	swait.ge [sflag:s15], $0x1000  }
0x91: {  	[sflag:s15] =	ssyncset.done $0x0  }
0x92: {  	[sflag:s15] =	ssyncadd.s32 $0xFFFFF000  }
0x93: {  	[tilespmem:s18], [sflag:$0x1] =	stream.indirect.gather [hbm4b:s6+s17], $0x80, s14, s17, $0xb8;
	[tilespmem:$0x1C000] =	vst v63  }
0x94: {  	_ = 	snop  }
0x95: {  	[tilespmem:s20], [sflag:$0x2] =	stream.indirect.gather [hbm4b:s6+s17], $0x80, s19, s17, $0xb8;
	[tilespmem:$0x1C000] =	vst v63  }
0x96: {  	_ =	swait.ge [sflag:s23], $0x2000  }
0x97: {  	[sflag:s23] =	ssyncset.done $0x0  }
0x98: {  	[sflag:s23] =	ssyncadd.s32 $0xFFFFE000  }
0x99: {  	[spmem:s3] =	stream.indirect.scatter.add.f32 [tilespmem:s18], [sflag:$0x4], $0x80, s16, s17, $0xb8;
	[tilespmem:$0x1C000] =	vst v63  }
0x9a: {  	_ = 	snop  }
0x9b: {  	[tilespmem:s26], [sflag:$0x3] =	stream.indirect.gather [hbm4b:s6+s17], $0x80, s24, s17, $0xb8;
	[tilespmem:$0x1C000] =	vst v63  }
0x9c: {  	_ =	swait.ge [sflag:s28], $0x2000  }
0x9d: {  	[sflag:s28] =	ssyncset.done $0x0  }
0x9e: {  	[sflag:s28] =	ssyncadd.s32 $0xFFFFE000  }
0x9f: {  	[spmem:s3] =	stream.indirect.scatter.add.f32 [tilespmem:s20], [sflag:$0x5], $0x80, s29, s17, $0xb8;
	[tilespmem:$0x1C000] =	vst v63  }
0xa0: {  	_ =	swait.ge [sflag:s30], $0x2000  }
0xa1: {  	[sflag:s30] =	ssyncset.done $0x0  }
0xa2: {  	[sflag:s30] =	ssyncadd.s32 $0xFFFFE000  }
0xa3: {  	[tilespmem:s18], [sflag:$0x1] =	stream.indirect.gather [hbm4b:s6+s17], $0x80, s31, s17, $0xb8;
	[tilespmem:$0x1C000] =	vst v63  }
0xa4: {  	_ =	swait.ge [sflag:s0], $0x2000  }
0xa5: {  	[sflag:s0] =	ssyncset.done $0x0  }
0xa6: {  	[sflag:s0] =	ssyncadd.s32 $0xFFFFE000  }
0xa7: {  	[spmem:s3] =	stream.indirect.scatter.add.f32 [tilespmem:s26], [sflag:$0x6], $0x80, s5, s17, $0xb8;
	[tilespmem:$0x1C000] =	vst v63  }
0xa8: {  	_ =	swait.ge [sflag:s7], $0x2000  }
0xa9: {  	[sflag:s7] =	ssyncset.done $0x0  }
0xaa: {  	[sflag:s7] =	ssyncadd.s32 $0xFFFFE000  }
0xab: {  	[tilespmem:s20], [sflag:$0x2] =	stream.indirect.gather [hbm4b:s6+s17], $0x80, s9, s17, $0xb8;
	[tilespmem:$0x1C000] =	vst v63  }
0xac: {  	_ =	swait.ge [sflag:s23], $0x2000  }
0xad: {  	[sflag:s23] =	ssyncset.done $0x0  }
0xae: {  	s25 =	simm.s32 $0x1180;
	[sflag:s23] =	ssyncadd.s32 $0xFFFFE000  }
0xaf: {  	[spmem:s3] =	stream.indirect.scatter.add.f32 [tilespmem:s18], [sflag:$0x4], $0x80, s25, s17, $0xb8;
	[tilespmem:$0x1C000] =	vst v63  }
0xb0: {  	_ =	swait.ge [sflag:s10], $0x2000  }
0xb1: {  	[sflag:s10] =	ssyncset.done $0x0  }
0xb2: {  	s4 =	simm.s32 $0x280;
	[sflag:s10] =	ssyncadd.s32 $0xFFFFE000  }
0xb3: {  	[tilespmem:s26], [sflag:$0x3] =	stream.indirect.gather [hbm4b:s6+s17], $0x80, s4, s17, $0xb8;
	[tilespmem:$0x1C000] =	vst v63  }
0xb4: {  	_ =	swait.ge [sflag:s28], $0x2000  }
0xb5: {  	[sflag:s28] =	ssyncset.done $0x0  }
0xb6: {  	s25 =	simm.s32 $0x1200;
	[sflag:s28] =	ssyncadd.s32 $0xFFFFE000  }
0xb7: {  	[spmem:s3] =	stream.indirect.scatter.add.f32 [tilespmem:s20], [sflag:$0x5], $0x80, s25, s17, $0xb8;
	[tilespmem:$0x1C000] =	vst v63  }
0xb8: {  	_ =	swait.ge [sflag:s30], $0x2000  }
0xb9: {  	[sflag:s30] =	ssyncset.done $0x0  }
0xba: {  	s4 =	simm.s32 $0x300;
	[sflag:s30] =	ssyncadd.s32 $0xFFFFE000  }
0xbb: {  	[tilespmem:s18], [sflag:$0x1] =	stream.indirect.gather [hbm4b:s6+s17], $0x80, s4, s17, $0xb8;
	[tilespmem:$0x1C000] =	vst v63  }
0xbc: {  	_ =	swait.ge [sflag:s0], $0x2000  }
0xbd: {  	[sflag:s0] =	ssyncset.done $0x0  }
0xbe: {  	s25 =	simm.s32 $0x1280;
	[sflag:s0] =	ssyncadd.s32 $0xFFFFE000  }
0xbf: {  	[spmem:s3] =	stream.indirect.scatter.add.f32 [tilespmem:s26], [sflag:$0x6], $0x80, s25, s17, $0xb8;
	[tilespmem:$0x1C000] =	vst v63  }
0xc0: {  	_ =	swait.ge [sflag:s7], $0x2000  }
0xc1: {  	[sflag:s7] =	ssyncset.done $0x0  }
0xc2: {  	s21 =	simm.s32 $0x380;
	s25 =	simm.s32 $0x600;
	[sflag:s7] =	ssyncadd.s32 $0xFFFFE000  }
.LBB2_5:
0xc3: {  	[tilespmem:s20], [sflag:$0x2] =	stream.indirect.gather [hbm4b:s6+s17], $0x80, s21, s17, $0xb8;
	[tilespmem:$0x1C000] =	vst v63  }
0xc4: {  	s21 =	smov.u32 s25  }
0xc5: {  	p1 =	sne.s32 s25, $0x3000;
	s25 =	sadd.s32 $0x600, s25;
	_ =	swait.ge [sflag:s23], $0x2000  }
0xc6: {  	s21 =	sshra.s32 s21, $0x2;
	[sflag:s23] =	ssyncset.done $0x0  }
0xc7: {  	s4 =	sadd.s32 $0x1180, s21;
	[sflag:s23] =	ssyncadd.s32 $0xFFFFE000  }
0xc8: {  	[spmem:s3] =	stream.indirect.scatter.add.f32 [tilespmem:s18], [sflag:$0x4], $0x80, s4, s17, $0xb8;
	[tilespmem:$0x1C000] =	vst v63  }
0xc9: {  	_ =	swait.ge [sflag:s10], $0x2000  }
0xca: {  	[sflag:s10] =	ssyncset.done $0x0  }
0xcb: {  	s4 =	sadd.s32 $0x280, s21;
	[sflag:s10] =	ssyncadd.s32 $0xFFFFE000  }
0xcc: {  	[tilespmem:s26], [sflag:$0x3] =	stream.indirect.gather [hbm4b:s6+s17], $0x80, s4, s17, $0xb8;
	[tilespmem:$0x1C000] =	vst v63  }
0xcd: {  	_ =	swait.ge [sflag:s28], $0x2000  }
0xce: {  	[sflag:s28] =	ssyncset.done $0x0  }
0xcf: {  	s4 =	sadd.s32 $0x1200, s21;
	[sflag:s28] =	ssyncadd.s32 $0xFFFFE000  }
0xd0: {  	[spmem:s3] =	stream.indirect.scatter.add.f32 [tilespmem:s20], [sflag:$0x5], $0x80, s4, s17, $0xb8;
	[tilespmem:$0x1C000] =	vst v63  }
0xd1: {  	_ =	swait.ge [sflag:s30], $0x2000  }
0xd2: {  	[sflag:s30] =	ssyncset.done $0x0  }
0xd3: {  	s4 =	sadd.s32 $0x300, s21;
	[sflag:s30] =	ssyncadd.s32 $0xFFFFE000  }
0xd4: {  	[tilespmem:s18], [sflag:$0x1] =	stream.indirect.gather [hbm4b:s6+s17], $0x80, s4, s17, $0xb8;
	[tilespmem:$0x1C000] =	vst v63  }
0xd5: {  	_ =	swait.ge [sflag:s0], $0x2000  }
0xd6: {  	[sflag:s0] =	ssyncset.done $0x0  }
.Ltmp1:
0xd7: {  	s4 =	sadd.s32 $0x1280, s21;
	[sflag:s0] =	ssyncadd.s32 $0xFFFFE000;
	(pc) =	sbr.rel @p1 .LBB2_5-.Ltmp1, $4  }
0xd8: {  	[spmem:s3] =	stream.indirect.scatter.add.f32 [tilespmem:s26], [sflag:$0x6], $0x80, s4, s17, $0xb8;
	[tilespmem:$0x1C000] =	vst v63  }
0xd9: {  	_ =	swait.ge [sflag:s7], $0x2000  }
0xda: {  	[sflag:s7] =	ssyncset.done $0x0  }
0xdb: {  	s21 =	sadd.s32 $0x380, s21;
	[sflag:s7] =	ssyncadd.s32 $0xFFFFE000  }
0xdc: {  	[tilespmem:s20], [sflag:$0x2] =	stream.indirect.gather [hbm4b:s6+s17], $0x80, s21, s17, $0xb8;
	[tilespmem:$0x1C000] =	vst v63  }
0xdd: {  	_ =	swait.ge [sflag:s23], $0x2000  }
0xde: {  	[sflag:s23] =	ssyncset.done $0x0  }
0xdf: {  	[sflag:s23] =	ssyncadd.s32 $0xFFFFE000  }
0xe0: {  	[spmem:s3] =	stream.indirect.scatter.add.f32 [tilespmem:s18], [sflag:$0x7], $0x80, s11, s17, $0xb8;
	[tilespmem:$0x1C000] =	vst v63  }
0xe1: {  	_ =	swait.ge [sflag:s15], $0x2000  }
0xe2: {  	[sflag:s15] =	ssyncset.done $0x0  }
0xe3: {  	[sflag:s15] =	ssyncadd.s32 $0xFFFFE000  }
0xe4: {  	_ =	swait.ge [sflag:s28], $0x2000  }
0xe5: {  	[sflag:s28] =	ssyncset.done $0x0  }
0xe6: {  	[sflag:s28] =	ssyncadd.s32 $0xFFFFE000  }
0xe7: {  	[spmem:s3] =	stream.indirect.scatter.add.f32 [tilespmem:s20], [sflag:$0x7], $0x80, s12, s17, $0xb8;
	[tilespmem:$0x1C000] =	vst v63  }
0xe8: {  	p1 =	sne.s32 s22, $0x3;
	_ =	swait.ge [sflag:s15], $0x2000  }
.Ltmp2:
0xe9: {  	[sflag:s15] =	ssyncset.done $0x0;
	(pc) =	sbr.rel @p1 .LBB2_4-.Ltmp2, $4  }
0xea: {  	[sflag:s15] =	ssyncadd.s32 $0xFFFFE000  }
0xeb: {  	_ =	swait.ge [sflag:s10], $0x2000  }
0xec: {  	[sflag:s10] =	ssyncset.done $0x0  }
0xed: {  	[sflag:s10] =	ssyncadd.s32 $0xFFFFE000  }
0xee: {  	s14 =	simm.s32 $0x0;
	s4 =	rddreg [dreg:$0x8]  }
0xef: {  	[tilespmem:s14], [sflag:$0x7] =	stream.linear.gather [hbm4b:s4+s14], $0x1000, $0x38;
	[tilespmem:$0x1C000] =	vst v63  }
0xf0: {  	_ =	swait.ge [sflag:s15], $0x1000  }
0xf1: {  	[sflag:s15] =	ssyncset.done $0x0  }
0xf2: {  	s25 =	rddreg [dreg:$0x9];
	[sflag:s15] =	ssyncadd.s32 $0xFFFFF000  }
0xf3: {  	[tilespmem:s16], [sflag:$0x7] =	stream.linear.gather [hbm4b:s25+s14], $0x1000, $0x38;
	[tilespmem:$0x1C000] =	vst v63  }
0xf4: {  	_ =	swait.ge [sflag:s15], $0x1000  }
0xf5: {  	[sflag:s15] =	ssyncset.done $0x0  }
0xf6: {  	[sflag:s15] =	ssyncadd.s32 $0xFFFFF000  }
0xf7: {  	[tilespmem:s18], [sflag:$0x1] =	stream.indirect.gather [hbm4b:s6+s17], $0x80, s14, s17, $0xb8;
	[tilespmem:$0x1C000] =	vst v63  }
0xf8: {  	_ = 	snop  }
0xf9: {  	[tilespmem:s20], [sflag:$0x2] =	stream.indirect.gather [hbm4b:s6+s17], $0x80, s19, s17, $0xb8;
	[tilespmem:$0x1C000] =	vst v63  }
0xfa: {  	_ =	swait.ge [sflag:s23], $0x2000  }
0xfb: {  	[sflag:s23] =	ssyncset.done $0x0  }
0xfc: {  	[sflag:s23] =	ssyncadd.s32 $0xFFFFE000  }
0xfd: {  	[spmem:s3] =	stream.indirect.scatter.add.f32 [tilespmem:s18], [sflag:$0x4], $0x80, s16, s17, $0xb8;
	[tilespmem:$0x1C000] =	vst v63  }
0xfe: {  	_ = 	snop  }
0xff: {  	[tilespmem:s26], [sflag:$0x3] =	stream.indirect.gather [hbm4b:s6+s17], $0x80, s24, s17, $0xb8;
	[tilespmem:$0x1C000] =	vst v63  }
0x100: {  	_ =	swait.ge [sflag:s28], $0x2000  }
0x101: {  	[sflag:s28] =	ssyncset.done $0x0  }
0x102: {  	[sflag:s28] =	ssyncadd.s32 $0xFFFFE000  }
0x103: {  	[spmem:s3] =	stream.indirect.scatter.add.f32 [tilespmem:s20], [sflag:$0x5], $0x80, s29, s17, $0xb8;
	[tilespmem:$0x1C000] =	vst v63  }
0x104: {  	_ =	swait.ge [sflag:s30], $0x2000  }
0x105: {  	[sflag:s30] =	ssyncset.done $0x0  }
0x106: {  	[sflag:s30] =	ssyncadd.s32 $0xFFFFE000  }
0x107: {  	[tilespmem:s18], [sflag:$0x1] =	stream.indirect.gather [hbm4b:s6+s17], $0x80, s31, s17, $0xb8;
	[tilespmem:$0x1C000] =	vst v63  }
0x108: {  	_ =	swait.ge [sflag:s0], $0x2000  }
0x109: {  	[sflag:s0] =	ssyncset.done $0x0  }
0x10a: {  	[sflag:s0] =	ssyncadd.s32 $0xFFFFE000  }
0x10b: {  	[spmem:s3] =	stream.indirect.scatter.add.f32 [tilespmem:s26], [sflag:$0x6], $0x80, s5, s17, $0xb8;
	[tilespmem:$0x1C000] =	vst v63  }
0x10c: {  	_ =	swait.ge [sflag:s7], $0x2000  }
0x10d: {  	[sflag:s7] =	ssyncset.done $0x0  }
0x10e: {  	[sflag:s7] =	ssyncadd.s32 $0xFFFFE000  }
0x10f: {  	[tilespmem:s20], [sflag:$0x2] =	stream.indirect.gather [hbm4b:s6+s17], $0x80, s9, s17, $0xb8;
	[tilespmem:$0x1C000] =	vst v63  }
0x110: {  	_ =	swait.ge [sflag:s23], $0x2000  }
0x111: {  	[sflag:s23] =	ssyncset.done $0x0  }
0x112: {  	s21 =	simm.s32 $0x1180;
	[sflag:s23] =	ssyncadd.s32 $0xFFFFE000  }
0x113: {  	[spmem:s3] =	stream.indirect.scatter.add.f32 [tilespmem:s18], [sflag:$0x4], $0x80, s21, s17, $0xb8;
	[tilespmem:$0x1C000] =	vst v63  }
0x114: {  	_ =	swait.ge [sflag:s10], $0x2000  }
0x115: {  	[sflag:s10] =	ssyncset.done $0x0  }
0x116: {  	s22 =	simm.s32 $0x280;
	[sflag:s10] =	ssyncadd.s32 $0xFFFFE000  }
0x117: {  	[tilespmem:s26], [sflag:$0x3] =	stream.indirect.gather [hbm4b:s6+s17], $0x80, s22, s17, $0xb8;
	[tilespmem:$0x1C000] =	vst v63  }
0x118: {  	_ =	swait.ge [sflag:s28], $0x2000  }
0x119: {  	[sflag:s28] =	ssyncset.done $0x0  }
0x11a: {  	s25 =	simm.s32 $0x1200;
	[sflag:s28] =	ssyncadd.s32 $0xFFFFE000  }
0x11b: {  	[spmem:s3] =	stream.indirect.scatter.add.f32 [tilespmem:s20], [sflag:$0x5], $0x80, s25, s17, $0xb8;
	[tilespmem:$0x1C000] =	vst v63  }
0x11c: {  	_ =	swait.ge [sflag:s30], $0x2000  }
0x11d: {  	[sflag:s30] =	ssyncset.done $0x0  }
0x11e: {  	s21 =	simm.s32 $0x300;
	[sflag:s30] =	ssyncadd.s32 $0xFFFFE000  }
0x11f: {  	[tilespmem:s18], [sflag:$0x1] =	stream.indirect.gather [hbm4b:s6+s17], $0x80, s21, s17, $0xb8;
	[tilespmem:$0x1C000] =	vst v63  }
0x120: {  	_ =	swait.ge [sflag:s0], $0x2000  }
0x121: {  	[sflag:s0] =	ssyncset.done $0x0  }
0x122: {  	s22 =	simm.s32 $0x1280;
	[sflag:s0] =	ssyncadd.s32 $0xFFFFE000  }
0x123: {  	[spmem:s3] =	stream.indirect.scatter.add.f32 [tilespmem:s26], [sflag:$0x6], $0x80, s22, s17, $0xb8;
	[tilespmem:$0x1C000] =	vst v63  }
0x124: {  	_ =	swait.ge [sflag:s7], $0x2000  }
0x125: {  	[sflag:s7] =	ssyncset.done $0x0  }
0x126: {  	s25 =	simm.s32 $0x380;
	[sflag:s7] =	ssyncadd.s32 $0xFFFFE000  }
0x127: {  	[tilespmem:s20], [sflag:$0x2] =	stream.indirect.gather [hbm4b:s6+s17], $0x80, s25, s17, $0xb8;
	[tilespmem:$0x1C000] =	vst v63  }
0x128: {  	_ =	swait.ge [sflag:s23], $0x2000  }
0x129: {  	[sflag:s23] =	ssyncset.done $0x0  }
0x12a: {  	s21 =	simm.s32 $0x1300;
	[sflag:s23] =	ssyncadd.s32 $0xFFFFE000  }
0x12b: {  	[spmem:s3] =	stream.indirect.scatter.add.f32 [tilespmem:s18], [sflag:$0x4], $0x80, s21, s17, $0xb8;
	[tilespmem:$0x1C000] =	vst v63  }
0x12c: {  	_ =	swait.ge [sflag:s10], $0x2000  }
0x12d: {  	[sflag:s10] =	ssyncset.done $0x0  }
0x12e: {  	s22 =	simm.s32 $0x400;
	[sflag:s10] =	ssyncadd.s32 $0xFFFFE000  }
0x12f: {  	[tilespmem:s26], [sflag:$0x3] =	stream.indirect.gather [hbm4b:s6+s17], $0x80, s22, s17, $0xb8;
	[tilespmem:$0x1C000] =	vst v63  }
0x130: {  	_ =	swait.ge [sflag:s28], $0x2000  }
0x131: {  	[sflag:s28] =	ssyncset.done $0x0  }
0x132: {  	s25 =	simm.s32 $0x1380;
	[sflag:s28] =	ssyncadd.s32 $0xFFFFE000  }
0x133: {  	[spmem:s3] =	stream.indirect.scatter.add.f32 [tilespmem:s20], [sflag:$0x5], $0x80, s25, s17, $0xb8;
	[tilespmem:$0x1C000] =	vst v63  }
0x134: {  	_ =	swait.ge [sflag:s30], $0x2000  }
0x135: {  	[sflag:s30] =	ssyncset.done $0x0  }
0x136: {  	s21 =	simm.s32 $0x480;
	[sflag:s30] =	ssyncadd.s32 $0xFFFFE000  }
0x137: {  	[tilespmem:s18], [sflag:$0x1] =	stream.indirect.gather [hbm4b:s6+s17], $0x80, s21, s17, $0xb8;
	[tilespmem:$0x1C000] =	vst v63  }
0x138: {  	_ =	swait.ge [sflag:s0], $0x2000  }
0x139: {  	[sflag:s0] =	ssyncset.done $0x0  }
0x13a: {  	s22 =	simm.s32 $0x1400;
	[sflag:s0] =	ssyncadd.s32 $0xFFFFE000  }
0x13b: {  	[spmem:s3] =	stream.indirect.scatter.add.f32 [tilespmem:s26], [sflag:$0x6], $0x80, s22, s17, $0xb8;
	[tilespmem:$0x1C000] =	vst v63  }
0x13c: {  	_ =	swait.ge [sflag:s7], $0x2000  }
0x13d: {  	[sflag:s7] =	ssyncset.done $0x0  }
0x13e: {  	s25 =	simm.s32 $0x500;
	[sflag:s7] =	ssyncadd.s32 $0xFFFFE000  }
0x13f: {  	[tilespmem:s20], [sflag:$0x2] =	stream.indirect.gather [hbm4b:s6+s17], $0x80, s25, s17, $0xb8;
	[tilespmem:$0x1C000] =	vst v63  }
0x140: {  	_ =	swait.ge [sflag:s23], $0x2000  }
0x141: {  	[sflag:s23] =	ssyncset.done $0x0  }
0x142: {  	s21 =	simm.s32 $0x1480;
	[sflag:s23] =	ssyncadd.s32 $0xFFFFE000  }
0x143: {  	[spmem:s3] =	stream.indirect.scatter.add.f32 [tilespmem:s18], [sflag:$0x4], $0x80, s21, s17, $0xb8;
	[tilespmem:$0x1C000] =	vst v63  }
0x144: {  	_ =	swait.ge [sflag:s10], $0x2000  }
0x145: {  	[sflag:s10] =	ssyncset.done $0x0  }
0x146: {  	s22 =	simm.s32 $0x580;
	[sflag:s10] =	ssyncadd.s32 $0xFFFFE000  }
0x147: {  	[tilespmem:s26], [sflag:$0x3] =	stream.indirect.gather [hbm4b:s6+s17], $0x80, s22, s17, $0xb8;
	[tilespmem:$0x1C000] =	vst v63  }
0x148: {  	_ =	swait.ge [sflag:s28], $0x2000  }
0x149: {  	[sflag:s28] =	ssyncset.done $0x0  }
0x14a: {  	s25 =	simm.s32 $0x1500;
	[sflag:s28] =	ssyncadd.s32 $0xFFFFE000  }
0x14b: {  	[spmem:s3] =	stream.indirect.scatter.add.f32 [tilespmem:s20], [sflag:$0x5], $0x80, s25, s17, $0xb8;
	[tilespmem:$0x1C000] =	vst v63  }
0x14c: {  	_ =	swait.ge [sflag:s30], $0x2000  }
0x14d: {  	[sflag:s30] =	ssyncset.done $0x0  }
0x14e: {  	s21 =	simm.s32 $0x600;
	[sflag:s30] =	ssyncadd.s32 $0xFFFFE000  }
0x14f: {  	[tilespmem:s18], [sflag:$0x1] =	stream.indirect.gather [hbm4b:s6+s17], $0x80, s21, s17, $0xb8;
	[tilespmem:$0x1C000] =	vst v63  }
0x150: {  	_ =	swait.ge [sflag:s0], $0x2000  }
0x151: {  	[sflag:s0] =	ssyncset.done $0x0  }
0x152: {  	s22 =	simm.s32 $0x1580;
	[sflag:s0] =	ssyncadd.s32 $0xFFFFE000  }
0x153: {  	[spmem:s3] =	stream.indirect.scatter.add.f32 [tilespmem:s26], [sflag:$0x6], $0x80, s22, s17, $0xb8;
	[tilespmem:$0x1C000] =	vst v63  }
0x154: {  	_ =	swait.ge [sflag:s7], $0x2000  }
0x155: {  	[sflag:s7] =	ssyncset.done $0x0  }
0x156: {  	s25 =	simm.s32 $0x680;
	[sflag:s7] =	ssyncadd.s32 $0xFFFFE000  }
0x157: {  	[tilespmem:s20], [sflag:$0x2] =	stream.indirect.gather [hbm4b:s6+s17], $0x80, s25, s17, $0xb8;
	[tilespmem:$0x1C000] =	vst v63  }
0x158: {  	_ =	swait.ge [sflag:s23], $0x2000  }
0x159: {  	[sflag:s23] =	ssyncset.done $0x0  }
0x15a: {  	s21 =	simm.s32 $0x1600;
	[sflag:s23] =	ssyncadd.s32 $0xFFFFE000  }
0x15b: {  	[spmem:s3] =	stream.indirect.scatter.add.f32 [tilespmem:s18], [sflag:$0x4], $0x80, s21, s17, $0xb8;
	[tilespmem:$0x1C000] =	vst v63  }
0x15c: {  	_ =	swait.ge [sflag:s10], $0x2000  }
0x15d: {  	[sflag:s10] =	ssyncset.done $0x0  }
0x15e: {  	s22 =	simm.s32 $0x700;
	[sflag:s10] =	ssyncadd.s32 $0xFFFFE000  }
0x15f: {  	[tilespmem:s26], [sflag:$0x3] =	stream.indirect.gather [hbm4b:s6+s17], $0x80, s22, s17, $0xb8;
	[tilespmem:$0x1C000] =	vst v63  }
0x160: {  	_ =	swait.ge [sflag:s28], $0x2000  }
0x161: {  	[sflag:s28] =	ssyncset.done $0x0  }
0x162: {  	s25 =	simm.s32 $0x1680;
	[sflag:s28] =	ssyncadd.s32 $0xFFFFE000  }
0x163: {  	[spmem:s3] =	stream.indirect.scatter.add.f32 [tilespmem:s20], [sflag:$0x5], $0x80, s25, s17, $0xb8;
	[tilespmem:$0x1C000] =	vst v63  }
0x164: {  	_ =	swait.ge [sflag:s30], $0x2000  }
0x165: {  	[sflag:s30] =	ssyncset.done $0x0  }
0x166: {  	s21 =	simm.s32 $0x780;
	[sflag:s30] =	ssyncadd.s32 $0xFFFFE000  }
0x167: {  	[tilespmem:s18], [sflag:$0x1] =	stream.indirect.gather [hbm4b:s6+s17], $0x80, s21, s17, $0xb8;
	[tilespmem:$0x1C000] =	vst v63  }
0x168: {  	_ =	swait.ge [sflag:s0], $0x2000  }
0x169: {  	[sflag:s0] =	ssyncset.done $0x0  }
0x16a: {  	s22 =	simm.s32 $0x1700;
	[sflag:s0] =	ssyncadd.s32 $0xFFFFE000  }
0x16b: {  	[spmem:s3] =	stream.indirect.scatter.add.f32 [tilespmem:s26], [sflag:$0x6], $0x80, s22, s17, $0xb8;
	[tilespmem:$0x1C000] =	vst v63  }
0x16c: {  	_ =	swait.ge [sflag:s7], $0x2000  }
0x16d: {  	[sflag:s7] =	ssyncset.done $0x0  }
0x16e: {  	s25 =	simm.s32 $0x800;
	[sflag:s7] =	ssyncadd.s32 $0xFFFFE000  }
0x16f: {  	[tilespmem:s20], [sflag:$0x2] =	stream.indirect.gather [hbm4b:s6+s17], $0x80, s25, s17, $0xb8;
	[tilespmem:$0x1C000] =	vst v63  }
0x170: {  	_ =	swait.ge [sflag:s23], $0x2000  }
0x171: {  	[sflag:s23] =	ssyncset.done $0x0  }
0x172: {  	s21 =	simm.s32 $0x1780;
	[sflag:s23] =	ssyncadd.s32 $0xFFFFE000  }
0x173: {  	[spmem:s3] =	stream.indirect.scatter.add.f32 [tilespmem:s18], [sflag:$0x4], $0x80, s21, s17, $0xb8;
	[tilespmem:$0x1C000] =	vst v63  }
0x174: {  	_ =	swait.ge [sflag:s10], $0x2000  }
0x175: {  	[sflag:s10] =	ssyncset.done $0x0  }
0x176: {  	s22 =	simm.s32 $0x880;
	[sflag:s10] =	ssyncadd.s32 $0xFFFFE000  }
0x177: {  	[tilespmem:s26], [sflag:$0x3] =	stream.indirect.gather [hbm4b:s6+s17], $0x80, s22, s17, $0xb8;
	[tilespmem:$0x1C000] =	vst v63  }
0x178: {  	_ =	swait.ge [sflag:s28], $0x2000  }
0x179: {  	[sflag:s28] =	ssyncset.done $0x0  }
0x17a: {  	s25 =	simm.s32 $0x1800;
	[sflag:s28] =	ssyncadd.s32 $0xFFFFE000  }
0x17b: {  	[spmem:s3] =	stream.indirect.scatter.add.f32 [tilespmem:s20], [sflag:$0x5], $0x80, s25, s17, $0xb8;
	[tilespmem:$0x1C000] =	vst v63  }
0x17c: {  	_ =	swait.ge [sflag:s30], $0x2000  }
0x17d: {  	[sflag:s30] =	ssyncset.done $0x0  }
0x17e: {  	s21 =	simm.s32 $0x900;
	[sflag:s30] =	ssyncadd.s32 $0xFFFFE000  }
0x17f: {  	[tilespmem:s18], [sflag:$0x1] =	stream.indirect.gather [hbm4b:s6+s17], $0x80, s21, s17, $0xb8;
	[tilespmem:$0x1C000] =	vst v63  }
0x180: {  	_ =	swait.ge [sflag:s0], $0x2000  }
0x181: {  	[sflag:s0] =	ssyncset.done $0x0  }
0x182: {  	s22 =	simm.s32 $0x1880;
	[sflag:s0] =	ssyncadd.s32 $0xFFFFE000  }
0x183: {  	[spmem:s3] =	stream.indirect.scatter.add.f32 [tilespmem:s26], [sflag:$0x6], $0x80, s22, s17, $0xb8;
	[tilespmem:$0x1C000] =	vst v63  }
0x184: {  	_ =	swait.ge [sflag:s7], $0x2000  }
0x185: {  	[sflag:s7] =	ssyncset.done $0x0  }
0x186: {  	s25 =	simm.s32 $0x980;
	[sflag:s7] =	ssyncadd.s32 $0xFFFFE000  }
0x187: {  	[tilespmem:s20], [sflag:$0x2] =	stream.indirect.gather [hbm4b:s6+s17], $0x80, s25, s17, $0xb8;
	[tilespmem:$0x1C000] =	vst v63  }
0x188: {  	_ =	swait.ge [sflag:s23], $0x2000  }
0x189: {  	[sflag:s23] =	ssyncset.done $0x0  }
0x18a: {  	s21 =	simm.s32 $0x1900;
	[sflag:s23] =	ssyncadd.s32 $0xFFFFE000  }
0x18b: {  	[spmem:s3] =	stream.indirect.scatter.add.f32 [tilespmem:s18], [sflag:$0x4], $0x80, s21, s17, $0xb8;
	[tilespmem:$0x1C000] =	vst v63  }
0x18c: {  	_ =	swait.ge [sflag:s10], $0x2000  }
0x18d: {  	[sflag:s10] =	ssyncset.done $0x0  }
0x18e: {  	s22 =	simm.s32 $0xA00;
	[sflag:s10] =	ssyncadd.s32 $0xFFFFE000  }
0x18f: {  	[tilespmem:s26], [sflag:$0x3] =	stream.indirect.gather [hbm4b:s6+s17], $0x80, s22, s17, $0xb8;
	[tilespmem:$0x1C000] =	vst v63  }
0x190: {  	_ =	swait.ge [sflag:s28], $0x2000  }
0x191: {  	[sflag:s28] =	ssyncset.done $0x0  }
0x192: {  	s25 =	simm.s32 $0x1980;
	[sflag:s28] =	ssyncadd.s32 $0xFFFFE000  }
0x193: {  	[spmem:s3] =	stream.indirect.scatter.add.f32 [tilespmem:s20], [sflag:$0x5], $0x80, s25, s17, $0xb8;
	[tilespmem:$0x1C000] =	vst v63  }
0x194: {  	_ =	swait.ge [sflag:s30], $0x2000  }
0x195: {  	[sflag:s30] =	ssyncset.done $0x0  }
0x196: {  	s21 =	simm.s32 $0xA80;
	[sflag:s30] =	ssyncadd.s32 $0xFFFFE000  }
0x197: {  	[tilespmem:s18], [sflag:$0x1] =	stream.indirect.gather [hbm4b:s6+s17], $0x80, s21, s17, $0xb8;
	[tilespmem:$0x1C000] =	vst v63  }
0x198: {  	_ =	swait.ge [sflag:s0], $0x2000  }
0x199: {  	[sflag:s0] =	ssyncset.done $0x0  }
0x19a: {  	s22 =	simm.s32 $0x1A00;
	[sflag:s0] =	ssyncadd.s32 $0xFFFFE000  }
0x19b: {  	[spmem:s3] =	stream.indirect.scatter.add.f32 [tilespmem:s26], [sflag:$0x6], $0x80, s22, s17, $0xb8;
	[tilespmem:$0x1C000] =	vst v63  }
0x19c: {  	_ =	swait.ge [sflag:s7], $0x2000  }
0x19d: {  	[sflag:s7] =	ssyncset.done $0x0  }
0x19e: {  	s25 =	simm.s32 $0xB00;
	[sflag:s7] =	ssyncadd.s32 $0xFFFFE000  }
0x19f: {  	[tilespmem:s20], [sflag:$0x2] =	stream.indirect.gather [hbm4b:s6+s17], $0x80, s25, s17, $0xb8;
	[tilespmem:$0x1C000] =	vst v63  }
0x1a0: {  	_ =	swait.ge [sflag:s23], $0x2000  }
0x1a1: {  	[sflag:s23] =	ssyncset.done $0x0  }
0x1a2: {  	s21 =	simm.s32 $0x1A80;
	[sflag:s23] =	ssyncadd.s32 $0xFFFFE000  }
0x1a3: {  	[spmem:s3] =	stream.indirect.scatter.add.f32 [tilespmem:s18], [sflag:$0x4], $0x80, s21, s17, $0xb8;
	[tilespmem:$0x1C000] =	vst v63  }
0x1a4: {  	_ =	swait.ge [sflag:s10], $0x2000  }
0x1a5: {  	[sflag:s10] =	ssyncset.done $0x0  }
0x1a6: {  	s22 =	simm.s32 $0xB80;
	[sflag:s10] =	ssyncadd.s32 $0xFFFFE000  }
0x1a7: {  	[tilespmem:s26], [sflag:$0x3] =	stream.indirect.gather [hbm4b:s6+s17], $0x80, s22, s17, $0xb8;
	[tilespmem:$0x1C000] =	vst v63  }
0x1a8: {  	_ =	swait.ge [sflag:s28], $0x2000  }
0x1a9: {  	[sflag:s28] =	ssyncset.done $0x0  }
0x1aa: {  	s25 =	simm.s32 $0x1B00;
	[sflag:s28] =	ssyncadd.s32 $0xFFFFE000  }
0x1ab: {  	[spmem:s3] =	stream.indirect.scatter.add.f32 [tilespmem:s20], [sflag:$0x5], $0x80, s25, s17, $0xb8;
	[tilespmem:$0x1C000] =	vst v63  }
0x1ac: {  	_ =	swait.ge [sflag:s30], $0x2000  }
0x1ad: {  	[sflag:s30] =	ssyncset.done $0x0  }
0x1ae: {  	s21 =	simm.s32 $0xC00;
	[sflag:s30] =	ssyncadd.s32 $0xFFFFE000  }
0x1af: {  	[tilespmem:s18], [sflag:$0x1] =	stream.indirect.gather [hbm4b:s6+s17], $0x80, s21, s17, $0xb8;
	[tilespmem:$0x1C000] =	vst v63  }
0x1b0: {  	_ =	swait.ge [sflag:s0], $0x2000  }
0x1b1: {  	[sflag:s0] =	ssyncset.done $0x0  }
0x1b2: {  	s22 =	simm.s32 $0x1B80;
	[sflag:s0] =	ssyncadd.s32 $0xFFFFE000  }
0x1b3: {  	[spmem:s3] =	stream.indirect.scatter.add.f32 [tilespmem:s26], [sflag:$0x6], $0x80, s22, s17, $0xb8;
	[tilespmem:$0x1C000] =	vst v63  }
0x1b4: {  	_ =	swait.ge [sflag:s7], $0x2000  }
0x1b5: {  	[sflag:s7] =	ssyncset.done $0x0  }
0x1b6: {  	s25 =	simm.s32 $0xC80;
	[sflag:s7] =	ssyncadd.s32 $0xFFFFE000  }
0x1b7: {  	[tilespmem:s20], [sflag:$0x2] =	stream.indirect.gather [hbm4b:s6+s17], $0x80, s25, s17, $0xb8;
	[tilespmem:$0x1C000] =	vst v63  }
0x1b8: {  	_ =	swait.ge [sflag:s23], $0x2000  }
0x1b9: {  	[sflag:s23] =	ssyncset.done $0x0  }
0x1ba: {  	s21 =	simm.s32 $0x1C00;
	[sflag:s23] =	ssyncadd.s32 $0xFFFFE000  }
0x1bb: {  	[spmem:s3] =	stream.indirect.scatter.add.f32 [tilespmem:s18], [sflag:$0x4], $0x80, s21, s17, $0xb8;
	[tilespmem:$0x1C000] =	vst v63  }
0x1bc: {  	_ =	swait.ge [sflag:s10], $0x2000  }
0x1bd: {  	[sflag:s10] =	ssyncset.done $0x0  }
0x1be: {  	s22 =	simm.s32 $0xD00;
	[sflag:s10] =	ssyncadd.s32 $0xFFFFE000  }
0x1bf: {  	[tilespmem:s26], [sflag:$0x3] =	stream.indirect.gather [hbm4b:s6+s17], $0x80, s22, s17, $0xb8;
	[tilespmem:$0x1C000] =	vst v63  }
0x1c0: {  	_ =	swait.ge [sflag:s28], $0x2000  }
0x1c1: {  	[sflag:s28] =	ssyncset.done $0x0  }
0x1c2: {  	s25 =	simm.s32 $0x1C80;
	[sflag:s28] =	ssyncadd.s32 $0xFFFFE000  }
0x1c3: {  	[spmem:s3] =	stream.indirect.scatter.add.f32 [tilespmem:s20], [sflag:$0x5], $0x80, s25, s17, $0xb8;
	[tilespmem:$0x1C000] =	vst v63  }
0x1c4: {  	_ =	swait.ge [sflag:s30], $0x2000  }
0x1c5: {  	[sflag:s30] =	ssyncset.done $0x0  }
0x1c6: {  	s21 =	simm.s32 $0xD80;
	[sflag:s30] =	ssyncadd.s32 $0xFFFFE000  }
0x1c7: {  	[tilespmem:s18], [sflag:$0x1] =	stream.indirect.gather [hbm4b:s6+s17], $0x80, s21, s17, $0xb8;
	[tilespmem:$0x1C000] =	vst v63  }
0x1c8: {  	_ =	swait.ge [sflag:s0], $0x2000  }
0x1c9: {  	[sflag:s0] =	ssyncset.done $0x0  }
0x1ca: {  	s22 =	simm.s32 $0x1D00;
	[sflag:s0] =	ssyncadd.s32 $0xFFFFE000  }
0x1cb: {  	[spmem:s3] =	stream.indirect.scatter.add.f32 [tilespmem:s26], [sflag:$0x6], $0x80, s22, s17, $0xb8;
	[tilespmem:$0x1C000] =	vst v63  }
0x1cc: {  	_ =	swait.ge [sflag:s7], $0x2000  }
0x1cd: {  	[sflag:s7] =	ssyncset.done $0x0  }
0x1ce: {  	s25 =	simm.s32 $0xE00;
	[sflag:s7] =	ssyncadd.s32 $0xFFFFE000  }
0x1cf: {  	[tilespmem:s20], [sflag:$0x2] =	stream.indirect.gather [hbm4b:s6+s17], $0x80, s25, s17, $0xb8;
	[tilespmem:$0x1C000] =	vst v63  }
0x1d0: {  	_ =	swait.ge [sflag:s23], $0x2000  }
0x1d1: {  	[sflag:s23] =	ssyncset.done $0x0  }
0x1d2: {  	s21 =	simm.s32 $0x1D80;
	[sflag:s23] =	ssyncadd.s32 $0xFFFFE000  }
0x1d3: {  	[spmem:s3] =	stream.indirect.scatter.add.f32 [tilespmem:s18], [sflag:$0x7], $0x80, s21, s17, $0xb8;
	[tilespmem:$0x1C000] =	vst v63  }
0x1d4: {  	_ =	swait.ge [sflag:s15], $0x2000  }
0x1d5: {  	[sflag:s15] =	ssyncset.done $0x0  }
0x1d6: {  	[sflag:s15] =	ssyncadd.s32 $0xFFFFE000  }
0x1d7: {  	_ =	swait.ge [sflag:s28], $0x2000  }
0x1d8: {  	[sflag:s28] =	ssyncset.done $0x0  }
0x1d9: {  	s22 =	simm.s32 $0x1E00;
	[sflag:s28] =	ssyncadd.s32 $0xFFFFE000  }
0x1da: {  	[spmem:s3] =	stream.indirect.scatter.add.f32 [tilespmem:s20], [sflag:$0x7], $0x80, s22, s17, $0xb8;
	[tilespmem:$0x1C000] =	vst v63  }
0x1db: {  	_ =	swait.ge [sflag:s15], $0x2000  }
0x1dc: {  	[sflag:s15] =	ssyncset.done $0x0  }
0x1dd: {  	[sflag:s15] =	ssyncadd.s32 $0xFFFFE000  }
0x1de: {  	_ =	swait.ge [sflag:s10], $0x2000  }
0x1df: {  	[sflag:s10] =	ssyncset.done $0x0  }
0x1e0: {  	[sflag:s10] =	ssyncadd.s32 $0xFFFFE000  }
0x1e1: {  	[bflag:$0x0] =	sbarrier.arrive $0xFFFF  }
0x1e2: {  	s4 =	rddreg [dreg:$0xa]  }
0x1e3: {  	s22 =	rddreg [dreg:$0xc]  }
0x1e4: {  	s21 =	rddreg [dreg:$0xe]  }
0x1e5: {  	[hbm:s4], [sflag:s22] =	dma.local @!p0 [spmem:s21], $0x3E80  }
0x1e6: {  	s4 =	simm.s32 @!p0 $0x7  }
0x1e7: {  	_ =	swait.ge @!p0 [sflag:s4], $0x3E80  }
0x1e8: {  	s13 =	sadd.s32 $0x1, s13;
	s25 =	rddreg [dreg:$0xb]  }
0x1e9: {  	p1 =	sne.s32 s13, s25  }
.Ltmp3:
0x1ea: {  	_ = 	snop;
	(pc) =	sbr.rel @p1 .LBB2_1-.Ltmp3, $3  }
0x1eb: {  	_ =	sdelay $0x1  }
0x1ec: {  	[sflag:s4] =	ssyncset.done @!p0 $0x0  }
0x1ed: {  	[sflag:s4] =	ssyncadd.s32 @!p0 $0xFFFFC180  }
0x1ee: {  	_ =	sfence.sel $0x180000  }
0x1ef: {  	[bflag:$0x0] =	sbarrier.arrive $0xFFFF  }
0x1f0: {  	_ =	strace $0x9000004A  }
0x1f1: {  	s0 =	stileid.u32;
	[bflag:$0x2] =	sbarrier.arrive $0xFFFF  }
0x1f2: {  	p0 =	sne.s32 s0, $0x0;
	s0 =	rddreg [dreg:$0x4]  }
0x1f3: {  	s0 =	sadd.s32 @!p0 $0x100000, s0  }
0x1f4: {  	[sflag:s0] =	ssyncadd.tile.s32 @!p0 $0x1;
	_ =	shalt  }
.Lfunc_end2:
_tile_overlayer_lowered:
.L_overlay_start_2:
0x1f5: {  	(tag) =	ssettag $0x2  }
0x1f6: {  	s0 =	rddreg [dreg:$0x0];
	s2 =	stileid.u32  }
0x1f7: {  	s1 =	rddreg [dreg:$0x1];
	p0 =	sne.s32 s2, $0x0  }
0x1f8: {  	s3 =	rddreg [dreg:$0x2];
	[bflag:$0x3] =	sbarrier.arrive $0xFFFF;
	s2 =	simm.s32 @!p0 $0x1C07  }
0x1f9: {  	[timem:s3], [sflag:s2] =	dma.local @!p0 [hbm:s0], s1  }
0x1fa: {  	s0 =	simm.s32 @!p0 $0x7  }
0x1fb: {  	_ =	swait.ge @!p0 [sflag:s0], s1  }
0x1fc: {  	s1 =	ssub.s32 @!p0 $0x0, s1;
	[sflag:s0] =	ssyncset.done @!p0 $0x0  }
0x1fd: {  	[sflag:s0] =	ssyncadd.s32 @!p0 s1  }
0x1fe: {  	[bflag:$0x3] =	sbarrier.arrive $0xFFFF  }
0x1ff: {  	_ =	shalt  }

// kernel: kernel.16.cloned.1.call-start
scs
__scs_entry_jumppad:
0x0: {  	(pc) =	sbr.rel $0x88, $3  }
0x1: {  	(tag) =	ssettag $0x0;
	lr =	simm.s32 $0x1  }
0x2: {  	[smem:$0x3F91] =	sst lr;
	_ =	strace $0xD0000000  }
0x3: {  	_ = 	snop  }
0x4: {  	_ = 	snop  }
0x5: {  	_ = 	snop  }
0x6: {  	_ = 	snop  }
0x7: {  	_ = 	snop  }
__scs_overlays_trampoline_lowered:
0x8: {  	[smem:$0x3FA0] =	sst s0  }
0x9: {  	[smem:$0x3FA1] =	sst s1  }
0xa: {  	[smem:$0x3FA2] =	sst s2  }
0xb: {  	[smem:$0x3FA3] =	sst s3  }
0xc: {  	[smem:$0x3FA4] =	sst s4  }
0xd: {  	[smem:$0x3FA5] =	sst s5  }
0xe: {  	[smem:$0x3FA6] =	sst s6  }
0xf: {  	[smem:$0x3FA7] =	sst s7  }
0x10: {  	[smem:$0x3FA8] =	sst s8  }
0x11: {  	[smem:$0x3FA9] =	sst s9;
	s0 =	simm.s32 @!p0 $0x0  }
0x12: {  	s1 =	sld [smem:$0x3F8F];
	s0 =	simm.s32 @p0 $0x1  }
0x13: {  	[smem:$0x3FAA] =	sst s0;
	s0 =	simm.s32 @!p1 $0x0  }
0x14: {  	s2 =	sld [smem:$0x3F8E];
	s0 =	simm.s32 @p1 $0x1  }
0x15: {  	[smem:$0x3FAB] =	sst s0;
	s0 =	simm.s32 @!p2 $0x0  }
0x16: {  	s3 =	sld [smem:$0x3FDB];
	s0 =	simm.s32 @p2 $0x1  }
0x17: {  	s4 =	simm.s32 $0x1BF5;
	[smem:$0x3FAD] =	sst s0  }
0x18: {  	s0 =	sld [smem:$0x3F90];
	_ =	swait.ge [sflag:s4], $0x0  }
0x19: {  	s7 =	sld [smem:$0x3F91]  }
0x1a: {  	s8 =	sadd.s32 $0xFFFFE003, lr  }
0x1b: {  	s9 =	sadd.s32 $0xFFFFFEF7, lr;
	s5 =	simm.s32 $0xFFFFFFFF;
	p2 =	slt.u32 s8, $0xFFFFF086  }
0x1c: {  	p1 =	slt.u32 s9, $0xF7A;
	s5 =	simm.s32 @!p2 $0x0  }
0x1d: {  	s5 =	simm.s32 @p1 $0x1;
	p0 =	seq.s32 s7, s2  }
0x1e: {  	s7 =	smul.u32 @!p0 $0xF7A, s2;
	p2 =	seq.s32 @!p0 s5, $0x0  }
0x1f: {  	s9 =	smul.u32 $0xF7A, s1;
	s8 =	simm.s32 @!p0 $0x1BF5;
	p2 =	por !p2, p0  }
0x20: {  	[sflag:s8] =	ssyncset.s32 @!p0 $0xFFFFF086;
	s6 =	sadd.s32 @!p0 s3, s7;
	s7 =	simm.s32 @!p0 $0x108  }
0x21: {  	s3 =	sadd.s32 s3, s9;
	s6 =	sadd.s32 @!p0 $0x88, s6;
	s7 =	simm.s32 @p2 $0x1082  }
0x22: {  	[simem:s7], [sflag:s8] =	dma.local @!p0 [hbm:s6], $0xF7A  }
0x23: {  	s9 =	sor.u32 $0xD0000000, s2;
	s6 =	simm.s32 $0x108;
	_ =	swait.ge @!p0 [sflag:s8], $0x0  }
0x24: {  	s3 =	sadd.s32 $0x88, s3;
	s6 =	simm.s32 @!p1 $0x1082;
	[sflag:s4] =	ssyncset.s32 $0xFFFFF086  }
0x25: {  	[simem:s6], [sflag:s4] =	dma.local [hbm:s3], $0xF7A  }
0x26: {  	[smem:$0x3F91] =	sst s1;
	(tag) =	ssettag s2;
	_ =	strace s9  }
0x27: {  	s1 =	sld [smem:$0x3FA1]  }
0x28: {  	s2 =	sld [smem:$0x3FA2]  }
0x29: {  	s4 =	sld [smem:$0x3FA4]  }
0x2a: {  	p0 =	seq.s32 s5, $0x0;
	s5 =	sld [smem:$0x3FA5]  }
0x2b: {  	s6 =	sld [smem:$0x3FA6]  }
0x2c: {  	s7 =	sld [smem:$0x3FA7]  }
0x2d: {  	s3 =	simm.s32 $0x108;
	s8 =	sld [smem:$0x3FA8]  }
0x2e: {  	s3 =	simm.s32 @!p0 $0x1082;
	s9 =	sld [smem:$0x3FA9]  }
0x2f: {  	lr =	sadd.s32 s0, s3;
	s0 =	sld [smem:$0x3FA0]  }
0x30: {  	s3 =	sld [smem:$0x3FA3]  }
0x31: {  	[smem:$0x3FAC] =	sst s10  }
0x32: {  	s10 =	sld [smem:$0x3FAA];
	_ =	sdelay $0x3  }
0x33: {  	p0 =	seq.s32 s10, $0x1;
	s10 =	sld [smem:$0x3FAC];
	_ =	sdelay $0x3  }
0x34: {  	[smem:$0x3FAC] =	sst s10  }
0x35: {  	s10 =	sld [smem:$0x3FAB];
	_ =	sdelay $0x3  }
0x36: {  	p1 =	seq.s32 s10, $0x1;
	s10 =	sld [smem:$0x3FAC];
	_ =	sdelay $0x3  }
0x37: {  	[smem:$0x3FAC] =	sst s10  }
0x38: {  	s10 =	sld [smem:$0x3FAD]  }
0x39: {  	_ = 	snop;
	(pc) =	sbr.ind lr, $3  }
0x3a: {  	_ = 	snop  }
0x3b: {  	_ = 	snop  }
0x3c: {  	p2 =	seq.s32 s10, $0x1;
	s10 =	sld [smem:$0x3FAC]  }
0x3d: {  	_ =	shalt  }
0x3e: {  	_ =	shalt  }
0x3f: {  	_ =	shalt  }
0x40: {  	_ =	shalt  }
0x41: {  	_ =	shalt  }
0x42: {  	_ =	shalt  }
0x43: {  	_ =	shalt  }
0x44: {  	_ =	shalt  }
0x45: {  	_ =	shalt  }
0x46: {  	_ =	shalt  }
0x47: {  	_ =	shalt  }
0x48: {  	_ =	shalt  }
0x49: {  	_ =	shalt  }
0x4a: {  	_ =	shalt  }
0x4b: {  	_ =	shalt  }
0x4c: {  	_ =	shalt  }
0x4d: {  	_ =	shalt  }
0x4e: {  	_ =	shalt  }
0x4f: {  	_ =	shalt  }
0x50: {  	_ =	shalt  }
0x51: {  	_ =	shalt  }
0x52: {  	_ =	shalt  }
0x53: {  	_ =	shalt  }
0x54: {  	_ =	shalt  }
0x55: {  	_ =	shalt  }
0x56: {  	_ =	shalt  }
0x57: {  	_ =	shalt  }
0x58: {  	_ =	shalt  }
0x59: {  	_ =	shalt  }
0x5a: {  	_ =	shalt  }
0x5b: {  	_ =	shalt  }
0x5c: {  	_ =	shalt  }
0x5d: {  	_ =	shalt  }
0x5e: {  	_ =	shalt  }
0x5f: {  	_ =	shalt  }
0x60: {  	_ =	shalt  }
0x61: {  	_ =	shalt  }
0x62: {  	_ =	shalt  }
0x63: {  	_ =	shalt  }
0x64: {  	_ =	shalt  }
0x65: {  	_ =	shalt  }
0x66: {  	_ =	shalt  }
0x67: {  	_ =	shalt  }
0x68: {  	_ =	shalt  }
0x69: {  	_ =	shalt  }
0x6a: {  	_ =	shalt  }
0x6b: {  	_ =	shalt  }
0x6c: {  	_ =	shalt  }
0x6d: {  	_ =	shalt  }
0x6e: {  	_ =	shalt  }
0x6f: {  	_ =	shalt  }
0x70: {  	_ =	shalt  }
0x71: {  	_ =	shalt  }
0x72: {  	_ =	shalt  }
0x73: {  	_ =	shalt  }
0x74: {  	_ =	shalt  }
0x75: {  	_ =	shalt  }
0x76: {  	_ =	shalt  }
0x77: {  	_ =	shalt  }
0x78: {  	_ =	shalt  }
0x79: {  	_ =	shalt  }
0x7a: {  	_ =	shalt  }
0x7b: {  	_ =	shalt  }
0x7c: {  	_ =	shalt  }
0x7d: {  	_ =	shalt  }
0x7e: {  	_ =	shalt  }
0x7f: {  	_ =	shalt  }
0x80: {  	_ =	shalt  }
0x81: {  	_ =	shalt  }
0x82: {  	_ =	shalt  }
0x83: {  	_ =	shalt  }
0x84: {  	_ =	shalt  }
0x85: {  	_ =	shalt  }
0x86: {  	_ =	shalt  }
0x87: {  	_ =	shalt  }
.Lfunc_end0:
.L_simem_size_0:
called_computation.2_lowered:
.L_overlay_start_0:
0x88: {  	s2 =	sld [smem:$0x3FD9]  }
0x89: {  	s3 =	sld [smem:$0x3FFE];
	_ =	sdelay $0x1  }
0x8a: {  	s1 =	srdreg.scid  }
0x8b: {  	s0 =	sand.u32 $0x1, s1  }
0x8c: {  	s14 =	sshll.u32 s0, $0xA;
	s2 =	sadd.s32 s3, s2  }
0x8d: {  	s2 =	sadd.s32 s2, s14  }
0x8e: {  	[smem:$0x3FB8] =	sst s2  }
0x8f: {  	_ = 	snop  }
0x90: {  	s2 =	sld [smem:$0x3FD0];
	_ =	sdelay $0x2  }
0x91: {  	s15 =	simm.s32 $0xA;
	s4 =	simm.s32 $0x10  }
0x92: {  	[smem:s4], [sflag:s15] =	dma.local [hbm:s2], $0x1  }
0x93: {  	_ =	swait.eq [sflag:s15], $0x1  }
0x94: {  	[sflag:s15] =	ssyncset.done $0x0  }
0x95: {  	s16 =	sld [smem:$0x10];
	[sflag:s15] =	ssyncadd.s32 $0xFFFFFFFF  }
0x96: {  	s17 =	sld [smem:$0x11];
	(tm) =	ssettm $0x1  }
0x97: {  	s18 =	sld [smem:$0x3FFB];
	_ =	sdelay $0x3  }
0x98: {  	_ =	strace s18  }
0x99: {  	s4 =	sld [smem:$0x3FFC];
	_ =	sdelay $0x3  }
0x9a: {  	_ =	strace s4  }
0x9b: {  	s4 =	sld [smem:$0x3FFD];
	_ =	sdelay $0x3  }
0x9c: {  	_ =	strace s4  }
0x9d: {  	_ =	strace $0x8FFFFFFF  }
0x9e: {  	s19 =	sld [smem:$0x3FDB];
	_ =	sdelay $0x1  }
0x9f: {  	s5 =	simm.s32 $_scs_section_size  }
0xa0: {  	s6 =	simm.s32 $_size__tile_overlayer_lowered;
	s7 =	simm.s32 $_tile_overlayer_lowered  }
0xa1: {  	s22 =	simm.s32 $0x1BFF;
	s21 =	sshll.u32 s7, $0x1;
	s4 =	sadd.s32 s5, s19  }
0xa2: {  	s8 =	simm.s32 $0x0;
	s20 =	sshll.u32 s6, $0x1;
	s6 =	sadd.s32 s21, s4  }
0xa3: {  	[timem:s8], [sflag:s22] =	dma.local [hbm:s6], s20  }
0xa4: {  	_ =	swait.ge [sflag:s22], s20  }
0xa5: {  	s5 =	ssub.s32 $0x0, s20;
	[sflag:s22] =	ssyncset.done $0x0  }
0xa6: {  	[sflag:s22] =	ssyncadd.s32 s5;
	_ =	sdelay $0x1  }
0xa7: {  	s23 =	simm.s32 $0x1B8B  }
0xa8: {  	_ =	swait.ge [sflag:s23], $0x1  }
0xa9: {  	[sflag:s23] =	ssyncset.done $0x0  }
0xaa: {  	s25 =	simm.s32 $0x1B8E;
	s24 =	sld [smem:$0x3FFE];
	[sflag:s23] =	ssyncadd.s32 $0xFFFFFFFF  }
0xab: {  	s26 =	simm.s32 $execute0_lowered;
	[smem:$0x3FD2] =	sst s25  }
0xac: {  	s6 =	sshll.u32 s26, $0x1;
	_ =	strace $0x8000004C;
	[dreg:$0x1] =	wrdreg $0xFFFFFFFF  }
0xad: {  	s28 =	simm.s32 $_size_execute0_lowered;
	s4 =	sadd.s32 s4, s6;
	[dreg:$0x0] =	wrdreg $0x0  }
0xae: {  	s6 =	sshll.u32 s28, $0x1;
	[dreg:$0x2] =	wrdreg s4  }
0xaf: {  	[dreg:$0x3] =	wrdreg s6  }
0xb0: {  	[dreg:$0x4] =	wrdreg $0xC0  }
0xb1: {  	_ =	task [dreg:s8], $0x5FFFF  }
0xb2: {  	[dreg:$0x1] =	wrdreg $0xFFFFFFFF  }
0xb3: {  	[dreg:$0x0] =	wrdreg $0x60  }
0xb4: {  	[dreg:$0x2] =	wrdreg s24  }
0xb5: {  	[dreg:$0x3] =	wrdreg s17  }
0xb6: {  	[dreg:$0x4] =	wrdreg s16  }
0xb7: {  	[dreg:$0x5] =	wrdreg $0x80000  }
0xb8: {  	[dreg:$0x6] =	wrdreg $0x9  }
0xb9: {  	_ =	task.clear_ibuf [dreg:s8], $0x7FFFF;
	_ =	strace $0x9000004C  }
0xba: {  	s29 =	simm.s32 $0x9;
	_ =	strace $0x8000004E  }
0xbb: {  	_ =	swait.ge [sflag:s29], $0x1  }
0xbc: {  	[sflag:s29] =	ssyncadd.s32 $0xFFFFFFFF  }
0xbd: {  	_ =	strace $0x9000004E  }
0xbe: {  	_ =	sfence  }
0xbf: {  	s30 =	sld [smem:$0x0];
	_ =	sdelay $0x2  }
0xc0: {  	s31 =	sshll.u32 s1, $0xD;
	s1 =	sshrl.u32 s1, $0x2  }
0xc1: {  	s3 =	sand.u32 $0x4000, s31;
	s1 =	sadd.s32 s1, s30  }
0xc2: {  	s0 =	sor.u32 s3, s0;
	s1 =	sshll.u32 s1, $0x11  }
0xc3: {  	s0 =	sor.u32 s1, s0  }
0xc4: {  	s0 =	sadd.s32 $0x8F2B, s0  }
0xc5: {  	[sflag:s0] =	ssyncadd.remote.s32 $0x1  }
0xc6: {  	_ =	sfence.sel $0xFFFF  }
0xc7: {  	[dreg:$0x0] =	wrdreg $0xFFFFFFFF;
	(pc) =	sbr.abs _section_cstart, $3  }
0xc8: {  	[dreg:$0x1] =	wrdreg $0xFFFFFFFF  }
0xc9: {  	_ =	task.clear_ibuf [dreg:s8], $0x2FFFF;
	_ =	strace $0x9FFFFFFF  }
0xca: {  	(tm) =	ssettm $0x7FFFFFFF  }
0xcb: {  	_ =	shalt  }
tec
execute0_lowered:
.L_overlay_start_1:
0x0: {  	(tag) =	ssettag $0x1  }
0x1: {  	s0 =	rddreg [dreg:$0x0]  }
0x2: {  	s1 =	rddreg [dreg:$0x1]  }
0x3: {  	s2 =	rddreg [dreg:$0x2]  }
0x4: {  	s3 =	rddreg [dreg:$0x3]  }
0x5: {  	s14 =	simm.s32 $0x0;
	s5 =	srdreg.scid;
	s4 =	stileid.u32  }
0x6: {  	s7 =	simm.s32 $0x2710;
	s15 =	simm.s32 $0x7;
	s28 =	simm.s32 $0x2  }
0x7: {  	s29 =	simm.s32 $0x1080;
	s30 =	simm.s32 $0x4;
	s31 =	simm.s32 $0x180  }
0x8: {  	s12 =	simm.s32 $0x1F80;
	s13 =	simm.s32 $0x0;
	s8 =	smul.u32 $0x3E8, s4  }
0x9: {  	[smem:$0x7FF] =	sst s14;
	s5 =	sand.u32 $0x1, s5;
	s11 =	smul.u32 $0x50000, s4  }
0xa: {  	s6 =	sadd.s32 $0x52400, s0;
	s10 =	sadd.s32 $0xA0600, s0;
	s19 =	smul.u32 $0x7D000, s4  }
0xb: {  	s25 =	sshll.u32 s4, $0x6;
	_ =	strace $0x8000004D;
	p0 =	seq.s32 s5, $0x0  }
0xc: {  	s9 =	sshll.u32 s5, $0x4;
	[dreg:$0x5] =	wrdreg s10;
	s5 =	ssub.s32 $0x2, s5  }
0xd: {  	s7 =	simm.s32 @!p0 $0x0;
	s9 =	sor.u32 s4, s9;
	s17 =	sshrl.u32 s5, $0x1  }
0xe: {  	s21 =	sshrl.u32 s11, $0x2;
	p0 =	sgt.u32 s4, $0x9;
	s16 =	smul.u32 $0xA00, s9  }
0xf: {  	s11 =	simm.s32 $0x1F00;
	s7 =	sadd.s32 s8, s7;
	s8 =	smul.u32 $0x5000, s9  }
0x10: {  	s5 =	ssub.s32 s5, s17;
	s9 =	sadd.s32 s21, s3;
	s17 =	simm.s32 $0x40  }
0x11: {  	s7 =	sshll.u32 s7, $0x4;
	s24 =	smax.u32 s5, $0x1;
	s26 =	sshrl.u32 s9, $0x3  }
0x12: {  	s5 =	simm.s32 $0x1100;
	s9 =	simm.s32 $0x200;
	s0 =	sadd.s32 s7, s0  }
0x13: {  	s18 =	sadd.s32 s1, s16;
	s20 =	sadd.s32 s2, s16;
	[dreg:$0xb] =	wrdreg s24  }
0x14: {  	s22 =	sshrl.u32 s8, $0x3;
	s7 =	sshrl.u32 s19, $0x2;
	[dreg:$0xd] =	wrdreg s26  }
0x15: {  	s16 =	simm.s32 $0x1000;
	s19 =	simm.s32 $0x80;
	[dreg:$0x6] =	wrdreg s18  }
0x16: {  	s24 =	simm.s32 $0x100;
	s26 =	simm.s32 $0x6000;
	[dreg:$0x7] =	wrdreg s20  }
0x17: {  	s10 =	sadd.s32 $0x800, s22;
	s7 =	sadd.s32 s7, s3;
	s0 =	sadd.s32 $0xA2E00, s0  }
0x18: {  	s18 =	simm.s32 $0x2000;
	s22 =	sor.u32 $0x1C07, s25;
	[dreg:$0xa] =	wrdreg s0  }
0x19: {  	s20 =	simm.s32 $0x4000;
	s23 =	sadd.s32 s1, s10;
	[dreg:$0xc] =	wrdreg s22  }
0x1a: {  	s10 =	sadd.s32 s2, s10;
	s0 =	sshrl.u32 @!p0 s7, $0x3;
	[dreg:$0x8] =	wrdreg s23  }
0x1b: {  	s7 =	simm.s32 $0x5;
	[dreg:$0x9] =	wrdreg s10;
	s23 =	simm.s32 $0x1  }
0x1c: {  	[dreg:$0xe] =	wrdreg s0;
	s0 =	simm.s32 $0x3;
	s10 =	simm.s32 $0x6  }
.LBB2_1:
0x1d: {  	s4 =	rddreg [dreg:$0x6]  }
0x1e: {  	[tilespmem:s14], [sflag:$0x7] =	stream.linear.gather [hbm4b:s4+s14], $0x1000, $0x38;
	[tilespmem:$0x1C000] =	vst v63  }
0x1f: {  	_ =	swait.ge [sflag:s15], $0x1000  }
0x20: {  	[sflag:s15] =	ssyncset.done $0x0  }
0x21: {  	s25 =	rddreg [dreg:$0x7];
	[sflag:s15] =	ssyncadd.s32 $0xFFFFF000  }
0x22: {  	[tilespmem:s16], [sflag:$0x7] =	stream.linear.gather [hbm4b:s25+s14], $0x1000, $0x38;
	[tilespmem:$0x1C000] =	vst v63  }
0x23: {  	_ =	swait.ge [sflag:s15], $0x1000  }
0x24: {  	[sflag:s15] =	ssyncset.done $0x0  }
0x25: {  	s21 =	rddreg [dreg:$0xd];
	[sflag:s15] =	ssyncadd.s32 $0xFFFFF000  }
0x26: {  	[tilespmem:s18], [sflag:$0x1] =	stream.indirect.gather [hbm4b:s6+s17], $0x80, s14, s17, $0xb8;
	[tilespmem:$0x1C000] =	vst v63  }
0x27: {  	s14 =	rddreg [dreg:$0x5]  }
0x28: {  	[tilespmem:s20], [sflag:$0x2] =	stream.indirect.gather [hbm4b:s6+s17], $0x80, s19, s17, $0xb8;
	[tilespmem:$0x1C000] =	vst v63  }
0x29: {  	[spmem:s21], [sflag:s22] =	dma.local [hbm:s14], $0x2800  }
0x2a: {  	_ =	swait.ge [sflag:s15], $0x2800  }
0x2b: {  	[sflag:s15] =	ssyncset.done $0x0  }
0x2c: {  	[sflag:s15] =	ssyncadd.s32 $0xFFFFD800  }
0x2d: {  	[bflag:$0x0] =	sbarrier.arrive $0xFFFF  }
0x2e: {  	_ =	swait.ge [sflag:s23], $0x2000  }
0x2f: {  	[sflag:s23] =	ssyncset.done $0x0  }
0x30: {  	[sflag:s23] =	ssyncadd.s32 $0xFFFFE000  }
0x31: {  	[spmem:s3] =	stream.indirect.scatter.add.f32 [tilespmem:s18], [sflag:$0x4], $0x80, s16, s17, $0xb8;
	[tilespmem:$0x1C000] =	vst v63  }
0x32: {  	_ = 	snop  }
0x33: {  	[tilespmem:s26], [sflag:$0x3] =	stream.indirect.gather [hbm4b:s6+s17], $0x80, s24, s17, $0xb8;
	[tilespmem:$0x1C000] =	vst v63  }
0x34: {  	_ =	swait.ge [sflag:s28], $0x2000  }
0x35: {  	[sflag:s28] =	ssyncset.done $0x0  }
0x36: {  	[sflag:s28] =	ssyncadd.s32 $0xFFFFE000  }
0x37: {  	[spmem:s3] =	stream.indirect.scatter.add.f32 [tilespmem:s20], [sflag:$0x5], $0x80, s29, s17, $0xb8;
	[tilespmem:$0x1C000] =	vst v63  }
0x38: {  	_ =	swait.ge [sflag:s30], $0x2000  }
0x39: {  	[sflag:s30] =	ssyncset.done $0x0  }
0x3a: {  	[sflag:s30] =	ssyncadd.s32 $0xFFFFE000  }
0x3b: {  	[tilespmem:s18], [sflag:$0x1] =	stream.indirect.gather [hbm4b:s6+s17], $0x80, s31, s17, $0xb8;
	[tilespmem:$0x1C000] =	vst v63  }
0x3c: {  	_ =	swait.ge [sflag:s0], $0x2000  }
0x3d: {  	[sflag:s0] =	ssyncset.done $0x0  }
0x3e: {  	[sflag:s0] =	ssyncadd.s32 $0xFFFFE000  }
0x3f: {  	[spmem:s3] =	stream.indirect.scatter.add.f32 [tilespmem:s26], [sflag:$0x6], $0x80, s5, s17, $0xb8;
	[tilespmem:$0x1C000] =	vst v63  }
0x40: {  	_ =	swait.ge [sflag:s7], $0x2000  }
0x41: {  	[sflag:s7] =	ssyncset.done $0x0  }
0x42: {  	[sflag:s7] =	ssyncadd.s32 $0xFFFFE000  }
0x43: {  	[tilespmem:s20], [sflag:$0x2] =	stream.indirect.gather [hbm4b:s6+s17], $0x80, s9, s17, $0xb8;
	[tilespmem:$0x1C000] =	vst v63  }
0x44: {  	_ =	swait.ge [sflag:s23], $0x2000  }
0x45: {  	[sflag:s23] =	ssyncset.done $0x0  }
0x46: {  	s25 =	simm.s32 $0x1180;
	[sflag:s23] =	ssyncadd.s32 $0xFFFFE000  }
0x47: {  	[spmem:s3] =	stream.indirect.scatter.add.f32 [tilespmem:s18], [sflag:$0x4], $0x80, s25, s17, $0xb8;
	[tilespmem:$0x1C000] =	vst v63  }
0x48: {  	_ =	swait.ge [sflag:s10], $0x2000  }
0x49: {  	[sflag:s10] =	ssyncset.done $0x0  }
0x4a: {  	s4 =	simm.s32 $0x280;
	[sflag:s10] =	ssyncadd.s32 $0xFFFFE000  }
0x4b: {  	[tilespmem:s26], [sflag:$0x3] =	stream.indirect.gather [hbm4b:s6+s17], $0x80, s4, s17, $0xb8;
	[tilespmem:$0x1C000] =	vst v63  }
0x4c: {  	_ =	swait.ge [sflag:s28], $0x2000  }
0x4d: {  	[sflag:s28] =	ssyncset.done $0x0  }
0x4e: {  	s21 =	simm.s32 $0x1200;
	[sflag:s28] =	ssyncadd.s32 $0xFFFFE000  }
0x4f: {  	[spmem:s3] =	stream.indirect.scatter.add.f32 [tilespmem:s20], [sflag:$0x5], $0x80, s21, s17, $0xb8;
	[tilespmem:$0x1C000] =	vst v63  }
0x50: {  	_ =	swait.ge [sflag:s30], $0x2000  }
0x51: {  	[sflag:s30] =	ssyncset.done $0x0  }
0x52: {  	s22 =	simm.s32 $0x300;
	[sflag:s30] =	ssyncadd.s32 $0xFFFFE000  }
0x53: {  	[tilespmem:s18], [sflag:$0x1] =	stream.indirect.gather [hbm4b:s6+s17], $0x80, s22, s17, $0xb8;
	[tilespmem:$0x1C000] =	vst v63  }
0x54: {  	_ =	swait.ge [sflag:s0], $0x2000  }
0x55: {  	[sflag:s0] =	ssyncset.done $0x0  }
0x56: {  	s25 =	simm.s32 $0x1280;
	[sflag:s0] =	ssyncadd.s32 $0xFFFFE000  }
0x57: {  	[spmem:s3] =	stream.indirect.scatter.add.f32 [tilespmem:s26], [sflag:$0x6], $0x80, s25, s17, $0xb8;
	[tilespmem:$0x1C000] =	vst v63  }
0x58: {  	_ =	swait.ge [sflag:s7], $0x2000  }
0x59: {  	[sflag:s7] =	ssyncset.done $0x0  }
0x5a: {  	s14 =	simm.s32 $0x600;
	s22 =	simm.s32 $0x380;
	[sflag:s7] =	ssyncadd.s32 $0xFFFFE000  }
.LBB2_2:
0x5b: {  	[tilespmem:s20], [sflag:$0x2] =	stream.indirect.gather [hbm4b:s6+s17], $0x80, s22, s17, $0xb8;
	[tilespmem:$0x1C000] =	vst v63  }
0x5c: {  	s21 =	smov.u32 s14  }
0x5d: {  	p1 =	sne.s32 s14, $0x3000;
	s14 =	sadd.s32 $0x600, s14;
	_ =	swait.ge [sflag:s23], $0x2000  }
0x5e: {  	s21 =	sshra.s32 s21, $0x2;
	[sflag:s23] =	ssyncset.done $0x0  }
0x5f: {  	s22 =	sadd.s32 $0x1180, s21;
	[sflag:s23] =	ssyncadd.s32 $0xFFFFE000  }
0x60: {  	[spmem:s3] =	stream.indirect.scatter.add.f32 [tilespmem:s18], [sflag:$0x4], $0x80, s22, s17, $0xb8;
	[tilespmem:$0x1C000] =	vst v63  }
0x61: {  	_ =	swait.ge [sflag:s10], $0x2000  }
0x62: {  	[sflag:s10] =	ssyncset.done $0x0  }
0x63: {  	s22 =	sadd.s32 $0x280, s21;
	[sflag:s10] =	ssyncadd.s32 $0xFFFFE000  }
0x64: {  	[tilespmem:s26], [sflag:$0x3] =	stream.indirect.gather [hbm4b:s6+s17], $0x80, s22, s17, $0xb8;
	[tilespmem:$0x1C000] =	vst v63  }
0x65: {  	_ =	swait.ge [sflag:s28], $0x2000  }
0x66: {  	[sflag:s28] =	ssyncset.done $0x0  }
0x67: {  	s22 =	sadd.s32 $0x1200, s21;
	[sflag:s28] =	ssyncadd.s32 $0xFFFFE000  }
0x68: {  	[spmem:s3] =	stream.indirect.scatter.add.f32 [tilespmem:s20], [sflag:$0x5], $0x80, s22, s17, $0xb8;
	[tilespmem:$0x1C000] =	vst v63  }
0x69: {  	_ =	swait.ge [sflag:s30], $0x2000  }
0x6a: {  	[sflag:s30] =	ssyncset.done $0x0  }
0x6b: {  	s22 =	sadd.s32 $0x300, s21;
	[sflag:s30] =	ssyncadd.s32 $0xFFFFE000  }
0x6c: {  	[tilespmem:s18], [sflag:$0x1] =	stream.indirect.gather [hbm4b:s6+s17], $0x80, s22, s17, $0xb8;
	[tilespmem:$0x1C000] =	vst v63  }
0x6d: {  	_ =	swait.ge [sflag:s0], $0x2000  }
0x6e: {  	[sflag:s0] =	ssyncset.done $0x0  }
.Ltmp0:
0x6f: {  	s22 =	sadd.s32 $0x1280, s21;
	[sflag:s0] =	ssyncadd.s32 $0xFFFFE000;
	(pc) =	sbr.rel @p1 .LBB2_2-.Ltmp0, $4  }
0x70: {  	[spmem:s3] =	stream.indirect.scatter.add.f32 [tilespmem:s26], [sflag:$0x6], $0x80, s22, s17, $0xb8;
	[tilespmem:$0x1C000] =	vst v63  }
0x71: {  	_ =	swait.ge [sflag:s7], $0x2000  }
0x72: {  	[sflag:s7] =	ssyncset.done $0x0  }
0x73: {  	s22 =	sadd.s32 $0x380, s21;
	[sflag:s7] =	ssyncadd.s32 $0xFFFFE000  }
0x74: {  	[tilespmem:s20], [sflag:$0x2] =	stream.indirect.gather [hbm4b:s6+s17], $0x80, s22, s17, $0xb8;
	[tilespmem:$0x1C000] =	vst v63  }
0x75: {  	_ =	swait.ge [sflag:s23], $0x2000  }
0x76: {  	[sflag:s23] =	ssyncset.done $0x0  }
0x77: {  	[sflag:s23] =	ssyncadd.s32 $0xFFFFE000  }
0x78: {  	[spmem:s3] =	stream.indirect.scatter.add.f32 [tilespmem:s18], [sflag:$0x7], $0x80, s11, s17, $0xb8;
	[tilespmem:$0x1C000] =	vst v63  }
0x79: {  	_ =	swait.ge [sflag:s15], $0x2000  }
0x7a: {  	[sflag:s15] =	ssyncset.done $0x0  }
0x7b: {  	[sflag:s15] =	ssyncadd.s32 $0xFFFFE000  }
0x7c: {  	_ =	swait.ge [sflag:s28], $0x2000  }
0x7d: {  	[sflag:s28] =	ssyncset.done $0x0  }
0x7e: {  	[sflag:s28] =	ssyncadd.s32 $0xFFFFE000  }
0x7f: {  	[spmem:s3] =	stream.indirect.scatter.add.f32 [tilespmem:s20], [sflag:$0x7], $0x80, s12, s17, $0xb8;
	[tilespmem:$0x1C000] =	vst v63  }
0x80: {  	_ =	swait.ge [sflag:s15], $0x2000  }
0x81: {  	[sflag:s15] =	ssyncset.done $0x0  }
0x82: {  	[sflag:s15] =	ssyncadd.s32 $0xFFFFE000  }
0x83: {  	_ =	swait.ge [sflag:s10], $0x2000  }
0x84: {  	[sflag:s10] =	ssyncset.done $0x0  }
0x85: {  	s14 =	simm.s32 $0x0;
	s22 =	simm.s32 $0x0;
	[sflag:s10] =	ssyncadd.s32 $0xFFFFE000  }
.LBB2_4:
0x86: {  	s22 =	sadd.s32 $0x1, s22  }
0x87: {  	s21 =	sshll.u32 s22, $0xC  }
0x88: {  	s21 =	sadd.s32 s8, s21  }
0x89: {  	s21 =	sshrl.u32 s21, $0x3  }
0x8a: {  	s25 =	sadd.s32 s1, s21  }
0x8b: {  	[tilespmem:s14], [sflag:$0x7] =	stream.linear.gather [hbm4b:s25+s14], $0x1000, $0x38;
	[tilespmem:$0x1C000] =	vst v63  }
0x8c: {  	_ =	swait.ge [sflag:s15], $0x1000  }
0x8d: {  	[sflag:s15] =	ssyncset.done $0x0  }
0x8e: {  	s21 =	sadd.s32 s2, s21;
	[sflag:s15] =	ssyncadd.s32 $0xFFFFF000  }
0x8f: {  	[tilespmem:s16], [sflag:$0x7] =	stream.linear.gather [hbm4b:s21+s14], $0x1000, $0x38;
	[tilespmem:$0x1C000] =	vst v63  }
0x90: {  	_ =	swait.ge [sflag:s15], $0x1000  }
0x91: {  	[sflag:s15] =	ssyncset.done $0x0  }
0x92: {  	[sflag:s15] =	ssyncadd.s32 $0xFFFFF000  }
0x93: {  	[tilespmem:s18], [sflag:$0x1] =	stream.indirect.gather [hbm4b:s6+s17], $0x80, s14, s17, $0xb8;
	[tilespmem:$0x1C000] =	vst v63  }
0x94: {  	_ = 	snop  }
0x95: {  	[tilespmem:s20], [sflag:$0x2] =	stream.indirect.gather [hbm4b:s6+s17], $0x80, s19, s17, $0xb8;
	[tilespmem:$0x1C000] =	vst v63  }
0x96: {  	_ =	swait.ge [sflag:s23], $0x2000  }
0x97: {  	[sflag:s23] =	ssyncset.done $0x0  }
0x98: {  	[sflag:s23] =	ssyncadd.s32 $0xFFFFE000  }
0x99: {  	[spmem:s3] =	stream.indirect.scatter.add.f32 [tilespmem:s18], [sflag:$0x4], $0x80, s16, s17, $0xb8;
	[tilespmem:$0x1C000] =	vst v63  }
0x9a: {  	_ = 	snop  }
0x9b: {  	[tilespmem:s26], [sflag:$0x3] =	stream.indirect.gather [hbm4b:s6+s17], $0x80, s24, s17, $0xb8;
	[tilespmem:$0x1C000] =	vst v63  }
0x9c: {  	_ =	swait.ge [sflag:s28], $0x2000  }
0x9d: {  	[sflag:s28] =	ssyncset.done $0x0  }
0x9e: {  	[sflag:s28] =	ssyncadd.s32 $0xFFFFE000  }
0x9f: {  	[spmem:s3] =	stream.indirect.scatter.add.f32 [tilespmem:s20], [sflag:$0x5], $0x80, s29, s17, $0xb8;
	[tilespmem:$0x1C000] =	vst v63  }
0xa0: {  	_ =	swait.ge [sflag:s30], $0x2000  }
0xa1: {  	[sflag:s30] =	ssyncset.done $0x0  }
0xa2: {  	[sflag:s30] =	ssyncadd.s32 $0xFFFFE000  }
0xa3: {  	[tilespmem:s18], [sflag:$0x1] =	stream.indirect.gather [hbm4b:s6+s17], $0x80, s31, s17, $0xb8;
	[tilespmem:$0x1C000] =	vst v63  }
0xa4: {  	_ =	swait.ge [sflag:s0], $0x2000  }
0xa5: {  	[sflag:s0] =	ssyncset.done $0x0  }
0xa6: {  	[sflag:s0] =	ssyncadd.s32 $0xFFFFE000  }
0xa7: {  	[spmem:s3] =	stream.indirect.scatter.add.f32 [tilespmem:s26], [sflag:$0x6], $0x80, s5, s17, $0xb8;
	[tilespmem:$0x1C000] =	vst v63  }
0xa8: {  	_ =	swait.ge [sflag:s7], $0x2000  }
0xa9: {  	[sflag:s7] =	ssyncset.done $0x0  }
0xaa: {  	[sflag:s7] =	ssyncadd.s32 $0xFFFFE000  }
0xab: {  	[tilespmem:s20], [sflag:$0x2] =	stream.indirect.gather [hbm4b:s6+s17], $0x80, s9, s17, $0xb8;
	[tilespmem:$0x1C000] =	vst v63  }
0xac: {  	_ =	swait.ge [sflag:s23], $0x2000  }
0xad: {  	[sflag:s23] =	ssyncset.done $0x0  }
0xae: {  	s25 =	simm.s32 $0x1180;
	[sflag:s23] =	ssyncadd.s32 $0xFFFFE000  }
0xaf: {  	[spmem:s3] =	stream.indirect.scatter.add.f32 [tilespmem:s18], [sflag:$0x4], $0x80, s25, s17, $0xb8;
	[tilespmem:$0x1C000] =	vst v63  }
0xb0: {  	_ =	swait.ge [sflag:s10], $0x2000  }
0xb1: {  	[sflag:s10] =	ssyncset.done $0x0  }
0xb2: {  	s4 =	simm.s32 $0x280;
	[sflag:s10] =	ssyncadd.s32 $0xFFFFE000  }
0xb3: {  	[tilespmem:s26], [sflag:$0x3] =	stream.indirect.gather [hbm4b:s6+s17], $0x80, s4, s17, $0xb8;
	[tilespmem:$0x1C000] =	vst v63  }
0xb4: {  	_ =	swait.ge [sflag:s28], $0x2000  }
0xb5: {  	[sflag:s28] =	ssyncset.done $0x0  }
0xb6: {  	s25 =	simm.s32 $0x1200;
	[sflag:s28] =	ssyncadd.s32 $0xFFFFE000  }
0xb7: {  	[spmem:s3] =	stream.indirect.scatter.add.f32 [tilespmem:s20], [sflag:$0x5], $0x80, s25, s17, $0xb8;
	[tilespmem:$0x1C000] =	vst v63  }
0xb8: {  	_ =	swait.ge [sflag:s30], $0x2000  }
0xb9: {  	[sflag:s30] =	ssyncset.done $0x0  }
0xba: {  	s4 =	simm.s32 $0x300;
	[sflag:s30] =	ssyncadd.s32 $0xFFFFE000  }
0xbb: {  	[tilespmem:s18], [sflag:$0x1] =	stream.indirect.gather [hbm4b:s6+s17], $0x80, s4, s17, $0xb8;
	[tilespmem:$0x1C000] =	vst v63  }
0xbc: {  	_ =	swait.ge [sflag:s0], $0x2000  }
0xbd: {  	[sflag:s0] =	ssyncset.done $0x0  }
0xbe: {  	s25 =	simm.s32 $0x1280;
	[sflag:s0] =	ssyncadd.s32 $0xFFFFE000  }
0xbf: {  	[spmem:s3] =	stream.indirect.scatter.add.f32 [tilespmem:s26], [sflag:$0x6], $0x80, s25, s17, $0xb8;
	[tilespmem:$0x1C000] =	vst v63  }
0xc0: {  	_ =	swait.ge [sflag:s7], $0x2000  }
0xc1: {  	[sflag:s7] =	ssyncset.done $0x0  }
0xc2: {  	s21 =	simm.s32 $0x380;
	s25 =	simm.s32 $0x600;
	[sflag:s7] =	ssyncadd.s32 $0xFFFFE000  }
.LBB2_5:
0xc3: {  	[tilespmem:s20], [sflag:$0x2] =	stream.indirect.gather [hbm4b:s6+s17], $0x80, s21, s17, $0xb8;
	[tilespmem:$0x1C000] =	vst v63  }
0xc4: {  	s21 =	smov.u32 s25  }
0xc5: {  	p1 =	sne.s32 s25, $0x3000;
	s25 =	sadd.s32 $0x600, s25;
	_ =	swait.ge [sflag:s23], $0x2000  }
0xc6: {  	s21 =	sshra.s32 s21, $0x2;
	[sflag:s23] =	ssyncset.done $0x0  }
0xc7: {  	s4 =	sadd.s32 $0x1180, s21;
	[sflag:s23] =	ssyncadd.s32 $0xFFFFE000  }
0xc8: {  	[spmem:s3] =	stream.indirect.scatter.add.f32 [tilespmem:s18], [sflag:$0x4], $0x80, s4, s17, $0xb8;
	[tilespmem:$0x1C000] =	vst v63  }
0xc9: {  	_ =	swait.ge [sflag:s10], $0x2000  }
0xca: {  	[sflag:s10] =	ssyncset.done $0x0  }
0xcb: {  	s4 =	sadd.s32 $0x280, s21;
	[sflag:s10] =	ssyncadd.s32 $0xFFFFE000  }
0xcc: {  	[tilespmem:s26], [sflag:$0x3] =	stream.indirect.gather [hbm4b:s6+s17], $0x80, s4, s17, $0xb8;
	[tilespmem:$0x1C000] =	vst v63  }
0xcd: {  	_ =	swait.ge [sflag:s28], $0x2000  }
0xce: {  	[sflag:s28] =	ssyncset.done $0x0  }
0xcf: {  	s4 =	sadd.s32 $0x1200, s21;
	[sflag:s28] =	ssyncadd.s32 $0xFFFFE000  }
0xd0: {  	[spmem:s3] =	stream.indirect.scatter.add.f32 [tilespmem:s20], [sflag:$0x5], $0x80, s4, s17, $0xb8;
	[tilespmem:$0x1C000] =	vst v63  }
0xd1: {  	_ =	swait.ge [sflag:s30], $0x2000  }
0xd2: {  	[sflag:s30] =	ssyncset.done $0x0  }
0xd3: {  	s4 =	sadd.s32 $0x300, s21;
	[sflag:s30] =	ssyncadd.s32 $0xFFFFE000  }
0xd4: {  	[tilespmem:s18], [sflag:$0x1] =	stream.indirect.gather [hbm4b:s6+s17], $0x80, s4, s17, $0xb8;
	[tilespmem:$0x1C000] =	vst v63  }
0xd5: {  	_ =	swait.ge [sflag:s0], $0x2000  }
0xd6: {  	[sflag:s0] =	ssyncset.done $0x0  }
.Ltmp1:
0xd7: {  	s4 =	sadd.s32 $0x1280, s21;
	[sflag:s0] =	ssyncadd.s32 $0xFFFFE000;
	(pc) =	sbr.rel @p1 .LBB2_5-.Ltmp1, $4  }
0xd8: {  	[spmem:s3] =	stream.indirect.scatter.add.f32 [tilespmem:s26], [sflag:$0x6], $0x80, s4, s17, $0xb8;
	[tilespmem:$0x1C000] =	vst v63  }
0xd9: {  	_ =	swait.ge [sflag:s7], $0x2000  }
0xda: {  	[sflag:s7] =	ssyncset.done $0x0  }
0xdb: {  	s21 =	sadd.s32 $0x380, s21;
	[sflag:s7] =	ssyncadd.s32 $0xFFFFE000  }
0xdc: {  	[tilespmem:s20], [sflag:$0x2] =	stream.indirect.gather [hbm4b:s6+s17], $0x80, s21, s17, $0xb8;
	[tilespmem:$0x1C000] =	vst v63  }
0xdd: {  	_ =	swait.ge [sflag:s23], $0x2000  }
0xde: {  	[sflag:s23] =	ssyncset.done $0x0  }
0xdf: {  	[sflag:s23] =	ssyncadd.s32 $0xFFFFE000  }
0xe0: {  	[spmem:s3] =	stream.indirect.scatter.add.f32 [tilespmem:s18], [sflag:$0x7], $0x80, s11, s17, $0xb8;
	[tilespmem:$0x1C000] =	vst v63  }
0xe1: {  	_ =	swait.ge [sflag:s15], $0x2000  }
0xe2: {  	[sflag:s15] =	ssyncset.done $0x0  }
0xe3: {  	[sflag:s15] =	ssyncadd.s32 $0xFFFFE000  }
0xe4: {  	_ =	swait.ge [sflag:s28], $0x2000  }
0xe5: {  	[sflag:s28] =	ssyncset.done $0x0  }
0xe6: {  	[sflag:s28] =	ssyncadd.s32 $0xFFFFE000  }
0xe7: {  	[spmem:s3] =	stream.indirect.scatter.add.f32 [tilespmem:s20], [sflag:$0x7], $0x80, s12, s17, $0xb8;
	[tilespmem:$0x1C000] =	vst v63  }
0xe8: {  	p1 =	sne.s32 s22, $0x3;
	_ =	swait.ge [sflag:s15], $0x2000  }
.Ltmp2:
0xe9: {  	[sflag:s15] =	ssyncset.done $0x0;
	(pc) =	sbr.rel @p1 .LBB2_4-.Ltmp2, $4  }
0xea: {  	[sflag:s15] =	ssyncadd.s32 $0xFFFFE000  }
0xeb: {  	_ =	swait.ge [sflag:s10], $0x2000  }
0xec: {  	[sflag:s10] =	ssyncset.done $0x0  }
0xed: {  	[sflag:s10] =	ssyncadd.s32 $0xFFFFE000  }
0xee: {  	s14 =	simm.s32 $0x0;
	s4 =	rddreg [dreg:$0x8]  }
0xef: {  	[tilespmem:s14], [sflag:$0x7] =	stream.linear.gather [hbm4b:s4+s14], $0x1000, $0x38;
	[tilespmem:$0x1C000] =	vst v63  }
0xf0: {  	_ =	swait.ge [sflag:s15], $0x1000  }
0xf1: {  	[sflag:s15] =	ssyncset.done $0x0  }
0xf2: {  	s25 =	rddreg [dreg:$0x9];
	[sflag:s15] =	ssyncadd.s32 $0xFFFFF000  }
0xf3: {  	[tilespmem:s16], [sflag:$0x7] =	stream.linear.gather [hbm4b:s25+s14], $0x1000, $0x38;
	[tilespmem:$0x1C000] =	vst v63  }
0xf4: {  	_ =	swait.ge [sflag:s15], $0x1000  }
0xf5: {  	[sflag:s15] =	ssyncset.done $0x0  }
0xf6: {  	[sflag:s15] =	ssyncadd.s32 $0xFFFFF000  }
0xf7: {  	[tilespmem:s18], [sflag:$0x1] =	stream.indirect.gather [hbm4b:s6+s17], $0x80, s14, s17, $0xb8;
	[tilespmem:$0x1C000] =	vst v63  }
0xf8: {  	_ = 	snop  }
0xf9: {  	[tilespmem:s20], [sflag:$0x2] =	stream.indirect.gather [hbm4b:s6+s17], $0x80, s19, s17, $0xb8;
	[tilespmem:$0x1C000] =	vst v63  }
0xfa: {  	_ =	swait.ge [sflag:s23], $0x2000  }
0xfb: {  	[sflag:s23] =	ssyncset.done $0x0  }
0xfc: {  	[sflag:s23] =	ssyncadd.s32 $0xFFFFE000  }
0xfd: {  	[spmem:s3] =	stream.indirect.scatter.add.f32 [tilespmem:s18], [sflag:$0x4], $0x80, s16, s17, $0xb8;
	[tilespmem:$0x1C000] =	vst v63  }
0xfe: {  	_ = 	snop  }
0xff: {  	[tilespmem:s26], [sflag:$0x3] =	stream.indirect.gather [hbm4b:s6+s17], $0x80, s24, s17, $0xb8;
	[tilespmem:$0x1C000] =	vst v63  }
0x100: {  	_ =	swait.ge [sflag:s28], $0x2000  }
0x101: {  	[sflag:s28] =	ssyncset.done $0x0  }
0x102: {  	[sflag:s28] =	ssyncadd.s32 $0xFFFFE000  }
0x103: {  	[spmem:s3] =	stream.indirect.scatter.add.f32 [tilespmem:s20], [sflag:$0x5], $0x80, s29, s17, $0xb8;
	[tilespmem:$0x1C000] =	vst v63  }
0x104: {  	_ =	swait.ge [sflag:s30], $0x2000  }
0x105: {  	[sflag:s30] =	ssyncset.done $0x0  }
0x106: {  	[sflag:s30] =	ssyncadd.s32 $0xFFFFE000  }
0x107: {  	[tilespmem:s18], [sflag:$0x1] =	stream.indirect.gather [hbm4b:s6+s17], $0x80, s31, s17, $0xb8;
	[tilespmem:$0x1C000] =	vst v63  }
0x108: {  	_ =	swait.ge [sflag:s0], $0x2000  }
0x109: {  	[sflag:s0] =	ssyncset.done $0x0  }
0x10a: {  	[sflag:s0] =	ssyncadd.s32 $0xFFFFE000  }
0x10b: {  	[spmem:s3] =	stream.indirect.scatter.add.f32 [tilespmem:s26], [sflag:$0x6], $0x80, s5, s17, $0xb8;
	[tilespmem:$0x1C000] =	vst v63  }
0x10c: {  	_ =	swait.ge [sflag:s7], $0x2000  }
0x10d: {  	[sflag:s7] =	ssyncset.done $0x0  }
0x10e: {  	[sflag:s7] =	ssyncadd.s32 $0xFFFFE000  }
0x10f: {  	[tilespmem:s20], [sflag:$0x2] =	stream.indirect.gather [hbm4b:s6+s17], $0x80, s9, s17, $0xb8;
	[tilespmem:$0x1C000] =	vst v63  }
0x110: {  	_ =	swait.ge [sflag:s23], $0x2000  }
0x111: {  	[sflag:s23] =	ssyncset.done $0x0  }
0x112: {  	s21 =	simm.s32 $0x1180;
	[sflag:s23] =	ssyncadd.s32 $0xFFFFE000  }
0x113: {  	[spmem:s3] =	stream.indirect.scatter.add.f32 [tilespmem:s18], [sflag:$0x4], $0x80, s21, s17, $0xb8;
	[tilespmem:$0x1C000] =	vst v63  }
0x114: {  	_ =	swait.ge [sflag:s10], $0x2000  }
0x115: {  	[sflag:s10] =	ssyncset.done $0x0  }
0x116: {  	s22 =	simm.s32 $0x280;
	[sflag:s10] =	ssyncadd.s32 $0xFFFFE000  }
0x117: {  	[tilespmem:s26], [sflag:$0x3] =	stream.indirect.gather [hbm4b:s6+s17], $0x80, s22, s17, $0xb8;
	[tilespmem:$0x1C000] =	vst v63  }
0x118: {  	_ =	swait.ge [sflag:s28], $0x2000  }
0x119: {  	[sflag:s28] =	ssyncset.done $0x0  }
0x11a: {  	s25 =	simm.s32 $0x1200;
	[sflag:s28] =	ssyncadd.s32 $0xFFFFE000  }
0x11b: {  	[spmem:s3] =	stream.indirect.scatter.add.f32 [tilespmem:s20], [sflag:$0x5], $0x80, s25, s17, $0xb8;
	[tilespmem:$0x1C000] =	vst v63  }
0x11c: {  	_ =	swait.ge [sflag:s30], $0x2000  }
0x11d: {  	[sflag:s30] =	ssyncset.done $0x0  }
0x11e: {  	s21 =	simm.s32 $0x300;
	[sflag:s30] =	ssyncadd.s32 $0xFFFFE000  }
0x11f: {  	[tilespmem:s18], [sflag:$0x1] =	stream.indirect.gather [hbm4b:s6+s17], $0x80, s21, s17, $0xb8;
	[tilespmem:$0x1C000] =	vst v63  }
0x120: {  	_ =	swait.ge [sflag:s0], $0x2000  }
0x121: {  	[sflag:s0] =	ssyncset.done $0x0  }
0x122: {  	s22 =	simm.s32 $0x1280;
	[sflag:s0] =	ssyncadd.s32 $0xFFFFE000  }
0x123: {  	[spmem:s3] =	stream.indirect.scatter.add.f32 [tilespmem:s26], [sflag:$0x6], $0x80, s22, s17, $0xb8;
	[tilespmem:$0x1C000] =	vst v63  }
0x124: {  	_ =	swait.ge [sflag:s7], $0x2000  }
0x125: {  	[sflag:s7] =	ssyncset.done $0x0  }
0x126: {  	s25 =	simm.s32 $0x380;
	[sflag:s7] =	ssyncadd.s32 $0xFFFFE000  }
0x127: {  	[tilespmem:s20], [sflag:$0x2] =	stream.indirect.gather [hbm4b:s6+s17], $0x80, s25, s17, $0xb8;
	[tilespmem:$0x1C000] =	vst v63  }
0x128: {  	_ =	swait.ge [sflag:s23], $0x2000  }
0x129: {  	[sflag:s23] =	ssyncset.done $0x0  }
0x12a: {  	s21 =	simm.s32 $0x1300;
	[sflag:s23] =	ssyncadd.s32 $0xFFFFE000  }
0x12b: {  	[spmem:s3] =	stream.indirect.scatter.add.f32 [tilespmem:s18], [sflag:$0x4], $0x80, s21, s17, $0xb8;
	[tilespmem:$0x1C000] =	vst v63  }
0x12c: {  	_ =	swait.ge [sflag:s10], $0x2000  }
0x12d: {  	[sflag:s10] =	ssyncset.done $0x0  }
0x12e: {  	s22 =	simm.s32 $0x400;
	[sflag:s10] =	ssyncadd.s32 $0xFFFFE000  }
0x12f: {  	[tilespmem:s26], [sflag:$0x3] =	stream.indirect.gather [hbm4b:s6+s17], $0x80, s22, s17, $0xb8;
	[tilespmem:$0x1C000] =	vst v63  }
0x130: {  	_ =	swait.ge [sflag:s28], $0x2000  }
0x131: {  	[sflag:s28] =	ssyncset.done $0x0  }
0x132: {  	s25 =	simm.s32 $0x1380;
	[sflag:s28] =	ssyncadd.s32 $0xFFFFE000  }
0x133: {  	[spmem:s3] =	stream.indirect.scatter.add.f32 [tilespmem:s20], [sflag:$0x5], $0x80, s25, s17, $0xb8;
	[tilespmem:$0x1C000] =	vst v63  }
0x134: {  	_ =	swait.ge [sflag:s30], $0x2000  }
0x135: {  	[sflag:s30] =	ssyncset.done $0x0  }
0x136: {  	s21 =	simm.s32 $0x480;
	[sflag:s30] =	ssyncadd.s32 $0xFFFFE000  }
0x137: {  	[tilespmem:s18], [sflag:$0x1] =	stream.indirect.gather [hbm4b:s6+s17], $0x80, s21, s17, $0xb8;
	[tilespmem:$0x1C000] =	vst v63  }
0x138: {  	_ =	swait.ge [sflag:s0], $0x2000  }
0x139: {  	[sflag:s0] =	ssyncset.done $0x0  }
0x13a: {  	s22 =	simm.s32 $0x1400;
	[sflag:s0] =	ssyncadd.s32 $0xFFFFE000  }
0x13b: {  	[spmem:s3] =	stream.indirect.scatter.add.f32 [tilespmem:s26], [sflag:$0x6], $0x80, s22, s17, $0xb8;
	[tilespmem:$0x1C000] =	vst v63  }
0x13c: {  	_ =	swait.ge [sflag:s7], $0x2000  }
0x13d: {  	[sflag:s7] =	ssyncset.done $0x0  }
0x13e: {  	s25 =	simm.s32 $0x500;
	[sflag:s7] =	ssyncadd.s32 $0xFFFFE000  }
0x13f: {  	[tilespmem:s20], [sflag:$0x2] =	stream.indirect.gather [hbm4b:s6+s17], $0x80, s25, s17, $0xb8;
	[tilespmem:$0x1C000] =	vst v63  }
0x140: {  	_ =	swait.ge [sflag:s23], $0x2000  }
0x141: {  	[sflag:s23] =	ssyncset.done $0x0  }
0x142: {  	s21 =	simm.s32 $0x1480;
	[sflag:s23] =	ssyncadd.s32 $0xFFFFE000  }
0x143: {  	[spmem:s3] =	stream.indirect.scatter.add.f32 [tilespmem:s18], [sflag:$0x4], $0x80, s21, s17, $0xb8;
	[tilespmem:$0x1C000] =	vst v63  }
0x144: {  	_ =	swait.ge [sflag:s10], $0x2000  }
0x145: {  	[sflag:s10] =	ssyncset.done $0x0  }
0x146: {  	s22 =	simm.s32 $0x580;
	[sflag:s10] =	ssyncadd.s32 $0xFFFFE000  }
0x147: {  	[tilespmem:s26], [sflag:$0x3] =	stream.indirect.gather [hbm4b:s6+s17], $0x80, s22, s17, $0xb8;
	[tilespmem:$0x1C000] =	vst v63  }
0x148: {  	_ =	swait.ge [sflag:s28], $0x2000  }
0x149: {  	[sflag:s28] =	ssyncset.done $0x0  }
0x14a: {  	s25 =	simm.s32 $0x1500;
	[sflag:s28] =	ssyncadd.s32 $0xFFFFE000  }
0x14b: {  	[spmem:s3] =	stream.indirect.scatter.add.f32 [tilespmem:s20], [sflag:$0x5], $0x80, s25, s17, $0xb8;
	[tilespmem:$0x1C000] =	vst v63  }
0x14c: {  	_ =	swait.ge [sflag:s30], $0x2000  }
0x14d: {  	[sflag:s30] =	ssyncset.done $0x0  }
0x14e: {  	s21 =	simm.s32 $0x600;
	[sflag:s30] =	ssyncadd.s32 $0xFFFFE000  }
0x14f: {  	[tilespmem:s18], [sflag:$0x1] =	stream.indirect.gather [hbm4b:s6+s17], $0x80, s21, s17, $0xb8;
	[tilespmem:$0x1C000] =	vst v63  }
0x150: {  	_ =	swait.ge [sflag:s0], $0x2000  }
0x151: {  	[sflag:s0] =	ssyncset.done $0x0  }
0x152: {  	s22 =	simm.s32 $0x1580;
	[sflag:s0] =	ssyncadd.s32 $0xFFFFE000  }
0x153: {  	[spmem:s3] =	stream.indirect.scatter.add.f32 [tilespmem:s26], [sflag:$0x6], $0x80, s22, s17, $0xb8;
	[tilespmem:$0x1C000] =	vst v63  }
0x154: {  	_ =	swait.ge [sflag:s7], $0x2000  }
0x155: {  	[sflag:s7] =	ssyncset.done $0x0  }
0x156: {  	s25 =	simm.s32 $0x680;
	[sflag:s7] =	ssyncadd.s32 $0xFFFFE000  }
0x157: {  	[tilespmem:s20], [sflag:$0x2] =	stream.indirect.gather [hbm4b:s6+s17], $0x80, s25, s17, $0xb8;
	[tilespmem:$0x1C000] =	vst v63  }
0x158: {  	_ =	swait.ge [sflag:s23], $0x2000  }
0x159: {  	[sflag:s23] =	ssyncset.done $0x0  }
0x15a: {  	s21 =	simm.s32 $0x1600;
	[sflag:s23] =	ssyncadd.s32 $0xFFFFE000  }
0x15b: {  	[spmem:s3] =	stream.indirect.scatter.add.f32 [tilespmem:s18], [sflag:$0x4], $0x80, s21, s17, $0xb8;
	[tilespmem:$0x1C000] =	vst v63  }
0x15c: {  	_ =	swait.ge [sflag:s10], $0x2000  }
0x15d: {  	[sflag:s10] =	ssyncset.done $0x0  }
0x15e: {  	s22 =	simm.s32 $0x700;
	[sflag:s10] =	ssyncadd.s32 $0xFFFFE000  }
0x15f: {  	[tilespmem:s26], [sflag:$0x3] =	stream.indirect.gather [hbm4b:s6+s17], $0x80, s22, s17, $0xb8;
	[tilespmem:$0x1C000] =	vst v63  }
0x160: {  	_ =	swait.ge [sflag:s28], $0x2000  }
0x161: {  	[sflag:s28] =	ssyncset.done $0x0  }
0x162: {  	s25 =	simm.s32 $0x1680;
	[sflag:s28] =	ssyncadd.s32 $0xFFFFE000  }
0x163: {  	[spmem:s3] =	stream.indirect.scatter.add.f32 [tilespmem:s20], [sflag:$0x5], $0x80, s25, s17, $0xb8;
	[tilespmem:$0x1C000] =	vst v63  }
0x164: {  	_ =	swait.ge [sflag:s30], $0x2000  }
0x165: {  	[sflag:s30] =	ssyncset.done $0x0  }
0x166: {  	s21 =	simm.s32 $0x780;
	[sflag:s30] =	ssyncadd.s32 $0xFFFFE000  }
0x167: {  	[tilespmem:s18], [sflag:$0x1] =	stream.indirect.gather [hbm4b:s6+s17], $0x80, s21, s17, $0xb8;
	[tilespmem:$0x1C000] =	vst v63  }
0x168: {  	_ =	swait.ge [sflag:s0], $0x2000  }
0x169: {  	[sflag:s0] =	ssyncset.done $0x0  }
0x16a: {  	s22 =	simm.s32 $0x1700;
	[sflag:s0] =	ssyncadd.s32 $0xFFFFE000  }
0x16b: {  	[spmem:s3] =	stream.indirect.scatter.add.f32 [tilespmem:s26], [sflag:$0x6], $0x80, s22, s17, $0xb8;
	[tilespmem:$0x1C000] =	vst v63  }
0x16c: {  	_ =	swait.ge [sflag:s7], $0x2000  }
0x16d: {  	[sflag:s7] =	ssyncset.done $0x0  }
0x16e: {  	s25 =	simm.s32 $0x800;
	[sflag:s7] =	ssyncadd.s32 $0xFFFFE000  }
0x16f: {  	[tilespmem:s20], [sflag:$0x2] =	stream.indirect.gather [hbm4b:s6+s17], $0x80, s25, s17, $0xb8;
	[tilespmem:$0x1C000] =	vst v63  }
0x170: {  	_ =	swait.ge [sflag:s23], $0x2000  }
0x171: {  	[sflag:s23] =	ssyncset.done $0x0  }
0x172: {  	s21 =	simm.s32 $0x1780;
	[sflag:s23] =	ssyncadd.s32 $0xFFFFE000  }
0x173: {  	[spmem:s3] =	stream.indirect.scatter.add.f32 [tilespmem:s18], [sflag:$0x4], $0x80, s21, s17, $0xb8;
	[tilespmem:$0x1C000] =	vst v63  }
0x174: {  	_ =	swait.ge [sflag:s10], $0x2000  }
0x175: {  	[sflag:s10] =	ssyncset.done $0x0  }
0x176: {  	s22 =	simm.s32 $0x880;
	[sflag:s10] =	ssyncadd.s32 $0xFFFFE000  }
0x177: {  	[tilespmem:s26], [sflag:$0x3] =	stream.indirect.gather [hbm4b:s6+s17], $0x80, s22, s17, $0xb8;
	[tilespmem:$0x1C000] =	vst v63  }
0x178: {  	_ =	swait.ge [sflag:s28], $0x2000  }
0x179: {  	[sflag:s28] =	ssyncset.done $0x0  }
0x17a: {  	s25 =	simm.s32 $0x1800;
	[sflag:s28] =	ssyncadd.s32 $0xFFFFE000  }
0x17b: {  	[spmem:s3] =	stream.indirect.scatter.add.f32 [tilespmem:s20], [sflag:$0x5], $0x80, s25, s17, $0xb8;
	[tilespmem:$0x1C000] =	vst v63  }
0x17c: {  	_ =	swait.ge [sflag:s30], $0x2000  }
0x17d: {  	[sflag:s30] =	ssyncset.done $0x0  }
0x17e: {  	s21 =	simm.s32 $0x900;
	[sflag:s30] =	ssyncadd.s32 $0xFFFFE000  }
0x17f: {  	[tilespmem:s18], [sflag:$0x1] =	stream.indirect.gather [hbm4b:s6+s17], $0x80, s21, s17, $0xb8;
	[tilespmem:$0x1C000] =	vst v63  }
0x180: {  	_ =	swait.ge [sflag:s0], $0x2000  }
0x181: {  	[sflag:s0] =	ssyncset.done $0x0  }
0x182: {  	s22 =	simm.s32 $0x1880;
	[sflag:s0] =	ssyncadd.s32 $0xFFFFE000  }
0x183: {  	[spmem:s3] =	stream.indirect.scatter.add.f32 [tilespmem:s26], [sflag:$0x6], $0x80, s22, s17, $0xb8;
	[tilespmem:$0x1C000] =	vst v63  }
0x184: {  	_ =	swait.ge [sflag:s7], $0x2000  }
0x185: {  	[sflag:s7] =	ssyncset.done $0x0  }
0x186: {  	s25 =	simm.s32 $0x980;
	[sflag:s7] =	ssyncadd.s32 $0xFFFFE000  }
0x187: {  	[tilespmem:s20], [sflag:$0x2] =	stream.indirect.gather [hbm4b:s6+s17], $0x80, s25, s17, $0xb8;
	[tilespmem:$0x1C000] =	vst v63  }
0x188: {  	_ =	swait.ge [sflag:s23], $0x2000  }
0x189: {  	[sflag:s23] =	ssyncset.done $0x0  }
0x18a: {  	s21 =	simm.s32 $0x1900;
	[sflag:s23] =	ssyncadd.s32 $0xFFFFE000  }
0x18b: {  	[spmem:s3] =	stream.indirect.scatter.add.f32 [tilespmem:s18], [sflag:$0x4], $0x80, s21, s17, $0xb8;
	[tilespmem:$0x1C000] =	vst v63  }
0x18c: {  	_ =	swait.ge [sflag:s10], $0x2000  }
0x18d: {  	[sflag:s10] =	ssyncset.done $0x0  }
0x18e: {  	s22 =	simm.s32 $0xA00;
	[sflag:s10] =	ssyncadd.s32 $0xFFFFE000  }
0x18f: {  	[tilespmem:s26], [sflag:$0x3] =	stream.indirect.gather [hbm4b:s6+s17], $0x80, s22, s17, $0xb8;
	[tilespmem:$0x1C000] =	vst v63  }
0x190: {  	_ =	swait.ge [sflag:s28], $0x2000  }
0x191: {  	[sflag:s28] =	ssyncset.done $0x0  }
0x192: {  	s25 =	simm.s32 $0x1980;
	[sflag:s28] =	ssyncadd.s32 $0xFFFFE000  }
0x193: {  	[spmem:s3] =	stream.indirect.scatter.add.f32 [tilespmem:s20], [sflag:$0x5], $0x80, s25, s17, $0xb8;
	[tilespmem:$0x1C000] =	vst v63  }
0x194: {  	_ =	swait.ge [sflag:s30], $0x2000  }
0x195: {  	[sflag:s30] =	ssyncset.done $0x0  }
0x196: {  	s21 =	simm.s32 $0xA80;
	[sflag:s30] =	ssyncadd.s32 $0xFFFFE000  }
0x197: {  	[tilespmem:s18], [sflag:$0x1] =	stream.indirect.gather [hbm4b:s6+s17], $0x80, s21, s17, $0xb8;
	[tilespmem:$0x1C000] =	vst v63  }
0x198: {  	_ =	swait.ge [sflag:s0], $0x2000  }
0x199: {  	[sflag:s0] =	ssyncset.done $0x0  }
0x19a: {  	s22 =	simm.s32 $0x1A00;
	[sflag:s0] =	ssyncadd.s32 $0xFFFFE000  }
0x19b: {  	[spmem:s3] =	stream.indirect.scatter.add.f32 [tilespmem:s26], [sflag:$0x6], $0x80, s22, s17, $0xb8;
	[tilespmem:$0x1C000] =	vst v63  }
0x19c: {  	_ =	swait.ge [sflag:s7], $0x2000  }
0x19d: {  	[sflag:s7] =	ssyncset.done $0x0  }
0x19e: {  	s25 =	simm.s32 $0xB00;
	[sflag:s7] =	ssyncadd.s32 $0xFFFFE000  }
0x19f: {  	[tilespmem:s20], [sflag:$0x2] =	stream.indirect.gather [hbm4b:s6+s17], $0x80, s25, s17, $0xb8;
	[tilespmem:$0x1C000] =	vst v63  }
0x1a0: {  	_ =	swait.ge [sflag:s23], $0x2000  }
0x1a1: {  	[sflag:s23] =	ssyncset.done $0x0  }
0x1a2: {  	s21 =	simm.s32 $0x1A80;
	[sflag:s23] =	ssyncadd.s32 $0xFFFFE000  }
0x1a3: {  	[spmem:s3] =	stream.indirect.scatter.add.f32 [tilespmem:s18], [sflag:$0x4], $0x80, s21, s17, $0xb8;
	[tilespmem:$0x1C000] =	vst v63  }
0x1a4: {  	_ =	swait.ge [sflag:s10], $0x2000  }
0x1a5: {  	[sflag:s10] =	ssyncset.done $0x0  }
0x1a6: {  	s22 =	simm.s32 $0xB80;
	[sflag:s10] =	ssyncadd.s32 $0xFFFFE000  }
0x1a7: {  	[tilespmem:s26], [sflag:$0x3] =	stream.indirect.gather [hbm4b:s6+s17], $0x80, s22, s17, $0xb8;
	[tilespmem:$0x1C000] =	vst v63  }
0x1a8: {  	_ =	swait.ge [sflag:s28], $0x2000  }
0x1a9: {  	[sflag:s28] =	ssyncset.done $0x0  }
0x1aa: {  	s25 =	simm.s32 $0x1B00;
	[sflag:s28] =	ssyncadd.s32 $0xFFFFE000  }
0x1ab: {  	[spmem:s3] =	stream.indirect.scatter.add.f32 [tilespmem:s20], [sflag:$0x5], $0x80, s25, s17, $0xb8;
	[tilespmem:$0x1C000] =	vst v63  }
0x1ac: {  	_ =	swait.ge [sflag:s30], $0x2000  }
0x1ad: {  	[sflag:s30] =	ssyncset.done $0x0  }
0x1ae: {  	s21 =	simm.s32 $0xC00;
	[sflag:s30] =	ssyncadd.s32 $0xFFFFE000  }
0x1af: {  	[tilespmem:s18], [sflag:$0x1] =	stream.indirect.gather [hbm4b:s6+s17], $0x80, s21, s17, $0xb8;
	[tilespmem:$0x1C000] =	vst v63  }
0x1b0: {  	_ =	swait.ge [sflag:s0], $0x2000  }
0x1b1: {  	[sflag:s0] =	ssyncset.done $0x0  }
0x1b2: {  	s22 =	simm.s32 $0x1B80;
	[sflag:s0] =	ssyncadd.s32 $0xFFFFE000  }
0x1b3: {  	[spmem:s3] =	stream.indirect.scatter.add.f32 [tilespmem:s26], [sflag:$0x6], $0x80, s22, s17, $0xb8;
	[tilespmem:$0x1C000] =	vst v63  }
0x1b4: {  	_ =	swait.ge [sflag:s7], $0x2000  }
0x1b5: {  	[sflag:s7] =	ssyncset.done $0x0  }
0x1b6: {  	s25 =	simm.s32 $0xC80;
	[sflag:s7] =	ssyncadd.s32 $0xFFFFE000  }
0x1b7: {  	[tilespmem:s20], [sflag:$0x2] =	stream.indirect.gather [hbm4b:s6+s17], $0x80, s25, s17, $0xb8;
	[tilespmem:$0x1C000] =	vst v63  }
0x1b8: {  	_ =	swait.ge [sflag:s23], $0x2000  }
0x1b9: {  	[sflag:s23] =	ssyncset.done $0x0  }
0x1ba: {  	s21 =	simm.s32 $0x1C00;
	[sflag:s23] =	ssyncadd.s32 $0xFFFFE000  }
0x1bb: {  	[spmem:s3] =	stream.indirect.scatter.add.f32 [tilespmem:s18], [sflag:$0x4], $0x80, s21, s17, $0xb8;
	[tilespmem:$0x1C000] =	vst v63  }
0x1bc: {  	_ =	swait.ge [sflag:s10], $0x2000  }
0x1bd: {  	[sflag:s10] =	ssyncset.done $0x0  }
0x1be: {  	s22 =	simm.s32 $0xD00;
	[sflag:s10] =	ssyncadd.s32 $0xFFFFE000  }
0x1bf: {  	[tilespmem:s26], [sflag:$0x3] =	stream.indirect.gather [hbm4b:s6+s17], $0x80, s22, s17, $0xb8;
	[tilespmem:$0x1C000] =	vst v63  }
0x1c0: {  	_ =	swait.ge [sflag:s28], $0x2000  }
0x1c1: {  	[sflag:s28] =	ssyncset.done $0x0  }
0x1c2: {  	s25 =	simm.s32 $0x1C80;
	[sflag:s28] =	ssyncadd.s32 $0xFFFFE000  }
0x1c3: {  	[spmem:s3] =	stream.indirect.scatter.add.f32 [tilespmem:s20], [sflag:$0x5], $0x80, s25, s17, $0xb8;
	[tilespmem:$0x1C000] =	vst v63  }
0x1c4: {  	_ =	swait.ge [sflag:s30], $0x2000  }
0x1c5: {  	[sflag:s30] =	ssyncset.done $0x0  }
0x1c6: {  	s21 =	simm.s32 $0xD80;
	[sflag:s30] =	ssyncadd.s32 $0xFFFFE000  }
0x1c7: {  	[tilespmem:s18], [sflag:$0x1] =	stream.indirect.gather [hbm4b:s6+s17], $0x80, s21, s17, $0xb8;
	[tilespmem:$0x1C000] =	vst v63  }
0x1c8: {  	_ =	swait.ge [sflag:s0], $0x2000  }
0x1c9: {  	[sflag:s0] =	ssyncset.done $0x0  }
0x1ca: {  	s22 =	simm.s32 $0x1D00;
	[sflag:s0] =	ssyncadd.s32 $0xFFFFE000  }
0x1cb: {  	[spmem:s3] =	stream.indirect.scatter.add.f32 [tilespmem:s26], [sflag:$0x6], $0x80, s22, s17, $0xb8;
	[tilespmem:$0x1C000] =	vst v63  }
0x1cc: {  	_ =	swait.ge [sflag:s7], $0x2000  }
0x1cd: {  	[sflag:s7] =	ssyncset.done $0x0  }
0x1ce: {  	s25 =	simm.s32 $0xE00;
	[sflag:s7] =	ssyncadd.s32 $0xFFFFE000  }
0x1cf: {  	[tilespmem:s20], [sflag:$0x2] =	stream.indirect.gather [hbm4b:s6+s17], $0x80, s25, s17, $0xb8;
	[tilespmem:$0x1C000] =	vst v63  }
0x1d0: {  	_ =	swait.ge [sflag:s23], $0x2000  }
0x1d1: {  	[sflag:s23] =	ssyncset.done $0x0  }
0x1d2: {  	s21 =	simm.s32 $0x1D80;
	[sflag:s23] =	ssyncadd.s32 $0xFFFFE000  }
0x1d3: {  	[spmem:s3] =	stream.indirect.scatter.add.f32 [tilespmem:s18], [sflag:$0x7], $0x80, s21, s17, $0xb8;
	[tilespmem:$0x1C000] =	vst v63  }
0x1d4: {  	_ =	swait.ge [sflag:s15], $0x2000  }
0x1d5: {  	[sflag:s15] =	ssyncset.done $0x0  }
0x1d6: {  	[sflag:s15] =	ssyncadd.s32 $0xFFFFE000  }
0x1d7: {  	_ =	swait.ge [sflag:s28], $0x2000  }
0x1d8: {  	[sflag:s28] =	ssyncset.done $0x0  }
0x1d9: {  	s22 =	simm.s32 $0x1E00;
	[sflag:s28] =	ssyncadd.s32 $0xFFFFE000  }
0x1da: {  	[spmem:s3] =	stream.indirect.scatter.add.f32 [tilespmem:s20], [sflag:$0x7], $0x80, s22, s17, $0xb8;
	[tilespmem:$0x1C000] =	vst v63  }
0x1db: {  	_ =	swait.ge [sflag:s15], $0x2000  }
0x1dc: {  	[sflag:s15] =	ssyncset.done $0x0  }
0x1dd: {  	[sflag:s15] =	ssyncadd.s32 $0xFFFFE000  }
0x1de: {  	_ =	swait.ge [sflag:s10], $0x2000  }
0x1df: {  	[sflag:s10] =	ssyncset.done $0x0  }
0x1e0: {  	[sflag:s10] =	ssyncadd.s32 $0xFFFFE000  }
0x1e1: {  	[bflag:$0x0] =	sbarrier.arrive $0xFFFF  }
0x1e2: {  	s4 =	rddreg [dreg:$0xa]  }
0x1e3: {  	s22 =	rddreg [dreg:$0xc]  }
0x1e4: {  	s21 =	rddreg [dreg:$0xe]  }
0x1e5: {  	[hbm:s4], [sflag:s22] =	dma.local @!p0 [spmem:s21], $0x3E80  }
0x1e6: {  	s4 =	simm.s32 @!p0 $0x7  }
0x1e7: {  	_ =	swait.ge @!p0 [sflag:s4], $0x3E80  }
0x1e8: {  	s13 =	sadd.s32 $0x1, s13;
	s25 =	rddreg [dreg:$0xb]  }
0x1e9: {  	p1 =	sne.s32 s13, s25  }
.Ltmp3:
0x1ea: {  	_ = 	snop;
	(pc) =	sbr.rel @p1 .LBB2_1-.Ltmp3, $3  }
0x1eb: {  	_ =	sdelay $0x1  }
0x1ec: {  	[sflag:s4] =	ssyncset.done @!p0 $0x0  }
0x1ed: {  	[sflag:s4] =	ssyncadd.s32 @!p0 $0xFFFFC180  }
0x1ee: {  	_ =	sfence.sel $0x180000  }
0x1ef: {  	[bflag:$0x0] =	sbarrier.arrive $0xFFFF  }
0x1f0: {  	_ =	strace $0x9000004D  }
0x1f1: {  	s0 =	stileid.u32;
	[bflag:$0x2] =	sbarrier.arrive $0xFFFF  }
0x1f2: {  	p0 =	sne.s32 s0, $0x0;
	s0 =	rddreg [dreg:$0x4]  }
0x1f3: {  	s0 =	sadd.s32 @!p0 $0x100000, s0  }
0x1f4: {  	[sflag:s0] =	ssyncadd.tile.s32 @!p0 $0x1;
	_ =	shalt  }
.Lfunc_end2:
_tile_overlayer_lowered:
.L_overlay_start_2:
0x1f5: {  	(tag) =	ssettag $0x2  }
0x1f6: {  	s0 =	rddreg [dreg:$0x0];
	s2 =	stileid.u32  }
0x1f7: {  	s1 =	rddreg [dreg:$0x1];
	p0 =	sne.s32 s2, $0x0  }
0x1f8: {  	s3 =	rddreg [dreg:$0x2];
	[bflag:$0x3] =	sbarrier.arrive $0xFFFF;
	s2 =	simm.s32 @!p0 $0x1C07  }
0x1f9: {  	[timem:s3], [sflag:s2] =	dma.local @!p0 [hbm:s0], s1  }
0x1fa: {  	s0 =	simm.s32 @!p0 $0x7  }
0x1fb: {  	_ =	swait.ge @!p0 [sflag:s0], s1  }
0x1fc: {  	s1 =	ssub.s32 @!p0 $0x0, s1;
	[sflag:s0] =	ssyncset.done @!p0 $0x0  }
0x1fd: {  	[sflag:s0] =	ssyncadd.s32 @!p0 s1  }
0x1fe: {  	[bflag:$0x3] =	sbarrier.arrive $0xFFFF  }
0x1ff: {  	_ =	shalt  }

// kernel: kernel.19.cloned.1.call-start
scs
__scs_entry_jumppad:
0x0: {  	(pc) =	sbr.rel $0x88, $3  }
0x1: {  	(tag) =	ssettag $0x0;
	lr =	simm.s32 $0x1  }
0x2: {  	[smem:$0x3F91] =	sst lr;
	_ =	strace $0xD0000000  }
0x3: {  	_ = 	snop  }
0x4: {  	_ = 	snop  }
0x5: {  	_ = 	snop  }
0x6: {  	_ = 	snop  }
0x7: {  	_ = 	snop  }
__scs_overlays_trampoline_lowered:
0x8: {  	[smem:$0x3FA0] =	sst s0  }
0x9: {  	[smem:$0x3FA1] =	sst s1  }
0xa: {  	[smem:$0x3FA2] =	sst s2  }
0xb: {  	[smem:$0x3FA3] =	sst s3  }
0xc: {  	[smem:$0x3FA4] =	sst s4  }
0xd: {  	[smem:$0x3FA5] =	sst s5  }
0xe: {  	[smem:$0x3FA6] =	sst s6  }
0xf: {  	[smem:$0x3FA7] =	sst s7  }
0x10: {  	[smem:$0x3FA8] =	sst s8  }
0x11: {  	[smem:$0x3FA9] =	sst s9;
	s0 =	simm.s32 @!p0 $0x0  }
0x12: {  	s1 =	sld [smem:$0x3F8F];
	s0 =	simm.s32 @p0 $0x1  }
0x13: {  	[smem:$0x3FAA] =	sst s0;
	s0 =	simm.s32 @!p1 $0x0  }
0x14: {  	s2 =	sld [smem:$0x3F8E];
	s0 =	simm.s32 @p1 $0x1  }
0x15: {  	[smem:$0x3FAB] =	sst s0;
	s0 =	simm.s32 @!p2 $0x0  }
0x16: {  	s3 =	sld [smem:$0x3FDB];
	s0 =	simm.s32 @p2 $0x1  }
0x17: {  	s4 =	simm.s32 $0x1BF5;
	[smem:$0x3FAD] =	sst s0  }
0x18: {  	s0 =	sld [smem:$0x3F90];
	_ =	swait.ge [sflag:s4], $0x0  }
0x19: {  	s7 =	sld [smem:$0x3F91]  }
0x1a: {  	s8 =	sadd.s32 $0xFFFFE003, lr  }
0x1b: {  	s9 =	sadd.s32 $0xFFFFFEF7, lr;
	s5 =	simm.s32 $0xFFFFFFFF;
	p2 =	slt.u32 s8, $0xFFFFF086  }
0x1c: {  	p1 =	slt.u32 s9, $0xF7A;
	s5 =	simm.s32 @!p2 $0x0  }
0x1d: {  	s5 =	simm.s32 @p1 $0x1;
	p0 =	seq.s32 s7, s2  }
0x1e: {  	s7 =	smul.u32 @!p0 $0xF7A, s2;
	p2 =	seq.s32 @!p0 s5, $0x0  }
0x1f: {  	s9 =	smul.u32 $0xF7A, s1;
	s8 =	simm.s32 @!p0 $0x1BF5;
	p2 =	por !p2, p0  }
0x20: {  	[sflag:s8] =	ssyncset.s32 @!p0 $0xFFFFF086;
	s6 =	sadd.s32 @!p0 s3, s7;
	s7 =	simm.s32 @!p0 $0x108  }
0x21: {  	s3 =	sadd.s32 s3, s9;
	s6 =	sadd.s32 @!p0 $0x88, s6;
	s7 =	simm.s32 @p2 $0x1082  }
0x22: {  	[simem:s7], [sflag:s8] =	dma.local @!p0 [hbm:s6], $0xF7A  }
0x23: {  	s9 =	sor.u32 $0xD0000000, s2;
	s6 =	simm.s32 $0x108;
	_ =	swait.ge @!p0 [sflag:s8], $0x0  }
0x24: {  	s3 =	sadd.s32 $0x88, s3;
	s6 =	simm.s32 @!p1 $0x1082;
	[sflag:s4] =	ssyncset.s32 $0xFFFFF086  }
0x25: {  	[simem:s6], [sflag:s4] =	dma.local [hbm:s3], $0xF7A  }
0x26: {  	[smem:$0x3F91] =	sst s1;
	(tag) =	ssettag s2;
	_ =	strace s9  }
0x27: {  	s1 =	sld [smem:$0x3FA1]  }
0x28: {  	s2 =	sld [smem:$0x3FA2]  }
0x29: {  	s4 =	sld [smem:$0x3FA4]  }
0x2a: {  	p0 =	seq.s32 s5, $0x0;
	s5 =	sld [smem:$0x3FA5]  }
0x2b: {  	s6 =	sld [smem:$0x3FA6]  }
0x2c: {  	s7 =	sld [smem:$0x3FA7]  }
0x2d: {  	s3 =	simm.s32 $0x108;
	s8 =	sld [smem:$0x3FA8]  }
0x2e: {  	s3 =	simm.s32 @!p0 $0x1082;
	s9 =	sld [smem:$0x3FA9]  }
0x2f: {  	lr =	sadd.s32 s0, s3;
	s0 =	sld [smem:$0x3FA0]  }
0x30: {  	s3 =	sld [smem:$0x3FA3]  }
0x31: {  	[smem:$0x3FAC] =	sst s10  }
0x32: {  	s10 =	sld [smem:$0x3FAA];
	_ =	sdelay $0x3  }
0x33: {  	p0 =	seq.s32 s10, $0x1;
	s10 =	sld [smem:$0x3FAC];
	_ =	sdelay $0x3  }
0x34: {  	[smem:$0x3FAC] =	sst s10  }
0x35: {  	s10 =	sld [smem:$0x3FAB];
	_ =	sdelay $0x3  }
0x36: {  	p1 =	seq.s32 s10, $0x1;
	s10 =	sld [smem:$0x3FAC];
	_ =	sdelay $0x3  }
0x37: {  	[smem:$0x3FAC] =	sst s10  }
0x38: {  	s10 =	sld [smem:$0x3FAD]  }
0x39: {  	_ = 	snop;
	(pc) =	sbr.ind lr, $3  }
0x3a: {  	_ = 	snop  }
0x3b: {  	_ = 	snop  }
0x3c: {  	p2 =	seq.s32 s10, $0x1;
	s10 =	sld [smem:$0x3FAC]  }
0x3d: {  	_ =	shalt  }
0x3e: {  	_ =	shalt  }
0x3f: {  	_ =	shalt  }
0x40: {  	_ =	shalt  }
0x41: {  	_ =	shalt  }
0x42: {  	_ =	shalt  }
0x43: {  	_ =	shalt  }
0x44: {  	_ =	shalt  }
0x45: {  	_ =	shalt  }
0x46: {  	_ =	shalt  }
0x47: {  	_ =	shalt  }
0x48: {  	_ =	shalt  }
0x49: {  	_ =	shalt  }
0x4a: {  	_ =	shalt  }
0x4b: {  	_ =	shalt  }
0x4c: {  	_ =	shalt  }
0x4d: {  	_ =	shalt  }
0x4e: {  	_ =	shalt  }
0x4f: {  	_ =	shalt  }
0x50: {  	_ =	shalt  }
0x51: {  	_ =	shalt  }
0x52: {  	_ =	shalt  }
0x53: {  	_ =	shalt  }
0x54: {  	_ =	shalt  }
0x55: {  	_ =	shalt  }
0x56: {  	_ =	shalt  }
0x57: {  	_ =	shalt  }
0x58: {  	_ =	shalt  }
0x59: {  	_ =	shalt  }
0x5a: {  	_ =	shalt  }
0x5b: {  	_ =	shalt  }
0x5c: {  	_ =	shalt  }
0x5d: {  	_ =	shalt  }
0x5e: {  	_ =	shalt  }
0x5f: {  	_ =	shalt  }
0x60: {  	_ =	shalt  }
0x61: {  	_ =	shalt  }
0x62: {  	_ =	shalt  }
0x63: {  	_ =	shalt  }
0x64: {  	_ =	shalt  }
0x65: {  	_ =	shalt  }
0x66: {  	_ =	shalt  }
0x67: {  	_ =	shalt  }
0x68: {  	_ =	shalt  }
0x69: {  	_ =	shalt  }
0x6a: {  	_ =	shalt  }
0x6b: {  	_ =	shalt  }
0x6c: {  	_ =	shalt  }
0x6d: {  	_ =	shalt  }
0x6e: {  	_ =	shalt  }
0x6f: {  	_ =	shalt  }
0x70: {  	_ =	shalt  }
0x71: {  	_ =	shalt  }
0x72: {  	_ =	shalt  }
0x73: {  	_ =	shalt  }
0x74: {  	_ =	shalt  }
0x75: {  	_ =	shalt  }
0x76: {  	_ =	shalt  }
0x77: {  	_ =	shalt  }
0x78: {  	_ =	shalt  }
0x79: {  	_ =	shalt  }
0x7a: {  	_ =	shalt  }
0x7b: {  	_ =	shalt  }
0x7c: {  	_ =	shalt  }
0x7d: {  	_ =	shalt  }
0x7e: {  	_ =	shalt  }
0x7f: {  	_ =	shalt  }
0x80: {  	_ =	shalt  }
0x81: {  	_ =	shalt  }
0x82: {  	_ =	shalt  }
0x83: {  	_ =	shalt  }
0x84: {  	_ =	shalt  }
0x85: {  	_ =	shalt  }
0x86: {  	_ =	shalt  }
0x87: {  	_ =	shalt  }
.Lfunc_end0:
.L_simem_size_0:
called_computation.3_lowered:
.L_overlay_start_0:
0x88: {  	s2 =	sld [smem:$0x3FD9]  }
0x89: {  	s3 =	sld [smem:$0x3FFE];
	_ =	sdelay $0x1  }
0x8a: {  	s1 =	srdreg.scid  }
0x8b: {  	s0 =	sand.u32 $0x1, s1  }
0x8c: {  	s14 =	sshll.u32 s0, $0xA;
	s2 =	sadd.s32 s3, s2  }
0x8d: {  	s2 =	sadd.s32 s2, s14  }
0x8e: {  	[smem:$0x3FB8] =	sst s2  }
0x8f: {  	_ = 	snop  }
0x90: {  	s2 =	sld [smem:$0x3FD0];
	_ =	sdelay $0x2  }
0x91: {  	s15 =	simm.s32 $0xA;
	s4 =	simm.s32 $0x10  }
0x92: {  	[smem:s4], [sflag:s15] =	dma.local [hbm:s2], $0x1  }
0x93: {  	_ =	swait.eq [sflag:s15], $0x1  }
0x94: {  	[sflag:s15] =	ssyncset.done $0x0  }
0x95: {  	s16 =	sld [smem:$0x10];
	[sflag:s15] =	ssyncadd.s32 $0xFFFFFFFF  }
0x96: {  	s17 =	sld [smem:$0x11];
	(tm) =	ssettm $0x1  }
0x97: {  	s18 =	sld [smem:$0x3FFB];
	_ =	sdelay $0x3  }
0x98: {  	_ =	strace s18  }
0x99: {  	s4 =	sld [smem:$0x3FFC];
	_ =	sdelay $0x3  }
0x9a: {  	_ =	strace s4  }
0x9b: {  	s4 =	sld [smem:$0x3FFD];
	_ =	sdelay $0x3  }
0x9c: {  	_ =	strace s4  }
0x9d: {  	_ =	strace $0x8FFFFFFF  }
0x9e: {  	s19 =	sld [smem:$0x3FDB];
	_ =	sdelay $0x1  }
0x9f: {  	s5 =	simm.s32 $_scs_section_size  }
0xa0: {  	s6 =	simm.s32 $_size__tile_overlayer_lowered;
	s7 =	simm.s32 $_tile_overlayer_lowered  }
0xa1: {  	s22 =	simm.s32 $0x1BFF;
	s21 =	sshll.u32 s7, $0x1;
	s4 =	sadd.s32 s5, s19  }
0xa2: {  	s8 =	simm.s32 $0x0;
	s20 =	sshll.u32 s6, $0x1;
	s6 =	sadd.s32 s21, s4  }
0xa3: {  	[timem:s8], [sflag:s22] =	dma.local [hbm:s6], s20  }
0xa4: {  	_ =	swait.ge [sflag:s22], s20  }
0xa5: {  	s5 =	ssub.s32 $0x0, s20;
	[sflag:s22] =	ssyncset.done $0x0  }
0xa6: {  	[sflag:s22] =	ssyncadd.s32 s5;
	_ =	sdelay $0x1  }
0xa7: {  	s23 =	simm.s32 $0x1B8B  }
0xa8: {  	_ =	swait.ge [sflag:s23], $0x1  }
0xa9: {  	[sflag:s23] =	ssyncset.done $0x0  }
0xaa: {  	s25 =	simm.s32 $0x1B8E;
	s24 =	sld [smem:$0x3FFE];
	[sflag:s23] =	ssyncadd.s32 $0xFFFFFFFF  }
0xab: {  	s26 =	simm.s32 $execute0_lowered;
	[smem:$0x3FD2] =	sst s25  }
0xac: {  	s6 =	sshll.u32 s26, $0x1;
	_ =	strace $0x8000004F;
	[dreg:$0x1] =	wrdreg $0xFFFFFFFF  }
0xad: {  	s28 =	simm.s32 $_size_execute0_lowered;
	s4 =	sadd.s32 s4, s6;
	[dreg:$0x0] =	wrdreg $0x0  }
0xae: {  	s6 =	sshll.u32 s28, $0x1;
	[dreg:$0x2] =	wrdreg s4  }
0xaf: {  	[dreg:$0x3] =	wrdreg s6  }
0xb0: {  	[dreg:$0x4] =	wrdreg $0xC0  }
0xb1: {  	_ =	task [dreg:s8], $0x5FFFF  }
0xb2: {  	[dreg:$0x1] =	wrdreg $0xFFFFFFFF  }
0xb3: {  	[dreg:$0x0] =	wrdreg $0x60  }
0xb4: {  	[dreg:$0x2] =	wrdreg s24  }
0xb5: {  	[dreg:$0x3] =	wrdreg s17  }
0xb6: {  	[dreg:$0x4] =	wrdreg s16  }
0xb7: {  	[dreg:$0x5] =	wrdreg $0x80000  }
0xb8: {  	[dreg:$0x6] =	wrdreg $0x9  }
0xb9: {  	_ =	task.clear_ibuf [dreg:s8], $0x7FFFF;
	_ =	strace $0x9000004F  }
0xba: {  	s29 =	simm.s32 $0x9;
	_ =	strace $0x80000051  }
0xbb: {  	_ =	swait.ge [sflag:s29], $0x1  }
0xbc: {  	[sflag:s29] =	ssyncadd.s32 $0xFFFFFFFF  }
0xbd: {  	_ =	strace $0x90000051  }
0xbe: {  	_ =	sfence  }
0xbf: {  	s30 =	sld [smem:$0x0];
	_ =	sdelay $0x2  }
0xc0: {  	s31 =	sshll.u32 s1, $0xD;
	s1 =	sshrl.u32 s1, $0x2  }
0xc1: {  	s3 =	sand.u32 $0x4000, s31;
	s1 =	sadd.s32 s1, s30  }
0xc2: {  	s0 =	sor.u32 s3, s0;
	s1 =	sshll.u32 s1, $0x11  }
0xc3: {  	s0 =	sor.u32 s1, s0  }
0xc4: {  	s0 =	sadd.s32 $0x8F2B, s0  }
0xc5: {  	[sflag:s0] =	ssyncadd.remote.s32 $0x1  }
0xc6: {  	_ =	sfence.sel $0xFFFF  }
0xc7: {  	[dreg:$0x0] =	wrdreg $0xFFFFFFFF;
	(pc) =	sbr.abs _section_cstart, $3  }
0xc8: {  	[dreg:$0x1] =	wrdreg $0xFFFFFFFF  }
0xc9: {  	_ =	task.clear_ibuf [dreg:s8], $0x2FFFF;
	_ =	strace $0x9FFFFFFF  }
0xca: {  	(tm) =	ssettm $0x7FFFFFFF  }
0xcb: {  	_ =	shalt  }
tec
execute0_lowered:
.L_overlay_start_1:
0x0: {  	(tag) =	ssettag $0x1  }
0x1: {  	s0 =	rddreg [dreg:$0x0]  }
0x2: {  	s1 =	rddreg [dreg:$0x1]  }
0x3: {  	s2 =	rddreg [dreg:$0x2]  }
0x4: {  	s3 =	rddreg [dreg:$0x3]  }
0x5: {  	s14 =	simm.s32 $0x0;
	s5 =	srdreg.scid;
	s4 =	stileid.u32  }
0x6: {  	s7 =	simm.s32 $0x2710;
	s15 =	simm.s32 $0x7;
	s28 =	simm.s32 $0x2  }
0x7: {  	s29 =	simm.s32 $0x1080;
	s30 =	simm.s32 $0x4;
	s31 =	simm.s32 $0x180  }
0x8: {  	s12 =	simm.s32 $0x1F80;
	s13 =	simm.s32 $0x0;
	s8 =	smul.u32 $0x3E8, s4  }
0x9: {  	[smem:$0x7FF] =	sst s14;
	s5 =	sand.u32 $0x1, s5;
	s11 =	smul.u32 $0x50000, s4  }
0xa: {  	s6 =	sadd.s32 $0x52400, s0;
	s10 =	sadd.s32 $0xA0600, s0;
	s19 =	smul.u32 $0x7D000, s4  }
0xb: {  	s25 =	sshll.u32 s4, $0x6;
	_ =	strace $0x80000050;
	p0 =	seq.s32 s5, $0x0  }
0xc: {  	s9 =	sshll.u32 s5, $0x4;
	[dreg:$0x5] =	wrdreg s10;
	s5 =	ssub.s32 $0x2, s5  }
0xd: {  	s7 =	simm.s32 @!p0 $0x0;
	s9 =	sor.u32 s4, s9;
	s17 =	sshrl.u32 s5, $0x1  }
0xe: {  	s21 =	sshrl.u32 s11, $0x2;
	p0 =	sgt.u32 s4, $0x9;
	s16 =	smul.u32 $0xA00, s9  }
0xf: {  	s11 =	simm.s32 $0x1F00;
	s7 =	sadd.s32 s8, s7;
	s8 =	smul.u32 $0x5000, s9  }
0x10: {  	s5 =	ssub.s32 s5, s17;
	s9 =	sadd.s32 s21, s3;
	s17 =	simm.s32 $0x40  }
0x11: {  	s7 =	sshll.u32 s7, $0x4;
	s24 =	smax.u32 s5, $0x1;
	s26 =	sshrl.u32 s9, $0x3  }
0x12: {  	s5 =	simm.s32 $0x1100;
	s9 =	simm.s32 $0x200;
	s0 =	sadd.s32 s7, s0  }
0x13: {  	s18 =	sadd.s32 s1, s16;
	s20 =	sadd.s32 s2, s16;
	[dreg:$0xb] =	wrdreg s24  }
0x14: {  	s22 =	sshrl.u32 s8, $0x3;
	s7 =	sshrl.u32 s19, $0x2;
	[dreg:$0xd] =	wrdreg s26  }
0x15: {  	s16 =	simm.s32 $0x1000;
	s19 =	simm.s32 $0x80;
	[dreg:$0x6] =	wrdreg s18  }
0x16: {  	s24 =	simm.s32 $0x100;
	s26 =	simm.s32 $0x6000;
	[dreg:$0x7] =	wrdreg s20  }
0x17: {  	s10 =	sadd.s32 $0x800, s22;
	s7 =	sadd.s32 s7, s3;
	s0 =	sadd.s32 $0xA2E00, s0  }
0x18: {  	s18 =	simm.s32 $0x2000;
	s22 =	sor.u32 $0x1C07, s25;
	[dreg:$0xa] =	wrdreg s0  }
0x19: {  	s20 =	simm.s32 $0x4000;
	s23 =	sadd.s32 s1, s10;
	[dreg:$0xc] =	wrdreg s22  }
0x1a: {  	s10 =	sadd.s32 s2, s10;
	s0 =	sshrl.u32 @!p0 s7, $0x3;
	[dreg:$0x8] =	wrdreg s23  }
0x1b: {  	s7 =	simm.s32 $0x5;
	[dreg:$0x9] =	wrdreg s10;
	s23 =	simm.s32 $0x1  }
0x1c: {  	[dreg:$0xe] =	wrdreg s0;
	s0 =	simm.s32 $0x3;
	s10 =	simm.s32 $0x6  }
.LBB2_1:
0x1d: {  	s4 =	rddreg [dreg:$0x6]  }
0x1e: {  	[tilespmem:s14], [sflag:$0x7] =	stream.linear.gather [hbm4b:s4+s14], $0x1000, $0x38;
	[tilespmem:$0x1C000] =	vst v63  }
0x1f: {  	_ =	swait.ge [sflag:s15], $0x1000  }
0x20: {  	[sflag:s15] =	ssyncset.done $0x0  }
0x21: {  	s25 =	rddreg [dreg:$0x7];
	[sflag:s15] =	ssyncadd.s32 $0xFFFFF000  }
0x22: {  	[tilespmem:s16], [sflag:$0x7] =	stream.linear.gather [hbm4b:s25+s14], $0x1000, $0x38;
	[tilespmem:$0x1C000] =	vst v63  }
0x23: {  	_ =	swait.ge [sflag:s15], $0x1000  }
0x24: {  	[sflag:s15] =	ssyncset.done $0x0  }
0x25: {  	s21 =	rddreg [dreg:$0xd];
	[sflag:s15] =	ssyncadd.s32 $0xFFFFF000  }
0x26: {  	[tilespmem:s18], [sflag:$0x1] =	stream.indirect.gather [hbm4b:s6+s17], $0x80, s14, s17, $0xb8;
	[tilespmem:$0x1C000] =	vst v63  }
0x27: {  	s14 =	rddreg [dreg:$0x5]  }
0x28: {  	[tilespmem:s20], [sflag:$0x2] =	stream.indirect.gather [hbm4b:s6+s17], $0x80, s19, s17, $0xb8;
	[tilespmem:$0x1C000] =	vst v63  }
0x29: {  	[spmem:s21], [sflag:s22] =	dma.local [hbm:s14], $0x2800  }
0x2a: {  	_ =	swait.ge [sflag:s15], $0x2800  }
0x2b: {  	[sflag:s15] =	ssyncset.done $0x0  }
0x2c: {  	[sflag:s15] =	ssyncadd.s32 $0xFFFFD800  }
0x2d: {  	[bflag:$0x0] =	sbarrier.arrive $0xFFFF  }
0x2e: {  	_ =	swait.ge [sflag:s23], $0x2000  }
0x2f: {  	[sflag:s23] =	ssyncset.done $0x0  }
0x30: {  	[sflag:s23] =	ssyncadd.s32 $0xFFFFE000  }
0x31: {  	[spmem:s3] =	stream.indirect.scatter.add.f32 [tilespmem:s18], [sflag:$0x4], $0x80, s16, s17, $0xb8;
	[tilespmem:$0x1C000] =	vst v63  }
0x32: {  	_ = 	snop  }
0x33: {  	[tilespmem:s26], [sflag:$0x3] =	stream.indirect.gather [hbm4b:s6+s17], $0x80, s24, s17, $0xb8;
	[tilespmem:$0x1C000] =	vst v63  }
0x34: {  	_ =	swait.ge [sflag:s28], $0x2000  }
0x35: {  	[sflag:s28] =	ssyncset.done $0x0  }
0x36: {  	[sflag:s28] =	ssyncadd.s32 $0xFFFFE000  }
0x37: {  	[spmem:s3] =	stream.indirect.scatter.add.f32 [tilespmem:s20], [sflag:$0x5], $0x80, s29, s17, $0xb8;
	[tilespmem:$0x1C000] =	vst v63  }
0x38: {  	_ =	swait.ge [sflag:s30], $0x2000  }
0x39: {  	[sflag:s30] =	ssyncset.done $0x0  }
0x3a: {  	[sflag:s30] =	ssyncadd.s32 $0xFFFFE000  }
0x3b: {  	[tilespmem:s18], [sflag:$0x1] =	stream.indirect.gather [hbm4b:s6+s17], $0x80, s31, s17, $0xb8;
	[tilespmem:$0x1C000] =	vst v63  }
0x3c: {  	_ =	swait.ge [sflag:s0], $0x2000  }
0x3d: {  	[sflag:s0] =	ssyncset.done $0x0  }
0x3e: {  	[sflag:s0] =	ssyncadd.s32 $0xFFFFE000  }
0x3f: {  	[spmem:s3] =	stream.indirect.scatter.add.f32 [tilespmem:s26], [sflag:$0x6], $0x80, s5, s17, $0xb8;
	[tilespmem:$0x1C000] =	vst v63  }
0x40: {  	_ =	swait.ge [sflag:s7], $0x2000  }
0x41: {  	[sflag:s7] =	ssyncset.done $0x0  }
0x42: {  	[sflag:s7] =	ssyncadd.s32 $0xFFFFE000  }
0x43: {  	[tilespmem:s20], [sflag:$0x2] =	stream.indirect.gather [hbm4b:s6+s17], $0x80, s9, s17, $0xb8;
	[tilespmem:$0x1C000] =	vst v63  }
0x44: {  	_ =	swait.ge [sflag:s23], $0x2000  }
0x45: {  	[sflag:s23] =	ssyncset.done $0x0  }
0x46: {  	s25 =	simm.s32 $0x1180;
	[sflag:s23] =	ssyncadd.s32 $0xFFFFE000  }
0x47: {  	[spmem:s3] =	stream.indirect.scatter.add.f32 [tilespmem:s18], [sflag:$0x4], $0x80, s25, s17, $0xb8;
	[tilespmem:$0x1C000] =	vst v63  }
0x48: {  	_ =	swait.ge [sflag:s10], $0x2000  }
0x49: {  	[sflag:s10] =	ssyncset.done $0x0  }
0x4a: {  	s4 =	simm.s32 $0x280;
	[sflag:s10] =	ssyncadd.s32 $0xFFFFE000  }
0x4b: {  	[tilespmem:s26], [sflag:$0x3] =	stream.indirect.gather [hbm4b:s6+s17], $0x80, s4, s17, $0xb8;
	[tilespmem:$0x1C000] =	vst v63  }
0x4c: {  	_ =	swait.ge [sflag:s28], $0x2000  }
0x4d: {  	[sflag:s28] =	ssyncset.done $0x0  }
0x4e: {  	s21 =	simm.s32 $0x1200;
	[sflag:s28] =	ssyncadd.s32 $0xFFFFE000  }
0x4f: {  	[spmem:s3] =	stream.indirect.scatter.add.f32 [tilespmem:s20], [sflag:$0x5], $0x80, s21, s17, $0xb8;
	[tilespmem:$0x1C000] =	vst v63  }
0x50: {  	_ =	swait.ge [sflag:s30], $0x2000  }
0x51: {  	[sflag:s30] =	ssyncset.done $0x0  }
0x52: {  	s22 =	simm.s32 $0x300;
	[sflag:s30] =	ssyncadd.s32 $0xFFFFE000  }
0x53: {  	[tilespmem:s18], [sflag:$0x1] =	stream.indirect.gather [hbm4b:s6+s17], $0x80, s22, s17, $0xb8;
	[tilespmem:$0x1C000] =	vst v63  }
0x54: {  	_ =	swait.ge [sflag:s0], $0x2000  }
0x55: {  	[sflag:s0] =	ssyncset.done $0x0  }
0x56: {  	s25 =	simm.s32 $0x1280;
	[sflag:s0] =	ssyncadd.s32 $0xFFFFE000  }
0x57: {  	[spmem:s3] =	stream.indirect.scatter.add.f32 [tilespmem:s26], [sflag:$0x6], $0x80, s25, s17, $0xb8;
	[tilespmem:$0x1C000] =	vst v63  }
0x58: {  	_ =	swait.ge [sflag:s7], $0x2000  }
0x59: {  	[sflag:s7] =	ssyncset.done $0x0  }
0x5a: {  	s14 =	simm.s32 $0x600;
	s22 =	simm.s32 $0x380;
	[sflag:s7] =	ssyncadd.s32 $0xFFFFE000  }
.LBB2_2:
0x5b: {  	[tilespmem:s20], [sflag:$0x2] =	stream.indirect.gather [hbm4b:s6+s17], $0x80, s22, s17, $0xb8;
	[tilespmem:$0x1C000] =	vst v63  }
0x5c: {  	s21 =	smov.u32 s14  }
0x5d: {  	p1 =	sne.s32 s14, $0x3000;
	s14 =	sadd.s32 $0x600, s14;
	_ =	swait.ge [sflag:s23], $0x2000  }
0x5e: {  	s21 =	sshra.s32 s21, $0x2;
	[sflag:s23] =	ssyncset.done $0x0  }
0x5f: {  	s22 =	sadd.s32 $0x1180, s21;
	[sflag:s23] =	ssyncadd.s32 $0xFFFFE000  }
0x60: {  	[spmem:s3] =	stream.indirect.scatter.add.f32 [tilespmem:s18], [sflag:$0x4], $0x80, s22, s17, $0xb8;
	[tilespmem:$0x1C000] =	vst v63  }
0x61: {  	_ =	swait.ge [sflag:s10], $0x2000  }
0x62: {  	[sflag:s10] =	ssyncset.done $0x0  }
0x63: {  	s22 =	sadd.s32 $0x280, s21;
	[sflag:s10] =	ssyncadd.s32 $0xFFFFE000  }
0x64: {  	[tilespmem:s26], [sflag:$0x3] =	stream.indirect.gather [hbm4b:s6+s17], $0x80, s22, s17, $0xb8;
	[tilespmem:$0x1C000] =	vst v63  }
0x65: {  	_ =	swait.ge [sflag:s28], $0x2000  }
0x66: {  	[sflag:s28] =	ssyncset.done $0x0  }
0x67: {  	s22 =	sadd.s32 $0x1200, s21;
	[sflag:s28] =	ssyncadd.s32 $0xFFFFE000  }
0x68: {  	[spmem:s3] =	stream.indirect.scatter.add.f32 [tilespmem:s20], [sflag:$0x5], $0x80, s22, s17, $0xb8;
	[tilespmem:$0x1C000] =	vst v63  }
0x69: {  	_ =	swait.ge [sflag:s30], $0x2000  }
0x6a: {  	[sflag:s30] =	ssyncset.done $0x0  }
0x6b: {  	s22 =	sadd.s32 $0x300, s21;
	[sflag:s30] =	ssyncadd.s32 $0xFFFFE000  }
0x6c: {  	[tilespmem:s18], [sflag:$0x1] =	stream.indirect.gather [hbm4b:s6+s17], $0x80, s22, s17, $0xb8;
	[tilespmem:$0x1C000] =	vst v63  }
0x6d: {  	_ =	swait.ge [sflag:s0], $0x2000  }
0x6e: {  	[sflag:s0] =	ssyncset.done $0x0  }
.Ltmp0:
0x6f: {  	s22 =	sadd.s32 $0x1280, s21;
	[sflag:s0] =	ssyncadd.s32 $0xFFFFE000;
	(pc) =	sbr.rel @p1 .LBB2_2-.Ltmp0, $4  }
0x70: {  	[spmem:s3] =	stream.indirect.scatter.add.f32 [tilespmem:s26], [sflag:$0x6], $0x80, s22, s17, $0xb8;
	[tilespmem:$0x1C000] =	vst v63  }
0x71: {  	_ =	swait.ge [sflag:s7], $0x2000  }
0x72: {  	[sflag:s7] =	ssyncset.done $0x0  }
0x73: {  	s22 =	sadd.s32 $0x380, s21;
	[sflag:s7] =	ssyncadd.s32 $0xFFFFE000  }
0x74: {  	[tilespmem:s20], [sflag:$0x2] =	stream.indirect.gather [hbm4b:s6+s17], $0x80, s22, s17, $0xb8;
	[tilespmem:$0x1C000] =	vst v63  }
0x75: {  	_ =	swait.ge [sflag:s23], $0x2000  }
0x76: {  	[sflag:s23] =	ssyncset.done $0x0  }
0x77: {  	[sflag:s23] =	ssyncadd.s32 $0xFFFFE000  }
0x78: {  	[spmem:s3] =	stream.indirect.scatter.add.f32 [tilespmem:s18], [sflag:$0x7], $0x80, s11, s17, $0xb8;
	[tilespmem:$0x1C000] =	vst v63  }
0x79: {  	_ =	swait.ge [sflag:s15], $0x2000  }
0x7a: {  	[sflag:s15] =	ssyncset.done $0x0  }
0x7b: {  	[sflag:s15] =	ssyncadd.s32 $0xFFFFE000  }
0x7c: {  	_ =	swait.ge [sflag:s28], $0x2000  }
0x7d: {  	[sflag:s28] =	ssyncset.done $0x0  }
0x7e: {  	[sflag:s28] =	ssyncadd.s32 $0xFFFFE000  }
0x7f: {  	[spmem:s3] =	stream.indirect.scatter.add.f32 [tilespmem:s20], [sflag:$0x7], $0x80, s12, s17, $0xb8;
	[tilespmem:$0x1C000] =	vst v63  }
0x80: {  	_ =	swait.ge [sflag:s15], $0x2000  }
0x81: {  	[sflag:s15] =	ssyncset.done $0x0  }
0x82: {  	[sflag:s15] =	ssyncadd.s32 $0xFFFFE000  }
0x83: {  	_ =	swait.ge [sflag:s10], $0x2000  }
0x84: {  	[sflag:s10] =	ssyncset.done $0x0  }
0x85: {  	s14 =	simm.s32 $0x0;
	s22 =	simm.s32 $0x0;
	[sflag:s10] =	ssyncadd.s32 $0xFFFFE000  }
.LBB2_4:
0x86: {  	s22 =	sadd.s32 $0x1, s22  }
0x87: {  	s21 =	sshll.u32 s22, $0xC  }
0x88: {  	s21 =	sadd.s32 s8, s21  }
0x89: {  	s21 =	sshrl.u32 s21, $0x3  }
0x8a: {  	s25 =	sadd.s32 s1, s21  }
0x8b: {  	[tilespmem:s14], [sflag:$0x7] =	stream.linear.gather [hbm4b:s25+s14], $0x1000, $0x38;
	[tilespmem:$0x1C000] =	vst v63  }
0x8c: {  	_ =	swait.ge [sflag:s15], $0x1000  }
0x8d: {  	[sflag:s15] =	ssyncset.done $0x0  }
0x8e: {  	s21 =	sadd.s32 s2, s21;
	[sflag:s15] =	ssyncadd.s32 $0xFFFFF000  }
0x8f: {  	[tilespmem:s16], [sflag:$0x7] =	stream.linear.gather [hbm4b:s21+s14], $0x1000, $0x38;
	[tilespmem:$0x1C000] =	vst v63  }
0x90: {  	_ =	swait.ge [sflag:s15], $0x1000  }
0x91: {  	[sflag:s15] =	ssyncset.done $0x0  }
0x92: {  	[sflag:s15] =	ssyncadd.s32 $0xFFFFF000  }
0x93: {  	[tilespmem:s18], [sflag:$0x1] =	stream.indirect.gather [hbm4b:s6+s17], $0x80, s14, s17, $0xb8;
	[tilespmem:$0x1C000] =	vst v63  }
0x94: {  	_ = 	snop  }
0x95: {  	[tilespmem:s20], [sflag:$0x2] =	stream.indirect.gather [hbm4b:s6+s17], $0x80, s19, s17, $0xb8;
	[tilespmem:$0x1C000] =	vst v63  }
0x96: {  	_ =	swait.ge [sflag:s23], $0x2000  }
0x97: {  	[sflag:s23] =	ssyncset.done $0x0  }
0x98: {  	[sflag:s23] =	ssyncadd.s32 $0xFFFFE000  }
0x99: {  	[spmem:s3] =	stream.indirect.scatter.add.f32 [tilespmem:s18], [sflag:$0x4], $0x80, s16, s17, $0xb8;
	[tilespmem:$0x1C000] =	vst v63  }
0x9a: {  	_ = 	snop  }
0x9b: {  	[tilespmem:s26], [sflag:$0x3] =	stream.indirect.gather [hbm4b:s6+s17], $0x80, s24, s17, $0xb8;
	[tilespmem:$0x1C000] =	vst v63  }
0x9c: {  	_ =	swait.ge [sflag:s28], $0x2000  }
0x9d: {  	[sflag:s28] =	ssyncset.done $0x0  }
0x9e: {  	[sflag:s28] =	ssyncadd.s32 $0xFFFFE000  }
0x9f: {  	[spmem:s3] =	stream.indirect.scatter.add.f32 [tilespmem:s20], [sflag:$0x5], $0x80, s29, s17, $0xb8;
	[tilespmem:$0x1C000] =	vst v63  }
0xa0: {  	_ =	swait.ge [sflag:s30], $0x2000  }
0xa1: {  	[sflag:s30] =	ssyncset.done $0x0  }
0xa2: {  	[sflag:s30] =	ssyncadd.s32 $0xFFFFE000  }
0xa3: {  	[tilespmem:s18], [sflag:$0x1] =	stream.indirect.gather [hbm4b:s6+s17], $0x80, s31, s17, $0xb8;
	[tilespmem:$0x1C000] =	vst v63  }
0xa4: {  	_ =	swait.ge [sflag:s0], $0x2000  }
0xa5: {  	[sflag:s0] =	ssyncset.done $0x0  }
0xa6: {  	[sflag:s0] =	ssyncadd.s32 $0xFFFFE000  }
0xa7: {  	[spmem:s3] =	stream.indirect.scatter.add.f32 [tilespmem:s26], [sflag:$0x6], $0x80, s5, s17, $0xb8;
	[tilespmem:$0x1C000] =	vst v63  }
0xa8: {  	_ =	swait.ge [sflag:s7], $0x2000  }
0xa9: {  	[sflag:s7] =	ssyncset.done $0x0  }
0xaa: {  	[sflag:s7] =	ssyncadd.s32 $0xFFFFE000  }
0xab: {  	[tilespmem:s20], [sflag:$0x2] =	stream.indirect.gather [hbm4b:s6+s17], $0x80, s9, s17, $0xb8;
	[tilespmem:$0x1C000] =	vst v63  }
0xac: {  	_ =	swait.ge [sflag:s23], $0x2000  }
0xad: {  	[sflag:s23] =	ssyncset.done $0x0  }
0xae: {  	s25 =	simm.s32 $0x1180;
	[sflag:s23] =	ssyncadd.s32 $0xFFFFE000  }
0xaf: {  	[spmem:s3] =	stream.indirect.scatter.add.f32 [tilespmem:s18], [sflag:$0x4], $0x80, s25, s17, $0xb8;
	[tilespmem:$0x1C000] =	vst v63  }
0xb0: {  	_ =	swait.ge [sflag:s10], $0x2000  }
0xb1: {  	[sflag:s10] =	ssyncset.done $0x0  }
0xb2: {  	s4 =	simm.s32 $0x280;
	[sflag:s10] =	ssyncadd.s32 $0xFFFFE000  }
0xb3: {  	[tilespmem:s26], [sflag:$0x3] =	stream.indirect.gather [hbm4b:s6+s17], $0x80, s4, s17, $0xb8;
	[tilespmem:$0x1C000] =	vst v63  }
0xb4: {  	_ =	swait.ge [sflag:s28], $0x2000  }
0xb5: {  	[sflag:s28] =	ssyncset.done $0x0  }
0xb6: {  	s25 =	simm.s32 $0x1200;
	[sflag:s28] =	ssyncadd.s32 $0xFFFFE000  }
0xb7: {  	[spmem:s3] =	stream.indirect.scatter.add.f32 [tilespmem:s20], [sflag:$0x5], $0x80, s25, s17, $0xb8;
	[tilespmem:$0x1C000] =	vst v63  }
0xb8: {  	_ =	swait.ge [sflag:s30], $0x2000  }
0xb9: {  	[sflag:s30] =	ssyncset.done $0x0  }
0xba: {  	s4 =	simm.s32 $0x300;
	[sflag:s30] =	ssyncadd.s32 $0xFFFFE000  }
0xbb: {  	[tilespmem:s18], [sflag:$0x1] =	stream.indirect.gather [hbm4b:s6+s17], $0x80, s4, s17, $0xb8;
	[tilespmem:$0x1C000] =	vst v63  }
0xbc: {  	_ =	swait.ge [sflag:s0], $0x2000  }
0xbd: {  	[sflag:s0] =	ssyncset.done $0x0  }
0xbe: {  	s25 =	simm.s32 $0x1280;
	[sflag:s0] =	ssyncadd.s32 $0xFFFFE000  }
0xbf: {  	[spmem:s3] =	stream.indirect.scatter.add.f32 [tilespmem:s26], [sflag:$0x6], $0x80, s25, s17, $0xb8;
	[tilespmem:$0x1C000] =	vst v63  }
0xc0: {  	_ =	swait.ge [sflag:s7], $0x2000  }
0xc1: {  	[sflag:s7] =	ssyncset.done $0x0  }
0xc2: {  	s21 =	simm.s32 $0x380;
	s25 =	simm.s32 $0x600;
	[sflag:s7] =	ssyncadd.s32 $0xFFFFE000  }
.LBB2_5:
0xc3: {  	[tilespmem:s20], [sflag:$0x2] =	stream.indirect.gather [hbm4b:s6+s17], $0x80, s21, s17, $0xb8;
	[tilespmem:$0x1C000] =	vst v63  }
0xc4: {  	s21 =	smov.u32 s25  }
0xc5: {  	p1 =	sne.s32 s25, $0x3000;
	s25 =	sadd.s32 $0x600, s25;
	_ =	swait.ge [sflag:s23], $0x2000  }
0xc6: {  	s21 =	sshra.s32 s21, $0x2;
	[sflag:s23] =	ssyncset.done $0x0  }
0xc7: {  	s4 =	sadd.s32 $0x1180, s21;
	[sflag:s23] =	ssyncadd.s32 $0xFFFFE000  }
0xc8: {  	[spmem:s3] =	stream.indirect.scatter.add.f32 [tilespmem:s18], [sflag:$0x4], $0x80, s4, s17, $0xb8;
	[tilespmem:$0x1C000] =	vst v63  }
0xc9: {  	_ =	swait.ge [sflag:s10], $0x2000  }
0xca: {  	[sflag:s10] =	ssyncset.done $0x0  }
0xcb: {  	s4 =	sadd.s32 $0x280, s21;
	[sflag:s10] =	ssyncadd.s32 $0xFFFFE000  }
0xcc: {  	[tilespmem:s26], [sflag:$0x3] =	stream.indirect.gather [hbm4b:s6+s17], $0x80, s4, s17, $0xb8;
	[tilespmem:$0x1C000] =	vst v63  }
0xcd: {  	_ =	swait.ge [sflag:s28], $0x2000  }
0xce: {  	[sflag:s28] =	ssyncset.done $0x0  }
0xcf: {  	s4 =	sadd.s32 $0x1200, s21;
	[sflag:s28] =	ssyncadd.s32 $0xFFFFE000  }
0xd0: {  	[spmem:s3] =	stream.indirect.scatter.add.f32 [tilespmem:s20], [sflag:$0x5], $0x80, s4, s17, $0xb8;
	[tilespmem:$0x1C000] =	vst v63  }
0xd1: {  	_ =	swait.ge [sflag:s30], $0x2000  }
0xd2: {  	[sflag:s30] =	ssyncset.done $0x0  }
0xd3: {  	s4 =	sadd.s32 $0x300, s21;
	[sflag:s30] =	ssyncadd.s32 $0xFFFFE000  }
0xd4: {  	[tilespmem:s18], [sflag:$0x1] =	stream.indirect.gather [hbm4b:s6+s17], $0x80, s4, s17, $0xb8;
	[tilespmem:$0x1C000] =	vst v63  }
0xd5: {  	_ =	swait.ge [sflag:s0], $0x2000  }
0xd6: {  	[sflag:s0] =	ssyncset.done $0x0  }
.Ltmp1:
0xd7: {  	s4 =	sadd.s32 $0x1280, s21;
	[sflag:s0] =	ssyncadd.s32 $0xFFFFE000;
	(pc) =	sbr.rel @p1 .LBB2_5-.Ltmp1, $4  }
0xd8: {  	[spmem:s3] =	stream.indirect.scatter.add.f32 [tilespmem:s26], [sflag:$0x6], $0x80, s4, s17, $0xb8;
	[tilespmem:$0x1C000] =	vst v63  }
0xd9: {  	_ =	swait.ge [sflag:s7], $0x2000  }
0xda: {  	[sflag:s7] =	ssyncset.done $0x0  }
0xdb: {  	s21 =	sadd.s32 $0x380, s21;
	[sflag:s7] =	ssyncadd.s32 $0xFFFFE000  }
0xdc: {  	[tilespmem:s20], [sflag:$0x2] =	stream.indirect.gather [hbm4b:s6+s17], $0x80, s21, s17, $0xb8;
	[tilespmem:$0x1C000] =	vst v63  }
0xdd: {  	_ =	swait.ge [sflag:s23], $0x2000  }
0xde: {  	[sflag:s23] =	ssyncset.done $0x0  }
0xdf: {  	[sflag:s23] =	ssyncadd.s32 $0xFFFFE000  }
0xe0: {  	[spmem:s3] =	stream.indirect.scatter.add.f32 [tilespmem:s18], [sflag:$0x7], $0x80, s11, s17, $0xb8;
	[tilespmem:$0x1C000] =	vst v63  }
0xe1: {  	_ =	swait.ge [sflag:s15], $0x2000  }
0xe2: {  	[sflag:s15] =	ssyncset.done $0x0  }
0xe3: {  	[sflag:s15] =	ssyncadd.s32 $0xFFFFE000  }
0xe4: {  	_ =	swait.ge [sflag:s28], $0x2000  }
0xe5: {  	[sflag:s28] =	ssyncset.done $0x0  }
0xe6: {  	[sflag:s28] =	ssyncadd.s32 $0xFFFFE000  }
0xe7: {  	[spmem:s3] =	stream.indirect.scatter.add.f32 [tilespmem:s20], [sflag:$0x7], $0x80, s12, s17, $0xb8;
	[tilespmem:$0x1C000] =	vst v63  }
0xe8: {  	p1 =	sne.s32 s22, $0x3;
	_ =	swait.ge [sflag:s15], $0x2000  }
.Ltmp2:
0xe9: {  	[sflag:s15] =	ssyncset.done $0x0;
	(pc) =	sbr.rel @p1 .LBB2_4-.Ltmp2, $4  }
0xea: {  	[sflag:s15] =	ssyncadd.s32 $0xFFFFE000  }
0xeb: {  	_ =	swait.ge [sflag:s10], $0x2000  }
0xec: {  	[sflag:s10] =	ssyncset.done $0x0  }
0xed: {  	[sflag:s10] =	ssyncadd.s32 $0xFFFFE000  }
0xee: {  	s14 =	simm.s32 $0x0;
	s4 =	rddreg [dreg:$0x8]  }
0xef: {  	[tilespmem:s14], [sflag:$0x7] =	stream.linear.gather [hbm4b:s4+s14], $0x1000, $0x38;
	[tilespmem:$0x1C000] =	vst v63  }
0xf0: {  	_ =	swait.ge [sflag:s15], $0x1000  }
0xf1: {  	[sflag:s15] =	ssyncset.done $0x0  }
0xf2: {  	s25 =	rddreg [dreg:$0x9];
	[sflag:s15] =	ssyncadd.s32 $0xFFFFF000  }
0xf3: {  	[tilespmem:s16], [sflag:$0x7] =	stream.linear.gather [hbm4b:s25+s14], $0x1000, $0x38;
	[tilespmem:$0x1C000] =	vst v63  }
0xf4: {  	_ =	swait.ge [sflag:s15], $0x1000  }
0xf5: {  	[sflag:s15] =	ssyncset.done $0x0  }
0xf6: {  	[sflag:s15] =	ssyncadd.s32 $0xFFFFF000  }
0xf7: {  	[tilespmem:s18], [sflag:$0x1] =	stream.indirect.gather [hbm4b:s6+s17], $0x80, s14, s17, $0xb8;
	[tilespmem:$0x1C000] =	vst v63  }
0xf8: {  	_ = 	snop  }
0xf9: {  	[tilespmem:s20], [sflag:$0x2] =	stream.indirect.gather [hbm4b:s6+s17], $0x80, s19, s17, $0xb8;
	[tilespmem:$0x1C000] =	vst v63  }
0xfa: {  	_ =	swait.ge [sflag:s23], $0x2000  }
0xfb: {  	[sflag:s23] =	ssyncset.done $0x0  }
0xfc: {  	[sflag:s23] =	ssyncadd.s32 $0xFFFFE000  }
0xfd: {  	[spmem:s3] =	stream.indirect.scatter.add.f32 [tilespmem:s18], [sflag:$0x4], $0x80, s16, s17, $0xb8;
	[tilespmem:$0x1C000] =	vst v63  }
0xfe: {  	_ = 	snop  }
0xff: {  	[tilespmem:s26], [sflag:$0x3] =	stream.indirect.gather [hbm4b:s6+s17], $0x80, s24, s17, $0xb8;
	[tilespmem:$0x1C000] =	vst v63  }
0x100: {  	_ =	swait.ge [sflag:s28], $0x2000  }
0x101: {  	[sflag:s28] =	ssyncset.done $0x0  }
0x102: {  	[sflag:s28] =	ssyncadd.s32 $0xFFFFE000  }
0x103: {  	[spmem:s3] =	stream.indirect.scatter.add.f32 [tilespmem:s20], [sflag:$0x5], $0x80, s29, s17, $0xb8;
	[tilespmem:$0x1C000] =	vst v63  }
0x104: {  	_ =	swait.ge [sflag:s30], $0x2000  }
0x105: {  	[sflag:s30] =	ssyncset.done $0x0  }
0x106: {  	[sflag:s30] =	ssyncadd.s32 $0xFFFFE000  }
0x107: {  	[tilespmem:s18], [sflag:$0x1] =	stream.indirect.gather [hbm4b:s6+s17], $0x80, s31, s17, $0xb8;
	[tilespmem:$0x1C000] =	vst v63  }
0x108: {  	_ =	swait.ge [sflag:s0], $0x2000  }
0x109: {  	[sflag:s0] =	ssyncset.done $0x0  }
0x10a: {  	[sflag:s0] =	ssyncadd.s32 $0xFFFFE000  }
0x10b: {  	[spmem:s3] =	stream.indirect.scatter.add.f32 [tilespmem:s26], [sflag:$0x6], $0x80, s5, s17, $0xb8;
	[tilespmem:$0x1C000] =	vst v63  }
0x10c: {  	_ =	swait.ge [sflag:s7], $0x2000  }
0x10d: {  	[sflag:s7] =	ssyncset.done $0x0  }
0x10e: {  	[sflag:s7] =	ssyncadd.s32 $0xFFFFE000  }
0x10f: {  	[tilespmem:s20], [sflag:$0x2] =	stream.indirect.gather [hbm4b:s6+s17], $0x80, s9, s17, $0xb8;
	[tilespmem:$0x1C000] =	vst v63  }
0x110: {  	_ =	swait.ge [sflag:s23], $0x2000  }
0x111: {  	[sflag:s23] =	ssyncset.done $0x0  }
0x112: {  	s21 =	simm.s32 $0x1180;
	[sflag:s23] =	ssyncadd.s32 $0xFFFFE000  }
0x113: {  	[spmem:s3] =	stream.indirect.scatter.add.f32 [tilespmem:s18], [sflag:$0x4], $0x80, s21, s17, $0xb8;
	[tilespmem:$0x1C000] =	vst v63  }
0x114: {  	_ =	swait.ge [sflag:s10], $0x2000  }
0x115: {  	[sflag:s10] =	ssyncset.done $0x0  }
0x116: {  	s22 =	simm.s32 $0x280;
	[sflag:s10] =	ssyncadd.s32 $0xFFFFE000  }
0x117: {  	[tilespmem:s26], [sflag:$0x3] =	stream.indirect.gather [hbm4b:s6+s17], $0x80, s22, s17, $0xb8;
	[tilespmem:$0x1C000] =	vst v63  }
0x118: {  	_ =	swait.ge [sflag:s28], $0x2000  }
0x119: {  	[sflag:s28] =	ssyncset.done $0x0  }
0x11a: {  	s25 =	simm.s32 $0x1200;
	[sflag:s28] =	ssyncadd.s32 $0xFFFFE000  }
0x11b: {  	[spmem:s3] =	stream.indirect.scatter.add.f32 [tilespmem:s20], [sflag:$0x5], $0x80, s25, s17, $0xb8;
	[tilespmem:$0x1C000] =	vst v63  }
0x11c: {  	_ =	swait.ge [sflag:s30], $0x2000  }
0x11d: {  	[sflag:s30] =	ssyncset.done $0x0  }
0x11e: {  	s21 =	simm.s32 $0x300;
	[sflag:s30] =	ssyncadd.s32 $0xFFFFE000  }
0x11f: {  	[tilespmem:s18], [sflag:$0x1] =	stream.indirect.gather [hbm4b:s6+s17], $0x80, s21, s17, $0xb8;
	[tilespmem:$0x1C000] =	vst v63  }
0x120: {  	_ =	swait.ge [sflag:s0], $0x2000  }
0x121: {  	[sflag:s0] =	ssyncset.done $0x0  }
0x122: {  	s22 =	simm.s32 $0x1280;
	[sflag:s0] =	ssyncadd.s32 $0xFFFFE000  }
0x123: {  	[spmem:s3] =	stream.indirect.scatter.add.f32 [tilespmem:s26], [sflag:$0x6], $0x80, s22, s17, $0xb8;
	[tilespmem:$0x1C000] =	vst v63  }
0x124: {  	_ =	swait.ge [sflag:s7], $0x2000  }
0x125: {  	[sflag:s7] =	ssyncset.done $0x0  }
0x126: {  	s25 =	simm.s32 $0x380;
	[sflag:s7] =	ssyncadd.s32 $0xFFFFE000  }
0x127: {  	[tilespmem:s20], [sflag:$0x2] =	stream.indirect.gather [hbm4b:s6+s17], $0x80, s25, s17, $0xb8;
	[tilespmem:$0x1C000] =	vst v63  }
0x128: {  	_ =	swait.ge [sflag:s23], $0x2000  }
0x129: {  	[sflag:s23] =	ssyncset.done $0x0  }
0x12a: {  	s21 =	simm.s32 $0x1300;
	[sflag:s23] =	ssyncadd.s32 $0xFFFFE000  }
0x12b: {  	[spmem:s3] =	stream.indirect.scatter.add.f32 [tilespmem:s18], [sflag:$0x4], $0x80, s21, s17, $0xb8;
	[tilespmem:$0x1C000] =	vst v63  }
0x12c: {  	_ =	swait.ge [sflag:s10], $0x2000  }
0x12d: {  	[sflag:s10] =	ssyncset.done $0x0  }
0x12e: {  	s22 =	simm.s32 $0x400;
	[sflag:s10] =	ssyncadd.s32 $0xFFFFE000  }
0x12f: {  	[tilespmem:s26], [sflag:$0x3] =	stream.indirect.gather [hbm4b:s6+s17], $0x80, s22, s17, $0xb8;
	[tilespmem:$0x1C000] =	vst v63  }
0x130: {  	_ =	swait.ge [sflag:s28], $0x2000  }
0x131: {  	[sflag:s28] =	ssyncset.done $0x0  }
0x132: {  	s25 =	simm.s32 $0x1380;
	[sflag:s28] =	ssyncadd.s32 $0xFFFFE000  }
0x133: {  	[spmem:s3] =	stream.indirect.scatter.add.f32 [tilespmem:s20], [sflag:$0x5], $0x80, s25, s17, $0xb8;
	[tilespmem:$0x1C000] =	vst v63  }
0x134: {  	_ =	swait.ge [sflag:s30], $0x2000  }
0x135: {  	[sflag:s30] =	ssyncset.done $0x0  }
0x136: {  	s21 =	simm.s32 $0x480;
	[sflag:s30] =	ssyncadd.s32 $0xFFFFE000  }
0x137: {  	[tilespmem:s18], [sflag:$0x1] =	stream.indirect.gather [hbm4b:s6+s17], $0x80, s21, s17, $0xb8;
	[tilespmem:$0x1C000] =	vst v63  }
0x138: {  	_ =	swait.ge [sflag:s0], $0x2000  }
0x139: {  	[sflag:s0] =	ssyncset.done $0x0  }
0x13a: {  	s22 =	simm.s32 $0x1400;
	[sflag:s0] =	ssyncadd.s32 $0xFFFFE000  }
0x13b: {  	[spmem:s3] =	stream.indirect.scatter.add.f32 [tilespmem:s26], [sflag:$0x6], $0x80, s22, s17, $0xb8;
	[tilespmem:$0x1C000] =	vst v63  }
0x13c: {  	_ =	swait.ge [sflag:s7], $0x2000  }
0x13d: {  	[sflag:s7] =	ssyncset.done $0x0  }
0x13e: {  	s25 =	simm.s32 $0x500;
	[sflag:s7] =	ssyncadd.s32 $0xFFFFE000  }
0x13f: {  	[tilespmem:s20], [sflag:$0x2] =	stream.indirect.gather [hbm4b:s6+s17], $0x80, s25, s17, $0xb8;
	[tilespmem:$0x1C000] =	vst v63  }
0x140: {  	_ =	swait.ge [sflag:s23], $0x2000  }
0x141: {  	[sflag:s23] =	ssyncset.done $0x0  }
0x142: {  	s21 =	simm.s32 $0x1480;
	[sflag:s23] =	ssyncadd.s32 $0xFFFFE000  }
0x143: {  	[spmem:s3] =	stream.indirect.scatter.add.f32 [tilespmem:s18], [sflag:$0x4], $0x80, s21, s17, $0xb8;
	[tilespmem:$0x1C000] =	vst v63  }
0x144: {  	_ =	swait.ge [sflag:s10], $0x2000  }
0x145: {  	[sflag:s10] =	ssyncset.done $0x0  }
0x146: {  	s22 =	simm.s32 $0x580;
	[sflag:s10] =	ssyncadd.s32 $0xFFFFE000  }
0x147: {  	[tilespmem:s26], [sflag:$0x3] =	stream.indirect.gather [hbm4b:s6+s17], $0x80, s22, s17, $0xb8;
	[tilespmem:$0x1C000] =	vst v63  }
0x148: {  	_ =	swait.ge [sflag:s28], $0x2000  }
0x149: {  	[sflag:s28] =	ssyncset.done $0x0  }
0x14a: {  	s25 =	simm.s32 $0x1500;
	[sflag:s28] =	ssyncadd.s32 $0xFFFFE000  }
0x14b: {  	[spmem:s3] =	stream.indirect.scatter.add.f32 [tilespmem:s20], [sflag:$0x5], $0x80, s25, s17, $0xb8;
	[tilespmem:$0x1C000] =	vst v63  }
0x14c: {  	_ =	swait.ge [sflag:s30], $0x2000  }
0x14d: {  	[sflag:s30] =	ssyncset.done $0x0  }
0x14e: {  	s21 =	simm.s32 $0x600;
	[sflag:s30] =	ssyncadd.s32 $0xFFFFE000  }
0x14f: {  	[tilespmem:s18], [sflag:$0x1] =	stream.indirect.gather [hbm4b:s6+s17], $0x80, s21, s17, $0xb8;
	[tilespmem:$0x1C000] =	vst v63  }
0x150: {  	_ =	swait.ge [sflag:s0], $0x2000  }
0x151: {  	[sflag:s0] =	ssyncset.done $0x0  }
0x152: {  	s22 =	simm.s32 $0x1580;
	[sflag:s0] =	ssyncadd.s32 $0xFFFFE000  }
0x153: {  	[spmem:s3] =	stream.indirect.scatter.add.f32 [tilespmem:s26], [sflag:$0x6], $0x80, s22, s17, $0xb8;
	[tilespmem:$0x1C000] =	vst v63  }
0x154: {  	_ =	swait.ge [sflag:s7], $0x2000  }
0x155: {  	[sflag:s7] =	ssyncset.done $0x0  }
0x156: {  	s25 =	simm.s32 $0x680;
	[sflag:s7] =	ssyncadd.s32 $0xFFFFE000  }
0x157: {  	[tilespmem:s20], [sflag:$0x2] =	stream.indirect.gather [hbm4b:s6+s17], $0x80, s25, s17, $0xb8;
	[tilespmem:$0x1C000] =	vst v63  }
0x158: {  	_ =	swait.ge [sflag:s23], $0x2000  }
0x159: {  	[sflag:s23] =	ssyncset.done $0x0  }
0x15a: {  	s21 =	simm.s32 $0x1600;
	[sflag:s23] =	ssyncadd.s32 $0xFFFFE000  }
0x15b: {  	[spmem:s3] =	stream.indirect.scatter.add.f32 [tilespmem:s18], [sflag:$0x4], $0x80, s21, s17, $0xb8;
	[tilespmem:$0x1C000] =	vst v63  }
0x15c: {  	_ =	swait.ge [sflag:s10], $0x2000  }
0x15d: {  	[sflag:s10] =	ssyncset.done $0x0  }
0x15e: {  	s22 =	simm.s32 $0x700;
	[sflag:s10] =	ssyncadd.s32 $0xFFFFE000  }
0x15f: {  	[tilespmem:s26], [sflag:$0x3] =	stream.indirect.gather [hbm4b:s6+s17], $0x80, s22, s17, $0xb8;
	[tilespmem:$0x1C000] =	vst v63  }
0x160: {  	_ =	swait.ge [sflag:s28], $0x2000  }
0x161: {  	[sflag:s28] =	ssyncset.done $0x0  }
0x162: {  	s25 =	simm.s32 $0x1680;
	[sflag:s28] =	ssyncadd.s32 $0xFFFFE000  }
0x163: {  	[spmem:s3] =	stream.indirect.scatter.add.f32 [tilespmem:s20], [sflag:$0x5], $0x80, s25, s17, $0xb8;
	[tilespmem:$0x1C000] =	vst v63  }
0x164: {  	_ =	swait.ge [sflag:s30], $0x2000  }
0x165: {  	[sflag:s30] =	ssyncset.done $0x0  }
0x166: {  	s21 =	simm.s32 $0x780;
	[sflag:s30] =	ssyncadd.s32 $0xFFFFE000  }
0x167: {  	[tilespmem:s18], [sflag:$0x1] =	stream.indirect.gather [hbm4b:s6+s17], $0x80, s21, s17, $0xb8;
	[tilespmem:$0x1C000] =	vst v63  }
0x168: {  	_ =	swait.ge [sflag:s0], $0x2000  }
0x169: {  	[sflag:s0] =	ssyncset.done $0x0  }
0x16a: {  	s22 =	simm.s32 $0x1700;
	[sflag:s0] =	ssyncadd.s32 $0xFFFFE000  }
0x16b: {  	[spmem:s3] =	stream.indirect.scatter.add.f32 [tilespmem:s26], [sflag:$0x6], $0x80, s22, s17, $0xb8;
	[tilespmem:$0x1C000] =	vst v63  }
0x16c: {  	_ =	swait.ge [sflag:s7], $0x2000  }
0x16d: {  	[sflag:s7] =	ssyncset.done $0x0  }
0x16e: {  	s25 =	simm.s32 $0x800;
	[sflag:s7] =	ssyncadd.s32 $0xFFFFE000  }
0x16f: {  	[tilespmem:s20], [sflag:$0x2] =	stream.indirect.gather [hbm4b:s6+s17], $0x80, s25, s17, $0xb8;
	[tilespmem:$0x1C000] =	vst v63  }
0x170: {  	_ =	swait.ge [sflag:s23], $0x2000  }
0x171: {  	[sflag:s23] =	ssyncset.done $0x0  }
0x172: {  	s21 =	simm.s32 $0x1780;
	[sflag:s23] =	ssyncadd.s32 $0xFFFFE000  }
0x173: {  	[spmem:s3] =	stream.indirect.scatter.add.f32 [tilespmem:s18], [sflag:$0x4], $0x80, s21, s17, $0xb8;
	[tilespmem:$0x1C000] =	vst v63  }
0x174: {  	_ =	swait.ge [sflag:s10], $0x2000  }
0x175: {  	[sflag:s10] =	ssyncset.done $0x0  }
0x176: {  	s22 =	simm.s32 $0x880;
	[sflag:s10] =	ssyncadd.s32 $0xFFFFE000  }
0x177: {  	[tilespmem:s26], [sflag:$0x3] =	stream.indirect.gather [hbm4b:s6+s17], $0x80, s22, s17, $0xb8;
	[tilespmem:$0x1C000] =	vst v63  }
0x178: {  	_ =	swait.ge [sflag:s28], $0x2000  }
0x179: {  	[sflag:s28] =	ssyncset.done $0x0  }
0x17a: {  	s25 =	simm.s32 $0x1800;
	[sflag:s28] =	ssyncadd.s32 $0xFFFFE000  }
0x17b: {  	[spmem:s3] =	stream.indirect.scatter.add.f32 [tilespmem:s20], [sflag:$0x5], $0x80, s25, s17, $0xb8;
	[tilespmem:$0x1C000] =	vst v63  }
0x17c: {  	_ =	swait.ge [sflag:s30], $0x2000  }
0x17d: {  	[sflag:s30] =	ssyncset.done $0x0  }
0x17e: {  	s21 =	simm.s32 $0x900;
	[sflag:s30] =	ssyncadd.s32 $0xFFFFE000  }
0x17f: {  	[tilespmem:s18], [sflag:$0x1] =	stream.indirect.gather [hbm4b:s6+s17], $0x80, s21, s17, $0xb8;
	[tilespmem:$0x1C000] =	vst v63  }
0x180: {  	_ =	swait.ge [sflag:s0], $0x2000  }
0x181: {  	[sflag:s0] =	ssyncset.done $0x0  }
0x182: {  	s22 =	simm.s32 $0x1880;
	[sflag:s0] =	ssyncadd.s32 $0xFFFFE000  }
0x183: {  	[spmem:s3] =	stream.indirect.scatter.add.f32 [tilespmem:s26], [sflag:$0x6], $0x80, s22, s17, $0xb8;
	[tilespmem:$0x1C000] =	vst v63  }
0x184: {  	_ =	swait.ge [sflag:s7], $0x2000  }
0x185: {  	[sflag:s7] =	ssyncset.done $0x0  }
0x186: {  	s25 =	simm.s32 $0x980;
	[sflag:s7] =	ssyncadd.s32 $0xFFFFE000  }
0x187: {  	[tilespmem:s20], [sflag:$0x2] =	stream.indirect.gather [hbm4b:s6+s17], $0x80, s25, s17, $0xb8;
	[tilespmem:$0x1C000] =	vst v63  }
0x188: {  	_ =	swait.ge [sflag:s23], $0x2000  }
0x189: {  	[sflag:s23] =	ssyncset.done $0x0  }
0x18a: {  	s21 =	simm.s32 $0x1900;
	[sflag:s23] =	ssyncadd.s32 $0xFFFFE000  }
0x18b: {  	[spmem:s3] =	stream.indirect.scatter.add.f32 [tilespmem:s18], [sflag:$0x4], $0x80, s21, s17, $0xb8;
	[tilespmem:$0x1C000] =	vst v63  }
0x18c: {  	_ =	swait.ge [sflag:s10], $0x2000  }
0x18d: {  	[sflag:s10] =	ssyncset.done $0x0  }
0x18e: {  	s22 =	simm.s32 $0xA00;
	[sflag:s10] =	ssyncadd.s32 $0xFFFFE000  }
0x18f: {  	[tilespmem:s26], [sflag:$0x3] =	stream.indirect.gather [hbm4b:s6+s17], $0x80, s22, s17, $0xb8;
	[tilespmem:$0x1C000] =	vst v63  }
0x190: {  	_ =	swait.ge [sflag:s28], $0x2000  }
0x191: {  	[sflag:s28] =	ssyncset.done $0x0  }
0x192: {  	s25 =	simm.s32 $0x1980;
	[sflag:s28] =	ssyncadd.s32 $0xFFFFE000  }
0x193: {  	[spmem:s3] =	stream.indirect.scatter.add.f32 [tilespmem:s20], [sflag:$0x5], $0x80, s25, s17, $0xb8;
	[tilespmem:$0x1C000] =	vst v63  }
0x194: {  	_ =	swait.ge [sflag:s30], $0x2000  }
0x195: {  	[sflag:s30] =	ssyncset.done $0x0  }
0x196: {  	s21 =	simm.s32 $0xA80;
	[sflag:s30] =	ssyncadd.s32 $0xFFFFE000  }
0x197: {  	[tilespmem:s18], [sflag:$0x1] =	stream.indirect.gather [hbm4b:s6+s17], $0x80, s21, s17, $0xb8;
	[tilespmem:$0x1C000] =	vst v63  }
0x198: {  	_ =	swait.ge [sflag:s0], $0x2000  }
0x199: {  	[sflag:s0] =	ssyncset.done $0x0  }
0x19a: {  	s22 =	simm.s32 $0x1A00;
	[sflag:s0] =	ssyncadd.s32 $0xFFFFE000  }
0x19b: {  	[spmem:s3] =	stream.indirect.scatter.add.f32 [tilespmem:s26], [sflag:$0x6], $0x80, s22, s17, $0xb8;
	[tilespmem:$0x1C000] =	vst v63  }
0x19c: {  	_ =	swait.ge [sflag:s7], $0x2000  }
0x19d: {  	[sflag:s7] =	ssyncset.done $0x0  }
0x19e: {  	s25 =	simm.s32 $0xB00;
	[sflag:s7] =	ssyncadd.s32 $0xFFFFE000  }
0x19f: {  	[tilespmem:s20], [sflag:$0x2] =	stream.indirect.gather [hbm4b:s6+s17], $0x80, s25, s17, $0xb8;
	[tilespmem:$0x1C000] =	vst v63  }
0x1a0: {  	_ =	swait.ge [sflag:s23], $0x2000  }
0x1a1: {  	[sflag:s23] =	ssyncset.done $0x0  }
0x1a2: {  	s21 =	simm.s32 $0x1A80;
	[sflag:s23] =	ssyncadd.s32 $0xFFFFE000  }
0x1a3: {  	[spmem:s3] =	stream.indirect.scatter.add.f32 [tilespmem:s18], [sflag:$0x4], $0x80, s21, s17, $0xb8;
	[tilespmem:$0x1C000] =	vst v63  }
0x1a4: {  	_ =	swait.ge [sflag:s10], $0x2000  }
0x1a5: {  	[sflag:s10] =	ssyncset.done $0x0  }
0x1a6: {  	s22 =	simm.s32 $0xB80;
	[sflag:s10] =	ssyncadd.s32 $0xFFFFE000  }
0x1a7: {  	[tilespmem:s26], [sflag:$0x3] =	stream.indirect.gather [hbm4b:s6+s17], $0x80, s22, s17, $0xb8;
	[tilespmem:$0x1C000] =	vst v63  }
0x1a8: {  	_ =	swait.ge [sflag:s28], $0x2000  }
0x1a9: {  	[sflag:s28] =	ssyncset.done $0x0  }
0x1aa: {  	s25 =	simm.s32 $0x1B00;
	[sflag:s28] =	ssyncadd.s32 $0xFFFFE000  }
0x1ab: {  	[spmem:s3] =	stream.indirect.scatter.add.f32 [tilespmem:s20], [sflag:$0x5], $0x80, s25, s17, $0xb8;
	[tilespmem:$0x1C000] =	vst v63  }
0x1ac: {  	_ =	swait.ge [sflag:s30], $0x2000  }
0x1ad: {  	[sflag:s30] =	ssyncset.done $0x0  }
0x1ae: {  	s21 =	simm.s32 $0xC00;
	[sflag:s30] =	ssyncadd.s32 $0xFFFFE000  }
0x1af: {  	[tilespmem:s18], [sflag:$0x1] =	stream.indirect.gather [hbm4b:s6+s17], $0x80, s21, s17, $0xb8;
	[tilespmem:$0x1C000] =	vst v63  }
0x1b0: {  	_ =	swait.ge [sflag:s0], $0x2000  }
0x1b1: {  	[sflag:s0] =	ssyncset.done $0x0  }
0x1b2: {  	s22 =	simm.s32 $0x1B80;
	[sflag:s0] =	ssyncadd.s32 $0xFFFFE000  }
0x1b3: {  	[spmem:s3] =	stream.indirect.scatter.add.f32 [tilespmem:s26], [sflag:$0x6], $0x80, s22, s17, $0xb8;
	[tilespmem:$0x1C000] =	vst v63  }
0x1b4: {  	_ =	swait.ge [sflag:s7], $0x2000  }
0x1b5: {  	[sflag:s7] =	ssyncset.done $0x0  }
0x1b6: {  	s25 =	simm.s32 $0xC80;
	[sflag:s7] =	ssyncadd.s32 $0xFFFFE000  }
0x1b7: {  	[tilespmem:s20], [sflag:$0x2] =	stream.indirect.gather [hbm4b:s6+s17], $0x80, s25, s17, $0xb8;
	[tilespmem:$0x1C000] =	vst v63  }
0x1b8: {  	_ =	swait.ge [sflag:s23], $0x2000  }
0x1b9: {  	[sflag:s23] =	ssyncset.done $0x0  }
0x1ba: {  	s21 =	simm.s32 $0x1C00;
	[sflag:s23] =	ssyncadd.s32 $0xFFFFE000  }
0x1bb: {  	[spmem:s3] =	stream.indirect.scatter.add.f32 [tilespmem:s18], [sflag:$0x4], $0x80, s21, s17, $0xb8;
	[tilespmem:$0x1C000] =	vst v63  }
0x1bc: {  	_ =	swait.ge [sflag:s10], $0x2000  }
0x1bd: {  	[sflag:s10] =	ssyncset.done $0x0  }
0x1be: {  	s22 =	simm.s32 $0xD00;
	[sflag:s10] =	ssyncadd.s32 $0xFFFFE000  }
0x1bf: {  	[tilespmem:s26], [sflag:$0x3] =	stream.indirect.gather [hbm4b:s6+s17], $0x80, s22, s17, $0xb8;
	[tilespmem:$0x1C000] =	vst v63  }
0x1c0: {  	_ =	swait.ge [sflag:s28], $0x2000  }
0x1c1: {  	[sflag:s28] =	ssyncset.done $0x0  }
0x1c2: {  	s25 =	simm.s32 $0x1C80;
	[sflag:s28] =	ssyncadd.s32 $0xFFFFE000  }
0x1c3: {  	[spmem:s3] =	stream.indirect.scatter.add.f32 [tilespmem:s20], [sflag:$0x5], $0x80, s25, s17, $0xb8;
	[tilespmem:$0x1C000] =	vst v63  }
0x1c4: {  	_ =	swait.ge [sflag:s30], $0x2000  }
0x1c5: {  	[sflag:s30] =	ssyncset.done $0x0  }
0x1c6: {  	s21 =	simm.s32 $0xD80;
	[sflag:s30] =	ssyncadd.s32 $0xFFFFE000  }
0x1c7: {  	[tilespmem:s18], [sflag:$0x1] =	stream.indirect.gather [hbm4b:s6+s17], $0x80, s21, s17, $0xb8;
	[tilespmem:$0x1C000] =	vst v63  }
0x1c8: {  	_ =	swait.ge [sflag:s0], $0x2000  }
0x1c9: {  	[sflag:s0] =	ssyncset.done $0x0  }
0x1ca: {  	s22 =	simm.s32 $0x1D00;
	[sflag:s0] =	ssyncadd.s32 $0xFFFFE000  }
0x1cb: {  	[spmem:s3] =	stream.indirect.scatter.add.f32 [tilespmem:s26], [sflag:$0x6], $0x80, s22, s17, $0xb8;
	[tilespmem:$0x1C000] =	vst v63  }
0x1cc: {  	_ =	swait.ge [sflag:s7], $0x2000  }
0x1cd: {  	[sflag:s7] =	ssyncset.done $0x0  }
0x1ce: {  	s25 =	simm.s32 $0xE00;
	[sflag:s7] =	ssyncadd.s32 $0xFFFFE000  }
0x1cf: {  	[tilespmem:s20], [sflag:$0x2] =	stream.indirect.gather [hbm4b:s6+s17], $0x80, s25, s17, $0xb8;
	[tilespmem:$0x1C000] =	vst v63  }
0x1d0: {  	_ =	swait.ge [sflag:s23], $0x2000  }
0x1d1: {  	[sflag:s23] =	ssyncset.done $0x0  }
0x1d2: {  	s21 =	simm.s32 $0x1D80;
	[sflag:s23] =	ssyncadd.s32 $0xFFFFE000  }
0x1d3: {  	[spmem:s3] =	stream.indirect.scatter.add.f32 [tilespmem:s18], [sflag:$0x7], $0x80, s21, s17, $0xb8;
	[tilespmem:$0x1C000] =	vst v63  }
0x1d4: {  	_ =	swait.ge [sflag:s15], $0x2000  }
0x1d5: {  	[sflag:s15] =	ssyncset.done $0x0  }
0x1d6: {  	[sflag:s15] =	ssyncadd.s32 $0xFFFFE000  }
0x1d7: {  	_ =	swait.ge [sflag:s28], $0x2000  }
0x1d8: {  	[sflag:s28] =	ssyncset.done $0x0  }
0x1d9: {  	s22 =	simm.s32 $0x1E00;
	[sflag:s28] =	ssyncadd.s32 $0xFFFFE000  }
0x1da: {  	[spmem:s3] =	stream.indirect.scatter.add.f32 [tilespmem:s20], [sflag:$0x7], $0x80, s22, s17, $0xb8;
	[tilespmem:$0x1C000] =	vst v63  }
0x1db: {  	_ =	swait.ge [sflag:s15], $0x2000  }
0x1dc: {  	[sflag:s15] =	ssyncset.done $0x0  }
0x1dd: {  	[sflag:s15] =	ssyncadd.s32 $0xFFFFE000  }
0x1de: {  	_ =	swait.ge [sflag:s10], $0x2000  }
0x1df: {  	[sflag:s10] =	ssyncset.done $0x0  }
0x1e0: {  	[sflag:s10] =	ssyncadd.s32 $0xFFFFE000  }
0x1e1: {  	[bflag:$0x0] =	sbarrier.arrive $0xFFFF  }
0x1e2: {  	s4 =	rddreg [dreg:$0xa]  }
0x1e3: {  	s22 =	rddreg [dreg:$0xc]  }
0x1e4: {  	s21 =	rddreg [dreg:$0xe]  }
0x1e5: {  	[hbm:s4], [sflag:s22] =	dma.local @!p0 [spmem:s21], $0x3E80  }
0x1e6: {  	s4 =	simm.s32 @!p0 $0x7  }
0x1e7: {  	_ =	swait.ge @!p0 [sflag:s4], $0x3E80  }
0x1e8: {  	s13 =	sadd.s32 $0x1, s13;
	s25 =	rddreg [dreg:$0xb]  }
0x1e9: {  	p1 =	sne.s32 s13, s25  }
.Ltmp3:
0x1ea: {  	_ = 	snop;
	(pc) =	sbr.rel @p1 .LBB2_1-.Ltmp3, $3  }
0x1eb: {  	_ =	sdelay $0x1  }
0x1ec: {  	[sflag:s4] =	ssyncset.done @!p0 $0x0  }
0x1ed: {  	[sflag:s4] =	ssyncadd.s32 @!p0 $0xFFFFC180  }
0x1ee: {  	_ =	sfence.sel $0x180000  }
0x1ef: {  	[bflag:$0x0] =	sbarrier.arrive $0xFFFF  }
0x1f0: {  	_ =	strace $0x90000050  }
0x1f1: {  	s0 =	stileid.u32;
	[bflag:$0x2] =	sbarrier.arrive $0xFFFF  }
0x1f2: {  	p0 =	sne.s32 s0, $0x0;
	s0 =	rddreg [dreg:$0x4]  }
0x1f3: {  	s0 =	sadd.s32 @!p0 $0x100000, s0  }
0x1f4: {  	[sflag:s0] =	ssyncadd.tile.s32 @!p0 $0x1;
	_ =	shalt  }
.Lfunc_end2:
_tile_overlayer_lowered:
.L_overlay_start_2:
0x1f5: {  	(tag) =	ssettag $0x2  }
0x1f6: {  	s0 =	rddreg [dreg:$0x0];
	s2 =	stileid.u32  }
0x1f7: {  	s1 =	rddreg [dreg:$0x1];
	p0 =	sne.s32 s2, $0x0  }
0x1f8: {  	s3 =	rddreg [dreg:$0x2];
	[bflag:$0x3] =	sbarrier.arrive $0xFFFF;
	s2 =	simm.s32 @!p0 $0x1C07  }
0x1f9: {  	[timem:s3], [sflag:s2] =	dma.local @!p0 [hbm:s0], s1  }
0x1fa: {  	s0 =	simm.s32 @!p0 $0x7  }
0x1fb: {  	_ =	swait.ge @!p0 [sflag:s0], s1  }
0x1fc: {  	s1 =	ssub.s32 @!p0 $0x0, s1;
	[sflag:s0] =	ssyncset.done @!p0 $0x0  }
0x1fd: {  	[sflag:s0] =	ssyncadd.s32 @!p0 s1  }
0x1fe: {  	[bflag:$0x3] =	sbarrier.arrive $0xFFFF  }
0x1ff: {  	_ =	shalt  }

</sc_bundles>
